<compile_context>
chip_gen: v7x
topology: tpu7x:2x2x1
jax: 0.10.2.dev20260603
libtpu: 0.0.44.dev20260713+nightly
codegen_flags: <defaults>
</compile_context>

<pallas_src>
import functools

import jax
import jax.numpy as jnp
from jax import lax
from jax.experimental import pallas as pl
from jax.experimental.pallas import tpu as pltpu
from jax.experimental.pallas import tpu_sc as plsc

V = 1000
N_TOK = 204800
NC, NS, L = 2, 16, 16
NW = NC * NS
NB = N_TOK // NW
CH = 16
NCHUNK = NB // CH
CB = V // 8
RB = N_TOK // 128


def _lse_body(tab_ref, lse_ref):
    x = tab_ref[...]
    m = jnp.max(x, axis=1, keepdims=True)
    s = jnp.sum(jnp.exp(x - m), axis=1, keepdims=True)
    lse_ref[...] = m + jnp.log(s)


def _row_logsumexp(table):
    return pl.pallas_call(
        _lse_body,
        out_shape=jax.ShapeDtypeStruct((V, 1), jnp.float32),
    )(table).reshape(V)


def _sc_body(table_hbm, ctx_hbm, tgt_hbm, lse_hbm,
             out_hbm, part_hbm,
             ctx_v, tgt_v, lse_v, rows0, rows1,
             stg0, stg1, acc,
             in0, in1, out0, out1):
    wid = lax.axis_index("s") * NC + lax.axis_index("c")
    base = wid * NB
    rb_base = base // 128

    pltpu.sync_copy(ctx_hbm.at[pl.ds(base, NB)], ctx_v)
    pltpu.sync_copy(tgt_hbm.at[pl.ds(base, NB)], tgt_v)
    pltpu.sync_copy(lse_hbm, lse_v)
    acc[...] = jnp.zeros((L,), jnp.float32)

    rows = (rows0, rows1)
    stg = (stg0, stg1)
    sin = (in0, in1)
    sout = (out0, out1)
    lane = lax.iota(jnp.int32, L)

    def start_gather(g, p):
        pltpu.make_async_copy(
            table_hbm.at[ctx_v.at[pl.ds(g * CH, CH)]], rows[p], sin[p]
        ).start()

    def wait_gather(p):
        pltpu.make_async_copy(
            table_hbm.at[ctx_v.at[pl.ds(0, CH)]], rows[p], sin[p]
        ).wait()

    def start_out(g_first, ps):
        tok = base + g_first * CH
        rb = tok // 128
        r_off = tok % 128
        pltpu.make_async_copy(
            stg[ps], out_hbm.at[:, rb, :, pl.ds(r_off, 2 * CH)], sout[ps]
        ).start()

    def wait_out(ps):
        pltpu.make_async_copy(
            stg[ps], out_hbm.at[:, rb_base, :, pl.ds(0, 2 * CH)], sout[ps]
        ).wait()

    def transpose_loss(g, p, ps, h):
        off = g * CH
        ctx16 = ctx_v[pl.ds(off, L)]
        tgt16 = tgt_v[pl.ds(off, L)]
        vals = plsc.load_gather(rows[p], [lane, tgt16])
        lsec = plsc.load_gather(lse_v, [ctx16])
        acc[...] = acc[...] + (lsec - vals)

        @plsc.parallel_loop(0, CB, unroll=4)
        def cb_body(cb):
            c0 = cb * 8
            for c in range(8):
                col = jnp.full((L,), c0 + c, jnp.int32)
                stg[ps][cb, c, pl.ds(h * L, L)] = plsc.load_gather(
                    rows[p], [lane, col])

    def quad(q, first, last):
        for k in range(4):
            g = 4 * q + k
            p, ps, h = k % 2, k // 2, k % 2
            wait_gather(p)
            if k in (0, 2) and not first:
                wait_out(ps)
            transpose_loss(g, p, ps, h)
            if k in (1, 3):
                start_out(g - 1, ps)
            if not (last and k >= 2):
                start_gather(g + 2, p)

    start_gather(0, 0)
    start_gather(1, 1)
    quad(0, first=True, last=False)

    def quad_body(q, _):
        quad(q, first=False, last=False)
        return 0

    lax.fori_loop(1, NCHUNK // 4 - 1, quad_body, 0)
    quad(NCHUNK // 4 - 1, first=False, last=True)

    wait_out(0)
    wait_out(1)
    pltpu.sync_copy(acc, part_hbm.at[pl.ds(wid * L, L)])


@functools.partial(jax.jit, static_argnums=())
def kernel(context, targets, table):
    ctx_flat = context.reshape(N_TOK)
    tgt_flat = targets.reshape(N_TOK)
    lse = _row_logsumexp(table)

    mesh = plsc.VectorSubcoreMesh(core_axis_name="c", subcore_axis_name="s")
    sc = pl.kernel(
        _sc_body,
        out_type=(
            jax.ShapeDtypeStruct((CB, RB, 8, 128), jnp.float32),
            jax.ShapeDtypeStruct((NW * L,), jnp.float32),
        ),
        mesh=mesh,
        compiler_params=pltpu.CompilerParams(
            needs_layout_passes=False, use_tc_tiling_on_sc=False),
        scratch_types=[
            pltpu.VMEM((NB,), jnp.int32),
            pltpu.VMEM((NB,), jnp.int32),
            pltpu.VMEM((V,), jnp.float32),
            pltpu.VMEM((CH, V), jnp.float32),
            pltpu.VMEM((CH, V), jnp.float32),
            pltpu.VMEM((CB, 8, 2 * CH), jnp.float32),
            pltpu.VMEM((CB, 8, 2 * CH), jnp.float32),
            pltpu.VMEM((L,), jnp.float32),
            pltpu.SemaphoreType.DMA,
            pltpu.SemaphoreType.DMA,
            pltpu.SemaphoreType.DMA,
            pltpu.SemaphoreType.DMA,
        ],
    )
    out4, partials = sc(table, ctx_flat, tgt_flat, lse)
    logits2 = out4.transpose(1, 3, 0, 2).reshape(N_TOK, V)
    loss = jnp.sum(partials) / jnp.float32(N_TOK)
    return (logits2, loss)

# --- scband reference (transcript-rebuilt; emitter-appended) ---
"""Pipeline reference for scband-shakespeare-bigram-52965536694498 (READ-ONLY COPY).

The authoritative reference and input builder live on the scoring server;
editing this copy changes nothing except your own understanding.
"""

import jax, jax.numpy as jnp
import numpy as np

VOCAB = 1000
B = 4096
T = 50


def setup_inputs(seed: int = 0) -> dict:
    key = jax.random.key(seed)
    k1, k2, k3 = jax.random.split(key, 3)
    context = jax.random.randint(k1, (B, T), 0, VOCAB, dtype=jnp.int32)
    targets = jax.random.randint(k2, (B, T), 0, VOCAB, dtype=jnp.int32)
    # learned parameter: token embedding table [vocab_size, vocab_size]
    table = jax.random.normal(k3, (VOCAB, VOCAB), dtype=jnp.float32) * 0.02
    return {"context": context, "targets": targets, "table": table}


def reference(context, targets, table):
    # logits = embedding lookup: gather rows of table
    logits = jnp.take(table, context, axis=0)  # [B, T, V]
    Bv, Tv, C = logits.shape
    logits2 = logits.reshape(Bv * Tv, C)
    tflat = targets.reshape(Bv * Tv)
    # F.cross_entropy(logits, targets) with mean reduction
    logp = jax.nn.log_softmax(logits2, axis=-1)
    nll = -jnp.take_along_axis(logp, tflat[:, None], axis=1)[:, 0]
    loss = jnp.mean(nll)
    return (logits2, loss)

if __name__ == "__main__":
    import jax
    _d = setup_inputs()
    print(jax.jit(kernel)(*tuple(_d.values())))

</pallas_src>

<mosaic_0001>
#map = affine_map<(d0, d1) -> (0, 0)>
#map1 = affine_map<(d0, d1) -> (0)>
#map2 = affine_map<(d0, d1) -> (0, 0, 0, 0)>
module attributes {stable_mosaic.version = 14 : i64} {
  func.func @_sc_body(%arg0: i32, %arg1: i32, %arg2: memref<1000x1000xf32, #tpu.memory_space<hbm>>, %arg3: memref<204800xi32, #tpu.memory_space<hbm>>, %arg4: memref<204800xi32, #tpu.memory_space<hbm>>, %arg5: memref<1000xf32, #tpu.memory_space<hbm>>, %arg6: memref<125x1600x8x128xf32, #tpu.memory_space<hbm>>, %arg7: memref<512xf32, #tpu.memory_space<hbm>>, %arg8: memref<6400xi32, #tpu.memory_space<vmem>>, %arg9: memref<6400xi32, #tpu.memory_space<vmem>>, %arg10: memref<1000xf32, #tpu.memory_space<vmem>>, %arg11: memref<16x1000xf32, #tpu.memory_space<vmem>>, %arg12: memref<16x1000xf32, #tpu.memory_space<vmem>>, %arg13: memref<125x8x32xf32, #tpu.memory_space<vmem>>, %arg14: memref<125x8x32xf32, #tpu.memory_space<vmem>>, %arg15: memref<16xf32, #tpu.memory_space<vmem>>, %arg16: memref<!tpu.dma_semaphore, #tpu.memory_space<semaphore_mem>>, %arg17: memref<!tpu.dma_semaphore, #tpu.memory_space<semaphore_mem>>, %arg18: memref<!tpu.dma_semaphore, #tpu.memory_space<semaphore_mem>>, %arg19: memref<!tpu.dma_semaphore, #tpu.memory_space<semaphore_mem>>) attributes {dimension_semantics = [#tpu.dimension_semantics<core_parallel>, #tpu.dimension_semantics<subcore_parallel>], iteration_bounds = array<i64: 2, 16>, scalar_prefetch = 0 : i64, scratch_operands = 12 : i64, tpu.core_type = #tpu.core_type<sc_vector_subcore>, window_params = [{transform_indices = #map}, {transform_indices = #map1}, {transform_indices = #map1}, {transform_indices = #map1}, {transform_indices = #map2}, {transform_indices = #map1}]} {
    %mul3A = arith.constant 2 : i32
    %mul3A_0 = arith.muli %arg1, %mul3A : i32
    %add3A = arith.addi %mul3A_0, %arg0 : i32
    %mul3A_1 = arith.constant 6400 : i32
    %mul3A_2 = arith.muli %add3A, %mul3A_1 : i32
    %jit3A = arith.constant 128 : i32
    %div3A = arith.divsi %mul3A_2, %jit3A : i32
    %sign3A = arith.constant 0 : i32
    %sign3A_3 = arith.cmpi sgt, %mul3A_2, %sign3A : i32
    %sign3A_4 = arith.extui %sign3A_3 : i1 to i32
    %sign3A_5 = arith.constant 0 : i32
    %sign3A_6 = arith.cmpi slt, %mul3A_2, %sign3A_5 : i32
    %sign3A_7 = arith.extui %sign3A_6 : i1 to i32
    %sign3A_8 = arith.subi %sign3A_4, %sign3A_7 : i32
    %sign3A_9 = arith.constant 0 : i32
    %sign3A_10 = arith.cmpi sgt, %jit3A, %sign3A_9 : i32
    %sign3A_11 = arith.extui %sign3A_10 : i1 to i32
    %sign3A_12 = arith.constant 0 : i32
    %sign3A_13 = arith.cmpi slt, %jit3A, %sign3A_12 : i32
    %sign3A_14 = arith.extui %sign3A_13 : i1 to i32
    %sign3A_15 = arith.subi %sign3A_11, %sign3A_14 : i32
    %ne3A = arith.cmpi ne, %sign3A_8, %sign3A_15 : i32
    %rem3A = arith.remsi %mul3A_2, %jit3A : i32
    %ne3A_16 = arith.constant 0 : i32
    %ne3A_17 = arith.cmpi ne, %rem3A, %ne3A_16 : i32
    %and3A = arith.andi %ne3A, %ne3A_17 : i1
    %sub3A = arith.constant 1 : i32
    %sub3A_18 = arith.subi %div3A, %sub3A : i32
    %select_n3A = arith.select %and3A, %sub3A_18, %div3A : i32
    "tpu.region"() ({
      %run_scoped3A = tpu.sem_alloc : memref<!tpu.dma_semaphore, #tpu.memory_space<semaphore_mem>>
      %dma_start3A_462 = tpu.memref_slice %arg3[%mul3A_2] : memref<204800xi32, #tpu.memory_space<hbm>> -> memref<6400xi32, #tpu.memory_space<hbm>>
      %dma_start3A_463 = tpu.memref_slice %arg3[%mul3A_2] : memref<204800xi32, #tpu.memory_space<hbm>> -> memref<6400xi32, #tpu.memory_space<hbm>>
      tpu.enqueue_dma source(%dma_start3A_463 : memref<6400xi32, #tpu.memory_space<hbm>>) target(%arg8 : memref<6400xi32, #tpu.memory_space<vmem>>) target_semaphore(%run_scoped3A : memref<!tpu.dma_semaphore, #tpu.memory_space<semaphore_mem>>)
      %dma_wait3A_464 = tpu.memref_slice %arg3[%mul3A_2] : memref<204800xi32, #tpu.memory_space<hbm>> -> memref<6400xi32, #tpu.memory_space<hbm>>
      %dma_wait3A_465 = tpu.memref_slice %arg3[%mul3A_2] : memref<204800xi32, #tpu.memory_space<hbm>> -> memref<6400xi32, #tpu.memory_space<hbm>>
      tpu.wait_dma2 semaphore(%run_scoped3A : memref<!tpu.dma_semaphore, #tpu.memory_space<semaphore_mem>>) src(%dma_wait3A_465 : memref<6400xi32, #tpu.memory_space<hbm>>) dst(%arg8 : memref<6400xi32, #tpu.memory_space<vmem>>)
      tpu.yield
    }) : () -> ()
    "tpu.region"() ({
      %run_scoped3A = tpu.sem_alloc : memref<!tpu.dma_semaphore, #tpu.memory_space<semaphore_mem>>
      %dma_start3A_462 = tpu.memref_slice %arg4[%mul3A_2] : memref<204800xi32, #tpu.memory_space<hbm>> -> memref<6400xi32, #tpu.memory_space<hbm>>
      %dma_start3A_463 = tpu.memref_slice %arg4[%mul3A_2] : memref<204800xi32, #tpu.memory_space<hbm>> -> memref<6400xi32, #tpu.memory_space<hbm>>
      tpu.enqueue_dma source(%dma_start3A_463 : memref<6400xi32, #tpu.memory_space<hbm>>) target(%arg9 : memref<6400xi32, #tpu.memory_space<vmem>>) target_semaphore(%run_scoped3A : memref<!tpu.dma_semaphore, #tpu.memory_space<semaphore_mem>>)
      %dma_wait3A_464 = tpu.memref_slice %arg4[%mul3A_2] : memref<204800xi32, #tpu.memory_space<hbm>> -> memref<6400xi32, #tpu.memory_space<hbm>>
      %dma_wait3A_465 = tpu.memref_slice %arg4[%mul3A_2] : memref<204800xi32, #tpu.memory_space<hbm>> -> memref<6400xi32, #tpu.memory_space<hbm>>
      tpu.wait_dma2 semaphore(%run_scoped3A : memref<!tpu.dma_semaphore, #tpu.memory_space<semaphore_mem>>) src(%dma_wait3A_465 : memref<6400xi32, #tpu.memory_space<hbm>>) dst(%arg9 : memref<6400xi32, #tpu.memory_space<vmem>>)
      tpu.yield
    }) : () -> ()
    "tpu.region"() ({
      %run_scoped3A = tpu.sem_alloc : memref<!tpu.dma_semaphore, #tpu.memory_space<semaphore_mem>>
      tpu.enqueue_dma source(%arg5 : memref<1000xf32, #tpu.memory_space<hbm>>) target(%arg10 : memref<1000xf32, #tpu.memory_space<vmem>>) target_semaphore(%run_scoped3A : memref<!tpu.dma_semaphore, #tpu.memory_space<semaphore_mem>>)
      tpu.wait_dma2 semaphore(%run_scoped3A : memref<!tpu.dma_semaphore, #tpu.memory_space<semaphore_mem>>) src(%arg5 : memref<1000xf32, #tpu.memory_space<hbm>>) dst(%arg10 : memref<1000xf32, #tpu.memory_space<vmem>>)
      tpu.yield
    }) : () -> ()
    %broadcast_in_dim3A = arith.constant 0.000000e+00 : f32
    %broadcast_in_dim3A_19 = vector.broadcast %broadcast_in_dim3A : f32 to vector<16xf32>
    %swap3A = arith.constant 0 : index
    %swap3A_20 = tpu.vector_load %arg15[%swap3A] {strides = array<i32>} : memref<16xf32, #tpu.memory_space<vmem>>, vector<16xf32>,
    tpu.vector_store %arg15[%swap3A], %broadcast_in_dim3A_19 {strides = array<i32>} : memref<16xf32, #tpu.memory_space<vmem>>, vector<16xf32>,
    %iota3A = tpu.iota {dimensions = array<i32: 0>} : vector<16xi32>
    %dma_start3A = arith.constant 0 : i32
    %dma_start3A_21 = tpu.memref_slice %arg8[%dma_start3A] : memref<6400xi32, #tpu.memory_space<vmem>> -> memref<16xi32, #tpu.memory_space<vmem>>
    %dma_start3A_22 = arith.constant 0 : i32
    %dma_start3A_23 = arith.constant 0 : i32
    %dma_start3A_24 = tpu.memref_slice %arg2[%dma_start3A_22, %dma_start3A_23] : memref<1000x1000xf32, #tpu.memory_space<hbm>> -> memref<1000x1000xf32, #tpu.memory_space<hbm>>
    tpu.enqueue_indirect_dma source(%dma_start3A_24 : memref<1000x1000xf32, #tpu.memory_space<hbm>>) target(%arg11 : memref<16x1000xf32, #tpu.memory_space<vmem>>) offsets(%dma_start3A_21 : memref<16xi32, #tpu.memory_space<vmem>>) semaphore(%arg16 : memref<!tpu.dma_semaphore, #tpu.memory_space<semaphore_mem>>)
    %dma_start3A_25 = arith.constant 16 : i32
    %dma_start3A_26 = tpu.memref_slice %arg8[%dma_start3A_25] : memref<6400xi32, #tpu.memory_space<vmem>> -> memref<16xi32, #tpu.memory_space<vmem>>
    %dma_start3A_27 = arith.constant 0 : i32
    %dma_start3A_28 = arith.constant 0 : i32
    %dma_start3A_29 = tpu.memref_slice %arg2[%dma_start3A_27, %dma_start3A_28] : memref<1000x1000xf32, #tpu.memory_space<hbm>> -> memref<1000x1000xf32, #tpu.memory_space<hbm>>
    tpu.enqueue_indirect_dma source(%dma_start3A_29 : memref<1000x1000xf32, #tpu.memory_space<hbm>>) target(%arg12 : memref<16x1000xf32, #tpu.memory_space<vmem>>) offsets(%dma_start3A_26 : memref<16xi32, #tpu.memory_space<vmem>>) semaphore(%arg17 : memref<!tpu.dma_semaphore, #tpu.memory_space<semaphore_mem>>)
    %dma_wait3A = arith.constant 0 : i32
    %dma_wait3A_30 = tpu.memref_slice %arg8[%dma_wait3A] : memref<6400xi32, #tpu.memory_space<vmem>> -> memref<16xi32, #tpu.memory_space<vmem>>
    %dma_wait3A_31 = arith.constant 0 : i32
    %dma_wait3A_32 = arith.constant 0 : i32
    %dma_wait3A_33 = tpu.memref_slice %arg2[%dma_wait3A_31, %dma_wait3A_32] : memref<1000x1000xf32, #tpu.memory_space<hbm>> -> memref<1000x1000xf32, #tpu.memory_space<hbm>>
    tpu.wait_indirect_dma semaphore(%arg16 : memref<!tpu.dma_semaphore, #tpu.memory_space<semaphore_mem>>) src(%dma_wait3A_33 : memref<1000x1000xf32, #tpu.memory_space<hbm>>) dst(%arg11 : memref<16x1000xf32, #tpu.memory_space<vmem>>)
    %get3A = arith.constant 0 : index
    %get3A_34 = tpu.vector_load %arg8[%get3A] {strides = array<i32>} : memref<6400xi32, #tpu.memory_space<vmem>>, vector<16xi32>,
    %get3A_35 = arith.constant 0 : index
    %get3A_36 = tpu.vector_load %arg9[%get3A_35] {strides = array<i32>} : memref<6400xi32, #tpu.memory_space<vmem>>, vector<16xi32>,
    %gather3A = tpu.vector_load_idx %arg11[%iota3A, %get3A_36] : memref<16x1000xf32, #tpu.memory_space<vmem>>[vector<16xi32>, vector<16xi32>], vector<16xf32>,
    %gather3A_37 = tpu.vector_load_idx %arg10[%get3A_34] : memref<1000xf32, #tpu.memory_space<vmem>>[vector<16xi32>], vector<16xf32>,
    %get3A_38 = arith.constant 0 : index
    %get3A_39 = tpu.vector_load %arg15[%get3A_38] {strides = array<i32>} : memref<16xf32, #tpu.memory_space<vmem>>, vector<16xf32>,
    %sub3A_40 = arith.subf %gather3A_37, %gather3A : vector<16xf32>
    %add3A_41 = arith.addf %get3A_39, %sub3A_40 : vector<16xf32>
    %swap3A_42 = arith.constant 0 : index
    %swap3A_43 = tpu.vector_load %arg15[%swap3A_42] {strides = array<i32>} : memref<16xf32, #tpu.memory_space<vmem>>, vector<16xf32>,
    tpu.vector_store %arg15[%swap3A_42], %add3A_41 {strides = array<i32>} : memref<16xf32, #tpu.memory_space<vmem>>, vector<16xf32>,
    %parallel_loop3A = arith.constant 0 : i32
    %parallel_loop3A_44 = arith.constant 125 : i32
    %parallel_loop3A_45 = arith.constant 1 : i32
    scf.for %parallel_loop3A_462 = %parallel_loop3A to %parallel_loop3A_44 step %parallel_loop3A_45  : i32 {
      %parallel_loop3A_463 = arith.constant 8 : i32
      %parallel_loop3A_464 = arith.muli %parallel_loop3A_462, %parallel_loop3A_463 : i32
      %parallel_loop3A_465 = arith.constant 0 : i32
      %parallel_loop3A_466 = arith.addi %parallel_loop3A_464, %parallel_loop3A_465 : i32
      %parallel_loop3A_467 = vector.broadcast %parallel_loop3A_466 : i32 to vector<16xi32>
      %parallel_loop3A_468 = tpu.vector_load_idx %arg11[%iota3A, %parallel_loop3A_467] : memref<16x1000xf32, #tpu.memory_space<vmem>>[vector<16xi32>, vector<16xi32>], vector<16xf32>,
      %parallel_loop3A_469 = arith.constant 0 : i32
      %parallel_loop3A_470 = arith.index_cast %parallel_loop3A_462 : i32 to index
      %parallel_loop3A_471 = arith.index_cast %parallel_loop3A_469 : i32 to index
      %parallel_loop3A_472 = arith.constant 0 : index
      %parallel_loop3A_473 = tpu.vector_load %arg13[%parallel_loop3A_470, %parallel_loop3A_471, %parallel_loop3A_472] {strides = array<i32>} : memref<125x8x32xf32, #tpu.memory_space<vmem>>, vector<16xf32>,
      tpu.vector_store %arg13[%parallel_loop3A_470, %parallel_loop3A_471, %parallel_loop3A_472], %parallel_loop3A_468 {strides = array<i32>} : memref<125x8x32xf32, #tpu.memory_space<vmem>>, vector<16xf32>,
      %parallel_loop3A_474 = arith.constant 1 : i32
      %parallel_loop3A_475 = arith.addi %parallel_loop3A_464, %parallel_loop3A_474 : i32
      %parallel_loop3A_476 = vector.broadcast %parallel_loop3A_475 : i32 to vector<16xi32>
      %parallel_loop3A_477 = tpu.vector_load_idx %arg11[%iota3A, %parallel_loop3A_476] : memref<16x1000xf32, #tpu.memory_space<vmem>>[vector<16xi32>, vector<16xi32>], vector<16xf32>,
      %parallel_loop3A_478 = arith.constant 1 : i32
      %parallel_loop3A_479 = arith.index_cast %parallel_loop3A_462 : i32 to index
      %parallel_loop3A_480 = arith.index_cast %parallel_loop3A_478 : i32 to index
      %parallel_loop3A_481 = arith.constant 0 : index
      %parallel_loop3A_482 = tpu.vector_load %arg13[%parallel_loop3A_479, %parallel_loop3A_480, %parallel_loop3A_481] {strides = array<i32>} : memref<125x8x32xf32, #tpu.memory_space<vmem>>, vector<16xf32>,
      tpu.vector_store %arg13[%parallel_loop3A_479, %parallel_loop3A_480, %parallel_loop3A_481], %parallel_loop3A_477 {strides = array<i32>} : memref<125x8x32xf32, #tpu.memory_space<vmem>>, vector<16xf32>,
      %parallel_loop3A_483 = arith.constant 2 : i32
      %parallel_loop3A_484 = arith.addi %parallel_loop3A_464, %parallel_loop3A_483 : i32
      %parallel_loop3A_485 = vector.broadcast %parallel_loop3A_484 : i32 to vector<16xi32>
      %parallel_loop3A_486 = tpu.vector_load_idx %arg11[%iota3A, %parallel_loop3A_485] : memref<16x1000xf32, #tpu.memory_space<vmem>>[vector<16xi32>, vector<16xi32>], vector<16xf32>,
      %parallel_loop3A_487 = arith.constant 2 : i32
      %parallel_loop3A_488 = arith.index_cast %parallel_loop3A_462 : i32 to index
      %parallel_loop3A_489 = arith.index_cast %parallel_loop3A_487 : i32 to index
      %parallel_loop3A_490 = arith.constant 0 : index
      %parallel_loop3A_491 = tpu.vector_load %arg13[%parallel_loop3A_488, %parallel_loop3A_489, %parallel_loop3A_490] {strides = array<i32>} : memref<125x8x32xf32, #tpu.memory_space<vmem>>, vector<16xf32>,
      tpu.vector_store %arg13[%parallel_loop3A_488, %parallel_loop3A_489, %parallel_loop3A_490], %parallel_loop3A_486 {strides = array<i32>} : memref<125x8x32xf32, #tpu.memory_space<vmem>>, vector<16xf32>,
      %parallel_loop3A_492 = arith.constant 3 : i32
      %parallel_loop3A_493 = arith.addi %parallel_loop3A_464, %parallel_loop3A_492 : i32
      %parallel_loop3A_494 = vector.broadcast %parallel_loop3A_493 : i32 to vector<16xi32>
      %parallel_loop3A_495 = tpu.vector_load_idx %arg11[%iota3A, %parallel_loop3A_494] : memref<16x1000xf32, #tpu.memory_space<vmem>>[vector<16xi32>, vector<16xi32>], vector<16xf32>,
      %parallel_loop3A_496 = arith.constant 3 : i32
      %parallel_loop3A_497 = arith.index_cast %parallel_loop3A_462 : i32 to index
      %parallel_loop3A_498 = arith.index_cast %parallel_loop3A_496 : i32 to index
      %parallel_loop3A_499 = arith.constant 0 : index
      %parallel_loop3A_500 = tpu.vector_load %arg13[%parallel_loop3A_497, %parallel_loop3A_498, %parallel_loop3A_499] {strides = array<i32>} : memref<125x8x32xf32, #tpu.memory_space<vmem>>, vector<16xf32>,
      tpu.vector_store %arg13[%parallel_loop3A_497, %parallel_loop3A_498, %parallel_loop3A_499], %parallel_loop3A_495 {strides = array<i32>} : memref<125x8x32xf32, #tpu.memory_space<vmem>>, vector<16xf32>,
      %parallel_loop3A_501 = arith.constant 4 : i32
      %parallel_loop3A_502 = arith.addi %parallel_loop3A_464, %parallel_loop3A_501 : i32
      %parallel_loop3A_503 = vector.broadcast %parallel_loop3A_502 : i32 to vector<16xi32>
      %parallel_loop3A_504 = tpu.vector_load_idx %arg11[%iota3A, %parallel_loop3A_503] : memref<16x1000xf32, #tpu.memory_space<vmem>>[vector<16xi32>, vector<16xi32>], vector<16xf32>,
      %parallel_loop3A_505 = arith.constant 4 : i32
      %parallel_loop3A_506 = arith.index_cast %parallel_loop3A_462 : i32 to index
      %parallel_loop3A_507 = arith.index_cast %parallel_loop3A_505 : i32 to index
      %parallel_loop3A_508 = arith.constant 0 : index
      %parallel_loop3A_509 = tpu.vector_load %arg13[%parallel_loop3A_506, %parallel_loop3A_507, %parallel_loop3A_508] {strides = array<i32>} : memref<125x8x32xf32, #tpu.memory_space<vmem>>, vector<16xf32>,
      tpu.vector_store %arg13[%parallel_loop3A_506, %parallel_loop3A_507, %parallel_loop3A_508], %parallel_loop3A_504 {strides = array<i32>} : memref<125x8x32xf32, #tpu.memory_space<vmem>>, vector<16xf32>,
      %parallel_loop3A_510 = arith.constant 5 : i32
      %parallel_loop3A_511 = arith.addi %parallel_loop3A_464, %parallel_loop3A_510 : i32
      %parallel_loop3A_512 = vector.broadcast %parallel_loop3A_511 : i32 to vector<16xi32>
      %parallel_loop3A_513 = tpu.vector_load_idx %arg11[%iota3A, %parallel_loop3A_512] : memref<16x1000xf32, #tpu.memory_space<vmem>>[vector<16xi32>, vector<16xi32>], vector<16xf32>,
      %parallel_loop3A_514 = arith.constant 5 : i32
      %parallel_loop3A_515 = arith.index_cast %parallel_loop3A_462 : i32 to index
      %parallel_loop3A_516 = arith.index_cast %parallel_loop3A_514 : i32 to index
      %parallel_loop3A_517 = arith.constant 0 : index
      %parallel_loop3A_518 = tpu.vector_load %arg13[%parallel_loop3A_515, %parallel_loop3A_516, %parallel_loop3A_517] {strides = array<i32>} : memref<125x8x32xf32, #tpu.memory_space<vmem>>, vector<16xf32>,
      tpu.vector_store %arg13[%parallel_loop3A_515, %parallel_loop3A_516, %parallel_loop3A_517], %parallel_loop3A_513 {strides = array<i32>} : memref<125x8x32xf32, #tpu.memory_space<vmem>>, vector<16xf32>,
      %parallel_loop3A_519 = arith.constant 6 : i32
      %parallel_loop3A_520 = arith.addi %parallel_loop3A_464, %parallel_loop3A_519 : i32
      %parallel_loop3A_521 = vector.broadcast %parallel_loop3A_520 : i32 to vector<16xi32>
      %parallel_loop3A_522 = tpu.vector_load_idx %arg11[%iota3A, %parallel_loop3A_521] : memref<16x1000xf32, #tpu.memory_space<vmem>>[vector<16xi32>, vector<16xi32>], vector<16xf32>,
      %parallel_loop3A_523 = arith.constant 6 : i32
      %parallel_loop3A_524 = arith.index_cast %parallel_loop3A_462 : i32 to index
      %parallel_loop3A_525 = arith.index_cast %parallel_loop3A_523 : i32 to index
      %parallel_loop3A_526 = arith.constant 0 : index
      %parallel_loop3A_527 = tpu.vector_load %arg13[%parallel_loop3A_524, %parallel_loop3A_525, %parallel_loop3A_526] {strides = array<i32>} : memref<125x8x32xf32, #tpu.memory_space<vmem>>, vector<16xf32>,
      tpu.vector_store %arg13[%parallel_loop3A_524, %parallel_loop3A_525, %parallel_loop3A_526], %parallel_loop3A_522 {strides = array<i32>} : memref<125x8x32xf32, #tpu.memory_space<vmem>>, vector<16xf32>,
      %parallel_loop3A_528 = arith.constant 7 : i32
      %parallel_loop3A_529 = arith.addi %parallel_loop3A_464, %parallel_loop3A_528 : i32
      %parallel_loop3A_530 = vector.broadcast %parallel_loop3A_529 : i32 to vector<16xi32>
      %parallel_loop3A_531 = tpu.vector_load_idx %arg11[%iota3A, %parallel_loop3A_530] : memref<16x1000xf32, #tpu.memory_space<vmem>>[vector<16xi32>, vector<16xi32>], vector<16xf32>,
      %parallel_loop3A_532 = arith.constant 7 : i32
      %parallel_loop3A_533 = arith.index_cast %parallel_loop3A_462 : i32 to index
      %parallel_loop3A_534 = arith.index_cast %parallel_loop3A_532 : i32 to index
      %parallel_loop3A_535 = arith.constant 0 : index
      %parallel_loop3A_536 = tpu.vector_load %arg13[%parallel_loop3A_533, %parallel_loop3A_534, %parallel_loop3A_535] {strides = array<i32>} : memref<125x8x32xf32, #tpu.memory_space<vmem>>, vector<16xf32>,
      tpu.vector_store %arg13[%parallel_loop3A_533, %parallel_loop3A_534, %parallel_loop3A_535], %parallel_loop3A_531 {strides = array<i32>} : memref<125x8x32xf32, #tpu.memory_space<vmem>>, vector<16xf32>,
    } {sc.loop_unroll_factor = 4 : i64, sc.parallel_access}
    %dma_start3A_46 = arith.constant 32 : i32
    %dma_start3A_47 = tpu.memref_slice %arg8[%dma_start3A_46] : memref<6400xi32, #tpu.memory_space<vmem>> -> memref<16xi32, #tpu.memory_space<vmem>>
    %dma_start3A_48 = arith.constant 0 : i32
    %dma_start3A_49 = arith.constant 0 : i32
    %dma_start3A_50 = tpu.memref_slice %arg2[%dma_start3A_48, %dma_start3A_49] : memref<1000x1000xf32, #tpu.memory_space<hbm>> -> memref<1000x1000xf32, #tpu.memory_space<hbm>>
    tpu.enqueue_indirect_dma source(%dma_start3A_50 : memref<1000x1000xf32, #tpu.memory_space<hbm>>) target(%arg11 : memref<16x1000xf32, #tpu.memory_space<vmem>>) offsets(%dma_start3A_47 : memref<16xi32, #tpu.memory_space<vmem>>) semaphore(%arg16 : memref<!tpu.dma_semaphore, #tpu.memory_space<semaphore_mem>>)
    %dma_wait3A_51 = arith.constant 0 : i32
    %dma_wait3A_52 = tpu.memref_slice %arg8[%dma_wait3A_51] : memref<6400xi32, #tpu.memory_space<vmem>> -> memref<16xi32, #tpu.memory_space<vmem>>
    %dma_wait3A_53 = arith.constant 0 : i32
    %dma_wait3A_54 = arith.constant 0 : i32
    %dma_wait3A_55 = tpu.memref_slice %arg2[%dma_wait3A_53, %dma_wait3A_54] : memref<1000x1000xf32, #tpu.memory_space<hbm>> -> memref<1000x1000xf32, #tpu.memory_space<hbm>>
    tpu.wait_indirect_dma semaphore(%arg17 : memref<!tpu.dma_semaphore, #tpu.memory_space<semaphore_mem>>) src(%dma_wait3A_55 : memref<1000x1000xf32, #tpu.memory_space<hbm>>) dst(%arg12 : memref<16x1000xf32, #tpu.memory_space<vmem>>)
    %get3A_56 = arith.constant 16 : index
    %get3A_57 = tpu.vector_load %arg8[%get3A_56] {strides = array<i32>} : memref<6400xi32, #tpu.memory_space<vmem>>, vector<16xi32>,
    %get3A_58 = arith.constant 16 : index
    %get3A_59 = tpu.vector_load %arg9[%get3A_58] {strides = array<i32>} : memref<6400xi32, #tpu.memory_space<vmem>>, vector<16xi32>,
    %gather3A_60 = tpu.vector_load_idx %arg12[%iota3A, %get3A_59] : memref<16x1000xf32, #tpu.memory_space<vmem>>[vector<16xi32>, vector<16xi32>], vector<16xf32>,
    %gather3A_61 = tpu.vector_load_idx %arg10[%get3A_57] : memref<1000xf32, #tpu.memory_space<vmem>>[vector<16xi32>], vector<16xf32>,
    %get3A_62 = arith.constant 0 : index
    %get3A_63 = tpu.vector_load %arg15[%get3A_62] {strides = array<i32>} : memref<16xf32, #tpu.memory_space<vmem>>, vector<16xf32>,
    %sub3A_64 = arith.subf %gather3A_61, %gather3A_60 : vector<16xf32>
    %add3A_65 = arith.addf %get3A_63, %sub3A_64 : vector<16xf32>
    %swap3A_66 = arith.constant 0 : index
    %swap3A_67 = tpu.vector_load %arg15[%swap3A_66] {strides = array<i32>} : memref<16xf32, #tpu.memory_space<vmem>>, vector<16xf32>,
    tpu.vector_store %arg15[%swap3A_66], %add3A_65 {strides = array<i32>} : memref<16xf32, #tpu.memory_space<vmem>>, vector<16xf32>,
    %parallel_loop3A_68 = arith.constant 0 : i32
    %parallel_loop3A_69 = arith.constant 125 : i32
    %parallel_loop3A_70 = arith.constant 1 : i32
    scf.for %parallel_loop3A_462 = %parallel_loop3A_68 to %parallel_loop3A_69 step %parallel_loop3A_70  : i32 {
      %parallel_loop3A_463 = arith.constant 8 : i32
      %parallel_loop3A_464 = arith.muli %parallel_loop3A_462, %parallel_loop3A_463 : i32
      %parallel_loop3A_465 = arith.constant 0 : i32
      %parallel_loop3A_466 = arith.addi %parallel_loop3A_464, %parallel_loop3A_465 : i32
      %parallel_loop3A_467 = vector.broadcast %parallel_loop3A_466 : i32 to vector<16xi32>
      %parallel_loop3A_468 = tpu.vector_load_idx %arg12[%iota3A, %parallel_loop3A_467] : memref<16x1000xf32, #tpu.memory_space<vmem>>[vector<16xi32>, vector<16xi32>], vector<16xf32>,
      %parallel_loop3A_469 = arith.constant 0 : i32
      %parallel_loop3A_470 = arith.index_cast %parallel_loop3A_462 : i32 to index
      %parallel_loop3A_471 = arith.index_cast %parallel_loop3A_469 : i32 to index
      %parallel_loop3A_472 = arith.constant 16 : index
      %parallel_loop3A_473 = tpu.vector_load %arg13[%parallel_loop3A_470, %parallel_loop3A_471, %parallel_loop3A_472] {strides = array<i32>} : memref<125x8x32xf32, #tpu.memory_space<vmem>>, vector<16xf32>,
      tpu.vector_store %arg13[%parallel_loop3A_470, %parallel_loop3A_471, %parallel_loop3A_472], %parallel_loop3A_468 {strides = array<i32>} : memref<125x8x32xf32, #tpu.memory_space<vmem>>, vector<16xf32>,
      %parallel_loop3A_474 = arith.constant 1 : i32
      %parallel_loop3A_475 = arith.addi %parallel_loop3A_464, %parallel_loop3A_474 : i32
      %parallel_loop3A_476 = vector.broadcast %parallel_loop3A_475 : i32 to vector<16xi32>
      %parallel_loop3A_477 = tpu.vector_load_idx %arg12[%iota3A, %parallel_loop3A_476] : memref<16x1000xf32, #tpu.memory_space<vmem>>[vector<16xi32>, vector<16xi32>], vector<16xf32>,
      %parallel_loop3A_478 = arith.constant 1 : i32
      %parallel_loop3A_479 = arith.index_cast %parallel_loop3A_462 : i32 to index
      %parallel_loop3A_480 = arith.index_cast %parallel_loop3A_478 : i32 to index
      %parallel_loop3A_481 = arith.constant 16 : index
      %parallel_loop3A_482 = tpu.vector_load %arg13[%parallel_loop3A_479, %parallel_loop3A_480, %parallel_loop3A_481] {strides = array<i32>} : memref<125x8x32xf32, #tpu.memory_space<vmem>>, vector<16xf32>,
      tpu.vector_store %arg13[%parallel_loop3A_479, %parallel_loop3A_480, %parallel_loop3A_481], %parallel_loop3A_477 {strides = array<i32>} : memref<125x8x32xf32, #tpu.memory_space<vmem>>, vector<16xf32>,
      %parallel_loop3A_483 = arith.constant 2 : i32
      %parallel_loop3A_484 = arith.addi %parallel_loop3A_464, %parallel_loop3A_483 : i32
      %parallel_loop3A_485 = vector.broadcast %parallel_loop3A_484 : i32 to vector<16xi32>
      %parallel_loop3A_486 = tpu.vector_load_idx %arg12[%iota3A, %parallel_loop3A_485] : memref<16x1000xf32, #tpu.memory_space<vmem>>[vector<16xi32>, vector<16xi32>], vector<16xf32>,
      %parallel_loop3A_487 = arith.constant 2 : i32
      %parallel_loop3A_488 = arith.index_cast %parallel_loop3A_462 : i32 to index
      %parallel_loop3A_489 = arith.index_cast %parallel_loop3A_487 : i32 to index
      %parallel_loop3A_490 = arith.constant 16 : index
      %parallel_loop3A_491 = tpu.vector_load %arg13[%parallel_loop3A_488, %parallel_loop3A_489, %parallel_loop3A_490] {strides = array<i32>} : memref<125x8x32xf32, #tpu.memory_space<vmem>>, vector<16xf32>,
      tpu.vector_store %arg13[%parallel_loop3A_488, %parallel_loop3A_489, %parallel_loop3A_490], %parallel_loop3A_486 {strides = array<i32>} : memref<125x8x32xf32, #tpu.memory_space<vmem>>, vector<16xf32>,
      %parallel_loop3A_492 = arith.constant 3 : i32
      %parallel_loop3A_493 = arith.addi %parallel_loop3A_464, %parallel_loop3A_492 : i32
      %parallel_loop3A_494 = vector.broadcast %parallel_loop3A_493 : i32 to vector<16xi32>
      %parallel_loop3A_495 = tpu.vector_load_idx %arg12[%iota3A, %parallel_loop3A_494] : memref<16x1000xf32, #tpu.memory_space<vmem>>[vector<16xi32>, vector<16xi32>], vector<16xf32>,
      %parallel_loop3A_496 = arith.constant 3 : i32
      %parallel_loop3A_497 = arith.index_cast %parallel_loop3A_462 : i32 to index
      %parallel_loop3A_498 = arith.index_cast %parallel_loop3A_496 : i32 to index
      %parallel_loop3A_499 = arith.constant 16 : index
      %parallel_loop3A_500 = tpu.vector_load %arg13[%parallel_loop3A_497, %parallel_loop3A_498, %parallel_loop3A_499] {strides = array<i32>} : memref<125x8x32xf32, #tpu.memory_space<vmem>>, vector<16xf32>,
      tpu.vector_store %arg13[%parallel_loop3A_497, %parallel_loop3A_498, %parallel_loop3A_499], %parallel_loop3A_495 {strides = array<i32>} : memref<125x8x32xf32, #tpu.memory_space<vmem>>, vector<16xf32>,
      %parallel_loop3A_501 = arith.constant 4 : i32
      %parallel_loop3A_502 = arith.addi %parallel_loop3A_464, %parallel_loop3A_501 : i32
      %parallel_loop3A_503 = vector.broadcast %parallel_loop3A_502 : i32 to vector<16xi32>
      %parallel_loop3A_504 = tpu.vector_load_idx %arg12[%iota3A, %parallel_loop3A_503] : memref<16x1000xf32, #tpu.memory_space<vmem>>[vector<16xi32>, vector<16xi32>], vector<16xf32>,
      %parallel_loop3A_505 = arith.constant 4 : i32
      %parallel_loop3A_506 = arith.index_cast %parallel_loop3A_462 : i32 to index
      %parallel_loop3A_507 = arith.index_cast %parallel_loop3A_505 : i32 to index
      %parallel_loop3A_508 = arith.constant 16 : index
      %parallel_loop3A_509 = tpu.vector_load %arg13[%parallel_loop3A_506, %parallel_loop3A_507, %parallel_loop3A_508] {strides = array<i32>} : memref<125x8x32xf32, #tpu.memory_space<vmem>>, vector<16xf32>,
      tpu.vector_store %arg13[%parallel_loop3A_506, %parallel_loop3A_507, %parallel_loop3A_508], %parallel_loop3A_504 {strides = array<i32>} : memref<125x8x32xf32, #tpu.memory_space<vmem>>, vector<16xf32>,
      %parallel_loop3A_510 = arith.constant 5 : i32
      %parallel_loop3A_511 = arith.addi %parallel_loop3A_464, %parallel_loop3A_510 : i32
      %parallel_loop3A_512 = vector.broadcast %parallel_loop3A_511 : i32 to vector<16xi32>
      %parallel_loop3A_513 = tpu.vector_load_idx %arg12[%iota3A, %parallel_loop3A_512] : memref<16x1000xf32, #tpu.memory_space<vmem>>[vector<16xi32>, vector<16xi32>], vector<16xf32>,
      %parallel_loop3A_514 = arith.constant 5 : i32
      %parallel_loop3A_515 = arith.index_cast %parallel_loop3A_462 : i32 to index
      %parallel_loop3A_516 = arith.index_cast %parallel_loop3A_514 : i32 to index
      %parallel_loop3A_517 = arith.constant 16 : index
      %parallel_loop3A_518 = tpu.vector_load %arg13[%parallel_loop3A_515, %parallel_loop3A_516, %parallel_loop3A_517] {strides = array<i32>} : memref<125x8x32xf32, #tpu.memory_space<vmem>>, vector<16xf32>,
      tpu.vector_store %arg13[%parallel_loop3A_515, %parallel_loop3A_516, %parallel_loop3A_517], %parallel_loop3A_513 {strides = array<i32>} : memref<125x8x32xf32, #tpu.memory_space<vmem>>, vector<16xf32>,
      %parallel_loop3A_519 = arith.constant 6 : i32
      %parallel_loop3A_520 = arith.addi %parallel_loop3A_464, %parallel_loop3A_519 : i32
      %parallel_loop3A_521 = vector.broadcast %parallel_loop3A_520 : i32 to vector<16xi32>
      %parallel_loop3A_522 = tpu.vector_load_idx %arg12[%iota3A, %parallel_loop3A_521] : memref<16x1000xf32, #tpu.memory_space<vmem>>[vector<16xi32>, vector<16xi32>], vector<16xf32>,
      %parallel_loop3A_523 = arith.constant 6 : i32
      %parallel_loop3A_524 = arith.index_cast %parallel_loop3A_462 : i32 to index
      %parallel_loop3A_525 = arith.index_cast %parallel_loop3A_523 : i32 to index
      %parallel_loop3A_526 = arith.constant 16 : index
      %parallel_loop3A_527 = tpu.vector_load %arg13[%parallel_loop3A_524, %parallel_loop3A_525, %parallel_loop3A_526] {strides = array<i32>} : memref<125x8x32xf32, #tpu.memory_space<vmem>>, vector<16xf32>,
      tpu.vector_store %arg13[%parallel_loop3A_524, %parallel_loop3A_525, %parallel_loop3A_526], %parallel_loop3A_522 {strides = array<i32>} : memref<125x8x32xf32, #tpu.memory_space<vmem>>, vector<16xf32>,
      %parallel_loop3A_528 = arith.constant 7 : i32
      %parallel_loop3A_529 = arith.addi %parallel_loop3A_464, %parallel_loop3A_528 : i32
      %parallel_loop3A_530 = vector.broadcast %parallel_loop3A_529 : i32 to vector<16xi32>
      %parallel_loop3A_531 = tpu.vector_load_idx %arg12[%iota3A, %parallel_loop3A_530] : memref<16x1000xf32, #tpu.memory_space<vmem>>[vector<16xi32>, vector<16xi32>], vector<16xf32>,
      %parallel_loop3A_532 = arith.constant 7 : i32
      %parallel_loop3A_533 = arith.index_cast %parallel_loop3A_462 : i32 to index
      %parallel_loop3A_534 = arith.index_cast %parallel_loop3A_532 : i32 to index
      %parallel_loop3A_535 = arith.constant 16 : index
      %parallel_loop3A_536 = tpu.vector_load %arg13[%parallel_loop3A_533, %parallel_loop3A_534, %parallel_loop3A_535] {strides = array<i32>} : memref<125x8x32xf32, #tpu.memory_space<vmem>>, vector<16xf32>,
      tpu.vector_store %arg13[%parallel_loop3A_533, %parallel_loop3A_534, %parallel_loop3A_535], %parallel_loop3A_531 {strides = array<i32>} : memref<125x8x32xf32, #tpu.memory_space<vmem>>, vector<16xf32>,
    } {sc.loop_unroll_factor = 4 : i64, sc.parallel_access}
    %add3A_71 = arith.constant 0 : i32
    %add3A_72 = arith.addi %mul3A_2, %add3A_71 : i32
    %jit3A_73 = arith.constant 128 : i32
    %div3A_74 = arith.divsi %add3A_72, %jit3A_73 : i32
    %sign3A_75 = arith.constant 0 : i32
    %sign3A_76 = arith.cmpi sgt, %add3A_72, %sign3A_75 : i32
    %sign3A_77 = arith.extui %sign3A_76 : i1 to i32
    %sign3A_78 = arith.constant 0 : i32
    %sign3A_79 = arith.cmpi slt, %add3A_72, %sign3A_78 : i32
    %sign3A_80 = arith.extui %sign3A_79 : i1 to i32
    %sign3A_81 = arith.subi %sign3A_77, %sign3A_80 : i32
    %sign3A_82 = arith.constant 0 : i32
    %sign3A_83 = arith.cmpi sgt, %jit3A_73, %sign3A_82 : i32
    %sign3A_84 = arith.extui %sign3A_83 : i1 to i32
    %sign3A_85 = arith.constant 0 : i32
    %sign3A_86 = arith.cmpi slt, %jit3A_73, %sign3A_85 : i32
    %sign3A_87 = arith.extui %sign3A_86 : i1 to i32
    %sign3A_88 = arith.subi %sign3A_84, %sign3A_87 : i32
    %ne3A_89 = arith.cmpi ne, %sign3A_81, %sign3A_88 : i32
    %rem3A_90 = arith.remsi %add3A_72, %jit3A_73 : i32
    %ne3A_91 = arith.constant 0 : i32
    %ne3A_92 = arith.cmpi ne, %rem3A_90, %ne3A_91 : i32
    %and3A_93 = arith.andi %ne3A_89, %ne3A_92 : i1
    %sub3A_94 = arith.constant 1 : i32
    %sub3A_95 = arith.subi %div3A_74, %sub3A_94 : i32
    %select_n3A_96 = arith.select %and3A_93, %sub3A_95, %div3A_74 : i32
    %jit3A_97 = arith.constant 128 : i32
    %eq3A = arith.constant 0 : i32
    %eq3A_98 = arith.cmpi eq, %jit3A_97, %eq3A : i32
    %jit3A_99 = arith.constant 1 : i32
    %select_n3A_100 = arith.select %eq3A_98, %jit3A_99, %jit3A_97 : i32
    %rem3A_101 = arith.remsi %add3A_72, %select_n3A_100 : i32
    %ne3A_102 = arith.constant 0 : i32
    %ne3A_103 = arith.cmpi ne, %rem3A_101, %ne3A_102 : i32
    %lt3A = arith.constant 0 : i32
    %lt3A_104 = arith.cmpi slt, %rem3A_101, %lt3A : i32
    %lt3A_105 = arith.constant 0 : i32
    %lt3A_106 = arith.cmpi slt, %select_n3A_100, %lt3A_105 : i32
    %ne3A_107 = arith.xori %lt3A_104, %lt3A_106 : i1
    %and3A_108 = arith.andi %ne3A_107, %ne3A_103 : i1
    %add3A_109 = arith.addi %rem3A_101, %select_n3A_100 : i32
    %select_n3A_110 = arith.select %and3A_108, %add3A_109, %rem3A_101 : i32
    %dma_start3A_111 = arith.constant 0 : i32
    %dma_start3A_112 = arith.constant 0 : i32
    %dma_start3A_113 = tpu.memref_slice %arg6[%dma_start3A_111, %select_n3A_96, %dma_start3A_112, %select_n3A_110] : memref<125x1600x8x128xf32, #tpu.memory_space<hbm>> -> memref<125x1x8x32xf32, #tpu.memory_space<hbm>>
    %dma_start3A_114 = tpu.memref_squeeze %dma_start3A_113 : memref<125x1x8x32xf32, #tpu.memory_space<hbm>> -> memref<125x8x32xf32, #tpu.memory_space<hbm>>
    %dma_start3A_115 = arith.constant 0 : i32
    %dma_start3A_116 = arith.constant 0 : i32
    %dma_start3A_117 = tpu.memref_slice %arg6[%dma_start3A_115, %select_n3A_96, %dma_start3A_116, %select_n3A_110] : memref<125x1600x8x128xf32, #tpu.memory_space<hbm>> -> memref<125x1x8x32xf32, #tpu.memory_space<hbm>>
    %dma_start3A_118 = tpu.memref_squeeze %dma_start3A_117 : memref<125x1x8x32xf32, #tpu.memory_space<hbm>> -> memref<125x8x32xf32, #tpu.memory_space<hbm>>
    tpu.enqueue_dma source(%arg13 : memref<125x8x32xf32, #tpu.memory_space<vmem>>) target(%dma_start3A_118 : memref<125x8x32xf32, #tpu.memory_space<hbm>>) target_semaphore(%arg18 : memref<!tpu.dma_semaphore, #tpu.memory_space<semaphore_mem>>)
    %dma_start3A_119 = arith.constant 48 : i32
    %dma_start3A_120 = tpu.memref_slice %arg8[%dma_start3A_119] : memref<6400xi32, #tpu.memory_space<vmem>> -> memref<16xi32, #tpu.memory_space<vmem>>
    %dma_start3A_121 = arith.constant 0 : i32
    %dma_start3A_122 = arith.constant 0 : i32
    %dma_start3A_123 = tpu.memref_slice %arg2[%dma_start3A_121, %dma_start3A_122] : memref<1000x1000xf32, #tpu.memory_space<hbm>> -> memref<1000x1000xf32, #tpu.memory_space<hbm>>
    tpu.enqueue_indirect_dma source(%dma_start3A_123 : memref<1000x1000xf32, #tpu.memory_space<hbm>>) target(%arg12 : memref<16x1000xf32, #tpu.memory_space<vmem>>) offsets(%dma_start3A_120 : memref<16xi32, #tpu.memory_space<vmem>>) semaphore(%arg17 : memref<!tpu.dma_semaphore, #tpu.memory_space<semaphore_mem>>)
    %dma_wait3A_124 = arith.constant 0 : i32
    %dma_wait3A_125 = tpu.memref_slice %arg8[%dma_wait3A_124] : memref<6400xi32, #tpu.memory_space<vmem>> -> memref<16xi32, #tpu.memory_space<vmem>>
    %dma_wait3A_126 = arith.constant 0 : i32
    %dma_wait3A_127 = arith.constant 0 : i32
    %dma_wait3A_128 = tpu.memref_slice %arg2[%dma_wait3A_126, %dma_wait3A_127] : memref<1000x1000xf32, #tpu.memory_space<hbm>> -> memref<1000x1000xf32, #tpu.memory_space<hbm>>
    tpu.wait_indirect_dma semaphore(%arg16 : memref<!tpu.dma_semaphore, #tpu.memory_space<semaphore_mem>>) src(%dma_wait3A_128 : memref<1000x1000xf32, #tpu.memory_space<hbm>>) dst(%arg11 : memref<16x1000xf32, #tpu.memory_space<vmem>>)
    %get3A_129 = arith.constant 32 : index
    %get3A_130 = tpu.vector_load %arg8[%get3A_129] {strides = array<i32>} : memref<6400xi32, #tpu.memory_space<vmem>>, vector<16xi32>,
    %get3A_131 = arith.constant 32 : index
    %get3A_132 = tpu.vector_load %arg9[%get3A_131] {strides = array<i32>} : memref<6400xi32, #tpu.memory_space<vmem>>, vector<16xi32>,
    %gather3A_133 = tpu.vector_load_idx %arg11[%iota3A, %get3A_132] : memref<16x1000xf32, #tpu.memory_space<vmem>>[vector<16xi32>, vector<16xi32>], vector<16xf32>,
    %gather3A_134 = tpu.vector_load_idx %arg10[%get3A_130] : memref<1000xf32, #tpu.memory_space<vmem>>[vector<16xi32>], vector<16xf32>,
    %get3A_135 = arith.constant 0 : index
    %get3A_136 = tpu.vector_load %arg15[%get3A_135] {strides = array<i32>} : memref<16xf32, #tpu.memory_space<vmem>>, vector<16xf32>,
    %sub3A_137 = arith.subf %gather3A_134, %gather3A_133 : vector<16xf32>
    %add3A_138 = arith.addf %get3A_136, %sub3A_137 : vector<16xf32>
    %swap3A_139 = arith.constant 0 : index
    %swap3A_140 = tpu.vector_load %arg15[%swap3A_139] {strides = array<i32>} : memref<16xf32, #tpu.memory_space<vmem>>, vector<16xf32>,
    tpu.vector_store %arg15[%swap3A_139], %add3A_138 {strides = array<i32>} : memref<16xf32, #tpu.memory_space<vmem>>, vector<16xf32>,
    %parallel_loop3A_141 = arith.constant 0 : i32
    %parallel_loop3A_142 = arith.constant 125 : i32
    %parallel_loop3A_143 = arith.constant 1 : i32
    scf.for %parallel_loop3A_462 = %parallel_loop3A_141 to %parallel_loop3A_142 step %parallel_loop3A_143  : i32 {
      %parallel_loop3A_463 = arith.constant 8 : i32
      %parallel_loop3A_464 = arith.muli %parallel_loop3A_462, %parallel_loop3A_463 : i32
      %parallel_loop3A_465 = arith.constant 0 : i32
      %parallel_loop3A_466 = arith.addi %parallel_loop3A_464, %parallel_loop3A_465 : i32
      %parallel_loop3A_467 = vector.broadcast %parallel_loop3A_466 : i32 to vector<16xi32>
      %parallel_loop3A_468 = tpu.vector_load_idx %arg11[%iota3A, %parallel_loop3A_467] : memref<16x1000xf32, #tpu.memory_space<vmem>>[vector<16xi32>, vector<16xi32>], vector<16xf32>,
      %parallel_loop3A_469 = arith.constant 0 : i32
      %parallel_loop3A_470 = arith.index_cast %parallel_loop3A_462 : i32 to index
      %parallel_loop3A_471 = arith.index_cast %parallel_loop3A_469 : i32 to index
      %parallel_loop3A_472 = arith.constant 0 : index
      %parallel_loop3A_473 = tpu.vector_load %arg14[%parallel_loop3A_470, %parallel_loop3A_471, %parallel_loop3A_472] {strides = array<i32>} : memref<125x8x32xf32, #tpu.memory_space<vmem>>, vector<16xf32>,
      tpu.vector_store %arg14[%parallel_loop3A_470, %parallel_loop3A_471, %parallel_loop3A_472], %parallel_loop3A_468 {strides = array<i32>} : memref<125x8x32xf32, #tpu.memory_space<vmem>>, vector<16xf32>,
      %parallel_loop3A_474 = arith.constant 1 : i32
      %parallel_loop3A_475 = arith.addi %parallel_loop3A_464, %parallel_loop3A_474 : i32
      %parallel_loop3A_476 = vector.broadcast %parallel_loop3A_475 : i32 to vector<16xi32>
      %parallel_loop3A_477 = tpu.vector_load_idx %arg11[%iota3A, %parallel_loop3A_476] : memref<16x1000xf32, #tpu.memory_space<vmem>>[vector<16xi32>, vector<16xi32>], vector<16xf32>,
      %parallel_loop3A_478 = arith.constant 1 : i32
      %parallel_loop3A_479 = arith.index_cast %parallel_loop3A_462 : i32 to index
      %parallel_loop3A_480 = arith.index_cast %parallel_loop3A_478 : i32 to index
      %parallel_loop3A_481 = arith.constant 0 : index
      %parallel_loop3A_482 = tpu.vector_load %arg14[%parallel_loop3A_479, %parallel_loop3A_480, %parallel_loop3A_481] {strides = array<i32>} : memref<125x8x32xf32, #tpu.memory_space<vmem>>, vector<16xf32>,
      tpu.vector_store %arg14[%parallel_loop3A_479, %parallel_loop3A_480, %parallel_loop3A_481], %parallel_loop3A_477 {strides = array<i32>} : memref<125x8x32xf32, #tpu.memory_space<vmem>>, vector<16xf32>,
      %parallel_loop3A_483 = arith.constant 2 : i32
      %parallel_loop3A_484 = arith.addi %parallel_loop3A_464, %parallel_loop3A_483 : i32
      %parallel_loop3A_485 = vector.broadcast %parallel_loop3A_484 : i32 to vector<16xi32>
      %parallel_loop3A_486 = tpu.vector_load_idx %arg11[%iota3A, %parallel_loop3A_485] : memref<16x1000xf32, #tpu.memory_space<vmem>>[vector<16xi32>, vector<16xi32>], vector<16xf32>,
      %parallel_loop3A_487 = arith.constant 2 : i32
      %parallel_loop3A_488 = arith.index_cast %parallel_loop3A_462 : i32 to index
      %parallel_loop3A_489 = arith.index_cast %parallel_loop3A_487 : i32 to index
      %parallel_loop3A_490 = arith.constant 0 : index
      %parallel_loop3A_491 = tpu.vector_load %arg14[%parallel_loop3A_488, %parallel_loop3A_489, %parallel_loop3A_490] {strides = array<i32>} : memref<125x8x32xf32, #tpu.memory_space<vmem>>, vector<16xf32>,
      tpu.vector_store %arg14[%parallel_loop3A_488, %parallel_loop3A_489, %parallel_loop3A_490], %parallel_loop3A_486 {strides = array<i32>} : memref<125x8x32xf32, #tpu.memory_space<vmem>>, vector<16xf32>,
      %parallel_loop3A_492 = arith.constant 3 : i32
      %parallel_loop3A_493 = arith.addi %parallel_loop3A_464, %parallel_loop3A_492 : i32
      %parallel_loop3A_494 = vector.broadcast %parallel_loop3A_493 : i32 to vector<16xi32>
      %parallel_loop3A_495 = tpu.vector_load_idx %arg11[%iota3A, %parallel_loop3A_494] : memref<16x1000xf32, #tpu.memory_space<vmem>>[vector<16xi32>, vector<16xi32>], vector<16xf32>,
      %parallel_loop3A_496 = arith.constant 3 : i32
      %parallel_loop3A_497 = arith.index_cast %parallel_loop3A_462 : i32 to index
      %parallel_loop3A_498 = arith.index_cast %parallel_loop3A_496 : i32 to index
      %parallel_loop3A_499 = arith.constant 0 : index
      %parallel_loop3A_500 = tpu.vector_load %arg14[%parallel_loop3A_497, %parallel_loop3A_498, %parallel_loop3A_499] {strides = array<i32>} : memref<125x8x32xf32, #tpu.memory_space<vmem>>, vector<16xf32>,
      tpu.vector_store %arg14[%parallel_loop3A_497, %parallel_loop3A_498, %parallel_loop3A_499], %parallel_loop3A_495 {strides = array<i32>} : memref<125x8x32xf32, #tpu.memory_space<vmem>>, vector<16xf32>,
      %parallel_loop3A_501 = arith.constant 4 : i32
      %parallel_loop3A_502 = arith.addi %parallel_loop3A_464, %parallel_loop3A_501 : i32
      %parallel_loop3A_503 = vector.broadcast %parallel_loop3A_502 : i32 to vector<16xi32>
      %parallel_loop3A_504 = tpu.vector_load_idx %arg11[%iota3A, %parallel_loop3A_503] : memref<16x1000xf32, #tpu.memory_space<vmem>>[vector<16xi32>, vector<16xi32>], vector<16xf32>,
      %parallel_loop3A_505 = arith.constant 4 : i32
      %parallel_loop3A_506 = arith.index_cast %parallel_loop3A_462 : i32 to index
      %parallel_loop3A_507 = arith.index_cast %parallel_loop3A_505 : i32 to index
      %parallel_loop3A_508 = arith.constant 0 : index
      %parallel_loop3A_509 = tpu.vector_load %arg14[%parallel_loop3A_506, %parallel_loop3A_507, %parallel_loop3A_508] {strides = array<i32>} : memref<125x8x32xf32, #tpu.memory_space<vmem>>, vector<16xf32>,
      tpu.vector_store %arg14[%parallel_loop3A_506, %parallel_loop3A_507, %parallel_loop3A_508], %parallel_loop3A_504 {strides = array<i32>} : memref<125x8x32xf32, #tpu.memory_space<vmem>>, vector<16xf32>,
      %parallel_loop3A_510 = arith.constant 5 : i32
      %parallel_loop3A_511 = arith.addi %parallel_loop3A_464, %parallel_loop3A_510 : i32
      %parallel_loop3A_512 = vector.broadcast %parallel_loop3A_511 : i32 to vector<16xi32>
      %parallel_loop3A_513 = tpu.vector_load_idx %arg11[%iota3A, %parallel_loop3A_512] : memref<16x1000xf32, #tpu.memory_space<vmem>>[vector<16xi32>, vector<16xi32>], vector<16xf32>,
      %parallel_loop3A_514 = arith.constant 5 : i32
      %parallel_loop3A_515 = arith.index_cast %parallel_loop3A_462 : i32 to index
      %parallel_loop3A_516 = arith.index_cast %parallel_loop3A_514 : i32 to index
      %parallel_loop3A_517 = arith.constant 0 : index
      %parallel_loop3A_518 = tpu.vector_load %arg14[%parallel_loop3A_515, %parallel_loop3A_516, %parallel_loop3A_517] {strides = array<i32>} : memref<125x8x32xf32, #tpu.memory_space<vmem>>, vector<16xf32>,
      tpu.vector_store %arg14[%parallel_loop3A_515, %parallel_loop3A_516, %parallel_loop3A_517], %parallel_loop3A_513 {strides = array<i32>} : memref<125x8x32xf32, #tpu.memory_space<vmem>>, vector<16xf32>,
      %parallel_loop3A_519 = arith.constant 6 : i32
      %parallel_loop3A_520 = arith.addi %parallel_loop3A_464, %parallel_loop3A_519 : i32
      %parallel_loop3A_521 = vector.broadcast %parallel_loop3A_520 : i32 to vector<16xi32>
      %parallel_loop3A_522 = tpu.vector_load_idx %arg11[%iota3A, %parallel_loop3A_521] : memref<16x1000xf32, #tpu.memory_space<vmem>>[vector<16xi32>, vector<16xi32>], vector<16xf32>,
      %parallel_loop3A_523 = arith.constant 6 : i32
      %parallel_loop3A_524 = arith.index_cast %parallel_loop3A_462 : i32 to index
      %parallel_loop3A_525 = arith.index_cast %parallel_loop3A_523 : i32 to index
      %parallel_loop3A_526 = arith.constant 0 : index
      %parallel_loop3A_527 = tpu.vector_load %arg14[%parallel_loop3A_524, %parallel_loop3A_525, %parallel_loop3A_526] {strides = array<i32>} : memref<125x8x32xf32, #tpu.memory_space<vmem>>, vector<16xf32>,
      tpu.vector_store %arg14[%parallel_loop3A_524, %parallel_loop3A_525, %parallel_loop3A_526], %parallel_loop3A_522 {strides = array<i32>} : memref<125x8x32xf32, #tpu.memory_space<vmem>>, vector<16xf32>,
      %parallel_loop3A_528 = arith.constant 7 : i32
      %parallel_loop3A_529 = arith.addi %parallel_loop3A_464, %parallel_loop3A_528 : i32
      %parallel_loop3A_530 = vector.broadcast %parallel_loop3A_529 : i32 to vector<16xi32>
      %parallel_loop3A_531 = tpu.vector_load_idx %arg11[%iota3A, %parallel_loop3A_530] : memref<16x1000xf32, #tpu.memory_space<vmem>>[vector<16xi32>, vector<16xi32>], vector<16xf32>,
      %parallel_loop3A_532 = arith.constant 7 : i32
      %parallel_loop3A_533 = arith.index_cast %parallel_loop3A_462 : i32 to index
      %parallel_loop3A_534 = arith.index_cast %parallel_loop3A_532 : i32 to index
      %parallel_loop3A_535 = arith.constant 0 : index
      %parallel_loop3A_536 = tpu.vector_load %arg14[%parallel_loop3A_533, %parallel_loop3A_534, %parallel_loop3A_535] {strides = array<i32>} : memref<125x8x32xf32, #tpu.memory_space<vmem>>, vector<16xf32>,
      tpu.vector_store %arg14[%parallel_loop3A_533, %parallel_loop3A_534, %parallel_loop3A_535], %parallel_loop3A_531 {strides = array<i32>} : memref<125x8x32xf32, #tpu.memory_space<vmem>>, vector<16xf32>,
    } {sc.loop_unroll_factor = 4 : i64, sc.parallel_access}
    %dma_start3A_144 = arith.constant 64 : i32
    %dma_start3A_145 = tpu.memref_slice %arg8[%dma_start3A_144] : memref<6400xi32, #tpu.memory_space<vmem>> -> memref<16xi32, #tpu.memory_space<vmem>>
    %dma_start3A_146 = arith.constant 0 : i32
    %dma_start3A_147 = arith.constant 0 : i32
    %dma_start3A_148 = tpu.memref_slice %arg2[%dma_start3A_146, %dma_start3A_147] : memref<1000x1000xf32, #tpu.memory_space<hbm>> -> memref<1000x1000xf32, #tpu.memory_space<hbm>>
    tpu.enqueue_indirect_dma source(%dma_start3A_148 : memref<1000x1000xf32, #tpu.memory_space<hbm>>) target(%arg11 : memref<16x1000xf32, #tpu.memory_space<vmem>>) offsets(%dma_start3A_145 : memref<16xi32, #tpu.memory_space<vmem>>) semaphore(%arg16 : memref<!tpu.dma_semaphore, #tpu.memory_space<semaphore_mem>>)
    %dma_wait3A_149 = arith.constant 0 : i32
    %dma_wait3A_150 = tpu.memref_slice %arg8[%dma_wait3A_149] : memref<6400xi32, #tpu.memory_space<vmem>> -> memref<16xi32, #tpu.memory_space<vmem>>
    %dma_wait3A_151 = arith.constant 0 : i32
    %dma_wait3A_152 = arith.constant 0 : i32
    %dma_wait3A_153 = tpu.memref_slice %arg2[%dma_wait3A_151, %dma_wait3A_152] : memref<1000x1000xf32, #tpu.memory_space<hbm>> -> memref<1000x1000xf32, #tpu.memory_space<hbm>>
    tpu.wait_indirect_dma semaphore(%arg17 : memref<!tpu.dma_semaphore, #tpu.memory_space<semaphore_mem>>) src(%dma_wait3A_153 : memref<1000x1000xf32, #tpu.memory_space<hbm>>) dst(%arg12 : memref<16x1000xf32, #tpu.memory_space<vmem>>)
    %get3A_154 = arith.constant 48 : index
    %get3A_155 = tpu.vector_load %arg8[%get3A_154] {strides = array<i32>} : memref<6400xi32, #tpu.memory_space<vmem>>, vector<16xi32>,
    %get3A_156 = arith.constant 48 : index
    %get3A_157 = tpu.vector_load %arg9[%get3A_156] {strides = array<i32>} : memref<6400xi32, #tpu.memory_space<vmem>>, vector<16xi32>,
    %gather3A_158 = tpu.vector_load_idx %arg12[%iota3A, %get3A_157] : memref<16x1000xf32, #tpu.memory_space<vmem>>[vector<16xi32>, vector<16xi32>], vector<16xf32>,
    %gather3A_159 = tpu.vector_load_idx %arg10[%get3A_155] : memref<1000xf32, #tpu.memory_space<vmem>>[vector<16xi32>], vector<16xf32>,
    %get3A_160 = arith.constant 0 : index
    %get3A_161 = tpu.vector_load %arg15[%get3A_160] {strides = array<i32>} : memref<16xf32, #tpu.memory_space<vmem>>, vector<16xf32>,
    %sub3A_162 = arith.subf %gather3A_159, %gather3A_158 : vector<16xf32>
    %add3A_163 = arith.addf %get3A_161, %sub3A_162 : vector<16xf32>
    %swap3A_164 = arith.constant 0 : index
    %swap3A_165 = tpu.vector_load %arg15[%swap3A_164] {strides = array<i32>} : memref<16xf32, #tpu.memory_space<vmem>>, vector<16xf32>,
    tpu.vector_store %arg15[%swap3A_164], %add3A_163 {strides = array<i32>} : memref<16xf32, #tpu.memory_space<vmem>>, vector<16xf32>,
    %parallel_loop3A_166 = arith.constant 0 : i32
    %parallel_loop3A_167 = arith.constant 125 : i32
    %parallel_loop3A_168 = arith.constant 1 : i32
    scf.for %parallel_loop3A_462 = %parallel_loop3A_166 to %parallel_loop3A_167 step %parallel_loop3A_168  : i32 {
      %parallel_loop3A_463 = arith.constant 8 : i32
      %parallel_loop3A_464 = arith.muli %parallel_loop3A_462, %parallel_loop3A_463 : i32
      %parallel_loop3A_465 = arith.constant 0 : i32
      %parallel_loop3A_466 = arith.addi %parallel_loop3A_464, %parallel_loop3A_465 : i32
      %parallel_loop3A_467 = vector.broadcast %parallel_loop3A_466 : i32 to vector<16xi32>
      %parallel_loop3A_468 = tpu.vector_load_idx %arg12[%iota3A, %parallel_loop3A_467] : memref<16x1000xf32, #tpu.memory_space<vmem>>[vector<16xi32>, vector<16xi32>], vector<16xf32>,
      %parallel_loop3A_469 = arith.constant 0 : i32
      %parallel_loop3A_470 = arith.index_cast %parallel_loop3A_462 : i32 to index
      %parallel_loop3A_471 = arith.index_cast %parallel_loop3A_469 : i32 to index
      %parallel_loop3A_472 = arith.constant 16 : index
      %parallel_loop3A_473 = tpu.vector_load %arg14[%parallel_loop3A_470, %parallel_loop3A_471, %parallel_loop3A_472] {strides = array<i32>} : memref<125x8x32xf32, #tpu.memory_space<vmem>>, vector<16xf32>,
      tpu.vector_store %arg14[%parallel_loop3A_470, %parallel_loop3A_471, %parallel_loop3A_472], %parallel_loop3A_468 {strides = array<i32>} : memref<125x8x32xf32, #tpu.memory_space<vmem>>, vector<16xf32>,
      %parallel_loop3A_474 = arith.constant 1 : i32
      %parallel_loop3A_475 = arith.addi %parallel_loop3A_464, %parallel_loop3A_474 : i32
      %parallel_loop3A_476 = vector.broadcast %parallel_loop3A_475 : i32 to vector<16xi32>
      %parallel_loop3A_477 = tpu.vector_load_idx %arg12[%iota3A, %parallel_loop3A_476] : memref<16x1000xf32, #tpu.memory_space<vmem>>[vector<16xi32>, vector<16xi32>], vector<16xf32>,
      %parallel_loop3A_478 = arith.constant 1 : i32
      %parallel_loop3A_479 = arith.index_cast %parallel_loop3A_462 : i32 to index
      %parallel_loop3A_480 = arith.index_cast %parallel_loop3A_478 : i32 to index
      %parallel_loop3A_481 = arith.constant 16 : index
      %parallel_loop3A_482 = tpu.vector_load %arg14[%parallel_loop3A_479, %parallel_loop3A_480, %parallel_loop3A_481] {strides = array<i32>} : memref<125x8x32xf32, #tpu.memory_space<vmem>>, vector<16xf32>,
      tpu.vector_store %arg14[%parallel_loop3A_479, %parallel_loop3A_480, %parallel_loop3A_481], %parallel_loop3A_477 {strides = array<i32>} : memref<125x8x32xf32, #tpu.memory_space<vmem>>, vector<16xf32>,
      %parallel_loop3A_483 = arith.constant 2 : i32
      %parallel_loop3A_484 = arith.addi %parallel_loop3A_464, %parallel_loop3A_483 : i32
      %parallel_loop3A_485 = vector.broadcast %parallel_loop3A_484 : i32 to vector<16xi32>
      %parallel_loop3A_486 = tpu.vector_load_idx %arg12[%iota3A, %parallel_loop3A_485] : memref<16x1000xf32, #tpu.memory_space<vmem>>[vector<16xi32>, vector<16xi32>], vector<16xf32>,
      %parallel_loop3A_487 = arith.constant 2 : i32
      %parallel_loop3A_488 = arith.index_cast %parallel_loop3A_462 : i32 to index
      %parallel_loop3A_489 = arith.index_cast %parallel_loop3A_487 : i32 to index
      %parallel_loop3A_490 = arith.constant 16 : index
      %parallel_loop3A_491 = tpu.vector_load %arg14[%parallel_loop3A_488, %parallel_loop3A_489, %parallel_loop3A_490] {strides = array<i32>} : memref<125x8x32xf32, #tpu.memory_space<vmem>>, vector<16xf32>,
      tpu.vector_store %arg14[%parallel_loop3A_488, %parallel_loop3A_489, %parallel_loop3A_490], %parallel_loop3A_486 {strides = array<i32>} : memref<125x8x32xf32, #tpu.memory_space<vmem>>, vector<16xf32>,
      %parallel_loop3A_492 = arith.constant 3 : i32
      %parallel_loop3A_493 = arith.addi %parallel_loop3A_464, %parallel_loop3A_492 : i32
      %parallel_loop3A_494 = vector.broadcast %parallel_loop3A_493 : i32 to vector<16xi32>
      %parallel_loop3A_495 = tpu.vector_load_idx %arg12[%iota3A, %parallel_loop3A_494] : memref<16x1000xf32, #tpu.memory_space<vmem>>[vector<16xi32>, vector<16xi32>], vector<16xf32>,
      %parallel_loop3A_496 = arith.constant 3 : i32
      %parallel_loop3A_497 = arith.index_cast %parallel_loop3A_462 : i32 to index
      %parallel_loop3A_498 = arith.index_cast %parallel_loop3A_496 : i32 to index
      %parallel_loop3A_499 = arith.constant 16 : index
      %parallel_loop3A_500 = tpu.vector_load %arg14[%parallel_loop3A_497, %parallel_loop3A_498, %parallel_loop3A_499] {strides = array<i32>} : memref<125x8x32xf32, #tpu.memory_space<vmem>>, vector<16xf32>,
      tpu.vector_store %arg14[%parallel_loop3A_497, %parallel_loop3A_498, %parallel_loop3A_499], %parallel_loop3A_495 {strides = array<i32>} : memref<125x8x32xf32, #tpu.memory_space<vmem>>, vector<16xf32>,
      %parallel_loop3A_501 = arith.constant 4 : i32
      %parallel_loop3A_502 = arith.addi %parallel_loop3A_464, %parallel_loop3A_501 : i32
      %parallel_loop3A_503 = vector.broadcast %parallel_loop3A_502 : i32 to vector<16xi32>
      %parallel_loop3A_504 = tpu.vector_load_idx %arg12[%iota3A, %parallel_loop3A_503] : memref<16x1000xf32, #tpu.memory_space<vmem>>[vector<16xi32>, vector<16xi32>], vector<16xf32>,
      %parallel_loop3A_505 = arith.constant 4 : i32
      %parallel_loop3A_506 = arith.index_cast %parallel_loop3A_462 : i32 to index
      %parallel_loop3A_507 = arith.index_cast %parallel_loop3A_505 : i32 to index
      %parallel_loop3A_508 = arith.constant 16 : index
      %parallel_loop3A_509 = tpu.vector_load %arg14[%parallel_loop3A_506, %parallel_loop3A_507, %parallel_loop3A_508] {strides = array<i32>} : memref<125x8x32xf32, #tpu.memory_space<vmem>>, vector<16xf32>,
      tpu.vector_store %arg14[%parallel_loop3A_506, %parallel_loop3A_507, %parallel_loop3A_508], %parallel_loop3A_504 {strides = array<i32>} : memref<125x8x32xf32, #tpu.memory_space<vmem>>, vector<16xf32>,
      %parallel_loop3A_510 = arith.constant 5 : i32
      %parallel_loop3A_511 = arith.addi %parallel_loop3A_464, %parallel_loop3A_510 : i32
      %parallel_loop3A_512 = vector.broadcast %parallel_loop3A_511 : i32 to vector<16xi32>
      %parallel_loop3A_513 = tpu.vector_load_idx %arg12[%iota3A, %parallel_loop3A_512] : memref<16x1000xf32, #tpu.memory_space<vmem>>[vector<16xi32>, vector<16xi32>], vector<16xf32>,
      %parallel_loop3A_514 = arith.constant 5 : i32
      %parallel_loop3A_515 = arith.index_cast %parallel_loop3A_462 : i32 to index
      %parallel_loop3A_516 = arith.index_cast %parallel_loop3A_514 : i32 to index
      %parallel_loop3A_517 = arith.constant 16 : index
      %parallel_loop3A_518 = tpu.vector_load %arg14[%parallel_loop3A_515, %parallel_loop3A_516, %parallel_loop3A_517] {strides = array<i32>} : memref<125x8x32xf32, #tpu.memory_space<vmem>>, vector<16xf32>,
      tpu.vector_store %arg14[%parallel_loop3A_515, %parallel_loop3A_516, %parallel_loop3A_517], %parallel_loop3A_513 {strides = array<i32>} : memref<125x8x32xf32, #tpu.memory_space<vmem>>, vector<16xf32>,
      %parallel_loop3A_519 = arith.constant 6 : i32
      %parallel_loop3A_520 = arith.addi %parallel_loop3A_464, %parallel_loop3A_519 : i32
      %parallel_loop3A_521 = vector.broadcast %parallel_loop3A_520 : i32 to vector<16xi32>
      %parallel_loop3A_522 = tpu.vector_load_idx %arg12[%iota3A, %parallel_loop3A_521] : memref<16x1000xf32, #tpu.memory_space<vmem>>[vector<16xi32>, vector<16xi32>], vector<16xf32>,
      %parallel_loop3A_523 = arith.constant 6 : i32
      %parallel_loop3A_524 = arith.index_cast %parallel_loop3A_462 : i32 to index
      %parallel_loop3A_525 = arith.index_cast %parallel_loop3A_523 : i32 to index
      %parallel_loop3A_526 = arith.constant 16 : index
      %parallel_loop3A_527 = tpu.vector_load %arg14[%parallel_loop3A_524, %parallel_loop3A_525, %parallel_loop3A_526] {strides = array<i32>} : memref<125x8x32xf32, #tpu.memory_space<vmem>>, vector<16xf32>,
      tpu.vector_store %arg14[%parallel_loop3A_524, %parallel_loop3A_525, %parallel_loop3A_526], %parallel_loop3A_522 {strides = array<i32>} : memref<125x8x32xf32, #tpu.memory_space<vmem>>, vector<16xf32>,
      %parallel_loop3A_528 = arith.constant 7 : i32
      %parallel_loop3A_529 = arith.addi %parallel_loop3A_464, %parallel_loop3A_528 : i32
      %parallel_loop3A_530 = vector.broadcast %parallel_loop3A_529 : i32 to vector<16xi32>
      %parallel_loop3A_531 = tpu.vector_load_idx %arg12[%iota3A, %parallel_loop3A_530] : memref<16x1000xf32, #tpu.memory_space<vmem>>[vector<16xi32>, vector<16xi32>], vector<16xf32>,
      %parallel_loop3A_532 = arith.constant 7 : i32
      %parallel_loop3A_533 = arith.index_cast %parallel_loop3A_462 : i32 to index
      %parallel_loop3A_534 = arith.index_cast %parallel_loop3A_532 : i32 to index
      %parallel_loop3A_535 = arith.constant 16 : index
      %parallel_loop3A_536 = tpu.vector_load %arg14[%parallel_loop3A_533, %parallel_loop3A_534, %parallel_loop3A_535] {strides = array<i32>} : memref<125x8x32xf32, #tpu.memory_space<vmem>>, vector<16xf32>,
      tpu.vector_store %arg14[%parallel_loop3A_533, %parallel_loop3A_534, %parallel_loop3A_535], %parallel_loop3A_531 {strides = array<i32>} : memref<125x8x32xf32, #tpu.memory_space<vmem>>, vector<16xf32>,
    } {sc.loop_unroll_factor = 4 : i64, sc.parallel_access}
    %add3A_169 = arith.constant 32 : i32
    %add3A_170 = arith.addi %mul3A_2, %add3A_169 : i32
    %jit3A_171 = arith.constant 128 : i32
    %div3A_172 = arith.divsi %add3A_170, %jit3A_171 : i32
    %sign3A_173 = arith.constant 0 : i32
    %sign3A_174 = arith.cmpi sgt, %add3A_170, %sign3A_173 : i32
    %sign3A_175 = arith.extui %sign3A_174 : i1 to i32
    %sign3A_176 = arith.constant 0 : i32
    %sign3A_177 = arith.cmpi slt, %add3A_170, %sign3A_176 : i32
    %sign3A_178 = arith.extui %sign3A_177 : i1 to i32
    %sign3A_179 = arith.subi %sign3A_175, %sign3A_178 : i32
    %sign3A_180 = arith.constant 0 : i32
    %sign3A_181 = arith.cmpi sgt, %jit3A_171, %sign3A_180 : i32
    %sign3A_182 = arith.extui %sign3A_181 : i1 to i32
    %sign3A_183 = arith.constant 0 : i32
    %sign3A_184 = arith.cmpi slt, %jit3A_171, %sign3A_183 : i32
    %sign3A_185 = arith.extui %sign3A_184 : i1 to i32
    %sign3A_186 = arith.subi %sign3A_182, %sign3A_185 : i32
    %ne3A_187 = arith.cmpi ne, %sign3A_179, %sign3A_186 : i32
    %rem3A_188 = arith.remsi %add3A_170, %jit3A_171 : i32
    %ne3A_189 = arith.constant 0 : i32
    %ne3A_190 = arith.cmpi ne, %rem3A_188, %ne3A_189 : i32
    %and3A_191 = arith.andi %ne3A_187, %ne3A_190 : i1
    %sub3A_192 = arith.constant 1 : i32
    %sub3A_193 = arith.subi %div3A_172, %sub3A_192 : i32
    %select_n3A_194 = arith.select %and3A_191, %sub3A_193, %div3A_172 : i32
    %jit3A_195 = arith.constant 128 : i32
    %eq3A_196 = arith.constant 0 : i32
    %eq3A_197 = arith.cmpi eq, %jit3A_195, %eq3A_196 : i32
    %jit3A_198 = arith.constant 1 : i32
    %select_n3A_199 = arith.select %eq3A_197, %jit3A_198, %jit3A_195 : i32
    %rem3A_200 = arith.remsi %add3A_170, %select_n3A_199 : i32
    %ne3A_201 = arith.constant 0 : i32
    %ne3A_202 = arith.cmpi ne, %rem3A_200, %ne3A_201 : i32
    %lt3A_203 = arith.constant 0 : i32
    %lt3A_204 = arith.cmpi slt, %rem3A_200, %lt3A_203 : i32
    %lt3A_205 = arith.constant 0 : i32
    %lt3A_206 = arith.cmpi slt, %select_n3A_199, %lt3A_205 : i32
    %ne3A_207 = arith.xori %lt3A_204, %lt3A_206 : i1
    %and3A_208 = arith.andi %ne3A_207, %ne3A_202 : i1
    %add3A_209 = arith.addi %rem3A_200, %select_n3A_199 : i32
    %select_n3A_210 = arith.select %and3A_208, %add3A_209, %rem3A_200 : i32
    %dma_start3A_211 = arith.constant 0 : i32
    %dma_start3A_212 = arith.constant 0 : i32
    %dma_start3A_213 = tpu.memref_slice %arg6[%dma_start3A_211, %select_n3A_194, %dma_start3A_212, %select_n3A_210] : memref<125x1600x8x128xf32, #tpu.memory_space<hbm>> -> memref<125x1x8x32xf32, #tpu.memory_space<hbm>>
    %dma_start3A_214 = tpu.memref_squeeze %dma_start3A_213 : memref<125x1x8x32xf32, #tpu.memory_space<hbm>> -> memref<125x8x32xf32, #tpu.memory_space<hbm>>
    %dma_start3A_215 = arith.constant 0 : i32
    %dma_start3A_216 = arith.constant 0 : i32
    %dma_start3A_217 = tpu.memref_slice %arg6[%dma_start3A_215, %select_n3A_194, %dma_start3A_216, %select_n3A_210] : memref<125x1600x8x128xf32, #tpu.memory_space<hbm>> -> memref<125x1x8x32xf32, #tpu.memory_space<hbm>>
    %dma_start3A_218 = tpu.memref_squeeze %dma_start3A_217 : memref<125x1x8x32xf32, #tpu.memory_space<hbm>> -> memref<125x8x32xf32, #tpu.memory_space<hbm>>
    tpu.enqueue_dma source(%arg14 : memref<125x8x32xf32, #tpu.memory_space<vmem>>) target(%dma_start3A_218 : memref<125x8x32xf32, #tpu.memory_space<hbm>>) target_semaphore(%arg19 : memref<!tpu.dma_semaphore, #tpu.memory_space<semaphore_mem>>)
    %dma_start3A_219 = arith.constant 80 : i32
    %dma_start3A_220 = tpu.memref_slice %arg8[%dma_start3A_219] : memref<6400xi32, #tpu.memory_space<vmem>> -> memref<16xi32, #tpu.memory_space<vmem>>
    %dma_start3A_221 = arith.constant 0 : i32
    %dma_start3A_222 = arith.constant 0 : i32
    %dma_start3A_223 = tpu.memref_slice %arg2[%dma_start3A_221, %dma_start3A_222] : memref<1000x1000xf32, #tpu.memory_space<hbm>> -> memref<1000x1000xf32, #tpu.memory_space<hbm>>
    tpu.enqueue_indirect_dma source(%dma_start3A_223 : memref<1000x1000xf32, #tpu.memory_space<hbm>>) target(%arg12 : memref<16x1000xf32, #tpu.memory_space<vmem>>) offsets(%dma_start3A_220 : memref<16xi32, #tpu.memory_space<vmem>>) semaphore(%arg17 : memref<!tpu.dma_semaphore, #tpu.memory_space<semaphore_mem>>)
    %scan3A = arith.constant 0 : i32
    %scan3A_224 = arith.constant 1 : i32
    %scan3A_225 = arith.constant 98 : i32
    %scan3A_226 = arith.addi %scan3A_224, %scan3A_225 : i32
    %scan3A_227 = arith.constant 1 : i32
    %scan3A_228 = scf.for %scan3A_462 = %scan3A_224 to %scan3A_226 step %scan3A_227 iter_args(%scan3A_463 = %scan3A) -> (i32)  : i32 {
      %mul3A_464 = arith.constant 4 : i32
      %mul3A_465 = arith.muli %mul3A_464, %scan3A_462 : i32
      %add3A_466 = arith.constant 0 : i32
      %add3A_467 = arith.addi %mul3A_465, %add3A_466 : i32
      %dma_wait3A_468 = arith.constant 0 : i32
      %dma_wait3A_469 = tpu.memref_slice %arg8[%dma_wait3A_468] : memref<6400xi32, #tpu.memory_space<vmem>> -> memref<16xi32, #tpu.memory_space<vmem>>
      %dma_wait3A_470 = arith.constant 0 : i32
      %dma_wait3A_471 = arith.constant 0 : i32
      %dma_wait3A_472 = tpu.memref_slice %arg2[%dma_wait3A_470, %dma_wait3A_471] : memref<1000x1000xf32, #tpu.memory_space<hbm>> -> memref<1000x1000xf32, #tpu.memory_space<hbm>>
      tpu.wait_indirect_dma semaphore(%arg16 : memref<!tpu.dma_semaphore, #tpu.memory_space<semaphore_mem>>) src(%dma_wait3A_472 : memref<1000x1000xf32, #tpu.memory_space<hbm>>) dst(%arg11 : memref<16x1000xf32, #tpu.memory_space<vmem>>)
      %dma_wait3A_473 = arith.constant 0 : i32
      %dma_wait3A_474 = arith.constant 0 : i32
      %dma_wait3A_475 = arith.constant 0 : i32
      %dma_wait3A_476 = tpu.memref_slice %arg6[%dma_wait3A_473, %select_n3A, %dma_wait3A_474, %dma_wait3A_475] : memref<125x1600x8x128xf32, #tpu.memory_space<hbm>> -> memref<125x1x8x32xf32, #tpu.memory_space<hbm>>
      %dma_wait3A_477 = tpu.memref_squeeze %dma_wait3A_476 : memref<125x1x8x32xf32, #tpu.memory_space<hbm>> -> memref<125x8x32xf32, #tpu.memory_space<hbm>>
      %dma_wait3A_478 = arith.constant 0 : i32
      %dma_wait3A_479 = arith.constant 0 : i32
      %dma_wait3A_480 = arith.constant 0 : i32
      %dma_wait3A_481 = tpu.memref_slice %arg6[%dma_wait3A_478, %select_n3A, %dma_wait3A_479, %dma_wait3A_480] : memref<125x1600x8x128xf32, #tpu.memory_space<hbm>> -> memref<125x1x8x32xf32, #tpu.memory_space<hbm>>
      %dma_wait3A_482 = tpu.memref_squeeze %dma_wait3A_481 : memref<125x1x8x32xf32, #tpu.memory_space<hbm>> -> memref<125x8x32xf32, #tpu.memory_space<hbm>>
      tpu.wait_dma2 semaphore(%arg18 : memref<!tpu.dma_semaphore, #tpu.memory_space<semaphore_mem>>) src(%arg13 : memref<125x8x32xf32, #tpu.memory_space<vmem>>) dst(%dma_wait3A_482 : memref<125x8x32xf32, #tpu.memory_space<hbm>>)
      %mul3A_483 = arith.constant 16 : i32
      %mul3A_484 = arith.muli %add3A_467, %mul3A_483 : i32
      %get3A_485 = arith.index_cast %mul3A_484 : i32 to index
      %get3A_486 = tpu.vector_load %arg8[%get3A_485] {strides = array<i32>} : memref<6400xi32, #tpu.memory_space<vmem>>, vector<16xi32>,
      %get3A_487 = arith.index_cast %mul3A_484 : i32 to index
      %get3A_488 = tpu.vector_load %arg9[%get3A_487] {strides = array<i32>} : memref<6400xi32, #tpu.memory_space<vmem>>, vector<16xi32>,
      %gather3A_489 = tpu.vector_load_idx %arg11[%iota3A, %get3A_488] : memref<16x1000xf32, #tpu.memory_space<vmem>>[vector<16xi32>, vector<16xi32>], vector<16xf32>,
      %gather3A_490 = tpu.vector_load_idx %arg10[%get3A_486] : memref<1000xf32, #tpu.memory_space<vmem>>[vector<16xi32>], vector<16xf32>,
      %get3A_491 = arith.constant 0 : index
      %get3A_492 = tpu.vector_load %arg15[%get3A_491] {strides = array<i32>} : memref<16xf32, #tpu.memory_space<vmem>>, vector<16xf32>,
      %sub3A_493 = arith.subf %gather3A_490, %gather3A_489 : vector<16xf32>
      %add3A_494 = arith.addf %get3A_492, %sub3A_493 : vector<16xf32>
      %swap3A_495 = arith.constant 0 : index
      %swap3A_496 = tpu.vector_load %arg15[%swap3A_495] {strides = array<i32>} : memref<16xf32, #tpu.memory_space<vmem>>, vector<16xf32>,
      tpu.vector_store %arg15[%swap3A_495], %add3A_494 {strides = array<i32>} : memref<16xf32, #tpu.memory_space<vmem>>, vector<16xf32>,
      %parallel_loop3A_497 = arith.constant 0 : i32
      %parallel_loop3A_498 = arith.constant 125 : i32
      %parallel_loop3A_499 = arith.constant 1 : i32
      scf.for %parallel_loop3A_727 = %parallel_loop3A_497 to %parallel_loop3A_498 step %parallel_loop3A_499  : i32 {
        %parallel_loop3A_728 = arith.constant 8 : i32
        %parallel_loop3A_729 = arith.muli %parallel_loop3A_727, %parallel_loop3A_728 : i32
        %parallel_loop3A_730 = arith.constant 0 : i32
        %parallel_loop3A_731 = arith.addi %parallel_loop3A_729, %parallel_loop3A_730 : i32
        %parallel_loop3A_732 = vector.broadcast %parallel_loop3A_731 : i32 to vector<16xi32>
        %parallel_loop3A_733 = tpu.vector_load_idx %arg11[%iota3A, %parallel_loop3A_732] : memref<16x1000xf32, #tpu.memory_space<vmem>>[vector<16xi32>, vector<16xi32>], vector<16xf32>,
        %parallel_loop3A_734 = arith.constant 0 : i32
        %parallel_loop3A_735 = arith.index_cast %parallel_loop3A_727 : i32 to index
        %parallel_loop3A_736 = arith.index_cast %parallel_loop3A_734 : i32 to index
        %parallel_loop3A_737 = arith.constant 0 : index
        %parallel_loop3A_738 = tpu.vector_load %arg13[%parallel_loop3A_735, %parallel_loop3A_736, %parallel_loop3A_737] {strides = array<i32>} : memref<125x8x32xf32, #tpu.memory_space<vmem>>, vector<16xf32>,
        tpu.vector_store %arg13[%parallel_loop3A_735, %parallel_loop3A_736, %parallel_loop3A_737], %parallel_loop3A_733 {strides = array<i32>} : memref<125x8x32xf32, #tpu.memory_space<vmem>>, vector<16xf32>,
        %parallel_loop3A_739 = arith.constant 1 : i32
        %parallel_loop3A_740 = arith.addi %parallel_loop3A_729, %parallel_loop3A_739 : i32
        %parallel_loop3A_741 = vector.broadcast %parallel_loop3A_740 : i32 to vector<16xi32>
        %parallel_loop3A_742 = tpu.vector_load_idx %arg11[%iota3A, %parallel_loop3A_741] : memref<16x1000xf32, #tpu.memory_space<vmem>>[vector<16xi32>, vector<16xi32>], vector<16xf32>,
        %parallel_loop3A_743 = arith.constant 1 : i32
        %parallel_loop3A_744 = arith.index_cast %parallel_loop3A_727 : i32 to index
        %parallel_loop3A_745 = arith.index_cast %parallel_loop3A_743 : i32 to index
        %parallel_loop3A_746 = arith.constant 0 : index
        %parallel_loop3A_747 = tpu.vector_load %arg13[%parallel_loop3A_744, %parallel_loop3A_745, %parallel_loop3A_746] {strides = array<i32>} : memref<125x8x32xf32, #tpu.memory_space<vmem>>, vector<16xf32>,
        tpu.vector_store %arg13[%parallel_loop3A_744, %parallel_loop3A_745, %parallel_loop3A_746], %parallel_loop3A_742 {strides = array<i32>} : memref<125x8x32xf32, #tpu.memory_space<vmem>>, vector<16xf32>,
        %parallel_loop3A_748 = arith.constant 2 : i32
        %parallel_loop3A_749 = arith.addi %parallel_loop3A_729, %parallel_loop3A_748 : i32
        %parallel_loop3A_750 = vector.broadcast %parallel_loop3A_749 : i32 to vector<16xi32>
        %parallel_loop3A_751 = tpu.vector_load_idx %arg11[%iota3A, %parallel_loop3A_750] : memref<16x1000xf32, #tpu.memory_space<vmem>>[vector<16xi32>, vector<16xi32>], vector<16xf32>,
        %parallel_loop3A_752 = arith.constant 2 : i32
        %parallel_loop3A_753 = arith.index_cast %parallel_loop3A_727 : i32 to index
        %parallel_loop3A_754 = arith.index_cast %parallel_loop3A_752 : i32 to index
        %parallel_loop3A_755 = arith.constant 0 : index
        %parallel_loop3A_756 = tpu.vector_load %arg13[%parallel_loop3A_753, %parallel_loop3A_754, %parallel_loop3A_755] {strides = array<i32>} : memref<125x8x32xf32, #tpu.memory_space<vmem>>, vector<16xf32>,
        tpu.vector_store %arg13[%parallel_loop3A_753, %parallel_loop3A_754, %parallel_loop3A_755], %parallel_loop3A_751 {strides = array<i32>} : memref<125x8x32xf32, #tpu.memory_space<vmem>>, vector<16xf32>,
        %parallel_loop3A_757 = arith.constant 3 : i32
        %parallel_loop3A_758 = arith.addi %parallel_loop3A_729, %parallel_loop3A_757 : i32
        %parallel_loop3A_759 = vector.broadcast %parallel_loop3A_758 : i32 to vector<16xi32>
        %parallel_loop3A_760 = tpu.vector_load_idx %arg11[%iota3A, %parallel_loop3A_759] : memref<16x1000xf32, #tpu.memory_space<vmem>>[vector<16xi32>, vector<16xi32>], vector<16xf32>,
        %parallel_loop3A_761 = arith.constant 3 : i32
        %parallel_loop3A_762 = arith.index_cast %parallel_loop3A_727 : i32 to index
        %parallel_loop3A_763 = arith.index_cast %parallel_loop3A_761 : i32 to index
        %parallel_loop3A_764 = arith.constant 0 : index
        %parallel_loop3A_765 = tpu.vector_load %arg13[%parallel_loop3A_762, %parallel_loop3A_763, %parallel_loop3A_764] {strides = array<i32>} : memref<125x8x32xf32, #tpu.memory_space<vmem>>, vector<16xf32>,
        tpu.vector_store %arg13[%parallel_loop3A_762, %parallel_loop3A_763, %parallel_loop3A_764], %parallel_loop3A_760 {strides = array<i32>} : memref<125x8x32xf32, #tpu.memory_space<vmem>>, vector<16xf32>,
        %parallel_loop3A_766 = arith.constant 4 : i32
        %parallel_loop3A_767 = arith.addi %parallel_loop3A_729, %parallel_loop3A_766 : i32
        %parallel_loop3A_768 = vector.broadcast %parallel_loop3A_767 : i32 to vector<16xi32>
        %parallel_loop3A_769 = tpu.vector_load_idx %arg11[%iota3A, %parallel_loop3A_768] : memref<16x1000xf32, #tpu.memory_space<vmem>>[vector<16xi32>, vector<16xi32>], vector<16xf32>,
        %parallel_loop3A_770 = arith.constant 4 : i32
        %parallel_loop3A_771 = arith.index_cast %parallel_loop3A_727 : i32 to index
        %parallel_loop3A_772 = arith.index_cast %parallel_loop3A_770 : i32 to index
        %parallel_loop3A_773 = arith.constant 0 : index
        %parallel_loop3A_774 = tpu.vector_load %arg13[%parallel_loop3A_771, %parallel_loop3A_772, %parallel_loop3A_773] {strides = array<i32>} : memref<125x8x32xf32, #tpu.memory_space<vmem>>, vector<16xf32>,
        tpu.vector_store %arg13[%parallel_loop3A_771, %parallel_loop3A_772, %parallel_loop3A_773], %parallel_loop3A_769 {strides = array<i32>} : memref<125x8x32xf32, #tpu.memory_space<vmem>>, vector<16xf32>,
        %parallel_loop3A_775 = arith.constant 5 : i32
        %parallel_loop3A_776 = arith.addi %parallel_loop3A_729, %parallel_loop3A_775 : i32
        %parallel_loop3A_777 = vector.broadcast %parallel_loop3A_776 : i32 to vector<16xi32>
        %parallel_loop3A_778 = tpu.vector_load_idx %arg11[%iota3A, %parallel_loop3A_777] : memref<16x1000xf32, #tpu.memory_space<vmem>>[vector<16xi32>, vector<16xi32>], vector<16xf32>,
        %parallel_loop3A_779 = arith.constant 5 : i32
        %parallel_loop3A_780 = arith.index_cast %parallel_loop3A_727 : i32 to index
        %parallel_loop3A_781 = arith.index_cast %parallel_loop3A_779 : i32 to index
        %parallel_loop3A_782 = arith.constant 0 : index
        %parallel_loop3A_783 = tpu.vector_load %arg13[%parallel_loop3A_780, %parallel_loop3A_781, %parallel_loop3A_782] {strides = array<i32>} : memref<125x8x32xf32, #tpu.memory_space<vmem>>, vector<16xf32>,
        tpu.vector_store %arg13[%parallel_loop3A_780, %parallel_loop3A_781, %parallel_loop3A_782], %parallel_loop3A_778 {strides = array<i32>} : memref<125x8x32xf32, #tpu.memory_space<vmem>>, vector<16xf32>,
        %parallel_loop3A_784 = arith.constant 6 : i32
        %parallel_loop3A_785 = arith.addi %parallel_loop3A_729, %parallel_loop3A_784 : i32
        %parallel_loop3A_786 = vector.broadcast %parallel_loop3A_785 : i32 to vector<16xi32>
        %parallel_loop3A_787 = tpu.vector_load_idx %arg11[%iota3A, %parallel_loop3A_786] : memref<16x1000xf32, #tpu.memory_space<vmem>>[vector<16xi32>, vector<16xi32>], vector<16xf32>,
        %parallel_loop3A_788 = arith.constant 6 : i32
        %parallel_loop3A_789 = arith.index_cast %parallel_loop3A_727 : i32 to index
        %parallel_loop3A_790 = arith.index_cast %parallel_loop3A_788 : i32 to index
        %parallel_loop3A_791 = arith.constant 0 : index
        %parallel_loop3A_792 = tpu.vector_load %arg13[%parallel_loop3A_789, %parallel_loop3A_790, %parallel_loop3A_791] {strides = array<i32>} : memref<125x8x32xf32, #tpu.memory_space<vmem>>, vector<16xf32>,
        tpu.vector_store %arg13[%parallel_loop3A_789, %parallel_loop3A_790, %parallel_loop3A_791], %parallel_loop3A_787 {strides = array<i32>} : memref<125x8x32xf32, #tpu.memory_space<vmem>>, vector<16xf32>,
        %parallel_loop3A_793 = arith.constant 7 : i32
        %parallel_loop3A_794 = arith.addi %parallel_loop3A_729, %parallel_loop3A_793 : i32
        %parallel_loop3A_795 = vector.broadcast %parallel_loop3A_794 : i32 to vector<16xi32>
        %parallel_loop3A_796 = tpu.vector_load_idx %arg11[%iota3A, %parallel_loop3A_795] : memref<16x1000xf32, #tpu.memory_space<vmem>>[vector<16xi32>, vector<16xi32>], vector<16xf32>,
        %parallel_loop3A_797 = arith.constant 7 : i32
        %parallel_loop3A_798 = arith.index_cast %parallel_loop3A_727 : i32 to index
        %parallel_loop3A_799 = arith.index_cast %parallel_loop3A_797 : i32 to index
        %parallel_loop3A_800 = arith.constant 0 : index
        %parallel_loop3A_801 = tpu.vector_load %arg13[%parallel_loop3A_798, %parallel_loop3A_799, %parallel_loop3A_800] {strides = array<i32>} : memref<125x8x32xf32, #tpu.memory_space<vmem>>, vector<16xf32>,
        tpu.vector_store %arg13[%parallel_loop3A_798, %parallel_loop3A_799, %parallel_loop3A_800], %parallel_loop3A_796 {strides = array<i32>} : memref<125x8x32xf32, #tpu.memory_space<vmem>>, vector<16xf32>,
      } {sc.loop_unroll_factor = 4 : i64, sc.parallel_access}
      %add3A_500 = arith.constant 2 : i32
      %add3A_501 = arith.addi %add3A_467, %add3A_500 : i32
      %mul3A_502 = arith.constant 16 : i32
      %mul3A_503 = arith.muli %add3A_501, %mul3A_502 : i32
      %dma_start3A_504 = tpu.memref_slice %arg8[%mul3A_503] : memref<6400xi32, #tpu.memory_space<vmem>> -> memref<16xi32, #tpu.memory_space<vmem>>
      %dma_start3A_505 = arith.constant 0 : i32
      %dma_start3A_506 = arith.constant 0 : i32
      %dma_start3A_507 = tpu.memref_slice %arg2[%dma_start3A_505, %dma_start3A_506] : memref<1000x1000xf32, #tpu.memory_space<hbm>> -> memref<1000x1000xf32, #tpu.memory_space<hbm>>
      tpu.enqueue_indirect_dma source(%dma_start3A_507 : memref<1000x1000xf32, #tpu.memory_space<hbm>>) target(%arg11 : memref<16x1000xf32, #tpu.memory_space<vmem>>) offsets(%dma_start3A_504 : memref<16xi32, #tpu.memory_space<vmem>>) semaphore(%arg16 : memref<!tpu.dma_semaphore, #tpu.memory_space<semaphore_mem>>)
      %mul3A_508 = arith.constant 4 : i32
      %mul3A_509 = arith.muli %mul3A_508, %scan3A_462 : i32
      %add3A_510 = arith.constant 1 : i32
      %add3A_511 = arith.addi %mul3A_509, %add3A_510 : i32
      %dma_wait3A_512 = arith.constant 0 : i32
      %dma_wait3A_513 = tpu.memref_slice %arg8[%dma_wait3A_512] : memref<6400xi32, #tpu.memory_space<vmem>> -> memref<16xi32, #tpu.memory_space<vmem>>
      %dma_wait3A_514 = arith.constant 0 : i32
      %dma_wait3A_515 = arith.constant 0 : i32
      %dma_wait3A_516 = tpu.memref_slice %arg2[%dma_wait3A_514, %dma_wait3A_515] : memref<1000x1000xf32, #tpu.memory_space<hbm>> -> memref<1000x1000xf32, #tpu.memory_space<hbm>>
      tpu.wait_indirect_dma semaphore(%arg17 : memref<!tpu.dma_semaphore, #tpu.memory_space<semaphore_mem>>) src(%dma_wait3A_516 : memref<1000x1000xf32, #tpu.memory_space<hbm>>) dst(%arg12 : memref<16x1000xf32, #tpu.memory_space<vmem>>)
      %mul3A_517 = arith.constant 16 : i32
      %mul3A_518 = arith.muli %add3A_511, %mul3A_517 : i32
      %get3A_519 = arith.index_cast %mul3A_518 : i32 to index
      %get3A_520 = tpu.vector_load %arg8[%get3A_519] {strides = array<i32>} : memref<6400xi32, #tpu.memory_space<vmem>>, vector<16xi32>,
      %get3A_521 = arith.index_cast %mul3A_518 : i32 to index
      %get3A_522 = tpu.vector_load %arg9[%get3A_521] {strides = array<i32>} : memref<6400xi32, #tpu.memory_space<vmem>>, vector<16xi32>,
      %gather3A_523 = tpu.vector_load_idx %arg12[%iota3A, %get3A_522] : memref<16x1000xf32, #tpu.memory_space<vmem>>[vector<16xi32>, vector<16xi32>], vector<16xf32>,
      %gather3A_524 = tpu.vector_load_idx %arg10[%get3A_520] : memref<1000xf32, #tpu.memory_space<vmem>>[vector<16xi32>], vector<16xf32>,
      %get3A_525 = arith.constant 0 : index
      %get3A_526 = tpu.vector_load %arg15[%get3A_525] {strides = array<i32>} : memref<16xf32, #tpu.memory_space<vmem>>, vector<16xf32>,
      %sub3A_527 = arith.subf %gather3A_524, %gather3A_523 : vector<16xf32>
      %add3A_528 = arith.addf %get3A_526, %sub3A_527 : vector<16xf32>
      %swap3A_529 = arith.constant 0 : index
      %swap3A_530 = tpu.vector_load %arg15[%swap3A_529] {strides = array<i32>} : memref<16xf32, #tpu.memory_space<vmem>>, vector<16xf32>,
      tpu.vector_store %arg15[%swap3A_529], %add3A_528 {strides = array<i32>} : memref<16xf32, #tpu.memory_space<vmem>>, vector<16xf32>,
      %parallel_loop3A_531 = arith.constant 0 : i32
      %parallel_loop3A_532 = arith.constant 125 : i32
      %parallel_loop3A_533 = arith.constant 1 : i32
      scf.for %parallel_loop3A_727 = %parallel_loop3A_531 to %parallel_loop3A_532 step %parallel_loop3A_533  : i32 {
        %parallel_loop3A_728 = arith.constant 8 : i32
        %parallel_loop3A_729 = arith.muli %parallel_loop3A_727, %parallel_loop3A_728 : i32
        %parallel_loop3A_730 = arith.constant 0 : i32
        %parallel_loop3A_731 = arith.addi %parallel_loop3A_729, %parallel_loop3A_730 : i32
        %parallel_loop3A_732 = vector.broadcast %parallel_loop3A_731 : i32 to vector<16xi32>
        %parallel_loop3A_733 = tpu.vector_load_idx %arg12[%iota3A, %parallel_loop3A_732] : memref<16x1000xf32, #tpu.memory_space<vmem>>[vector<16xi32>, vector<16xi32>], vector<16xf32>,
        %parallel_loop3A_734 = arith.constant 0 : i32
        %parallel_loop3A_735 = arith.index_cast %parallel_loop3A_727 : i32 to index
        %parallel_loop3A_736 = arith.index_cast %parallel_loop3A_734 : i32 to index
        %parallel_loop3A_737 = arith.constant 16 : index
        %parallel_loop3A_738 = tpu.vector_load %arg13[%parallel_loop3A_735, %parallel_loop3A_736, %parallel_loop3A_737] {strides = array<i32>} : memref<125x8x32xf32, #tpu.memory_space<vmem>>, vector<16xf32>,
        tpu.vector_store %arg13[%parallel_loop3A_735, %parallel_loop3A_736, %parallel_loop3A_737], %parallel_loop3A_733 {strides = array<i32>} : memref<125x8x32xf32, #tpu.memory_space<vmem>>, vector<16xf32>,
        %parallel_loop3A_739 = arith.constant 1 : i32
        %parallel_loop3A_740 = arith.addi %parallel_loop3A_729, %parallel_loop3A_739 : i32
        %parallel_loop3A_741 = vector.broadcast %parallel_loop3A_740 : i32 to vector<16xi32>
        %parallel_loop3A_742 = tpu.vector_load_idx %arg12[%iota3A, %parallel_loop3A_741] : memref<16x1000xf32, #tpu.memory_space<vmem>>[vector<16xi32>, vector<16xi32>], vector<16xf32>,
        %parallel_loop3A_743 = arith.constant 1 : i32
        %parallel_loop3A_744 = arith.index_cast %parallel_loop3A_727 : i32 to index
        %parallel_loop3A_745 = arith.index_cast %parallel_loop3A_743 : i32 to index
        %parallel_loop3A_746 = arith.constant 16 : index
        %parallel_loop3A_747 = tpu.vector_load %arg13[%parallel_loop3A_744, %parallel_loop3A_745, %parallel_loop3A_746] {strides = array<i32>} : memref<125x8x32xf32, #tpu.memory_space<vmem>>, vector<16xf32>,
        tpu.vector_store %arg13[%parallel_loop3A_744, %parallel_loop3A_745, %parallel_loop3A_746], %parallel_loop3A_742 {strides = array<i32>} : memref<125x8x32xf32, #tpu.memory_space<vmem>>, vector<16xf32>,
        %parallel_loop3A_748 = arith.constant 2 : i32
        %parallel_loop3A_749 = arith.addi %parallel_loop3A_729, %parallel_loop3A_748 : i32
        %parallel_loop3A_750 = vector.broadcast %parallel_loop3A_749 : i32 to vector<16xi32>
        %parallel_loop3A_751 = tpu.vector_load_idx %arg12[%iota3A, %parallel_loop3A_750] : memref<16x1000xf32, #tpu.memory_space<vmem>>[vector<16xi32>, vector<16xi32>], vector<16xf32>,
        %parallel_loop3A_752 = arith.constant 2 : i32
        %parallel_loop3A_753 = arith.index_cast %parallel_loop3A_727 : i32 to index
        %parallel_loop3A_754 = arith.index_cast %parallel_loop3A_752 : i32 to index
        %parallel_loop3A_755 = arith.constant 16 : index
        %parallel_loop3A_756 = tpu.vector_load %arg13[%parallel_loop3A_753, %parallel_loop3A_754, %parallel_loop3A_755] {strides = array<i32>} : memref<125x8x32xf32, #tpu.memory_space<vmem>>, vector<16xf32>,
        tpu.vector_store %arg13[%parallel_loop3A_753, %parallel_loop3A_754, %parallel_loop3A_755], %parallel_loop3A_751 {strides = array<i32>} : memref<125x8x32xf32, #tpu.memory_space<vmem>>, vector<16xf32>,
        %parallel_loop3A_757 = arith.constant 3 : i32
        %parallel_loop3A_758 = arith.addi %parallel_loop3A_729, %parallel_loop3A_757 : i32
        %parallel_loop3A_759 = vector.broadcast %parallel_loop3A_758 : i32 to vector<16xi32>
        %parallel_loop3A_760 = tpu.vector_load_idx %arg12[%iota3A, %parallel_loop3A_759] : memref<16x1000xf32, #tpu.memory_space<vmem>>[vector<16xi32>, vector<16xi32>], vector<16xf32>,
        %parallel_loop3A_761 = arith.constant 3 : i32
        %parallel_loop3A_762 = arith.index_cast %parallel_loop3A_727 : i32 to index
        %parallel_loop3A_763 = arith.index_cast %parallel_loop3A_761 : i32 to index
        %parallel_loop3A_764 = arith.constant 16 : index
        %parallel_loop3A_765 = tpu.vector_load %arg13[%parallel_loop3A_762, %parallel_loop3A_763, %parallel_loop3A_764] {strides = array<i32>} : memref<125x8x32xf32, #tpu.memory_space<vmem>>, vector<16xf32>,
        tpu.vector_store %arg13[%parallel_loop3A_762, %parallel_loop3A_763, %parallel_loop3A_764], %parallel_loop3A_760 {strides = array<i32>} : memref<125x8x32xf32, #tpu.memory_space<vmem>>, vector<16xf32>,
        %parallel_loop3A_766 = arith.constant 4 : i32
        %parallel_loop3A_767 = arith.addi %parallel_loop3A_729, %parallel_loop3A_766 : i32
        %parallel_loop3A_768 = vector.broadcast %parallel_loop3A_767 : i32 to vector<16xi32>
        %parallel_loop3A_769 = tpu.vector_load_idx %arg12[%iota3A, %parallel_loop3A_768] : memref<16x1000xf32, #tpu.memory_space<vmem>>[vector<16xi32>, vector<16xi32>], vector<16xf32>,
        %parallel_loop3A_770 = arith.constant 4 : i32
        %parallel_loop3A_771 = arith.index_cast %parallel_loop3A_727 : i32 to index
        %parallel_loop3A_772 = arith.index_cast %parallel_loop3A_770 : i32 to index
        %parallel_loop3A_773 = arith.constant 16 : index
        %parallel_loop3A_774 = tpu.vector_load %arg13[%parallel_loop3A_771, %parallel_loop3A_772, %parallel_loop3A_773] {strides = array<i32>} : memref<125x8x32xf32, #tpu.memory_space<vmem>>, vector<16xf32>,
        tpu.vector_store %arg13[%parallel_loop3A_771, %parallel_loop3A_772, %parallel_loop3A_773], %parallel_loop3A_769 {strides = array<i32>} : memref<125x8x32xf32, #tpu.memory_space<vmem>>, vector<16xf32>,
        %parallel_loop3A_775 = arith.constant 5 : i32
        %parallel_loop3A_776 = arith.addi %parallel_loop3A_729, %parallel_loop3A_775 : i32
        %parallel_loop3A_777 = vector.broadcast %parallel_loop3A_776 : i32 to vector<16xi32>
        %parallel_loop3A_778 = tpu.vector_load_idx %arg12[%iota3A, %parallel_loop3A_777] : memref<16x1000xf32, #tpu.memory_space<vmem>>[vector<16xi32>, vector<16xi32>], vector<16xf32>,
        %parallel_loop3A_779 = arith.constant 5 : i32
        %parallel_loop3A_780 = arith.index_cast %parallel_loop3A_727 : i32 to index
        %parallel_loop3A_781 = arith.index_cast %parallel_loop3A_779 : i32 to index
        %parallel_loop3A_782 = arith.constant 16 : index
        %parallel_loop3A_783 = tpu.vector_load %arg13[%parallel_loop3A_780, %parallel_loop3A_781, %parallel_loop3A_782] {strides = array<i32>} : memref<125x8x32xf32, #tpu.memory_space<vmem>>, vector<16xf32>,
        tpu.vector_store %arg13[%parallel_loop3A_780, %parallel_loop3A_781, %parallel_loop3A_782], %parallel_loop3A_778 {strides = array<i32>} : memref<125x8x32xf32, #tpu.memory_space<vmem>>, vector<16xf32>,
        %parallel_loop3A_784 = arith.constant 6 : i32
        %parallel_loop3A_785 = arith.addi %parallel_loop3A_729, %parallel_loop3A_784 : i32
        %parallel_loop3A_786 = vector.broadcast %parallel_loop3A_785 : i32 to vector<16xi32>
        %parallel_loop3A_787 = tpu.vector_load_idx %arg12[%iota3A, %parallel_loop3A_786] : memref<16x1000xf32, #tpu.memory_space<vmem>>[vector<16xi32>, vector<16xi32>], vector<16xf32>,
        %parallel_loop3A_788 = arith.constant 6 : i32
        %parallel_loop3A_789 = arith.index_cast %parallel_loop3A_727 : i32 to index
        %parallel_loop3A_790 = arith.index_cast %parallel_loop3A_788 : i32 to index
        %parallel_loop3A_791 = arith.constant 16 : index
        %parallel_loop3A_792 = tpu.vector_load %arg13[%parallel_loop3A_789, %parallel_loop3A_790, %parallel_loop3A_791] {strides = array<i32>} : memref<125x8x32xf32, #tpu.memory_space<vmem>>, vector<16xf32>,
        tpu.vector_store %arg13[%parallel_loop3A_789, %parallel_loop3A_790, %parallel_loop3A_791], %parallel_loop3A_787 {strides = array<i32>} : memref<125x8x32xf32, #tpu.memory_space<vmem>>, vector<16xf32>,
        %parallel_loop3A_793 = arith.constant 7 : i32
        %parallel_loop3A_794 = arith.addi %parallel_loop3A_729, %parallel_loop3A_793 : i32
        %parallel_loop3A_795 = vector.broadcast %parallel_loop3A_794 : i32 to vector<16xi32>
        %parallel_loop3A_796 = tpu.vector_load_idx %arg12[%iota3A, %parallel_loop3A_795] : memref<16x1000xf32, #tpu.memory_space<vmem>>[vector<16xi32>, vector<16xi32>], vector<16xf32>,
        %parallel_loop3A_797 = arith.constant 7 : i32
        %parallel_loop3A_798 = arith.index_cast %parallel_loop3A_727 : i32 to index
        %parallel_loop3A_799 = arith.index_cast %parallel_loop3A_797 : i32 to index
        %parallel_loop3A_800 = arith.constant 16 : index
        %parallel_loop3A_801 = tpu.vector_load %arg13[%parallel_loop3A_798, %parallel_loop3A_799, %parallel_loop3A_800] {strides = array<i32>} : memref<125x8x32xf32, #tpu.memory_space<vmem>>, vector<16xf32>,
        tpu.vector_store %arg13[%parallel_loop3A_798, %parallel_loop3A_799, %parallel_loop3A_800], %parallel_loop3A_796 {strides = array<i32>} : memref<125x8x32xf32, #tpu.memory_space<vmem>>, vector<16xf32>,
      } {sc.loop_unroll_factor = 4 : i64, sc.parallel_access}
      %sub3A_534 = arith.constant 1 : i32
      %sub3A_535 = arith.subi %add3A_511, %sub3A_534 : i32
      %mul3A_536 = arith.constant 16 : i32
      %mul3A_537 = arith.muli %sub3A_535, %mul3A_536 : i32
      %add3A_538 = arith.addi %mul3A_2, %mul3A_537 : i32
      %jit3A_539 = arith.constant 128 : i32
      %div3A_540 = arith.divsi %add3A_538, %jit3A_539 : i32
      %sign3A_541 = arith.constant 0 : i32
      %sign3A_542 = arith.cmpi sgt, %add3A_538, %sign3A_541 : i32
      %sign3A_543 = arith.extui %sign3A_542 : i1 to i32
      %sign3A_544 = arith.constant 0 : i32
      %sign3A_545 = arith.cmpi slt, %add3A_538, %sign3A_544 : i32
      %sign3A_546 = arith.extui %sign3A_545 : i1 to i32
      %sign3A_547 = arith.subi %sign3A_543, %sign3A_546 : i32
      %sign3A_548 = arith.constant 0 : i32
      %sign3A_549 = arith.cmpi sgt, %jit3A_539, %sign3A_548 : i32
      %sign3A_550 = arith.extui %sign3A_549 : i1 to i32
      %sign3A_551 = arith.constant 0 : i32
      %sign3A_552 = arith.cmpi slt, %jit3A_539, %sign3A_551 : i32
      %sign3A_553 = arith.extui %sign3A_552 : i1 to i32
      %sign3A_554 = arith.subi %sign3A_550, %sign3A_553 : i32
      %ne3A_555 = arith.cmpi ne, %sign3A_547, %sign3A_554 : i32
      %rem3A_556 = arith.remsi %add3A_538, %jit3A_539 : i32
      %ne3A_557 = arith.constant 0 : i32
      %ne3A_558 = arith.cmpi ne, %rem3A_556, %ne3A_557 : i32
      %and3A_559 = arith.andi %ne3A_555, %ne3A_558 : i1
      %sub3A_560 = arith.constant 1 : i32
      %sub3A_561 = arith.subi %div3A_540, %sub3A_560 : i32
      %select_n3A_562 = arith.select %and3A_559, %sub3A_561, %div3A_540 : i32
      %jit3A_563 = arith.constant 128 : i32
      %eq3A_564 = arith.constant 0 : i32
      %eq3A_565 = arith.cmpi eq, %jit3A_563, %eq3A_564 : i32
      %jit3A_566 = arith.constant 1 : i32
      %select_n3A_567 = arith.select %eq3A_565, %jit3A_566, %jit3A_563 : i32
      %rem3A_568 = arith.remsi %add3A_538, %select_n3A_567 : i32
      %ne3A_569 = arith.constant 0 : i32
      %ne3A_570 = arith.cmpi ne, %rem3A_568, %ne3A_569 : i32
      %lt3A_571 = arith.constant 0 : i32
      %lt3A_572 = arith.cmpi slt, %rem3A_568, %lt3A_571 : i32
      %lt3A_573 = arith.constant 0 : i32
      %lt3A_574 = arith.cmpi slt, %select_n3A_567, %lt3A_573 : i32
      %ne3A_575 = arith.xori %lt3A_572, %lt3A_574 : i1
      %and3A_576 = arith.andi %ne3A_575, %ne3A_570 : i1
      %add3A_577 = arith.addi %rem3A_568, %select_n3A_567 : i32
      %select_n3A_578 = arith.select %and3A_576, %add3A_577, %rem3A_568 : i32
      %dma_start3A_579 = arith.constant 0 : i32
      %dma_start3A_580 = arith.constant 0 : i32
      %dma_start3A_581 = tpu.memref_slice %arg6[%dma_start3A_579, %select_n3A_562, %dma_start3A_580, %select_n3A_578] : memref<125x1600x8x128xf32, #tpu.memory_space<hbm>> -> memref<125x1x8x32xf32, #tpu.memory_space<hbm>>
      %dma_start3A_582 = tpu.memref_squeeze %dma_start3A_581 : memref<125x1x8x32xf32, #tpu.memory_space<hbm>> -> memref<125x8x32xf32, #tpu.memory_space<hbm>>
      %dma_start3A_583 = arith.constant 0 : i32
      %dma_start3A_584 = arith.constant 0 : i32
      %dma_start3A_585 = tpu.memref_slice %arg6[%dma_start3A_583, %select_n3A_562, %dma_start3A_584, %select_n3A_578] : memref<125x1600x8x128xf32, #tpu.memory_space<hbm>> -> memref<125x1x8x32xf32, #tpu.memory_space<hbm>>
      %dma_start3A_586 = tpu.memref_squeeze %dma_start3A_585 : memref<125x1x8x32xf32, #tpu.memory_space<hbm>> -> memref<125x8x32xf32, #tpu.memory_space<hbm>>
      tpu.enqueue_dma source(%arg13 : memref<125x8x32xf32, #tpu.memory_space<vmem>>) target(%dma_start3A_586 : memref<125x8x32xf32, #tpu.memory_space<hbm>>) target_semaphore(%arg18 : memref<!tpu.dma_semaphore, #tpu.memory_space<semaphore_mem>>)
      %add3A_587 = arith.constant 2 : i32
      %add3A_588 = arith.addi %add3A_511, %add3A_587 : i32
      %mul3A_589 = arith.constant 16 : i32
      %mul3A_590 = arith.muli %add3A_588, %mul3A_589 : i32
      %dma_start3A_591 = tpu.memref_slice %arg8[%mul3A_590] : memref<6400xi32, #tpu.memory_space<vmem>> -> memref<16xi32, #tpu.memory_space<vmem>>
      %dma_start3A_592 = arith.constant 0 : i32
      %dma_start3A_593 = arith.constant 0 : i32
      %dma_start3A_594 = tpu.memref_slice %arg2[%dma_start3A_592, %dma_start3A_593] : memref<1000x1000xf32, #tpu.memory_space<hbm>> -> memref<1000x1000xf32, #tpu.memory_space<hbm>>
      tpu.enqueue_indirect_dma source(%dma_start3A_594 : memref<1000x1000xf32, #tpu.memory_space<hbm>>) target(%arg12 : memref<16x1000xf32, #tpu.memory_space<vmem>>) offsets(%dma_start3A_591 : memref<16xi32, #tpu.memory_space<vmem>>) semaphore(%arg17 : memref<!tpu.dma_semaphore, #tpu.memory_space<semaphore_mem>>)
      %mul3A_595 = arith.constant 4 : i32
      %mul3A_596 = arith.muli %mul3A_595, %scan3A_462 : i32
      %add3A_597 = arith.constant 2 : i32
      %add3A_598 = arith.addi %mul3A_596, %add3A_597 : i32
      %dma_wait3A_599 = arith.constant 0 : i32
      %dma_wait3A_600 = tpu.memref_slice %arg8[%dma_wait3A_599] : memref<6400xi32, #tpu.memory_space<vmem>> -> memref<16xi32, #tpu.memory_space<vmem>>
      %dma_wait3A_601 = arith.constant 0 : i32
      %dma_wait3A_602 = arith.constant 0 : i32
      %dma_wait3A_603 = tpu.memref_slice %arg2[%dma_wait3A_601, %dma_wait3A_602] : memref<1000x1000xf32, #tpu.memory_space<hbm>> -> memref<1000x1000xf32, #tpu.memory_space<hbm>>
      tpu.wait_indirect_dma semaphore(%arg16 : memref<!tpu.dma_semaphore, #tpu.memory_space<semaphore_mem>>) src(%dma_wait3A_603 : memref<1000x1000xf32, #tpu.memory_space<hbm>>) dst(%arg11 : memref<16x1000xf32, #tpu.memory_space<vmem>>)
      %dma_wait3A_604 = arith.constant 0 : i32
      %dma_wait3A_605 = arith.constant 0 : i32
      %dma_wait3A_606 = arith.constant 0 : i32
      %dma_wait3A_607 = tpu.memref_slice %arg6[%dma_wait3A_604, %select_n3A, %dma_wait3A_605, %dma_wait3A_606] : memref<125x1600x8x128xf32, #tpu.memory_space<hbm>> -> memref<125x1x8x32xf32, #tpu.memory_space<hbm>>
      %dma_wait3A_608 = tpu.memref_squeeze %dma_wait3A_607 : memref<125x1x8x32xf32, #tpu.memory_space<hbm>> -> memref<125x8x32xf32, #tpu.memory_space<hbm>>
      %dma_wait3A_609 = arith.constant 0 : i32
      %dma_wait3A_610 = arith.constant 0 : i32
      %dma_wait3A_611 = arith.constant 0 : i32
      %dma_wait3A_612 = tpu.memref_slice %arg6[%dma_wait3A_609, %select_n3A, %dma_wait3A_610, %dma_wait3A_611] : memref<125x1600x8x128xf32, #tpu.memory_space<hbm>> -> memref<125x1x8x32xf32, #tpu.memory_space<hbm>>
      %dma_wait3A_613 = tpu.memref_squeeze %dma_wait3A_612 : memref<125x1x8x32xf32, #tpu.memory_space<hbm>> -> memref<125x8x32xf32, #tpu.memory_space<hbm>>
      tpu.wait_dma2 semaphore(%arg19 : memref<!tpu.dma_semaphore, #tpu.memory_space<semaphore_mem>>) src(%arg14 : memref<125x8x32xf32, #tpu.memory_space<vmem>>) dst(%dma_wait3A_613 : memref<125x8x32xf32, #tpu.memory_space<hbm>>)
      %mul3A_614 = arith.constant 16 : i32
      %mul3A_615 = arith.muli %add3A_598, %mul3A_614 : i32
      %get3A_616 = arith.index_cast %mul3A_615 : i32 to index
      %get3A_617 = tpu.vector_load %arg8[%get3A_616] {strides = array<i32>} : memref<6400xi32, #tpu.memory_space<vmem>>, vector<16xi32>,
      %get3A_618 = arith.index_cast %mul3A_615 : i32 to index
      %get3A_619 = tpu.vector_load %arg9[%get3A_618] {strides = array<i32>} : memref<6400xi32, #tpu.memory_space<vmem>>, vector<16xi32>,
      %gather3A_620 = tpu.vector_load_idx %arg11[%iota3A, %get3A_619] : memref<16x1000xf32, #tpu.memory_space<vmem>>[vector<16xi32>, vector<16xi32>], vector<16xf32>,
      %gather3A_621 = tpu.vector_load_idx %arg10[%get3A_617] : memref<1000xf32, #tpu.memory_space<vmem>>[vector<16xi32>], vector<16xf32>,
      %get3A_622 = arith.constant 0 : index
      %get3A_623 = tpu.vector_load %arg15[%get3A_622] {strides = array<i32>} : memref<16xf32, #tpu.memory_space<vmem>>, vector<16xf32>,
      %sub3A_624 = arith.subf %gather3A_621, %gather3A_620 : vector<16xf32>
      %add3A_625 = arith.addf %get3A_623, %sub3A_624 : vector<16xf32>
      %swap3A_626 = arith.constant 0 : index
      %swap3A_627 = tpu.vector_load %arg15[%swap3A_626] {strides = array<i32>} : memref<16xf32, #tpu.memory_space<vmem>>, vector<16xf32>,
      tpu.vector_store %arg15[%swap3A_626], %add3A_625 {strides = array<i32>} : memref<16xf32, #tpu.memory_space<vmem>>, vector<16xf32>,
      %parallel_loop3A_628 = arith.constant 0 : i32
      %parallel_loop3A_629 = arith.constant 125 : i32
      %parallel_loop3A_630 = arith.constant 1 : i32
      scf.for %parallel_loop3A_727 = %parallel_loop3A_628 to %parallel_loop3A_629 step %parallel_loop3A_630  : i32 {
        %parallel_loop3A_728 = arith.constant 8 : i32
        %parallel_loop3A_729 = arith.muli %parallel_loop3A_727, %parallel_loop3A_728 : i32
        %parallel_loop3A_730 = arith.constant 0 : i32
        %parallel_loop3A_731 = arith.addi %parallel_loop3A_729, %parallel_loop3A_730 : i32
        %parallel_loop3A_732 = vector.broadcast %parallel_loop3A_731 : i32 to vector<16xi32>
        %parallel_loop3A_733 = tpu.vector_load_idx %arg11[%iota3A, %parallel_loop3A_732] : memref<16x1000xf32, #tpu.memory_space<vmem>>[vector<16xi32>, vector<16xi32>], vector<16xf32>,
        %parallel_loop3A_734 = arith.constant 0 : i32
        %parallel_loop3A_735 = arith.index_cast %parallel_loop3A_727 : i32 to index
        %parallel_loop3A_736 = arith.index_cast %parallel_loop3A_734 : i32 to index
        %parallel_loop3A_737 = arith.constant 0 : index
        %parallel_loop3A_738 = tpu.vector_load %arg14[%parallel_loop3A_735, %parallel_loop3A_736, %parallel_loop3A_737] {strides = array<i32>} : memref<125x8x32xf32, #tpu.memory_space<vmem>>, vector<16xf32>,
        tpu.vector_store %arg14[%parallel_loop3A_735, %parallel_loop3A_736, %parallel_loop3A_737], %parallel_loop3A_733 {strides = array<i32>} : memref<125x8x32xf32, #tpu.memory_space<vmem>>, vector<16xf32>,
        %parallel_loop3A_739 = arith.constant 1 : i32
        %parallel_loop3A_740 = arith.addi %parallel_loop3A_729, %parallel_loop3A_739 : i32
        %parallel_loop3A_741 = vector.broadcast %parallel_loop3A_740 : i32 to vector<16xi32>
        %parallel_loop3A_742 = tpu.vector_load_idx %arg11[%iota3A, %parallel_loop3A_741] : memref<16x1000xf32, #tpu.memory_space<vmem>>[vector<16xi32>, vector<16xi32>], vector<16xf32>,
        %parallel_loop3A_743 = arith.constant 1 : i32
        %parallel_loop3A_744 = arith.index_cast %parallel_loop3A_727 : i32 to index
        %parallel_loop3A_745 = arith.index_cast %parallel_loop3A_743 : i32 to index
        %parallel_loop3A_746 = arith.constant 0 : index
        %parallel_loop3A_747 = tpu.vector_load %arg14[%parallel_loop3A_744, %parallel_loop3A_745, %parallel_loop3A_746] {strides = array<i32>} : memref<125x8x32xf32, #tpu.memory_space<vmem>>, vector<16xf32>,
        tpu.vector_store %arg14[%parallel_loop3A_744, %parallel_loop3A_745, %parallel_loop3A_746], %parallel_loop3A_742 {strides = array<i32>} : memref<125x8x32xf32, #tpu.memory_space<vmem>>, vector<16xf32>,
        %parallel_loop3A_748 = arith.constant 2 : i32
        %parallel_loop3A_749 = arith.addi %parallel_loop3A_729, %parallel_loop3A_748 : i32
        %parallel_loop3A_750 = vector.broadcast %parallel_loop3A_749 : i32 to vector<16xi32>
        %parallel_loop3A_751 = tpu.vector_load_idx %arg11[%iota3A, %parallel_loop3A_750] : memref<16x1000xf32, #tpu.memory_space<vmem>>[vector<16xi32>, vector<16xi32>], vector<16xf32>,
        %parallel_loop3A_752 = arith.constant 2 : i32
        %parallel_loop3A_753 = arith.index_cast %parallel_loop3A_727 : i32 to index
        %parallel_loop3A_754 = arith.index_cast %parallel_loop3A_752 : i32 to index
        %parallel_loop3A_755 = arith.constant 0 : index
        %parallel_loop3A_756 = tpu.vector_load %arg14[%parallel_loop3A_753, %parallel_loop3A_754, %parallel_loop3A_755] {strides = array<i32>} : memref<125x8x32xf32, #tpu.memory_space<vmem>>, vector<16xf32>,
        tpu.vector_store %arg14[%parallel_loop3A_753, %parallel_loop3A_754, %parallel_loop3A_755], %parallel_loop3A_751 {strides = array<i32>} : memref<125x8x32xf32, #tpu.memory_space<vmem>>, vector<16xf32>,
        %parallel_loop3A_757 = arith.constant 3 : i32
        %parallel_loop3A_758 = arith.addi %parallel_loop3A_729, %parallel_loop3A_757 : i32
        %parallel_loop3A_759 = vector.broadcast %parallel_loop3A_758 : i32 to vector<16xi32>
        %parallel_loop3A_760 = tpu.vector_load_idx %arg11[%iota3A, %parallel_loop3A_759] : memref<16x1000xf32, #tpu.memory_space<vmem>>[vector<16xi32>, vector<16xi32>], vector<16xf32>,
        %parallel_loop3A_761 = arith.constant 3 : i32
        %parallel_loop3A_762 = arith.index_cast %parallel_loop3A_727 : i32 to index
        %parallel_loop3A_763 = arith.index_cast %parallel_loop3A_761 : i32 to index
        %parallel_loop3A_764 = arith.constant 0 : index
        %parallel_loop3A_765 = tpu.vector_load %arg14[%parallel_loop3A_762, %parallel_loop3A_763, %parallel_loop3A_764] {strides = array<i32>} : memref<125x8x32xf32, #tpu.memory_space<vmem>>, vector<16xf32>,
        tpu.vector_store %arg14[%parallel_loop3A_762, %parallel_loop3A_763, %parallel_loop3A_764], %parallel_loop3A_760 {strides = array<i32>} : memref<125x8x32xf32, #tpu.memory_space<vmem>>, vector<16xf32>,
        %parallel_loop3A_766 = arith.constant 4 : i32
        %parallel_loop3A_767 = arith.addi %parallel_loop3A_729, %parallel_loop3A_766 : i32
        %parallel_loop3A_768 = vector.broadcast %parallel_loop3A_767 : i32 to vector<16xi32>
        %parallel_loop3A_769 = tpu.vector_load_idx %arg11[%iota3A, %parallel_loop3A_768] : memref<16x1000xf32, #tpu.memory_space<vmem>>[vector<16xi32>, vector<16xi32>], vector<16xf32>,
        %parallel_loop3A_770 = arith.constant 4 : i32
        %parallel_loop3A_771 = arith.index_cast %parallel_loop3A_727 : i32 to index
        %parallel_loop3A_772 = arith.index_cast %parallel_loop3A_770 : i32 to index
        %parallel_loop3A_773 = arith.constant 0 : index
        %parallel_loop3A_774 = tpu.vector_load %arg14[%parallel_loop3A_771, %parallel_loop3A_772, %parallel_loop3A_773] {strides = array<i32>} : memref<125x8x32xf32, #tpu.memory_space<vmem>>, vector<16xf32>,
        tpu.vector_store %arg14[%parallel_loop3A_771, %parallel_loop3A_772, %parallel_loop3A_773], %parallel_loop3A_769 {strides = array<i32>} : memref<125x8x32xf32, #tpu.memory_space<vmem>>, vector<16xf32>,
        %parallel_loop3A_775 = arith.constant 5 : i32
        %parallel_loop3A_776 = arith.addi %parallel_loop3A_729, %parallel_loop3A_775 : i32
        %parallel_loop3A_777 = vector.broadcast %parallel_loop3A_776 : i32 to vector<16xi32>
        %parallel_loop3A_778 = tpu.vector_load_idx %arg11[%iota3A, %parallel_loop3A_777] : memref<16x1000xf32, #tpu.memory_space<vmem>>[vector<16xi32>, vector<16xi32>], vector<16xf32>,
        %parallel_loop3A_779 = arith.constant 5 : i32
        %parallel_loop3A_780 = arith.index_cast %parallel_loop3A_727 : i32 to index
        %parallel_loop3A_781 = arith.index_cast %parallel_loop3A_779 : i32 to index
        %parallel_loop3A_782 = arith.constant 0 : index
        %parallel_loop3A_783 = tpu.vector_load %arg14[%parallel_loop3A_780, %parallel_loop3A_781, %parallel_loop3A_782] {strides = array<i32>} : memref<125x8x32xf32, #tpu.memory_space<vmem>>, vector<16xf32>,
        tpu.vector_store %arg14[%parallel_loop3A_780, %parallel_loop3A_781, %parallel_loop3A_782], %parallel_loop3A_778 {strides = array<i32>} : memref<125x8x32xf32, #tpu.memory_space<vmem>>, vector<16xf32>,
        %parallel_loop3A_784 = arith.constant 6 : i32
        %parallel_loop3A_785 = arith.addi %parallel_loop3A_729, %parallel_loop3A_784 : i32
        %parallel_loop3A_786 = vector.broadcast %parallel_loop3A_785 : i32 to vector<16xi32>
        %parallel_loop3A_787 = tpu.vector_load_idx %arg11[%iota3A, %parallel_loop3A_786] : memref<16x1000xf32, #tpu.memory_space<vmem>>[vector<16xi32>, vector<16xi32>], vector<16xf32>,
        %parallel_loop3A_788 = arith.constant 6 : i32
        %parallel_loop3A_789 = arith.index_cast %parallel_loop3A_727 : i32 to index
        %parallel_loop3A_790 = arith.index_cast %parallel_loop3A_788 : i32 to index
        %parallel_loop3A_791 = arith.constant 0 : index
        %parallel_loop3A_792 = tpu.vector_load %arg14[%parallel_loop3A_789, %parallel_loop3A_790, %parallel_loop3A_791] {strides = array<i32>} : memref<125x8x32xf32, #tpu.memory_space<vmem>>, vector<16xf32>,
        tpu.vector_store %arg14[%parallel_loop3A_789, %parallel_loop3A_790, %parallel_loop3A_791], %parallel_loop3A_787 {strides = array<i32>} : memref<125x8x32xf32, #tpu.memory_space<vmem>>, vector<16xf32>,
        %parallel_loop3A_793 = arith.constant 7 : i32
        %parallel_loop3A_794 = arith.addi %parallel_loop3A_729, %parallel_loop3A_793 : i32
        %parallel_loop3A_795 = vector.broadcast %parallel_loop3A_794 : i32 to vector<16xi32>
        %parallel_loop3A_796 = tpu.vector_load_idx %arg11[%iota3A, %parallel_loop3A_795] : memref<16x1000xf32, #tpu.memory_space<vmem>>[vector<16xi32>, vector<16xi32>], vector<16xf32>,
        %parallel_loop3A_797 = arith.constant 7 : i32
        %parallel_loop3A_798 = arith.index_cast %parallel_loop3A_727 : i32 to index
        %parallel_loop3A_799 = arith.index_cast %parallel_loop3A_797 : i32 to index
        %parallel_loop3A_800 = arith.constant 0 : index
        %parallel_loop3A_801 = tpu.vector_load %arg14[%parallel_loop3A_798, %parallel_loop3A_799, %parallel_loop3A_800] {strides = array<i32>} : memref<125x8x32xf32, #tpu.memory_space<vmem>>, vector<16xf32>,
        tpu.vector_store %arg14[%parallel_loop3A_798, %parallel_loop3A_799, %parallel_loop3A_800], %parallel_loop3A_796 {strides = array<i32>} : memref<125x8x32xf32, #tpu.memory_space<vmem>>, vector<16xf32>,
      } {sc.loop_unroll_factor = 4 : i64, sc.parallel_access}
      %add3A_631 = arith.constant 2 : i32
      %add3A_632 = arith.addi %add3A_598, %add3A_631 : i32
      %mul3A_633 = arith.constant 16 : i32
      %mul3A_634 = arith.muli %add3A_632, %mul3A_633 : i32
      %dma_start3A_635 = tpu.memref_slice %arg8[%mul3A_634] : memref<6400xi32, #tpu.memory_space<vmem>> -> memref<16xi32, #tpu.memory_space<vmem>>
      %dma_start3A_636 = arith.constant 0 : i32
      %dma_start3A_637 = arith.constant 0 : i32
      %dma_start3A_638 = tpu.memref_slice %arg2[%dma_start3A_636, %dma_start3A_637] : memref<1000x1000xf32, #tpu.memory_space<hbm>> -> memref<1000x1000xf32, #tpu.memory_space<hbm>>
      tpu.enqueue_indirect_dma source(%dma_start3A_638 : memref<1000x1000xf32, #tpu.memory_space<hbm>>) target(%arg11 : memref<16x1000xf32, #tpu.memory_space<vmem>>) offsets(%dma_start3A_635 : memref<16xi32, #tpu.memory_space<vmem>>) semaphore(%arg16 : memref<!tpu.dma_semaphore, #tpu.memory_space<semaphore_mem>>)
      %mul3A_639 = arith.constant 4 : i32
      %mul3A_640 = arith.muli %mul3A_639, %scan3A_462 : i32
      %add3A_641 = arith.constant 3 : i32
      %add3A_642 = arith.addi %mul3A_640, %add3A_641 : i32
      %dma_wait3A_643 = arith.constant 0 : i32
      %dma_wait3A_644 = tpu.memref_slice %arg8[%dma_wait3A_643] : memref<6400xi32, #tpu.memory_space<vmem>> -> memref<16xi32, #tpu.memory_space<vmem>>
      %dma_wait3A_645 = arith.constant 0 : i32
      %dma_wait3A_646 = arith.constant 0 : i32
      %dma_wait3A_647 = tpu.memref_slice %arg2[%dma_wait3A_645, %dma_wait3A_646] : memref<1000x1000xf32, #tpu.memory_space<hbm>> -> memref<1000x1000xf32, #tpu.memory_space<hbm>>
      tpu.wait_indirect_dma semaphore(%arg17 : memref<!tpu.dma_semaphore, #tpu.memory_space<semaphore_mem>>) src(%dma_wait3A_647 : memref<1000x1000xf32, #tpu.memory_space<hbm>>) dst(%arg12 : memref<16x1000xf32, #tpu.memory_space<vmem>>)
      %mul3A_648 = arith.constant 16 : i32
      %mul3A_649 = arith.muli %add3A_642, %mul3A_648 : i32
      %get3A_650 = arith.index_cast %mul3A_649 : i32 to index
      %get3A_651 = tpu.vector_load %arg8[%get3A_650] {strides = array<i32>} : memref<6400xi32, #tpu.memory_space<vmem>>, vector<16xi32>,
      %get3A_652 = arith.index_cast %mul3A_649 : i32 to index
      %get3A_653 = tpu.vector_load %arg9[%get3A_652] {strides = array<i32>} : memref<6400xi32, #tpu.memory_space<vmem>>, vector<16xi32>,
      %gather3A_654 = tpu.vector_load_idx %arg12[%iota3A, %get3A_653] : memref<16x1000xf32, #tpu.memory_space<vmem>>[vector<16xi32>, vector<16xi32>], vector<16xf32>,
      %gather3A_655 = tpu.vector_load_idx %arg10[%get3A_651] : memref<1000xf32, #tpu.memory_space<vmem>>[vector<16xi32>], vector<16xf32>,
      %get3A_656 = arith.constant 0 : index
      %get3A_657 = tpu.vector_load %arg15[%get3A_656] {strides = array<i32>} : memref<16xf32, #tpu.memory_space<vmem>>, vector<16xf32>,
      %sub3A_658 = arith.subf %gather3A_655, %gather3A_654 : vector<16xf32>
      %add3A_659 = arith.addf %get3A_657, %sub3A_658 : vector<16xf32>
      %swap3A_660 = arith.constant 0 : index
      %swap3A_661 = tpu.vector_load %arg15[%swap3A_660] {strides = array<i32>} : memref<16xf32, #tpu.memory_space<vmem>>, vector<16xf32>,
      tpu.vector_store %arg15[%swap3A_660], %add3A_659 {strides = array<i32>} : memref<16xf32, #tpu.memory_space<vmem>>, vector<16xf32>,
      %parallel_loop3A_662 = arith.constant 0 : i32
      %parallel_loop3A_663 = arith.constant 125 : i32
      %parallel_loop3A_664 = arith.constant 1 : i32
      scf.for %parallel_loop3A_727 = %parallel_loop3A_662 to %parallel_loop3A_663 step %parallel_loop3A_664  : i32 {
        %parallel_loop3A_728 = arith.constant 8 : i32
        %parallel_loop3A_729 = arith.muli %parallel_loop3A_727, %parallel_loop3A_728 : i32
        %parallel_loop3A_730 = arith.constant 0 : i32
        %parallel_loop3A_731 = arith.addi %parallel_loop3A_729, %parallel_loop3A_730 : i32
        %parallel_loop3A_732 = vector.broadcast %parallel_loop3A_731 : i32 to vector<16xi32>
        %parallel_loop3A_733 = tpu.vector_load_idx %arg12[%iota3A, %parallel_loop3A_732] : memref<16x1000xf32, #tpu.memory_space<vmem>>[vector<16xi32>, vector<16xi32>], vector<16xf32>,
        %parallel_loop3A_734 = arith.constant 0 : i32
        %parallel_loop3A_735 = arith.index_cast %parallel_loop3A_727 : i32 to index
        %parallel_loop3A_736 = arith.index_cast %parallel_loop3A_734 : i32 to index
        %parallel_loop3A_737 = arith.constant 16 : index
        %parallel_loop3A_738 = tpu.vector_load %arg14[%parallel_loop3A_735, %parallel_loop3A_736, %parallel_loop3A_737] {strides = array<i32>} : memref<125x8x32xf32, #tpu.memory_space<vmem>>, vector<16xf32>,
        tpu.vector_store %arg14[%parallel_loop3A_735, %parallel_loop3A_736, %parallel_loop3A_737], %parallel_loop3A_733 {strides = array<i32>} : memref<125x8x32xf32, #tpu.memory_space<vmem>>, vector<16xf32>,
        %parallel_loop3A_739 = arith.constant 1 : i32
        %parallel_loop3A_740 = arith.addi %parallel_loop3A_729, %parallel_loop3A_739 : i32
        %parallel_loop3A_741 = vector.broadcast %parallel_loop3A_740 : i32 to vector<16xi32>
        %parallel_loop3A_742 = tpu.vector_load_idx %arg12[%iota3A, %parallel_loop3A_741] : memref<16x1000xf32, #tpu.memory_space<vmem>>[vector<16xi32>, vector<16xi32>], vector<16xf32>,
        %parallel_loop3A_743 = arith.constant 1 : i32
        %parallel_loop3A_744 = arith.index_cast %parallel_loop3A_727 : i32 to index
        %parallel_loop3A_745 = arith.index_cast %parallel_loop3A_743 : i32 to index
        %parallel_loop3A_746 = arith.constant 16 : index
        %parallel_loop3A_747 = tpu.vector_load %arg14[%parallel_loop3A_744, %parallel_loop3A_745, %parallel_loop3A_746] {strides = array<i32>} : memref<125x8x32xf32, #tpu.memory_space<vmem>>, vector<16xf32>,
        tpu.vector_store %arg14[%parallel_loop3A_744, %parallel_loop3A_745, %parallel_loop3A_746], %parallel_loop3A_742 {strides = array<i32>} : memref<125x8x32xf32, #tpu.memory_space<vmem>>, vector<16xf32>,
        %parallel_loop3A_748 = arith.constant 2 : i32
        %parallel_loop3A_749 = arith.addi %parallel_loop3A_729, %parallel_loop3A_748 : i32
        %parallel_loop3A_750 = vector.broadcast %parallel_loop3A_749 : i32 to vector<16xi32>
        %parallel_loop3A_751 = tpu.vector_load_idx %arg12[%iota3A, %parallel_loop3A_750] : memref<16x1000xf32, #tpu.memory_space<vmem>>[vector<16xi32>, vector<16xi32>], vector<16xf32>,
        %parallel_loop3A_752 = arith.constant 2 : i32
        %parallel_loop3A_753 = arith.index_cast %parallel_loop3A_727 : i32 to index
        %parallel_loop3A_754 = arith.index_cast %parallel_loop3A_752 : i32 to index
        %parallel_loop3A_755 = arith.constant 16 : index
        %parallel_loop3A_756 = tpu.vector_load %arg14[%parallel_loop3A_753, %parallel_loop3A_754, %parallel_loop3A_755] {strides = array<i32>} : memref<125x8x32xf32, #tpu.memory_space<vmem>>, vector<16xf32>,
        tpu.vector_store %arg14[%parallel_loop3A_753, %parallel_loop3A_754, %parallel_loop3A_755], %parallel_loop3A_751 {strides = array<i32>} : memref<125x8x32xf32, #tpu.memory_space<vmem>>, vector<16xf32>,
        %parallel_loop3A_757 = arith.constant 3 : i32
        %parallel_loop3A_758 = arith.addi %parallel_loop3A_729, %parallel_loop3A_757 : i32
        %parallel_loop3A_759 = vector.broadcast %parallel_loop3A_758 : i32 to vector<16xi32>
        %parallel_loop3A_760 = tpu.vector_load_idx %arg12[%iota3A, %parallel_loop3A_759] : memref<16x1000xf32, #tpu.memory_space<vmem>>[vector<16xi32>, vector<16xi32>], vector<16xf32>,
        %parallel_loop3A_761 = arith.constant 3 : i32
        %parallel_loop3A_762 = arith.index_cast %parallel_loop3A_727 : i32 to index
        %parallel_loop3A_763 = arith.index_cast %parallel_loop3A_761 : i32 to index
        %parallel_loop3A_764 = arith.constant 16 : index
        %parallel_loop3A_765 = tpu.vector_load %arg14[%parallel_loop3A_762, %parallel_loop3A_763, %parallel_loop3A_764] {strides = array<i32>} : memref<125x8x32xf32, #tpu.memory_space<vmem>>, vector<16xf32>,
        tpu.vector_store %arg14[%parallel_loop3A_762, %parallel_loop3A_763, %parallel_loop3A_764], %parallel_loop3A_760 {strides = array<i32>} : memref<125x8x32xf32, #tpu.memory_space<vmem>>, vector<16xf32>,
        %parallel_loop3A_766 = arith.constant 4 : i32
        %parallel_loop3A_767 = arith.addi %parallel_loop3A_729, %parallel_loop3A_766 : i32
        %parallel_loop3A_768 = vector.broadcast %parallel_loop3A_767 : i32 to vector<16xi32>
        %parallel_loop3A_769 = tpu.vector_load_idx %arg12[%iota3A, %parallel_loop3A_768] : memref<16x1000xf32, #tpu.memory_space<vmem>>[vector<16xi32>, vector<16xi32>], vector<16xf32>,
        %parallel_loop3A_770 = arith.constant 4 : i32
        %parallel_loop3A_771 = arith.index_cast %parallel_loop3A_727 : i32 to index
        %parallel_loop3A_772 = arith.index_cast %parallel_loop3A_770 : i32 to index
        %parallel_loop3A_773 = arith.constant 16 : index
        %parallel_loop3A_774 = tpu.vector_load %arg14[%parallel_loop3A_771, %parallel_loop3A_772, %parallel_loop3A_773] {strides = array<i32>} : memref<125x8x32xf32, #tpu.memory_space<vmem>>, vector<16xf32>,
        tpu.vector_store %arg14[%parallel_loop3A_771, %parallel_loop3A_772, %parallel_loop3A_773], %parallel_loop3A_769 {strides = array<i32>} : memref<125x8x32xf32, #tpu.memory_space<vmem>>, vector<16xf32>,
        %parallel_loop3A_775 = arith.constant 5 : i32
        %parallel_loop3A_776 = arith.addi %parallel_loop3A_729, %parallel_loop3A_775 : i32
        %parallel_loop3A_777 = vector.broadcast %parallel_loop3A_776 : i32 to vector<16xi32>
        %parallel_loop3A_778 = tpu.vector_load_idx %arg12[%iota3A, %parallel_loop3A_777] : memref<16x1000xf32, #tpu.memory_space<vmem>>[vector<16xi32>, vector<16xi32>], vector<16xf32>,
        %parallel_loop3A_779 = arith.constant 5 : i32
        %parallel_loop3A_780 = arith.index_cast %parallel_loop3A_727 : i32 to index
        %parallel_loop3A_781 = arith.index_cast %parallel_loop3A_779 : i32 to index
        %parallel_loop3A_782 = arith.constant 16 : index
        %parallel_loop3A_783 = tpu.vector_load %arg14[%parallel_loop3A_780, %parallel_loop3A_781, %parallel_loop3A_782] {strides = array<i32>} : memref<125x8x32xf32, #tpu.memory_space<vmem>>, vector<16xf32>,
        tpu.vector_store %arg14[%parallel_loop3A_780, %parallel_loop3A_781, %parallel_loop3A_782], %parallel_loop3A_778 {strides = array<i32>} : memref<125x8x32xf32, #tpu.memory_space<vmem>>, vector<16xf32>,
        %parallel_loop3A_784 = arith.constant 6 : i32
        %parallel_loop3A_785 = arith.addi %parallel_loop3A_729, %parallel_loop3A_784 : i32
        %parallel_loop3A_786 = vector.broadcast %parallel_loop3A_785 : i32 to vector<16xi32>
        %parallel_loop3A_787 = tpu.vector_load_idx %arg12[%iota3A, %parallel_loop3A_786] : memref<16x1000xf32, #tpu.memory_space<vmem>>[vector<16xi32>, vector<16xi32>], vector<16xf32>,
        %parallel_loop3A_788 = arith.constant 6 : i32
        %parallel_loop3A_789 = arith.index_cast %parallel_loop3A_727 : i32 to index
        %parallel_loop3A_790 = arith.index_cast %parallel_loop3A_788 : i32 to index
        %parallel_loop3A_791 = arith.constant 16 : index
        %parallel_loop3A_792 = tpu.vector_load %arg14[%parallel_loop3A_789, %parallel_loop3A_790, %parallel_loop3A_791] {strides = array<i32>} : memref<125x8x32xf32, #tpu.memory_space<vmem>>, vector<16xf32>,
        tpu.vector_store %arg14[%parallel_loop3A_789, %parallel_loop3A_790, %parallel_loop3A_791], %parallel_loop3A_787 {strides = array<i32>} : memref<125x8x32xf32, #tpu.memory_space<vmem>>, vector<16xf32>,
        %parallel_loop3A_793 = arith.constant 7 : i32
        %parallel_loop3A_794 = arith.addi %parallel_loop3A_729, %parallel_loop3A_793 : i32
        %parallel_loop3A_795 = vector.broadcast %parallel_loop3A_794 : i32 to vector<16xi32>
        %parallel_loop3A_796 = tpu.vector_load_idx %arg12[%iota3A, %parallel_loop3A_795] : memref<16x1000xf32, #tpu.memory_space<vmem>>[vector<16xi32>, vector<16xi32>], vector<16xf32>,
        %parallel_loop3A_797 = arith.constant 7 : i32
        %parallel_loop3A_798 = arith.index_cast %parallel_loop3A_727 : i32 to index
        %parallel_loop3A_799 = arith.index_cast %parallel_loop3A_797 : i32 to index
        %parallel_loop3A_800 = arith.constant 16 : index
        %parallel_loop3A_801 = tpu.vector_load %arg14[%parallel_loop3A_798, %parallel_loop3A_799, %parallel_loop3A_800] {strides = array<i32>} : memref<125x8x32xf32, #tpu.memory_space<vmem>>, vector<16xf32>,
        tpu.vector_store %arg14[%parallel_loop3A_798, %parallel_loop3A_799, %parallel_loop3A_800], %parallel_loop3A_796 {strides = array<i32>} : memref<125x8x32xf32, #tpu.memory_space<vmem>>, vector<16xf32>,
      } {sc.loop_unroll_factor = 4 : i64, sc.parallel_access}
      %sub3A_665 = arith.constant 1 : i32
      %sub3A_666 = arith.subi %add3A_642, %sub3A_665 : i32
      %mul3A_667 = arith.constant 16 : i32
      %mul3A_668 = arith.muli %sub3A_666, %mul3A_667 : i32
      %add3A_669 = arith.addi %mul3A_2, %mul3A_668 : i32
      %jit3A_670 = arith.constant 128 : i32
      %div3A_671 = arith.divsi %add3A_669, %jit3A_670 : i32
      %sign3A_672 = arith.constant 0 : i32
      %sign3A_673 = arith.cmpi sgt, %add3A_669, %sign3A_672 : i32
      %sign3A_674 = arith.extui %sign3A_673 : i1 to i32
      %sign3A_675 = arith.constant 0 : i32
      %sign3A_676 = arith.cmpi slt, %add3A_669, %sign3A_675 : i32
      %sign3A_677 = arith.extui %sign3A_676 : i1 to i32
      %sign3A_678 = arith.subi %sign3A_674, %sign3A_677 : i32
      %sign3A_679 = arith.constant 0 : i32
      %sign3A_680 = arith.cmpi sgt, %jit3A_670, %sign3A_679 : i32
      %sign3A_681 = arith.extui %sign3A_680 : i1 to i32
      %sign3A_682 = arith.constant 0 : i32
      %sign3A_683 = arith.cmpi slt, %jit3A_670, %sign3A_682 : i32
      %sign3A_684 = arith.extui %sign3A_683 : i1 to i32
      %sign3A_685 = arith.subi %sign3A_681, %sign3A_684 : i32
      %ne3A_686 = arith.cmpi ne, %sign3A_678, %sign3A_685 : i32
      %rem3A_687 = arith.remsi %add3A_669, %jit3A_670 : i32
      %ne3A_688 = arith.constant 0 : i32
      %ne3A_689 = arith.cmpi ne, %rem3A_687, %ne3A_688 : i32
      %and3A_690 = arith.andi %ne3A_686, %ne3A_689 : i1
      %sub3A_691 = arith.constant 1 : i32
      %sub3A_692 = arith.subi %div3A_671, %sub3A_691 : i32
      %select_n3A_693 = arith.select %and3A_690, %sub3A_692, %div3A_671 : i32
      %jit3A_694 = arith.constant 128 : i32
      %eq3A_695 = arith.constant 0 : i32
      %eq3A_696 = arith.cmpi eq, %jit3A_694, %eq3A_695 : i32
      %jit3A_697 = arith.constant 1 : i32
      %select_n3A_698 = arith.select %eq3A_696, %jit3A_697, %jit3A_694 : i32
      %rem3A_699 = arith.remsi %add3A_669, %select_n3A_698 : i32
      %ne3A_700 = arith.constant 0 : i32
      %ne3A_701 = arith.cmpi ne, %rem3A_699, %ne3A_700 : i32
      %lt3A_702 = arith.constant 0 : i32
      %lt3A_703 = arith.cmpi slt, %rem3A_699, %lt3A_702 : i32
      %lt3A_704 = arith.constant 0 : i32
      %lt3A_705 = arith.cmpi slt, %select_n3A_698, %lt3A_704 : i32
      %ne3A_706 = arith.xori %lt3A_703, %lt3A_705 : i1
      %and3A_707 = arith.andi %ne3A_706, %ne3A_701 : i1
      %add3A_708 = arith.addi %rem3A_699, %select_n3A_698 : i32
      %select_n3A_709 = arith.select %and3A_707, %add3A_708, %rem3A_699 : i32
      %dma_start3A_710 = arith.constant 0 : i32
      %dma_start3A_711 = arith.constant 0 : i32
      %dma_start3A_712 = tpu.memref_slice %arg6[%dma_start3A_710, %select_n3A_693, %dma_start3A_711, %select_n3A_709] : memref<125x1600x8x128xf32, #tpu.memory_space<hbm>> -> memref<125x1x8x32xf32, #tpu.memory_space<hbm>>
      %dma_start3A_713 = tpu.memref_squeeze %dma_start3A_712 : memref<125x1x8x32xf32, #tpu.memory_space<hbm>> -> memref<125x8x32xf32, #tpu.memory_space<hbm>>
      %dma_start3A_714 = arith.constant 0 : i32
      %dma_start3A_715 = arith.constant 0 : i32
      %dma_start3A_716 = tpu.memref_slice %arg6[%dma_start3A_714, %select_n3A_693, %dma_start3A_715, %select_n3A_709] : memref<125x1600x8x128xf32, #tpu.memory_space<hbm>> -> memref<125x1x8x32xf32, #tpu.memory_space<hbm>>
      %dma_start3A_717 = tpu.memref_squeeze %dma_start3A_716 : memref<125x1x8x32xf32, #tpu.memory_space<hbm>> -> memref<125x8x32xf32, #tpu.memory_space<hbm>>
      tpu.enqueue_dma source(%arg14 : memref<125x8x32xf32, #tpu.memory_space<vmem>>) target(%dma_start3A_717 : memref<125x8x32xf32, #tpu.memory_space<hbm>>) target_semaphore(%arg19 : memref<!tpu.dma_semaphore, #tpu.memory_space<semaphore_mem>>)
      %add3A_718 = arith.constant 2 : i32
      %add3A_719 = arith.addi %add3A_642, %add3A_718 : i32
      %mul3A_720 = arith.constant 16 : i32
      %mul3A_721 = arith.muli %add3A_719, %mul3A_720 : i32
      %dma_start3A_722 = tpu.memref_slice %arg8[%mul3A_721] : memref<6400xi32, #tpu.memory_space<vmem>> -> memref<16xi32, #tpu.memory_space<vmem>>
      %dma_start3A_723 = arith.constant 0 : i32
      %dma_start3A_724 = arith.constant 0 : i32
      %dma_start3A_725 = tpu.memref_slice %arg2[%dma_start3A_723, %dma_start3A_724] : memref<1000x1000xf32, #tpu.memory_space<hbm>> -> memref<1000x1000xf32, #tpu.memory_space<hbm>>
      tpu.enqueue_indirect_dma source(%dma_start3A_725 : memref<1000x1000xf32, #tpu.memory_space<hbm>>) target(%arg12 : memref<16x1000xf32, #tpu.memory_space<vmem>>) offsets(%dma_start3A_722 : memref<16xi32, #tpu.memory_space<vmem>>) semaphore(%arg17 : memref<!tpu.dma_semaphore, #tpu.memory_space<semaphore_mem>>)
      %scan3A_726 = arith.constant 0 : i32
      scf.yield %scan3A_726 : i32
    }
    %scan3A_229 = arith.constant 98 : i32
    %dma_wait3A_230 = arith.constant 0 : i32
    %dma_wait3A_231 = tpu.memref_slice %arg8[%dma_wait3A_230] : memref<6400xi32, #tpu.memory_space<vmem>> -> memref<16xi32, #tpu.memory_space<vmem>>
    %dma_wait3A_232 = arith.constant 0 : i32
    %dma_wait3A_233 = arith.constant 0 : i32
    %dma_wait3A_234 = tpu.memref_slice %arg2[%dma_wait3A_232, %dma_wait3A_233] : memref<1000x1000xf32, #tpu.memory_space<hbm>> -> memref<1000x1000xf32, #tpu.memory_space<hbm>>
    tpu.wait_indirect_dma semaphore(%arg16 : memref<!tpu.dma_semaphore, #tpu.memory_space<semaphore_mem>>) src(%dma_wait3A_234 : memref<1000x1000xf32, #tpu.memory_space<hbm>>) dst(%arg11 : memref<16x1000xf32, #tpu.memory_space<vmem>>)
    %dma_wait3A_235 = arith.constant 0 : i32
    %dma_wait3A_236 = arith.constant 0 : i32
    %dma_wait3A_237 = arith.constant 0 : i32
    %dma_wait3A_238 = tpu.memref_slice %arg6[%dma_wait3A_235, %select_n3A, %dma_wait3A_236, %dma_wait3A_237] : memref<125x1600x8x128xf32, #tpu.memory_space<hbm>> -> memref<125x1x8x32xf32, #tpu.memory_space<hbm>>
    %dma_wait3A_239 = tpu.memref_squeeze %dma_wait3A_238 : memref<125x1x8x32xf32, #tpu.memory_space<hbm>> -> memref<125x8x32xf32, #tpu.memory_space<hbm>>
    %dma_wait3A_240 = arith.constant 0 : i32
    %dma_wait3A_241 = arith.constant 0 : i32
    %dma_wait3A_242 = arith.constant 0 : i32
    %dma_wait3A_243 = tpu.memref_slice %arg6[%dma_wait3A_240, %select_n3A, %dma_wait3A_241, %dma_wait3A_242] : memref<125x1600x8x128xf32, #tpu.memory_space<hbm>> -> memref<125x1x8x32xf32, #tpu.memory_space<hbm>>
    %dma_wait3A_244 = tpu.memref_squeeze %dma_wait3A_243 : memref<125x1x8x32xf32, #tpu.memory_space<hbm>> -> memref<125x8x32xf32, #tpu.memory_space<hbm>>
    tpu.wait_dma2 semaphore(%arg18 : memref<!tpu.dma_semaphore, #tpu.memory_space<semaphore_mem>>) src(%arg13 : memref<125x8x32xf32, #tpu.memory_space<vmem>>) dst(%dma_wait3A_244 : memref<125x8x32xf32, #tpu.memory_space<hbm>>)
    %get3A_245 = arith.constant 6336 : index
    %get3A_246 = tpu.vector_load %arg8[%get3A_245] {strides = array<i32>} : memref<6400xi32, #tpu.memory_space<vmem>>, vector<16xi32>,
    %get3A_247 = arith.constant 6336 : index
    %get3A_248 = tpu.vector_load %arg9[%get3A_247] {strides = array<i32>} : memref<6400xi32, #tpu.memory_space<vmem>>, vector<16xi32>,
    %gather3A_249 = tpu.vector_load_idx %arg11[%iota3A, %get3A_248] : memref<16x1000xf32, #tpu.memory_space<vmem>>[vector<16xi32>, vector<16xi32>], vector<16xf32>,
    %gather3A_250 = tpu.vector_load_idx %arg10[%get3A_246] : memref<1000xf32, #tpu.memory_space<vmem>>[vector<16xi32>], vector<16xf32>,
    %get3A_251 = arith.constant 0 : index
    %get3A_252 = tpu.vector_load %arg15[%get3A_251] {strides = array<i32>} : memref<16xf32, #tpu.memory_space<vmem>>, vector<16xf32>,
    %sub3A_253 = arith.subf %gather3A_250, %gather3A_249 : vector<16xf32>
    %add3A_254 = arith.addf %get3A_252, %sub3A_253 : vector<16xf32>
    %swap3A_255 = arith.constant 0 : index
    %swap3A_256 = tpu.vector_load %arg15[%swap3A_255] {strides = array<i32>} : memref<16xf32, #tpu.memory_space<vmem>>, vector<16xf32>,
    tpu.vector_store %arg15[%swap3A_255], %add3A_254 {strides = array<i32>} : memref<16xf32, #tpu.memory_space<vmem>>, vector<16xf32>,
    %parallel_loop3A_257 = arith.constant 0 : i32
    %parallel_loop3A_258 = arith.constant 125 : i32
    %parallel_loop3A_259 = arith.constant 1 : i32
    scf.for %parallel_loop3A_462 = %parallel_loop3A_257 to %parallel_loop3A_258 step %parallel_loop3A_259  : i32 {
      %parallel_loop3A_463 = arith.constant 8 : i32
      %parallel_loop3A_464 = arith.muli %parallel_loop3A_462, %parallel_loop3A_463 : i32
      %parallel_loop3A_465 = arith.constant 0 : i32
      %parallel_loop3A_466 = arith.addi %parallel_loop3A_464, %parallel_loop3A_465 : i32
      %parallel_loop3A_467 = vector.broadcast %parallel_loop3A_466 : i32 to vector<16xi32>
      %parallel_loop3A_468 = tpu.vector_load_idx %arg11[%iota3A, %parallel_loop3A_467] : memref<16x1000xf32, #tpu.memory_space<vmem>>[vector<16xi32>, vector<16xi32>], vector<16xf32>,
      %parallel_loop3A_469 = arith.constant 0 : i32
      %parallel_loop3A_470 = arith.index_cast %parallel_loop3A_462 : i32 to index
      %parallel_loop3A_471 = arith.index_cast %parallel_loop3A_469 : i32 to index
      %parallel_loop3A_472 = arith.constant 0 : index
      %parallel_loop3A_473 = tpu.vector_load %arg13[%parallel_loop3A_470, %parallel_loop3A_471, %parallel_loop3A_472] {strides = array<i32>} : memref<125x8x32xf32, #tpu.memory_space<vmem>>, vector<16xf32>,
      tpu.vector_store %arg13[%parallel_loop3A_470, %parallel_loop3A_471, %parallel_loop3A_472], %parallel_loop3A_468 {strides = array<i32>} : memref<125x8x32xf32, #tpu.memory_space<vmem>>, vector<16xf32>,
      %parallel_loop3A_474 = arith.constant 1 : i32
      %parallel_loop3A_475 = arith.addi %parallel_loop3A_464, %parallel_loop3A_474 : i32
      %parallel_loop3A_476 = vector.broadcast %parallel_loop3A_475 : i32 to vector<16xi32>
      %parallel_loop3A_477 = tpu.vector_load_idx %arg11[%iota3A, %parallel_loop3A_476] : memref<16x1000xf32, #tpu.memory_space<vmem>>[vector<16xi32>, vector<16xi32>], vector<16xf32>,
      %parallel_loop3A_478 = arith.constant 1 : i32
      %parallel_loop3A_479 = arith.index_cast %parallel_loop3A_462 : i32 to index
      %parallel_loop3A_480 = arith.index_cast %parallel_loop3A_478 : i32 to index
      %parallel_loop3A_481 = arith.constant 0 : index
      %parallel_loop3A_482 = tpu.vector_load %arg13[%parallel_loop3A_479, %parallel_loop3A_480, %parallel_loop3A_481] {strides = array<i32>} : memref<125x8x32xf32, #tpu.memory_space<vmem>>, vector<16xf32>,
      tpu.vector_store %arg13[%parallel_loop3A_479, %parallel_loop3A_480, %parallel_loop3A_481], %parallel_loop3A_477 {strides = array<i32>} : memref<125x8x32xf32, #tpu.memory_space<vmem>>, vector<16xf32>,
      %parallel_loop3A_483 = arith.constant 2 : i32
      %parallel_loop3A_484 = arith.addi %parallel_loop3A_464, %parallel_loop3A_483 : i32
      %parallel_loop3A_485 = vector.broadcast %parallel_loop3A_484 : i32 to vector<16xi32>
      %parallel_loop3A_486 = tpu.vector_load_idx %arg11[%iota3A, %parallel_loop3A_485] : memref<16x1000xf32, #tpu.memory_space<vmem>>[vector<16xi32>, vector<16xi32>], vector<16xf32>,
      %parallel_loop3A_487 = arith.constant 2 : i32
      %parallel_loop3A_488 = arith.index_cast %parallel_loop3A_462 : i32 to index
      %parallel_loop3A_489 = arith.index_cast %parallel_loop3A_487 : i32 to index
      %parallel_loop3A_490 = arith.constant 0 : index
      %parallel_loop3A_491 = tpu.vector_load %arg13[%parallel_loop3A_488, %parallel_loop3A_489, %parallel_loop3A_490] {strides = array<i32>} : memref<125x8x32xf32, #tpu.memory_space<vmem>>, vector<16xf32>,
      tpu.vector_store %arg13[%parallel_loop3A_488, %parallel_loop3A_489, %parallel_loop3A_490], %parallel_loop3A_486 {strides = array<i32>} : memref<125x8x32xf32, #tpu.memory_space<vmem>>, vector<16xf32>,
      %parallel_loop3A_492 = arith.constant 3 : i32
      %parallel_loop3A_493 = arith.addi %parallel_loop3A_464, %parallel_loop3A_492 : i32
      %parallel_loop3A_494 = vector.broadcast %parallel_loop3A_493 : i32 to vector<16xi32>
      %parallel_loop3A_495 = tpu.vector_load_idx %arg11[%iota3A, %parallel_loop3A_494] : memref<16x1000xf32, #tpu.memory_space<vmem>>[vector<16xi32>, vector<16xi32>], vector<16xf32>,
      %parallel_loop3A_496 = arith.constant 3 : i32
      %parallel_loop3A_497 = arith.index_cast %parallel_loop3A_462 : i32 to index
      %parallel_loop3A_498 = arith.index_cast %parallel_loop3A_496 : i32 to index
      %parallel_loop3A_499 = arith.constant 0 : index
      %parallel_loop3A_500 = tpu.vector_load %arg13[%parallel_loop3A_497, %parallel_loop3A_498, %parallel_loop3A_499] {strides = array<i32>} : memref<125x8x32xf32, #tpu.memory_space<vmem>>, vector<16xf32>,
      tpu.vector_store %arg13[%parallel_loop3A_497, %parallel_loop3A_498, %parallel_loop3A_499], %parallel_loop3A_495 {strides = array<i32>} : memref<125x8x32xf32, #tpu.memory_space<vmem>>, vector<16xf32>,
      %parallel_loop3A_501 = arith.constant 4 : i32
      %parallel_loop3A_502 = arith.addi %parallel_loop3A_464, %parallel_loop3A_501 : i32
      %parallel_loop3A_503 = vector.broadcast %parallel_loop3A_502 : i32 to vector<16xi32>
      %parallel_loop3A_504 = tpu.vector_load_idx %arg11[%iota3A, %parallel_loop3A_503] : memref<16x1000xf32, #tpu.memory_space<vmem>>[vector<16xi32>, vector<16xi32>], vector<16xf32>,
      %parallel_loop3A_505 = arith.constant 4 : i32
      %parallel_loop3A_506 = arith.index_cast %parallel_loop3A_462 : i32 to index
      %parallel_loop3A_507 = arith.index_cast %parallel_loop3A_505 : i32 to index
      %parallel_loop3A_508 = arith.constant 0 : index
      %parallel_loop3A_509 = tpu.vector_load %arg13[%parallel_loop3A_506, %parallel_loop3A_507, %parallel_loop3A_508] {strides = array<i32>} : memref<125x8x32xf32, #tpu.memory_space<vmem>>, vector<16xf32>,
      tpu.vector_store %arg13[%parallel_loop3A_506, %parallel_loop3A_507, %parallel_loop3A_508], %parallel_loop3A_504 {strides = array<i32>} : memref<125x8x32xf32, #tpu.memory_space<vmem>>, vector<16xf32>,
      %parallel_loop3A_510 = arith.constant 5 : i32
      %parallel_loop3A_511 = arith.addi %parallel_loop3A_464, %parallel_loop3A_510 : i32
      %parallel_loop3A_512 = vector.broadcast %parallel_loop3A_511 : i32 to vector<16xi32>
      %parallel_loop3A_513 = tpu.vector_load_idx %arg11[%iota3A, %parallel_loop3A_512] : memref<16x1000xf32, #tpu.memory_space<vmem>>[vector<16xi32>, vector<16xi32>], vector<16xf32>,
      %parallel_loop3A_514 = arith.constant 5 : i32
      %parallel_loop3A_515 = arith.index_cast %parallel_loop3A_462 : i32 to index
      %parallel_loop3A_516 = arith.index_cast %parallel_loop3A_514 : i32 to index
      %parallel_loop3A_517 = arith.constant 0 : index
      %parallel_loop3A_518 = tpu.vector_load %arg13[%parallel_loop3A_515, %parallel_loop3A_516, %parallel_loop3A_517] {strides = array<i32>} : memref<125x8x32xf32, #tpu.memory_space<vmem>>, vector<16xf32>,
      tpu.vector_store %arg13[%parallel_loop3A_515, %parallel_loop3A_516, %parallel_loop3A_517], %parallel_loop3A_513 {strides = array<i32>} : memref<125x8x32xf32, #tpu.memory_space<vmem>>, vector<16xf32>,
      %parallel_loop3A_519 = arith.constant 6 : i32
      %parallel_loop3A_520 = arith.addi %parallel_loop3A_464, %parallel_loop3A_519 : i32
      %parallel_loop3A_521 = vector.broadcast %parallel_loop3A_520 : i32 to vector<16xi32>
      %parallel_loop3A_522 = tpu.vector_load_idx %arg11[%iota3A, %parallel_loop3A_521] : memref<16x1000xf32, #tpu.memory_space<vmem>>[vector<16xi32>, vector<16xi32>], vector<16xf32>,
      %parallel_loop3A_523 = arith.constant 6 : i32
      %parallel_loop3A_524 = arith.index_cast %parallel_loop3A_462 : i32 to index
      %parallel_loop3A_525 = arith.index_cast %parallel_loop3A_523 : i32 to index
      %parallel_loop3A_526 = arith.constant 0 : index
      %parallel_loop3A_527 = tpu.vector_load %arg13[%parallel_loop3A_524, %parallel_loop3A_525, %parallel_loop3A_526] {strides = array<i32>} : memref<125x8x32xf32, #tpu.memory_space<vmem>>, vector<16xf32>,
      tpu.vector_store %arg13[%parallel_loop3A_524, %parallel_loop3A_525, %parallel_loop3A_526], %parallel_loop3A_522 {strides = array<i32>} : memref<125x8x32xf32, #tpu.memory_space<vmem>>, vector<16xf32>,
      %parallel_loop3A_528 = arith.constant 7 : i32
      %parallel_loop3A_529 = arith.addi %parallel_loop3A_464, %parallel_loop3A_528 : i32
      %parallel_loop3A_530 = vector.broadcast %parallel_loop3A_529 : i32 to vector<16xi32>
      %parallel_loop3A_531 = tpu.vector_load_idx %arg11[%iota3A, %parallel_loop3A_530] : memref<16x1000xf32, #tpu.memory_space<vmem>>[vector<16xi32>, vector<16xi32>], vector<16xf32>,
      %parallel_loop3A_532 = arith.constant 7 : i32
      %parallel_loop3A_533 = arith.index_cast %parallel_loop3A_462 : i32 to index
      %parallel_loop3A_534 = arith.index_cast %parallel_loop3A_532 : i32 to index
      %parallel_loop3A_535 = arith.constant 0 : index
      %parallel_loop3A_536 = tpu.vector_load %arg13[%parallel_loop3A_533, %parallel_loop3A_534, %parallel_loop3A_535] {strides = array<i32>} : memref<125x8x32xf32, #tpu.memory_space<vmem>>, vector<16xf32>,
      tpu.vector_store %arg13[%parallel_loop3A_533, %parallel_loop3A_534, %parallel_loop3A_535], %parallel_loop3A_531 {strides = array<i32>} : memref<125x8x32xf32, #tpu.memory_space<vmem>>, vector<16xf32>,
    } {sc.loop_unroll_factor = 4 : i64, sc.parallel_access}
    %dma_start3A_260 = arith.constant 6368 : i32
    %dma_start3A_261 = tpu.memref_slice %arg8[%dma_start3A_260] : memref<6400xi32, #tpu.memory_space<vmem>> -> memref<16xi32, #tpu.memory_space<vmem>>
    %dma_start3A_262 = arith.constant 0 : i32
    %dma_start3A_263 = arith.constant 0 : i32
    %dma_start3A_264 = tpu.memref_slice %arg2[%dma_start3A_262, %dma_start3A_263] : memref<1000x1000xf32, #tpu.memory_space<hbm>> -> memref<1000x1000xf32, #tpu.memory_space<hbm>>
    tpu.enqueue_indirect_dma source(%dma_start3A_264 : memref<1000x1000xf32, #tpu.memory_space<hbm>>) target(%arg11 : memref<16x1000xf32, #tpu.memory_space<vmem>>) offsets(%dma_start3A_261 : memref<16xi32, #tpu.memory_space<vmem>>) semaphore(%arg16 : memref<!tpu.dma_semaphore, #tpu.memory_space<semaphore_mem>>)
    %dma_wait3A_265 = arith.constant 0 : i32
    %dma_wait3A_266 = tpu.memref_slice %arg8[%dma_wait3A_265] : memref<6400xi32, #tpu.memory_space<vmem>> -> memref<16xi32, #tpu.memory_space<vmem>>
    %dma_wait3A_267 = arith.constant 0 : i32
    %dma_wait3A_268 = arith.constant 0 : i32
    %dma_wait3A_269 = tpu.memref_slice %arg2[%dma_wait3A_267, %dma_wait3A_268] : memref<1000x1000xf32, #tpu.memory_space<hbm>> -> memref<1000x1000xf32, #tpu.memory_space<hbm>>
    tpu.wait_indirect_dma semaphore(%arg17 : memref<!tpu.dma_semaphore, #tpu.memory_space<semaphore_mem>>) src(%dma_wait3A_269 : memref<1000x1000xf32, #tpu.memory_space<hbm>>) dst(%arg12 : memref<16x1000xf32, #tpu.memory_space<vmem>>)
    %get3A_270 = arith.constant 6352 : index
    %get3A_271 = tpu.vector_load %arg8[%get3A_270] {strides = array<i32>} : memref<6400xi32, #tpu.memory_space<vmem>>, vector<16xi32>,
    %get3A_272 = arith.constant 6352 : index
    %get3A_273 = tpu.vector_load %arg9[%get3A_272] {strides = array<i32>} : memref<6400xi32, #tpu.memory_space<vmem>>, vector<16xi32>,
    %gather3A_274 = tpu.vector_load_idx %arg12[%iota3A, %get3A_273] : memref<16x1000xf32, #tpu.memory_space<vmem>>[vector<16xi32>, vector<16xi32>], vector<16xf32>,
    %gather3A_275 = tpu.vector_load_idx %arg10[%get3A_271] : memref<1000xf32, #tpu.memory_space<vmem>>[vector<16xi32>], vector<16xf32>,
    %get3A_276 = arith.constant 0 : index
    %get3A_277 = tpu.vector_load %arg15[%get3A_276] {strides = array<i32>} : memref<16xf32, #tpu.memory_space<vmem>>, vector<16xf32>,
    %sub3A_278 = arith.subf %gather3A_275, %gather3A_274 : vector<16xf32>
    %add3A_279 = arith.addf %get3A_277, %sub3A_278 : vector<16xf32>
    %swap3A_280 = arith.constant 0 : index
    %swap3A_281 = tpu.vector_load %arg15[%swap3A_280] {strides = array<i32>} : memref<16xf32, #tpu.memory_space<vmem>>, vector<16xf32>,
    tpu.vector_store %arg15[%swap3A_280], %add3A_279 {strides = array<i32>} : memref<16xf32, #tpu.memory_space<vmem>>, vector<16xf32>,
    %parallel_loop3A_282 = arith.constant 0 : i32
    %parallel_loop3A_283 = arith.constant 125 : i32
    %parallel_loop3A_284 = arith.constant 1 : i32
    scf.for %parallel_loop3A_462 = %parallel_loop3A_282 to %parallel_loop3A_283 step %parallel_loop3A_284  : i32 {
      %parallel_loop3A_463 = arith.constant 8 : i32
      %parallel_loop3A_464 = arith.muli %parallel_loop3A_462, %parallel_loop3A_463 : i32
      %parallel_loop3A_465 = arith.constant 0 : i32
      %parallel_loop3A_466 = arith.addi %parallel_loop3A_464, %parallel_loop3A_465 : i32
      %parallel_loop3A_467 = vector.broadcast %parallel_loop3A_466 : i32 to vector<16xi32>
      %parallel_loop3A_468 = tpu.vector_load_idx %arg12[%iota3A, %parallel_loop3A_467] : memref<16x1000xf32, #tpu.memory_space<vmem>>[vector<16xi32>, vector<16xi32>], vector<16xf32>,
      %parallel_loop3A_469 = arith.constant 0 : i32
      %parallel_loop3A_470 = arith.index_cast %parallel_loop3A_462 : i32 to index
      %parallel_loop3A_471 = arith.index_cast %parallel_loop3A_469 : i32 to index
      %parallel_loop3A_472 = arith.constant 16 : index
      %parallel_loop3A_473 = tpu.vector_load %arg13[%parallel_loop3A_470, %parallel_loop3A_471, %parallel_loop3A_472] {strides = array<i32>} : memref<125x8x32xf32, #tpu.memory_space<vmem>>, vector<16xf32>,
      tpu.vector_store %arg13[%parallel_loop3A_470, %parallel_loop3A_471, %parallel_loop3A_472], %parallel_loop3A_468 {strides = array<i32>} : memref<125x8x32xf32, #tpu.memory_space<vmem>>, vector<16xf32>,
      %parallel_loop3A_474 = arith.constant 1 : i32
      %parallel_loop3A_475 = arith.addi %parallel_loop3A_464, %parallel_loop3A_474 : i32
      %parallel_loop3A_476 = vector.broadcast %parallel_loop3A_475 : i32 to vector<16xi32>
      %parallel_loop3A_477 = tpu.vector_load_idx %arg12[%iota3A, %parallel_loop3A_476] : memref<16x1000xf32, #tpu.memory_space<vmem>>[vector<16xi32>, vector<16xi32>], vector<16xf32>,
      %parallel_loop3A_478 = arith.constant 1 : i32
      %parallel_loop3A_479 = arith.index_cast %parallel_loop3A_462 : i32 to index
      %parallel_loop3A_480 = arith.index_cast %parallel_loop3A_478 : i32 to index
      %parallel_loop3A_481 = arith.constant 16 : index
      %parallel_loop3A_482 = tpu.vector_load %arg13[%parallel_loop3A_479, %parallel_loop3A_480, %parallel_loop3A_481] {strides = array<i32>} : memref<125x8x32xf32, #tpu.memory_space<vmem>>, vector<16xf32>,
      tpu.vector_store %arg13[%parallel_loop3A_479, %parallel_loop3A_480, %parallel_loop3A_481], %parallel_loop3A_477 {strides = array<i32>} : memref<125x8x32xf32, #tpu.memory_space<vmem>>, vector<16xf32>,
      %parallel_loop3A_483 = arith.constant 2 : i32
      %parallel_loop3A_484 = arith.addi %parallel_loop3A_464, %parallel_loop3A_483 : i32
      %parallel_loop3A_485 = vector.broadcast %parallel_loop3A_484 : i32 to vector<16xi32>
      %parallel_loop3A_486 = tpu.vector_load_idx %arg12[%iota3A, %parallel_loop3A_485] : memref<16x1000xf32, #tpu.memory_space<vmem>>[vector<16xi32>, vector<16xi32>], vector<16xf32>,
      %parallel_loop3A_487 = arith.constant 2 : i32
      %parallel_loop3A_488 = arith.index_cast %parallel_loop3A_462 : i32 to index
      %parallel_loop3A_489 = arith.index_cast %parallel_loop3A_487 : i32 to index
      %parallel_loop3A_490 = arith.constant 16 : index
      %parallel_loop3A_491 = tpu.vector_load %arg13[%parallel_loop3A_488, %parallel_loop3A_489, %parallel_loop3A_490] {strides = array<i32>} : memref<125x8x32xf32, #tpu.memory_space<vmem>>, vector<16xf32>,
      tpu.vector_store %arg13[%parallel_loop3A_488, %parallel_loop3A_489, %parallel_loop3A_490], %parallel_loop3A_486 {strides = array<i32>} : memref<125x8x32xf32, #tpu.memory_space<vmem>>, vector<16xf32>,
      %parallel_loop3A_492 = arith.constant 3 : i32
      %parallel_loop3A_493 = arith.addi %parallel_loop3A_464, %parallel_loop3A_492 : i32
      %parallel_loop3A_494 = vector.broadcast %parallel_loop3A_493 : i32 to vector<16xi32>
      %parallel_loop3A_495 = tpu.vector_load_idx %arg12[%iota3A, %parallel_loop3A_494] : memref<16x1000xf32, #tpu.memory_space<vmem>>[vector<16xi32>, vector<16xi32>], vector<16xf32>,
      %parallel_loop3A_496 = arith.constant 3 : i32
      %parallel_loop3A_497 = arith.index_cast %parallel_loop3A_462 : i32 to index
      %parallel_loop3A_498 = arith.index_cast %parallel_loop3A_496 : i32 to index
      %parallel_loop3A_499 = arith.constant 16 : index
      %parallel_loop3A_500 = tpu.vector_load %arg13[%parallel_loop3A_497, %parallel_loop3A_498, %parallel_loop3A_499] {strides = array<i32>} : memref<125x8x32xf32, #tpu.memory_space<vmem>>, vector<16xf32>,
      tpu.vector_store %arg13[%parallel_loop3A_497, %parallel_loop3A_498, %parallel_loop3A_499], %parallel_loop3A_495 {strides = array<i32>} : memref<125x8x32xf32, #tpu.memory_space<vmem>>, vector<16xf32>,
      %parallel_loop3A_501 = arith.constant 4 : i32
      %parallel_loop3A_502 = arith.addi %parallel_loop3A_464, %parallel_loop3A_501 : i32
      %parallel_loop3A_503 = vector.broadcast %parallel_loop3A_502 : i32 to vector<16xi32>
      %parallel_loop3A_504 = tpu.vector_load_idx %arg12[%iota3A, %parallel_loop3A_503] : memref<16x1000xf32, #tpu.memory_space<vmem>>[vector<16xi32>, vector<16xi32>], vector<16xf32>,
      %parallel_loop3A_505 = arith.constant 4 : i32
      %parallel_loop3A_506 = arith.index_cast %parallel_loop3A_462 : i32 to index
      %parallel_loop3A_507 = arith.index_cast %parallel_loop3A_505 : i32 to index
      %parallel_loop3A_508 = arith.constant 16 : index
      %parallel_loop3A_509 = tpu.vector_load %arg13[%parallel_loop3A_506, %parallel_loop3A_507, %parallel_loop3A_508] {strides = array<i32>} : memref<125x8x32xf32, #tpu.memory_space<vmem>>, vector<16xf32>,
      tpu.vector_store %arg13[%parallel_loop3A_506, %parallel_loop3A_507, %parallel_loop3A_508], %parallel_loop3A_504 {strides = array<i32>} : memref<125x8x32xf32, #tpu.memory_space<vmem>>, vector<16xf32>,
      %parallel_loop3A_510 = arith.constant 5 : i32
      %parallel_loop3A_511 = arith.addi %parallel_loop3A_464, %parallel_loop3A_510 : i32
      %parallel_loop3A_512 = vector.broadcast %parallel_loop3A_511 : i32 to vector<16xi32>
      %parallel_loop3A_513 = tpu.vector_load_idx %arg12[%iota3A, %parallel_loop3A_512] : memref<16x1000xf32, #tpu.memory_space<vmem>>[vector<16xi32>, vector<16xi32>], vector<16xf32>,
      %parallel_loop3A_514 = arith.constant 5 : i32
      %parallel_loop3A_515 = arith.index_cast %parallel_loop3A_462 : i32 to index
      %parallel_loop3A_516 = arith.index_cast %parallel_loop3A_514 : i32 to index
      %parallel_loop3A_517 = arith.constant 16 : index
      %parallel_loop3A_518 = tpu.vector_load %arg13[%parallel_loop3A_515, %parallel_loop3A_516, %parallel_loop3A_517] {strides = array<i32>} : memref<125x8x32xf32, #tpu.memory_space<vmem>>, vector<16xf32>,
      tpu.vector_store %arg13[%parallel_loop3A_515, %parallel_loop3A_516, %parallel_loop3A_517], %parallel_loop3A_513 {strides = array<i32>} : memref<125x8x32xf32, #tpu.memory_space<vmem>>, vector<16xf32>,
      %parallel_loop3A_519 = arith.constant 6 : i32
      %parallel_loop3A_520 = arith.addi %parallel_loop3A_464, %parallel_loop3A_519 : i32
      %parallel_loop3A_521 = vector.broadcast %parallel_loop3A_520 : i32 to vector<16xi32>
      %parallel_loop3A_522 = tpu.vector_load_idx %arg12[%iota3A, %parallel_loop3A_521] : memref<16x1000xf32, #tpu.memory_space<vmem>>[vector<16xi32>, vector<16xi32>], vector<16xf32>,
      %parallel_loop3A_523 = arith.constant 6 : i32
      %parallel_loop3A_524 = arith.index_cast %parallel_loop3A_462 : i32 to index
      %parallel_loop3A_525 = arith.index_cast %parallel_loop3A_523 : i32 to index
      %parallel_loop3A_526 = arith.constant 16 : index
      %parallel_loop3A_527 = tpu.vector_load %arg13[%parallel_loop3A_524, %parallel_loop3A_525, %parallel_loop3A_526] {strides = array<i32>} : memref<125x8x32xf32, #tpu.memory_space<vmem>>, vector<16xf32>,
      tpu.vector_store %arg13[%parallel_loop3A_524, %parallel_loop3A_525, %parallel_loop3A_526], %parallel_loop3A_522 {strides = array<i32>} : memref<125x8x32xf32, #tpu.memory_space<vmem>>, vector<16xf32>,
      %parallel_loop3A_528 = arith.constant 7 : i32
      %parallel_loop3A_529 = arith.addi %parallel_loop3A_464, %parallel_loop3A_528 : i32
      %parallel_loop3A_530 = vector.broadcast %parallel_loop3A_529 : i32 to vector<16xi32>
      %parallel_loop3A_531 = tpu.vector_load_idx %arg12[%iota3A, %parallel_loop3A_530] : memref<16x1000xf32, #tpu.memory_space<vmem>>[vector<16xi32>, vector<16xi32>], vector<16xf32>,
      %parallel_loop3A_532 = arith.constant 7 : i32
      %parallel_loop3A_533 = arith.index_cast %parallel_loop3A_462 : i32 to index
      %parallel_loop3A_534 = arith.index_cast %parallel_loop3A_532 : i32 to index
      %parallel_loop3A_535 = arith.constant 16 : index
      %parallel_loop3A_536 = tpu.vector_load %arg13[%parallel_loop3A_533, %parallel_loop3A_534, %parallel_loop3A_535] {strides = array<i32>} : memref<125x8x32xf32, #tpu.memory_space<vmem>>, vector<16xf32>,
      tpu.vector_store %arg13[%parallel_loop3A_533, %parallel_loop3A_534, %parallel_loop3A_535], %parallel_loop3A_531 {strides = array<i32>} : memref<125x8x32xf32, #tpu.memory_space<vmem>>, vector<16xf32>,
    } {sc.loop_unroll_factor = 4 : i64, sc.parallel_access}
    %add3A_285 = arith.constant 6336 : i32
    %add3A_286 = arith.addi %mul3A_2, %add3A_285 : i32
    %jit3A_287 = arith.constant 128 : i32
    %div3A_288 = arith.divsi %add3A_286, %jit3A_287 : i32
    %sign3A_289 = arith.constant 0 : i32
    %sign3A_290 = arith.cmpi sgt, %add3A_286, %sign3A_289 : i32
    %sign3A_291 = arith.extui %sign3A_290 : i1 to i32
    %sign3A_292 = arith.constant 0 : i32
    %sign3A_293 = arith.cmpi slt, %add3A_286, %sign3A_292 : i32
    %sign3A_294 = arith.extui %sign3A_293 : i1 to i32
    %sign3A_295 = arith.subi %sign3A_291, %sign3A_294 : i32
    %sign3A_296 = arith.constant 0 : i32
    %sign3A_297 = arith.cmpi sgt, %jit3A_287, %sign3A_296 : i32
    %sign3A_298 = arith.extui %sign3A_297 : i1 to i32
    %sign3A_299 = arith.constant 0 : i32
    %sign3A_300 = arith.cmpi slt, %jit3A_287, %sign3A_299 : i32
    %sign3A_301 = arith.extui %sign3A_300 : i1 to i32
    %sign3A_302 = arith.subi %sign3A_298, %sign3A_301 : i32
    %ne3A_303 = arith.cmpi ne, %sign3A_295, %sign3A_302 : i32
    %rem3A_304 = arith.remsi %add3A_286, %jit3A_287 : i32
    %ne3A_305 = arith.constant 0 : i32
    %ne3A_306 = arith.cmpi ne, %rem3A_304, %ne3A_305 : i32
    %and3A_307 = arith.andi %ne3A_303, %ne3A_306 : i1
    %sub3A_308 = arith.constant 1 : i32
    %sub3A_309 = arith.subi %div3A_288, %sub3A_308 : i32
    %select_n3A_310 = arith.select %and3A_307, %sub3A_309, %div3A_288 : i32
    %jit3A_311 = arith.constant 128 : i32
    %eq3A_312 = arith.constant 0 : i32
    %eq3A_313 = arith.cmpi eq, %jit3A_311, %eq3A_312 : i32
    %jit3A_314 = arith.constant 1 : i32
    %select_n3A_315 = arith.select %eq3A_313, %jit3A_314, %jit3A_311 : i32
    %rem3A_316 = arith.remsi %add3A_286, %select_n3A_315 : i32
    %ne3A_317 = arith.constant 0 : i32
    %ne3A_318 = arith.cmpi ne, %rem3A_316, %ne3A_317 : i32
    %lt3A_319 = arith.constant 0 : i32
    %lt3A_320 = arith.cmpi slt, %rem3A_316, %lt3A_319 : i32
    %lt3A_321 = arith.constant 0 : i32
    %lt3A_322 = arith.cmpi slt, %select_n3A_315, %lt3A_321 : i32
    %ne3A_323 = arith.xori %lt3A_320, %lt3A_322 : i1
    %and3A_324 = arith.andi %ne3A_323, %ne3A_318 : i1
    %add3A_325 = arith.addi %rem3A_316, %select_n3A_315 : i32
    %select_n3A_326 = arith.select %and3A_324, %add3A_325, %rem3A_316 : i32
    %dma_start3A_327 = arith.constant 0 : i32
    %dma_start3A_328 = arith.constant 0 : i32
    %dma_start3A_329 = tpu.memref_slice %arg6[%dma_start3A_327, %select_n3A_310, %dma_start3A_328, %select_n3A_326] : memref<125x1600x8x128xf32, #tpu.memory_space<hbm>> -> memref<125x1x8x32xf32, #tpu.memory_space<hbm>>
    %dma_start3A_330 = tpu.memref_squeeze %dma_start3A_329 : memref<125x1x8x32xf32, #tpu.memory_space<hbm>> -> memref<125x8x32xf32, #tpu.memory_space<hbm>>
    %dma_start3A_331 = arith.constant 0 : i32
    %dma_start3A_332 = arith.constant 0 : i32
    %dma_start3A_333 = tpu.memref_slice %arg6[%dma_start3A_331, %select_n3A_310, %dma_start3A_332, %select_n3A_326] : memref<125x1600x8x128xf32, #tpu.memory_space<hbm>> -> memref<125x1x8x32xf32, #tpu.memory_space<hbm>>
    %dma_start3A_334 = tpu.memref_squeeze %dma_start3A_333 : memref<125x1x8x32xf32, #tpu.memory_space<hbm>> -> memref<125x8x32xf32, #tpu.memory_space<hbm>>
    tpu.enqueue_dma source(%arg13 : memref<125x8x32xf32, #tpu.memory_space<vmem>>) target(%dma_start3A_334 : memref<125x8x32xf32, #tpu.memory_space<hbm>>) target_semaphore(%arg18 : memref<!tpu.dma_semaphore, #tpu.memory_space<semaphore_mem>>)
    %dma_start3A_335 = arith.constant 6384 : i32
    %dma_start3A_336 = tpu.memref_slice %arg8[%dma_start3A_335] : memref<6400xi32, #tpu.memory_space<vmem>> -> memref<16xi32, #tpu.memory_space<vmem>>
    %dma_start3A_337 = arith.constant 0 : i32
    %dma_start3A_338 = arith.constant 0 : i32
    %dma_start3A_339 = tpu.memref_slice %arg2[%dma_start3A_337, %dma_start3A_338] : memref<1000x1000xf32, #tpu.memory_space<hbm>> -> memref<1000x1000xf32, #tpu.memory_space<hbm>>
    tpu.enqueue_indirect_dma source(%dma_start3A_339 : memref<1000x1000xf32, #tpu.memory_space<hbm>>) target(%arg12 : memref<16x1000xf32, #tpu.memory_space<vmem>>) offsets(%dma_start3A_336 : memref<16xi32, #tpu.memory_space<vmem>>) semaphore(%arg17 : memref<!tpu.dma_semaphore, #tpu.memory_space<semaphore_mem>>)
    %dma_wait3A_340 = arith.constant 0 : i32
    %dma_wait3A_341 = tpu.memref_slice %arg8[%dma_wait3A_340] : memref<6400xi32, #tpu.memory_space<vmem>> -> memref<16xi32, #tpu.memory_space<vmem>>
    %dma_wait3A_342 = arith.constant 0 : i32
    %dma_wait3A_343 = arith.constant 0 : i32
    %dma_wait3A_344 = tpu.memref_slice %arg2[%dma_wait3A_342, %dma_wait3A_343] : memref<1000x1000xf32, #tpu.memory_space<hbm>> -> memref<1000x1000xf32, #tpu.memory_space<hbm>>
    tpu.wait_indirect_dma semaphore(%arg16 : memref<!tpu.dma_semaphore, #tpu.memory_space<semaphore_mem>>) src(%dma_wait3A_344 : memref<1000x1000xf32, #tpu.memory_space<hbm>>) dst(%arg11 : memref<16x1000xf32, #tpu.memory_space<vmem>>)
    %dma_wait3A_345 = arith.constant 0 : i32
    %dma_wait3A_346 = arith.constant 0 : i32
    %dma_wait3A_347 = arith.constant 0 : i32
    %dma_wait3A_348 = tpu.memref_slice %arg6[%dma_wait3A_345, %select_n3A, %dma_wait3A_346, %dma_wait3A_347] : memref<125x1600x8x128xf32, #tpu.memory_space<hbm>> -> memref<125x1x8x32xf32, #tpu.memory_space<hbm>>
    %dma_wait3A_349 = tpu.memref_squeeze %dma_wait3A_348 : memref<125x1x8x32xf32, #tpu.memory_space<hbm>> -> memref<125x8x32xf32, #tpu.memory_space<hbm>>
    %dma_wait3A_350 = arith.constant 0 : i32
    %dma_wait3A_351 = arith.constant 0 : i32
    %dma_wait3A_352 = arith.constant 0 : i32
    %dma_wait3A_353 = tpu.memref_slice %arg6[%dma_wait3A_350, %select_n3A, %dma_wait3A_351, %dma_wait3A_352] : memref<125x1600x8x128xf32, #tpu.memory_space<hbm>> -> memref<125x1x8x32xf32, #tpu.memory_space<hbm>>
    %dma_wait3A_354 = tpu.memref_squeeze %dma_wait3A_353 : memref<125x1x8x32xf32, #tpu.memory_space<hbm>> -> memref<125x8x32xf32, #tpu.memory_space<hbm>>
    tpu.wait_dma2 semaphore(%arg19 : memref<!tpu.dma_semaphore, #tpu.memory_space<semaphore_mem>>) src(%arg14 : memref<125x8x32xf32, #tpu.memory_space<vmem>>) dst(%dma_wait3A_354 : memref<125x8x32xf32, #tpu.memory_space<hbm>>)
    %get3A_355 = arith.constant 6368 : index
    %get3A_356 = tpu.vector_load %arg8[%get3A_355] {strides = array<i32>} : memref<6400xi32, #tpu.memory_space<vmem>>, vector<16xi32>,
    %get3A_357 = arith.constant 6368 : index
    %get3A_358 = tpu.vector_load %arg9[%get3A_357] {strides = array<i32>} : memref<6400xi32, #tpu.memory_space<vmem>>, vector<16xi32>,
    %gather3A_359 = tpu.vector_load_idx %arg11[%iota3A, %get3A_358] : memref<16x1000xf32, #tpu.memory_space<vmem>>[vector<16xi32>, vector<16xi32>], vector<16xf32>,
    %gather3A_360 = tpu.vector_load_idx %arg10[%get3A_356] : memref<1000xf32, #tpu.memory_space<vmem>>[vector<16xi32>], vector<16xf32>,
    %get3A_361 = arith.constant 0 : index
    %get3A_362 = tpu.vector_load %arg15[%get3A_361] {strides = array<i32>} : memref<16xf32, #tpu.memory_space<vmem>>, vector<16xf32>,
    %sub3A_363 = arith.subf %gather3A_360, %gather3A_359 : vector<16xf32>
    %add3A_364 = arith.addf %get3A_362, %sub3A_363 : vector<16xf32>
    %swap3A_365 = arith.constant 0 : index
    %swap3A_366 = tpu.vector_load %arg15[%swap3A_365] {strides = array<i32>} : memref<16xf32, #tpu.memory_space<vmem>>, vector<16xf32>,
    tpu.vector_store %arg15[%swap3A_365], %add3A_364 {strides = array<i32>} : memref<16xf32, #tpu.memory_space<vmem>>, vector<16xf32>,
    %parallel_loop3A_367 = arith.constant 0 : i32
    %parallel_loop3A_368 = arith.constant 125 : i32
    %parallel_loop3A_369 = arith.constant 1 : i32
    scf.for %parallel_loop3A_462 = %parallel_loop3A_367 to %parallel_loop3A_368 step %parallel_loop3A_369  : i32 {
      %parallel_loop3A_463 = arith.constant 8 : i32
      %parallel_loop3A_464 = arith.muli %parallel_loop3A_462, %parallel_loop3A_463 : i32
      %parallel_loop3A_465 = arith.constant 0 : i32
      %parallel_loop3A_466 = arith.addi %parallel_loop3A_464, %parallel_loop3A_465 : i32
      %parallel_loop3A_467 = vector.broadcast %parallel_loop3A_466 : i32 to vector<16xi32>
      %parallel_loop3A_468 = tpu.vector_load_idx %arg11[%iota3A, %parallel_loop3A_467] : memref<16x1000xf32, #tpu.memory_space<vmem>>[vector<16xi32>, vector<16xi32>], vector<16xf32>,
      %parallel_loop3A_469 = arith.constant 0 : i32
      %parallel_loop3A_470 = arith.index_cast %parallel_loop3A_462 : i32 to index
      %parallel_loop3A_471 = arith.index_cast %parallel_loop3A_469 : i32 to index
      %parallel_loop3A_472 = arith.constant 0 : index
      %parallel_loop3A_473 = tpu.vector_load %arg14[%parallel_loop3A_470, %parallel_loop3A_471, %parallel_loop3A_472] {strides = array<i32>} : memref<125x8x32xf32, #tpu.memory_space<vmem>>, vector<16xf32>,
      tpu.vector_store %arg14[%parallel_loop3A_470, %parallel_loop3A_471, %parallel_loop3A_472], %parallel_loop3A_468 {strides = array<i32>} : memref<125x8x32xf32, #tpu.memory_space<vmem>>, vector<16xf32>,
      %parallel_loop3A_474 = arith.constant 1 : i32
      %parallel_loop3A_475 = arith.addi %parallel_loop3A_464, %parallel_loop3A_474 : i32
      %parallel_loop3A_476 = vector.broadcast %parallel_loop3A_475 : i32 to vector<16xi32>
      %parallel_loop3A_477 = tpu.vector_load_idx %arg11[%iota3A, %parallel_loop3A_476] : memref<16x1000xf32, #tpu.memory_space<vmem>>[vector<16xi32>, vector<16xi32>], vector<16xf32>,
      %parallel_loop3A_478 = arith.constant 1 : i32
      %parallel_loop3A_479 = arith.index_cast %parallel_loop3A_462 : i32 to index
      %parallel_loop3A_480 = arith.index_cast %parallel_loop3A_478 : i32 to index
      %parallel_loop3A_481 = arith.constant 0 : index
      %parallel_loop3A_482 = tpu.vector_load %arg14[%parallel_loop3A_479, %parallel_loop3A_480, %parallel_loop3A_481] {strides = array<i32>} : memref<125x8x32xf32, #tpu.memory_space<vmem>>, vector<16xf32>,
      tpu.vector_store %arg14[%parallel_loop3A_479, %parallel_loop3A_480, %parallel_loop3A_481], %parallel_loop3A_477 {strides = array<i32>} : memref<125x8x32xf32, #tpu.memory_space<vmem>>, vector<16xf32>,
      %parallel_loop3A_483 = arith.constant 2 : i32
      %parallel_loop3A_484 = arith.addi %parallel_loop3A_464, %parallel_loop3A_483 : i32
      %parallel_loop3A_485 = vector.broadcast %parallel_loop3A_484 : i32 to vector<16xi32>
      %parallel_loop3A_486 = tpu.vector_load_idx %arg11[%iota3A, %parallel_loop3A_485] : memref<16x1000xf32, #tpu.memory_space<vmem>>[vector<16xi32>, vector<16xi32>], vector<16xf32>,
      %parallel_loop3A_487 = arith.constant 2 : i32
      %parallel_loop3A_488 = arith.index_cast %parallel_loop3A_462 : i32 to index
      %parallel_loop3A_489 = arith.index_cast %parallel_loop3A_487 : i32 to index
      %parallel_loop3A_490 = arith.constant 0 : index
      %parallel_loop3A_491 = tpu.vector_load %arg14[%parallel_loop3A_488, %parallel_loop3A_489, %parallel_loop3A_490] {strides = array<i32>} : memref<125x8x32xf32, #tpu.memory_space<vmem>>, vector<16xf32>,
      tpu.vector_store %arg14[%parallel_loop3A_488, %parallel_loop3A_489, %parallel_loop3A_490], %parallel_loop3A_486 {strides = array<i32>} : memref<125x8x32xf32, #tpu.memory_space<vmem>>, vector<16xf32>,
      %parallel_loop3A_492 = arith.constant 3 : i32
      %parallel_loop3A_493 = arith.addi %parallel_loop3A_464, %parallel_loop3A_492 : i32
      %parallel_loop3A_494 = vector.broadcast %parallel_loop3A_493 : i32 to vector<16xi32>
      %parallel_loop3A_495 = tpu.vector_load_idx %arg11[%iota3A, %parallel_loop3A_494] : memref<16x1000xf32, #tpu.memory_space<vmem>>[vector<16xi32>, vector<16xi32>], vector<16xf32>,
      %parallel_loop3A_496 = arith.constant 3 : i32
      %parallel_loop3A_497 = arith.index_cast %parallel_loop3A_462 : i32 to index
      %parallel_loop3A_498 = arith.index_cast %parallel_loop3A_496 : i32 to index
      %parallel_loop3A_499 = arith.constant 0 : index
      %parallel_loop3A_500 = tpu.vector_load %arg14[%parallel_loop3A_497, %parallel_loop3A_498, %parallel_loop3A_499] {strides = array<i32>} : memref<125x8x32xf32, #tpu.memory_space<vmem>>, vector<16xf32>,
      tpu.vector_store %arg14[%parallel_loop3A_497, %parallel_loop3A_498, %parallel_loop3A_499], %parallel_loop3A_495 {strides = array<i32>} : memref<125x8x32xf32, #tpu.memory_space<vmem>>, vector<16xf32>,
      %parallel_loop3A_501 = arith.constant 4 : i32
      %parallel_loop3A_502 = arith.addi %parallel_loop3A_464, %parallel_loop3A_501 : i32
      %parallel_loop3A_503 = vector.broadcast %parallel_loop3A_502 : i32 to vector<16xi32>
      %parallel_loop3A_504 = tpu.vector_load_idx %arg11[%iota3A, %parallel_loop3A_503] : memref<16x1000xf32, #tpu.memory_space<vmem>>[vector<16xi32>, vector<16xi32>], vector<16xf32>,
      %parallel_loop3A_505 = arith.constant 4 : i32
      %parallel_loop3A_506 = arith.index_cast %parallel_loop3A_462 : i32 to index
      %parallel_loop3A_507 = arith.index_cast %parallel_loop3A_505 : i32 to index
      %parallel_loop3A_508 = arith.constant 0 : index
      %parallel_loop3A_509 = tpu.vector_load %arg14[%parallel_loop3A_506, %parallel_loop3A_507, %parallel_loop3A_508] {strides = array<i32>} : memref<125x8x32xf32, #tpu.memory_space<vmem>>, vector<16xf32>,
      tpu.vector_store %arg14[%parallel_loop3A_506, %parallel_loop3A_507, %parallel_loop3A_508], %parallel_loop3A_504 {strides = array<i32>} : memref<125x8x32xf32, #tpu.memory_space<vmem>>, vector<16xf32>,
      %parallel_loop3A_510 = arith.constant 5 : i32
      %parallel_loop3A_511 = arith.addi %parallel_loop3A_464, %parallel_loop3A_510 : i32
      %parallel_loop3A_512 = vector.broadcast %parallel_loop3A_511 : i32 to vector<16xi32>
      %parallel_loop3A_513 = tpu.vector_load_idx %arg11[%iota3A, %parallel_loop3A_512] : memref<16x1000xf32, #tpu.memory_space<vmem>>[vector<16xi32>, vector<16xi32>], vector<16xf32>,
      %parallel_loop3A_514 = arith.constant 5 : i32
      %parallel_loop3A_515 = arith.index_cast %parallel_loop3A_462 : i32 to index
      %parallel_loop3A_516 = arith.index_cast %parallel_loop3A_514 : i32 to index
      %parallel_loop3A_517 = arith.constant 0 : index
      %parallel_loop3A_518 = tpu.vector_load %arg14[%parallel_loop3A_515, %parallel_loop3A_516, %parallel_loop3A_517] {strides = array<i32>} : memref<125x8x32xf32, #tpu.memory_space<vmem>>, vector<16xf32>,
      tpu.vector_store %arg14[%parallel_loop3A_515, %parallel_loop3A_516, %parallel_loop3A_517], %parallel_loop3A_513 {strides = array<i32>} : memref<125x8x32xf32, #tpu.memory_space<vmem>>, vector<16xf32>,
      %parallel_loop3A_519 = arith.constant 6 : i32
      %parallel_loop3A_520 = arith.addi %parallel_loop3A_464, %parallel_loop3A_519 : i32
      %parallel_loop3A_521 = vector.broadcast %parallel_loop3A_520 : i32 to vector<16xi32>
      %parallel_loop3A_522 = tpu.vector_load_idx %arg11[%iota3A, %parallel_loop3A_521] : memref<16x1000xf32, #tpu.memory_space<vmem>>[vector<16xi32>, vector<16xi32>], vector<16xf32>,
      %parallel_loop3A_523 = arith.constant 6 : i32
      %parallel_loop3A_524 = arith.index_cast %parallel_loop3A_462 : i32 to index
      %parallel_loop3A_525 = arith.index_cast %parallel_loop3A_523 : i32 to index
      %parallel_loop3A_526 = arith.constant 0 : index
      %parallel_loop3A_527 = tpu.vector_load %arg14[%parallel_loop3A_524, %parallel_loop3A_525, %parallel_loop3A_526] {strides = array<i32>} : memref<125x8x32xf32, #tpu.memory_space<vmem>>, vector<16xf32>,
      tpu.vector_store %arg14[%parallel_loop3A_524, %parallel_loop3A_525, %parallel_loop3A_526], %parallel_loop3A_522 {strides = array<i32>} : memref<125x8x32xf32, #tpu.memory_space<vmem>>, vector<16xf32>,
      %parallel_loop3A_528 = arith.constant 7 : i32
      %parallel_loop3A_529 = arith.addi %parallel_loop3A_464, %parallel_loop3A_528 : i32
      %parallel_loop3A_530 = vector.broadcast %parallel_loop3A_529 : i32 to vector<16xi32>
      %parallel_loop3A_531 = tpu.vector_load_idx %arg11[%iota3A, %parallel_loop3A_530] : memref<16x1000xf32, #tpu.memory_space<vmem>>[vector<16xi32>, vector<16xi32>], vector<16xf32>,
      %parallel_loop3A_532 = arith.constant 7 : i32
      %parallel_loop3A_533 = arith.index_cast %parallel_loop3A_462 : i32 to index
      %parallel_loop3A_534 = arith.index_cast %parallel_loop3A_532 : i32 to index
      %parallel_loop3A_535 = arith.constant 0 : index
      %parallel_loop3A_536 = tpu.vector_load %arg14[%parallel_loop3A_533, %parallel_loop3A_534, %parallel_loop3A_535] {strides = array<i32>} : memref<125x8x32xf32, #tpu.memory_space<vmem>>, vector<16xf32>,
      tpu.vector_store %arg14[%parallel_loop3A_533, %parallel_loop3A_534, %parallel_loop3A_535], %parallel_loop3A_531 {strides = array<i32>} : memref<125x8x32xf32, #tpu.memory_space<vmem>>, vector<16xf32>,
    } {sc.loop_unroll_factor = 4 : i64, sc.parallel_access}
    %dma_wait3A_370 = arith.constant 0 : i32
    %dma_wait3A_371 = tpu.memref_slice %arg8[%dma_wait3A_370] : memref<6400xi32, #tpu.memory_space<vmem>> -> memref<16xi32, #tpu.memory_space<vmem>>
    %dma_wait3A_372 = arith.constant 0 : i32
    %dma_wait3A_373 = arith.constant 0 : i32
    %dma_wait3A_374 = tpu.memref_slice %arg2[%dma_wait3A_372, %dma_wait3A_373] : memref<1000x1000xf32, #tpu.memory_space<hbm>> -> memref<1000x1000xf32, #tpu.memory_space<hbm>>
    tpu.wait_indirect_dma semaphore(%arg17 : memref<!tpu.dma_semaphore, #tpu.memory_space<semaphore_mem>>) src(%dma_wait3A_374 : memref<1000x1000xf32, #tpu.memory_space<hbm>>) dst(%arg12 : memref<16x1000xf32, #tpu.memory_space<vmem>>)
    %get3A_375 = arith.constant 6384 : index
    %get3A_376 = tpu.vector_load %arg8[%get3A_375] {strides = array<i32>} : memref<6400xi32, #tpu.memory_space<vmem>>, vector<16xi32>,
    %get3A_377 = arith.constant 6384 : index
    %get3A_378 = tpu.vector_load %arg9[%get3A_377] {strides = array<i32>} : memref<6400xi32, #tpu.memory_space<vmem>>, vector<16xi32>,
    %gather3A_379 = tpu.vector_load_idx %arg12[%iota3A, %get3A_378] : memref<16x1000xf32, #tpu.memory_space<vmem>>[vector<16xi32>, vector<16xi32>], vector<16xf32>,
    %gather3A_380 = tpu.vector_load_idx %arg10[%get3A_376] : memref<1000xf32, #tpu.memory_space<vmem>>[vector<16xi32>], vector<16xf32>,
    %get3A_381 = arith.constant 0 : index
    %get3A_382 = tpu.vector_load %arg15[%get3A_381] {strides = array<i32>} : memref<16xf32, #tpu.memory_space<vmem>>, vector<16xf32>,
    %sub3A_383 = arith.subf %gather3A_380, %gather3A_379 : vector<16xf32>
    %add3A_384 = arith.addf %get3A_382, %sub3A_383 : vector<16xf32>
    %swap3A_385 = arith.constant 0 : index
    %swap3A_386 = tpu.vector_load %arg15[%swap3A_385] {strides = array<i32>} : memref<16xf32, #tpu.memory_space<vmem>>, vector<16xf32>,
    tpu.vector_store %arg15[%swap3A_385], %add3A_384 {strides = array<i32>} : memref<16xf32, #tpu.memory_space<vmem>>, vector<16xf32>,
    %parallel_loop3A_387 = arith.constant 0 : i32
    %parallel_loop3A_388 = arith.constant 125 : i32
    %parallel_loop3A_389 = arith.constant 1 : i32
    scf.for %parallel_loop3A_462 = %parallel_loop3A_387 to %parallel_loop3A_388 step %parallel_loop3A_389  : i32 {
      %parallel_loop3A_463 = arith.constant 8 : i32
      %parallel_loop3A_464 = arith.muli %parallel_loop3A_462, %parallel_loop3A_463 : i32
      %parallel_loop3A_465 = arith.constant 0 : i32
      %parallel_loop3A_466 = arith.addi %parallel_loop3A_464, %parallel_loop3A_465 : i32
      %parallel_loop3A_467 = vector.broadcast %parallel_loop3A_466 : i32 to vector<16xi32>
      %parallel_loop3A_468 = tpu.vector_load_idx %arg12[%iota3A, %parallel_loop3A_467] : memref<16x1000xf32, #tpu.memory_space<vmem>>[vector<16xi32>, vector<16xi32>], vector<16xf32>,
      %parallel_loop3A_469 = arith.constant 0 : i32
      %parallel_loop3A_470 = arith.index_cast %parallel_loop3A_462 : i32 to index
      %parallel_loop3A_471 = arith.index_cast %parallel_loop3A_469 : i32 to index
      %parallel_loop3A_472 = arith.constant 16 : index
      %parallel_loop3A_473 = tpu.vector_load %arg14[%parallel_loop3A_470, %parallel_loop3A_471, %parallel_loop3A_472] {strides = array<i32>} : memref<125x8x32xf32, #tpu.memory_space<vmem>>, vector<16xf32>,
      tpu.vector_store %arg14[%parallel_loop3A_470, %parallel_loop3A_471, %parallel_loop3A_472], %parallel_loop3A_468 {strides = array<i32>} : memref<125x8x32xf32, #tpu.memory_space<vmem>>, vector<16xf32>,
      %parallel_loop3A_474 = arith.constant 1 : i32
      %parallel_loop3A_475 = arith.addi %parallel_loop3A_464, %parallel_loop3A_474 : i32
      %parallel_loop3A_476 = vector.broadcast %parallel_loop3A_475 : i32 to vector<16xi32>
      %parallel_loop3A_477 = tpu.vector_load_idx %arg12[%iota3A, %parallel_loop3A_476] : memref<16x1000xf32, #tpu.memory_space<vmem>>[vector<16xi32>, vector<16xi32>], vector<16xf32>,
      %parallel_loop3A_478 = arith.constant 1 : i32
      %parallel_loop3A_479 = arith.index_cast %parallel_loop3A_462 : i32 to index
      %parallel_loop3A_480 = arith.index_cast %parallel_loop3A_478 : i32 to index
      %parallel_loop3A_481 = arith.constant 16 : index
      %parallel_loop3A_482 = tpu.vector_load %arg14[%parallel_loop3A_479, %parallel_loop3A_480, %parallel_loop3A_481] {strides = array<i32>} : memref<125x8x32xf32, #tpu.memory_space<vmem>>, vector<16xf32>,
      tpu.vector_store %arg14[%parallel_loop3A_479, %parallel_loop3A_480, %parallel_loop3A_481], %parallel_loop3A_477 {strides = array<i32>} : memref<125x8x32xf32, #tpu.memory_space<vmem>>, vector<16xf32>,
      %parallel_loop3A_483 = arith.constant 2 : i32
      %parallel_loop3A_484 = arith.addi %parallel_loop3A_464, %parallel_loop3A_483 : i32
      %parallel_loop3A_485 = vector.broadcast %parallel_loop3A_484 : i32 to vector<16xi32>
      %parallel_loop3A_486 = tpu.vector_load_idx %arg12[%iota3A, %parallel_loop3A_485] : memref<16x1000xf32, #tpu.memory_space<vmem>>[vector<16xi32>, vector<16xi32>], vector<16xf32>,
      %parallel_loop3A_487 = arith.constant 2 : i32
      %parallel_loop3A_488 = arith.index_cast %parallel_loop3A_462 : i32 to index
      %parallel_loop3A_489 = arith.index_cast %parallel_loop3A_487 : i32 to index
      %parallel_loop3A_490 = arith.constant 16 : index
      %parallel_loop3A_491 = tpu.vector_load %arg14[%parallel_loop3A_488, %parallel_loop3A_489, %parallel_loop3A_490] {strides = array<i32>} : memref<125x8x32xf32, #tpu.memory_space<vmem>>, vector<16xf32>,
      tpu.vector_store %arg14[%parallel_loop3A_488, %parallel_loop3A_489, %parallel_loop3A_490], %parallel_loop3A_486 {strides = array<i32>} : memref<125x8x32xf32, #tpu.memory_space<vmem>>, vector<16xf32>,
      %parallel_loop3A_492 = arith.constant 3 : i32
      %parallel_loop3A_493 = arith.addi %parallel_loop3A_464, %parallel_loop3A_492 : i32
      %parallel_loop3A_494 = vector.broadcast %parallel_loop3A_493 : i32 to vector<16xi32>
      %parallel_loop3A_495 = tpu.vector_load_idx %arg12[%iota3A, %parallel_loop3A_494] : memref<16x1000xf32, #tpu.memory_space<vmem>>[vector<16xi32>, vector<16xi32>], vector<16xf32>,
      %parallel_loop3A_496 = arith.constant 3 : i32
      %parallel_loop3A_497 = arith.index_cast %parallel_loop3A_462 : i32 to index
      %parallel_loop3A_498 = arith.index_cast %parallel_loop3A_496 : i32 to index
      %parallel_loop3A_499 = arith.constant 16 : index
      %parallel_loop3A_500 = tpu.vector_load %arg14[%parallel_loop3A_497, %parallel_loop3A_498, %parallel_loop3A_499] {strides = array<i32>} : memref<125x8x32xf32, #tpu.memory_space<vmem>>, vector<16xf32>,
      tpu.vector_store %arg14[%parallel_loop3A_497, %parallel_loop3A_498, %parallel_loop3A_499], %parallel_loop3A_495 {strides = array<i32>} : memref<125x8x32xf32, #tpu.memory_space<vmem>>, vector<16xf32>,
      %parallel_loop3A_501 = arith.constant 4 : i32
      %parallel_loop3A_502 = arith.addi %parallel_loop3A_464, %parallel_loop3A_501 : i32
      %parallel_loop3A_503 = vector.broadcast %parallel_loop3A_502 : i32 to vector<16xi32>
      %parallel_loop3A_504 = tpu.vector_load_idx %arg12[%iota3A, %parallel_loop3A_503] : memref<16x1000xf32, #tpu.memory_space<vmem>>[vector<16xi32>, vector<16xi32>], vector<16xf32>,
      %parallel_loop3A_505 = arith.constant 4 : i32
      %parallel_loop3A_506 = arith.index_cast %parallel_loop3A_462 : i32 to index
      %parallel_loop3A_507 = arith.index_cast %parallel_loop3A_505 : i32 to index
      %parallel_loop3A_508 = arith.constant 16 : index
      %parallel_loop3A_509 = tpu.vector_load %arg14[%parallel_loop3A_506, %parallel_loop3A_507, %parallel_loop3A_508] {strides = array<i32>} : memref<125x8x32xf32, #tpu.memory_space<vmem>>, vector<16xf32>,
      tpu.vector_store %arg14[%parallel_loop3A_506, %parallel_loop3A_507, %parallel_loop3A_508], %parallel_loop3A_504 {strides = array<i32>} : memref<125x8x32xf32, #tpu.memory_space<vmem>>, vector<16xf32>,
      %parallel_loop3A_510 = arith.constant 5 : i32
      %parallel_loop3A_511 = arith.addi %parallel_loop3A_464, %parallel_loop3A_510 : i32
      %parallel_loop3A_512 = vector.broadcast %parallel_loop3A_511 : i32 to vector<16xi32>
      %parallel_loop3A_513 = tpu.vector_load_idx %arg12[%iota3A, %parallel_loop3A_512] : memref<16x1000xf32, #tpu.memory_space<vmem>>[vector<16xi32>, vector<16xi32>], vector<16xf32>,
      %parallel_loop3A_514 = arith.constant 5 : i32
      %parallel_loop3A_515 = arith.index_cast %parallel_loop3A_462 : i32 to index
      %parallel_loop3A_516 = arith.index_cast %parallel_loop3A_514 : i32 to index
      %parallel_loop3A_517 = arith.constant 16 : index
      %parallel_loop3A_518 = tpu.vector_load %arg14[%parallel_loop3A_515, %parallel_loop3A_516, %parallel_loop3A_517] {strides = array<i32>} : memref<125x8x32xf32, #tpu.memory_space<vmem>>, vector<16xf32>,
      tpu.vector_store %arg14[%parallel_loop3A_515, %parallel_loop3A_516, %parallel_loop3A_517], %parallel_loop3A_513 {strides = array<i32>} : memref<125x8x32xf32, #tpu.memory_space<vmem>>, vector<16xf32>,
      %parallel_loop3A_519 = arith.constant 6 : i32
      %parallel_loop3A_520 = arith.addi %parallel_loop3A_464, %parallel_loop3A_519 : i32
      %parallel_loop3A_521 = vector.broadcast %parallel_loop3A_520 : i32 to vector<16xi32>
      %parallel_loop3A_522 = tpu.vector_load_idx %arg12[%iota3A, %parallel_loop3A_521] : memref<16x1000xf32, #tpu.memory_space<vmem>>[vector<16xi32>, vector<16xi32>], vector<16xf32>,
      %parallel_loop3A_523 = arith.constant 6 : i32
      %parallel_loop3A_524 = arith.index_cast %parallel_loop3A_462 : i32 to index
      %parallel_loop3A_525 = arith.index_cast %parallel_loop3A_523 : i32 to index
      %parallel_loop3A_526 = arith.constant 16 : index
      %parallel_loop3A_527 = tpu.vector_load %arg14[%parallel_loop3A_524, %parallel_loop3A_525, %parallel_loop3A_526] {strides = array<i32>} : memref<125x8x32xf32, #tpu.memory_space<vmem>>, vector<16xf32>,
      tpu.vector_store %arg14[%parallel_loop3A_524, %parallel_loop3A_525, %parallel_loop3A_526], %parallel_loop3A_522 {strides = array<i32>} : memref<125x8x32xf32, #tpu.memory_space<vmem>>, vector<16xf32>,
      %parallel_loop3A_528 = arith.constant 7 : i32
      %parallel_loop3A_529 = arith.addi %parallel_loop3A_464, %parallel_loop3A_528 : i32
      %parallel_loop3A_530 = vector.broadcast %parallel_loop3A_529 : i32 to vector<16xi32>
      %parallel_loop3A_531 = tpu.vector_load_idx %arg12[%iota3A, %parallel_loop3A_530] : memref<16x1000xf32, #tpu.memory_space<vmem>>[vector<16xi32>, vector<16xi32>], vector<16xf32>,
      %parallel_loop3A_532 = arith.constant 7 : i32
      %parallel_loop3A_533 = arith.index_cast %parallel_loop3A_462 : i32 to index
      %parallel_loop3A_534 = arith.index_cast %parallel_loop3A_532 : i32 to index
      %parallel_loop3A_535 = arith.constant 16 : index
      %parallel_loop3A_536 = tpu.vector_load %arg14[%parallel_loop3A_533, %parallel_loop3A_534, %parallel_loop3A_535] {strides = array<i32>} : memref<125x8x32xf32, #tpu.memory_space<vmem>>, vector<16xf32>,
      tpu.vector_store %arg14[%parallel_loop3A_533, %parallel_loop3A_534, %parallel_loop3A_535], %parallel_loop3A_531 {strides = array<i32>} : memref<125x8x32xf32, #tpu.memory_space<vmem>>, vector<16xf32>,
    } {sc.loop_unroll_factor = 4 : i64, sc.parallel_access}
    %add3A_390 = arith.constant 6368 : i32
    %add3A_391 = arith.addi %mul3A_2, %add3A_390 : i32
    %jit3A_392 = arith.constant 128 : i32
    %div3A_393 = arith.divsi %add3A_391, %jit3A_392 : i32
    %sign3A_394 = arith.constant 0 : i32
    %sign3A_395 = arith.cmpi sgt, %add3A_391, %sign3A_394 : i32
    %sign3A_396 = arith.extui %sign3A_395 : i1 to i32
    %sign3A_397 = arith.constant 0 : i32
    %sign3A_398 = arith.cmpi slt, %add3A_391, %sign3A_397 : i32
    %sign3A_399 = arith.extui %sign3A_398 : i1 to i32
    %sign3A_400 = arith.subi %sign3A_396, %sign3A_399 : i32
    %sign3A_401 = arith.constant 0 : i32
    %sign3A_402 = arith.cmpi sgt, %jit3A_392, %sign3A_401 : i32
    %sign3A_403 = arith.extui %sign3A_402 : i1 to i32
    %sign3A_404 = arith.constant 0 : i32
    %sign3A_405 = arith.cmpi slt, %jit3A_392, %sign3A_404 : i32
    %sign3A_406 = arith.extui %sign3A_405 : i1 to i32
    %sign3A_407 = arith.subi %sign3A_403, %sign3A_406 : i32
    %ne3A_408 = arith.cmpi ne, %sign3A_400, %sign3A_407 : i32
    %rem3A_409 = arith.remsi %add3A_391, %jit3A_392 : i32
    %ne3A_410 = arith.constant 0 : i32
    %ne3A_411 = arith.cmpi ne, %rem3A_409, %ne3A_410 : i32
    %and3A_412 = arith.andi %ne3A_408, %ne3A_411 : i1
    %sub3A_413 = arith.constant 1 : i32
    %sub3A_414 = arith.subi %div3A_393, %sub3A_413 : i32
    %select_n3A_415 = arith.select %and3A_412, %sub3A_414, %div3A_393 : i32
    %jit3A_416 = arith.constant 128 : i32
    %eq3A_417 = arith.constant 0 : i32
    %eq3A_418 = arith.cmpi eq, %jit3A_416, %eq3A_417 : i32
    %jit3A_419 = arith.constant 1 : i32
    %select_n3A_420 = arith.select %eq3A_418, %jit3A_419, %jit3A_416 : i32
    %rem3A_421 = arith.remsi %add3A_391, %select_n3A_420 : i32
    %ne3A_422 = arith.constant 0 : i32
    %ne3A_423 = arith.cmpi ne, %rem3A_421, %ne3A_422 : i32
    %lt3A_424 = arith.constant 0 : i32
    %lt3A_425 = arith.cmpi slt, %rem3A_421, %lt3A_424 : i32
    %lt3A_426 = arith.constant 0 : i32
    %lt3A_427 = arith.cmpi slt, %select_n3A_420, %lt3A_426 : i32
    %ne3A_428 = arith.xori %lt3A_425, %lt3A_427 : i1
    %and3A_429 = arith.andi %ne3A_428, %ne3A_423 : i1
    %add3A_430 = arith.addi %rem3A_421, %select_n3A_420 : i32
    %select_n3A_431 = arith.select %and3A_429, %add3A_430, %rem3A_421 : i32
    %dma_start3A_432 = arith.constant 0 : i32
    %dma_start3A_433 = arith.constant 0 : i32
    %dma_start3A_434 = tpu.memref_slice %arg6[%dma_start3A_432, %select_n3A_415, %dma_start3A_433, %select_n3A_431] : memref<125x1600x8x128xf32, #tpu.memory_space<hbm>> -> memref<125x1x8x32xf32, #tpu.memory_space<hbm>>
    %dma_start3A_435 = tpu.memref_squeeze %dma_start3A_434 : memref<125x1x8x32xf32, #tpu.memory_space<hbm>> -> memref<125x8x32xf32, #tpu.memory_space<hbm>>
    %dma_start3A_436 = arith.constant 0 : i32
    %dma_start3A_437 = arith.constant 0 : i32
    %dma_start3A_438 = tpu.memref_slice %arg6[%dma_start3A_436, %select_n3A_415, %dma_start3A_437, %select_n3A_431] : memref<125x1600x8x128xf32, #tpu.memory_space<hbm>> -> memref<125x1x8x32xf32, #tpu.memory_space<hbm>>
    %dma_start3A_439 = tpu.memref_squeeze %dma_start3A_438 : memref<125x1x8x32xf32, #tpu.memory_space<hbm>> -> memref<125x8x32xf32, #tpu.memory_space<hbm>>
    tpu.enqueue_dma source(%arg14 : memref<125x8x32xf32, #tpu.memory_space<vmem>>) target(%dma_start3A_439 : memref<125x8x32xf32, #tpu.memory_space<hbm>>) target_semaphore(%arg19 : memref<!tpu.dma_semaphore, #tpu.memory_space<semaphore_mem>>)
    %dma_wait3A_440 = arith.constant 0 : i32
    %dma_wait3A_441 = arith.constant 0 : i32
    %dma_wait3A_442 = arith.constant 0 : i32
    %dma_wait3A_443 = tpu.memref_slice %arg6[%dma_wait3A_440, %select_n3A, %dma_wait3A_441, %dma_wait3A_442] : memref<125x1600x8x128xf32, #tpu.memory_space<hbm>> -> memref<125x1x8x32xf32, #tpu.memory_space<hbm>>
    %dma_wait3A_444 = tpu.memref_squeeze %dma_wait3A_443 : memref<125x1x8x32xf32, #tpu.memory_space<hbm>> -> memref<125x8x32xf32, #tpu.memory_space<hbm>>
    %dma_wait3A_445 = arith.constant 0 : i32
    %dma_wait3A_446 = arith.constant 0 : i32
    %dma_wait3A_447 = arith.constant 0 : i32
    %dma_wait3A_448 = tpu.memref_slice %arg6[%dma_wait3A_445, %select_n3A, %dma_wait3A_446, %dma_wait3A_447] : memref<125x1600x8x128xf32, #tpu.memory_space<hbm>> -> memref<125x1x8x32xf32, #tpu.memory_space<hbm>>
    %dma_wait3A_449 = tpu.memref_squeeze %dma_wait3A_448 : memref<125x1x8x32xf32, #tpu.memory_space<hbm>> -> memref<125x8x32xf32, #tpu.memory_space<hbm>>
    tpu.wait_dma2 semaphore(%arg18 : memref<!tpu.dma_semaphore, #tpu.memory_space<semaphore_mem>>) src(%arg13 : memref<125x8x32xf32, #tpu.memory_space<vmem>>) dst(%dma_wait3A_449 : memref<125x8x32xf32, #tpu.memory_space<hbm>>)
    %dma_wait3A_450 = arith.constant 0 : i32
    %dma_wait3A_451 = arith.constant 0 : i32
    %dma_wait3A_452 = arith.constant 0 : i32
    %dma_wait3A_453 = tpu.memref_slice %arg6[%dma_wait3A_450, %select_n3A, %dma_wait3A_451, %dma_wait3A_452] : memref<125x1600x8x128xf32, #tpu.memory_space<hbm>> -> memref<125x1x8x32xf32, #tpu.memory_space<hbm>>
    %dma_wait3A_454 = tpu.memref_squeeze %dma_wait3A_453 : memref<125x1x8x32xf32, #tpu.memory_space<hbm>> -> memref<125x8x32xf32, #tpu.memory_space<hbm>>
    %dma_wait3A_455 = arith.constant 0 : i32
    %dma_wait3A_456 = arith.constant 0 : i32
    %dma_wait3A_457 = arith.constant 0 : i32
    %dma_wait3A_458 = tpu.memref_slice %arg6[%dma_wait3A_455, %select_n3A, %dma_wait3A_456, %dma_wait3A_457] : memref<125x1600x8x128xf32, #tpu.memory_space<hbm>> -> memref<125x1x8x32xf32, #tpu.memory_space<hbm>>
    %dma_wait3A_459 = tpu.memref_squeeze %dma_wait3A_458 : memref<125x1x8x32xf32, #tpu.memory_space<hbm>> -> memref<125x8x32xf32, #tpu.memory_space<hbm>>
    tpu.wait_dma2 semaphore(%arg19 : memref<!tpu.dma_semaphore, #tpu.memory_space<semaphore_mem>>) src(%arg14 : memref<125x8x32xf32, #tpu.memory_space<vmem>>) dst(%dma_wait3A_459 : memref<125x8x32xf32, #tpu.memory_space<hbm>>)
    %mul3A_460 = arith.constant 16 : i32
    %mul3A_461 = arith.muli %add3A, %mul3A_460 : i32
    "tpu.region"() ({
      %run_scoped3A = tpu.sem_alloc : memref<!tpu.dma_semaphore, #tpu.memory_space<semaphore_mem>>
      %dma_start3A_462 = tpu.memref_slice %arg7[%mul3A_461] : memref<512xf32, #tpu.memory_space<hbm>> -> memref<16xf32, #tpu.memory_space<hbm>>
      %dma_start3A_463 = tpu.memref_slice %arg7[%mul3A_461] : memref<512xf32, #tpu.memory_space<hbm>> -> memref<16xf32, #tpu.memory_space<hbm>>
      tpu.enqueue_dma source(%arg15 : memref<16xf32, #tpu.memory_space<vmem>>) target(%dma_start3A_463 : memref<16xf32, #tpu.memory_space<hbm>>) target_semaphore(%run_scoped3A : memref<!tpu.dma_semaphore, #tpu.memory_space<semaphore_mem>>)
      %dma_wait3A_464 = tpu.memref_slice %arg7[%mul3A_461] : memref<512xf32, #tpu.memory_space<hbm>> -> memref<16xf32, #tpu.memory_space<hbm>>
      %dma_wait3A_465 = tpu.memref_slice %arg7[%mul3A_461] : memref<512xf32, #tpu.memory_space<hbm>> -> memref<16xf32, #tpu.memory_space<hbm>>
      tpu.wait_dma2 semaphore(%run_scoped3A : memref<!tpu.dma_semaphore, #tpu.memory_space<semaphore_mem>>) src(%arg15 : memref<16xf32, #tpu.memory_space<vmem>>) dst(%dma_wait3A_465 : memref<16xf32, #tpu.memory_space<hbm>>)
      tpu.yield
    }) : () -> ()
    return
  }
}

module attributes {stable_mosaic.version = 14 : i64} {
  func.func @_lse_body(%arg0: memref<1000x1000xf32, #tpu.memory_space<vmem>>, %arg1: memref<1000x1xf32, #tpu.memory_space<vmem>>) attributes {dimension_semantics = [], scalar_prefetch = 0 : i64, scratch_operands = 0 : i64, tpu.core_type = #tpu.core_type<tc>} {
    %get3A = arith.constant 0 : index
    %get3A_0 = arith.constant 0 : index
    %get3A_1 = vector.load %arg0[%get3A, %get3A_0] : memref<1000x1000xf32, #tpu.memory_space<vmem>>, vector<1000x1000xf32>
    %reduce_max3A = arith.constant dense<0xFF800000> : vector<1000xf32>
    %reduce_max3A_2 = vector.multi_reduction <maximumf>, %get3A_1, %reduce_max3A [1] : vector<1000x1000xf32> to vector<1000xf32>
    %broadcast_in_dim3A = vector.shape_cast %reduce_max3A_2 : vector<1000xf32> to vector<1000x1xf32>
    %sub3A = vector.broadcast %broadcast_in_dim3A : vector<1000x1xf32> to vector<1000x1000xf32>
    %sub3A_3 = arith.subf %get3A_1, %sub3A : vector<1000x1000xf32>
    %exp3A = math.exp %sub3A_3 : vector<1000x1000xf32>
    %reduce_sum3A = arith.constant dense<0.000000e+00> : vector<1000xf32>
    %reduce_sum3A_4 = vector.multi_reduction <add>, %exp3A, %reduce_sum3A [1] : vector<1000x1000xf32> to vector<1000xf32>
    %broadcast_in_dim3A_5 = vector.shape_cast %reduce_sum3A_4 : vector<1000xf32> to vector<1000x1xf32>
    %log3A = math.log %broadcast_in_dim3A_5 : vector<1000x1xf32>
    %add3A = arith.addf %broadcast_in_dim3A, %log3A : vector<1000x1xf32>
    %swap3A = arith.constant 0 : index
    %swap3A_6 = arith.constant 0 : index
    %swap3A_7 = vector.load %arg1[%swap3A, %swap3A_6] : memref<1000x1xf32, #tpu.memory_space<vmem>>, vector<1000x1xf32>
    tpu.vector_store %arg1[%swap3A, %swap3A_6], %add3A {strides = array<i32>} : memref<1000x1xf32, #tpu.memory_space<vmem>>, vector<1000x1xf32>,
    return
  }
}

</mosaic_0001>

<sc_bundles>
// kernel: kernel.4.cloned.1.call-start
scs
__scs_entry_jumppad:
0x0: {  	(pc) =	sbr.rel $0x88, $3  }
0x1: {  	(tag) =	ssettag $0x0;
	lr =	simm.s32 $0x1  }
0x2: {  	[smem:$0x3F9E] =	sst lr;
	_ =	strace $0xD0000000  }
0x3: {  	_ = 	snop  }
0x4: {  	_ = 	snop  }
0x5: {  	_ = 	snop  }
0x6: {  	_ = 	snop  }
0x7: {  	_ = 	snop  }
__scs_overlays_trampoline_lowered:
0x8: {  	[smem:$0x3FAD] =	sst s0  }
0x9: {  	[smem:$0x3FAE] =	sst s1  }
0xa: {  	[smem:$0x3FAF] =	sst s2  }
0xb: {  	[smem:$0x3FB0] =	sst s3  }
0xc: {  	[smem:$0x3FB1] =	sst s4  }
0xd: {  	[smem:$0x3FB2] =	sst s5  }
0xe: {  	[smem:$0x3FB3] =	sst s6  }
0xf: {  	[smem:$0x3FB4] =	sst s7  }
0x10: {  	[smem:$0x3FB5] =	sst s8  }
0x11: {  	[smem:$0x3FB6] =	sst s9;
	s0 =	simm.s32 @!p0 $0x0  }
0x12: {  	s1 =	sld [smem:$0x3F9C];
	s0 =	simm.s32 @p0 $0x1  }
0x13: {  	[smem:$0x3FB7] =	sst s0;
	s0 =	simm.s32 @!p1 $0x0  }
0x14: {  	s2 =	sld [smem:$0x3F9B];
	s0 =	simm.s32 @p1 $0x1  }
0x15: {  	[smem:$0x3FB8] =	sst s0;
	s0 =	simm.s32 @!p2 $0x0  }
0x16: {  	s3 =	sld [smem:$0x3FDB];
	s0 =	simm.s32 @p2 $0x1  }
0x17: {  	s4 =	simm.s32 $0x1BF5;
	[smem:$0x3FBA] =	sst s0  }
0x18: {  	s0 =	sld [smem:$0x3F9D];
	_ =	swait.ge [sflag:s4], $0x0  }
0x19: {  	s7 =	sld [smem:$0x3F9E]  }
0x1a: {  	s8 =	sadd.s32 $0xFFFFE003, lr  }
0x1b: {  	s9 =	sadd.s32 $0xFFFFFEF7, lr;
	s5 =	simm.s32 $0xFFFFFFFF;
	p2 =	slt.u32 s8, $0xFFFFF086  }
0x1c: {  	p1 =	slt.u32 s9, $0xF7A;
	s5 =	simm.s32 @!p2 $0x0  }
0x1d: {  	s5 =	simm.s32 @p1 $0x1;
	p0 =	seq.s32 s7, s2  }
0x1e: {  	s7 =	smul.u32 @!p0 $0xF7A, s2;
	p2 =	seq.s32 @!p0 s5, $0x0  }
0x1f: {  	s9 =	smul.u32 $0xF7A, s1;
	s8 =	simm.s32 @!p0 $0x1BF5;
	p2 =	por !p2, p0  }
0x20: {  	[sflag:s8] =	ssyncset.s32 @!p0 $0xFFFFF086;
	s6 =	sadd.s32 @!p0 s3, s7;
	s7 =	simm.s32 @!p0 $0x108  }
0x21: {  	s3 =	sadd.s32 s3, s9;
	s6 =	sadd.s32 @!p0 $0x88, s6;
	s7 =	simm.s32 @p2 $0x1082  }
0x22: {  	[simem:s7], [sflag:s8] =	dma.local @!p0 [hbm:s6], $0xF7A  }
0x23: {  	s9 =	sor.u32 $0xD0000000, s2;
	s6 =	simm.s32 $0x108;
	_ =	swait.ge @!p0 [sflag:s8], $0x0  }
0x24: {  	s3 =	sadd.s32 $0x88, s3;
	s6 =	simm.s32 @!p1 $0x1082;
	[sflag:s4] =	ssyncset.s32 $0xFFFFF086  }
0x25: {  	[simem:s6], [sflag:s4] =	dma.local [hbm:s3], $0xF7A  }
0x26: {  	[smem:$0x3F9E] =	sst s1;
	(tag) =	ssettag s2;
	_ =	strace s9  }
0x27: {  	s1 =	sld [smem:$0x3FAE]  }
0x28: {  	s2 =	sld [smem:$0x3FAF]  }
0x29: {  	s4 =	sld [smem:$0x3FB1]  }
0x2a: {  	p0 =	seq.s32 s5, $0x0;
	s5 =	sld [smem:$0x3FB2]  }
0x2b: {  	s6 =	sld [smem:$0x3FB3]  }
0x2c: {  	s7 =	sld [smem:$0x3FB4]  }
0x2d: {  	s3 =	simm.s32 $0x108;
	s8 =	sld [smem:$0x3FB5]  }
0x2e: {  	s3 =	simm.s32 @!p0 $0x1082;
	s9 =	sld [smem:$0x3FB6]  }
0x2f: {  	lr =	sadd.s32 s0, s3;
	s0 =	sld [smem:$0x3FAD]  }
0x30: {  	s3 =	sld [smem:$0x3FB0]  }
0x31: {  	[smem:$0x3FB9] =	sst s10  }
0x32: {  	s10 =	sld [smem:$0x3FB7];
	_ =	sdelay $0x3  }
0x33: {  	p0 =	seq.s32 s10, $0x1;
	s10 =	sld [smem:$0x3FB9];
	_ =	sdelay $0x3  }
0x34: {  	[smem:$0x3FB9] =	sst s10  }
0x35: {  	s10 =	sld [smem:$0x3FB8];
	_ =	sdelay $0x3  }
0x36: {  	p1 =	seq.s32 s10, $0x1;
	s10 =	sld [smem:$0x3FB9];
	_ =	sdelay $0x3  }
0x37: {  	[smem:$0x3FB9] =	sst s10  }
0x38: {  	s10 =	sld [smem:$0x3FBA]  }
0x39: {  	_ = 	snop;
	(pc) =	sbr.ind lr, $3  }
0x3a: {  	_ = 	snop  }
0x3b: {  	_ = 	snop  }
0x3c: {  	p2 =	seq.s32 s10, $0x1;
	s10 =	sld [smem:$0x3FB9]  }
0x3d: {  	_ =	shalt  }
0x3e: {  	_ =	shalt  }
0x3f: {  	_ =	shalt  }
0x40: {  	_ =	shalt  }
0x41: {  	_ =	shalt  }
0x42: {  	_ =	shalt  }
0x43: {  	_ =	shalt  }
0x44: {  	_ =	shalt  }
0x45: {  	_ =	shalt  }
0x46: {  	_ =	shalt  }
0x47: {  	_ =	shalt  }
0x48: {  	_ =	shalt  }
0x49: {  	_ =	shalt  }
0x4a: {  	_ =	shalt  }
0x4b: {  	_ =	shalt  }
0x4c: {  	_ =	shalt  }
0x4d: {  	_ =	shalt  }
0x4e: {  	_ =	shalt  }
0x4f: {  	_ =	shalt  }
0x50: {  	_ =	shalt  }
0x51: {  	_ =	shalt  }
0x52: {  	_ =	shalt  }
0x53: {  	_ =	shalt  }
0x54: {  	_ =	shalt  }
0x55: {  	_ =	shalt  }
0x56: {  	_ =	shalt  }
0x57: {  	_ =	shalt  }
0x58: {  	_ =	shalt  }
0x59: {  	_ =	shalt  }
0x5a: {  	_ =	shalt  }
0x5b: {  	_ =	shalt  }
0x5c: {  	_ =	shalt  }
0x5d: {  	_ =	shalt  }
0x5e: {  	_ =	shalt  }
0x5f: {  	_ =	shalt  }
0x60: {  	_ =	shalt  }
0x61: {  	_ =	shalt  }
0x62: {  	_ =	shalt  }
0x63: {  	_ =	shalt  }
0x64: {  	_ =	shalt  }
0x65: {  	_ =	shalt  }
0x66: {  	_ =	shalt  }
0x67: {  	_ =	shalt  }
0x68: {  	_ =	shalt  }
0x69: {  	_ =	shalt  }
0x6a: {  	_ =	shalt  }
0x6b: {  	_ =	shalt  }
0x6c: {  	_ =	shalt  }
0x6d: {  	_ =	shalt  }
0x6e: {  	_ =	shalt  }
0x6f: {  	_ =	shalt  }
0x70: {  	_ =	shalt  }
0x71: {  	_ =	shalt  }
0x72: {  	_ =	shalt  }
0x73: {  	_ =	shalt  }
0x74: {  	_ =	shalt  }
0x75: {  	_ =	shalt  }
0x76: {  	_ =	shalt  }
0x77: {  	_ =	shalt  }
0x78: {  	_ =	shalt  }
0x79: {  	_ =	shalt  }
0x7a: {  	_ =	shalt  }
0x7b: {  	_ =	shalt  }
0x7c: {  	_ =	shalt  }
0x7d: {  	_ =	shalt  }
0x7e: {  	_ =	shalt  }
0x7f: {  	_ =	shalt  }
0x80: {  	_ =	shalt  }
0x81: {  	_ =	shalt  }
0x82: {  	_ =	shalt  }
0x83: {  	_ =	shalt  }
0x84: {  	_ =	shalt  }
0x85: {  	_ =	shalt  }
0x86: {  	_ =	shalt  }
0x87: {  	_ =	shalt  }
.Lfunc_end0:
.L_simem_size_0:
called_computation_lowered:
.L_overlay_start_0:
0x88: {  	s2 =	sld [smem:$0x3FD9]  }
0x89: {  	s3 =	sld [smem:$0x3FFE];
	_ =	sdelay $0x1  }
0x8a: {  	s1 =	srdreg.scid  }
0x8b: {  	s0 =	sand.u32 $0x1, s1  }
0x8c: {  	s14 =	sshll.u32 s0, $0xA;
	s2 =	sadd.s32 s3, s2  }
0x8d: {  	s2 =	sadd.s32 s2, s14  }
0x8e: {  	[smem:$0x3FC5] =	sst s2  }
0x8f: {  	_ = 	snop  }
0x90: {  	s2 =	sld [smem:$0x3FD0];
	_ =	sdelay $0x2  }
0x91: {  	s15 =	simm.s32 $0xA;
	s4 =	simm.s32 $0x10  }
0x92: {  	[smem:s4], [sflag:s15] =	dma.local [hbm:s2], $0x1  }
0x93: {  	_ =	swait.eq [sflag:s15], $0x1  }
0x94: {  	[sflag:s15] =	ssyncset.done $0x0  }
0x95: {  	[sflag:s15] =	ssyncadd.s32 $0xFFFFFFFF  }
0x96: {  	s16 =	sld [smem:$0x10];
	(tm) =	ssettm $0x1  }
0x97: {  	s17 =	sld [smem:$0x3FFB];
	_ =	sdelay $0x3  }
0x98: {  	_ =	strace s17  }
0x99: {  	s3 =	sld [smem:$0x3FFC];
	_ =	sdelay $0x3  }
0x9a: {  	_ =	strace s3  }
0x9b: {  	s3 =	sld [smem:$0x3FFD];
	_ =	sdelay $0x3  }
0x9c: {  	_ =	strace s3  }
0x9d: {  	_ =	strace $0x8FFFFFFF  }
0x9e: {  	s18 =	sld [smem:$0x3FDB];
	_ =	sdelay $0x1  }
0x9f: {  	s19 =	simm.s32 $_scs_section_size  }
0xa0: {  	s5 =	simm.s32 $_size__tile_overlayer_lowered;
	s6 =	simm.s32 $_tile_overlayer_lowered  }
0xa1: {  	s22 =	simm.s32 $0x1BFF;
	s21 =	sshll.u32 s6, $0x1;
	s3 =	sadd.s32 s19, s18  }
0xa2: {  	s7 =	simm.s32 $0x0;
	s20 =	sshll.u32 s5, $0x1;
	s5 =	sadd.s32 s21, s3  }
0xa3: {  	[timem:s7], [sflag:s22] =	dma.local [hbm:s5], s20  }
0xa4: {  	_ =	swait.ge [sflag:s22], s20  }
0xa5: {  	s4 =	ssub.s32 $0x0, s20;
	[sflag:s22] =	ssyncset.done $0x0  }
0xa6: {  	[sflag:s22] =	ssyncadd.s32 s4;
	_ =	sdelay $0x1  }
0xa7: {  	s23 =	simm.s32 $0x1B8B  }
0xa8: {  	_ =	swait.ge [sflag:s23], $0x1  }
0xa9: {  	[sflag:s23] =	ssyncset.done $0x0  }
0xaa: {  	s25 =	simm.s32 $0x1B8E;
	s24 =	sld [smem:$0x3FFE];
	[sflag:s23] =	ssyncadd.s32 $0xFFFFFFFF  }
0xab: {  	s26 =	simm.s32 $execute0_lowered;
	[smem:$0x3FD2] =	sst s25  }
0xac: {  	s5 =	sshll.u32 s26, $0x1;
	_ =	strace $0x80000046;
	[dreg:$0x1] =	wrdreg $0xFFFFFFFF  }
0xad: {  	s28 =	simm.s32 $_size_execute0_lowered;
	s3 =	sadd.s32 s3, s5;
	[dreg:$0x0] =	wrdreg $0x0  }
0xae: {  	s5 =	sshll.u32 s28, $0x1;
	[dreg:$0x2] =	wrdreg s3  }
0xaf: {  	[dreg:$0x3] =	wrdreg s5  }
0xb0: {  	[dreg:$0x4] =	wrdreg $0xC0  }
0xb1: {  	_ =	task [dreg:s7], $0x5FFFF  }
0xb2: {  	[dreg:$0x1] =	wrdreg $0xFFFFFFFF  }
0xb3: {  	[dreg:$0x0] =	wrdreg $0x60  }
0xb4: {  	[dreg:$0x2] =	wrdreg s24  }
0xb5: {  	[dreg:$0x3] =	wrdreg s16  }
0xb6: {  	[dreg:$0x4] =	wrdreg $0x9  }
0xb7: {  	_ =	task.clear_ibuf [dreg:s7], $0x5FFFF;
	_ =	strace $0x90000046  }
0xb8: {  	s29 =	simm.s32 $0x9;
	_ =	strace $0x80000048  }
0xb9: {  	_ =	swait.ge [sflag:s29], $0x1  }
0xba: {  	[sflag:s29] =	ssyncadd.s32 $0xFFFFFFFF  }
0xbb: {  	_ =	strace $0x90000048  }
0xbc: {  	_ =	sfence  }
0xbd: {  	s30 =	sld [smem:$0x0];
	_ =	sdelay $0x2  }
0xbe: {  	s31 =	sshll.u32 s1, $0xD;
	s1 =	sshrl.u32 s1, $0x2  }
0xbf: {  	s3 =	sand.u32 $0x4000, s31;
	s1 =	sadd.s32 s1, s30  }
0xc0: {  	s0 =	sor.u32 s3, s0;
	s1 =	sshll.u32 s1, $0x11  }
0xc1: {  	s0 =	sor.u32 s1, s0  }
0xc2: {  	s0 =	sadd.s32 $0x8F2B, s0  }
0xc3: {  	[sflag:s0] =	ssyncadd.remote.s32 $0x1  }
0xc4: {  	_ =	sfence.sel $0xFFFF  }
0xc5: {  	[dreg:$0x0] =	wrdreg $0xFFFFFFFF;
	(pc) =	sbr.abs _section_cstart, $3  }
0xc6: {  	[dreg:$0x1] =	wrdreg $0xFFFFFFFF  }
0xc7: {  	_ =	task.clear_ibuf [dreg:s7], $0x2FFFF;
	_ =	strace $0x9FFFFFFF  }
0xc8: {  	(tm) =	ssettm $0x7FFFFFFF  }
0xc9: {  	_ =	shalt  }
tec
execute0_lowered:
.L_overlay_start_1:
0x0: {  	(tag) =	ssettag $0x1  }
0x1: {  	s0 =	rddreg [dreg:$0x0]  }
0x2: {  	s1 =	srdreg.scid;
	s3 =	stileid.u32  }
0x3: {  	s2 =	rddreg [dreg:$0x1];
	s15 =	simm.s32 $0x5;
	s17 =	simm.s32 $0x3200  }
0x4: {  	s18 =	simm.s32 $0x10;
	s19 =	simm.s32 $0x35E8;
	s20 =	simm.s32 $0x7468  }
0x5: {  	s21 =	simm.s32 $0x1;
	s22 =	simm.s32 $0x20;
	s23 =	simm.s32 $0x2  }
0x6: {  	s24 =	simm.s32 $0x80;
	s29 =	simm.s32 $0x3;
	s30 =	simm.s32 $0x4  }
0x7: {  	s16 =	simm.s32 $0x0;
	s1 =	sand.u32 $0x1, s1;
	s4 =	sshll.u32 s3, $0x1  }
0x8: {  	s3 =	simm.s32 $0x0;
	s5 =	sadd.s32 $0x400, s0;
	s6 =	sor.u32 s1, s4  }
0x9: {  	v0 =	vlaneseq.u32;
	[smem:$0x7FF] =	sst s3;
	s1 =	ssub.s32 $0x2, s1;
	s4 =	smul.u32 $0x1900, s6  }
0xa: {  	v2 =	vimm.s32 $0x0;
	vm0 =	vcmask $0x300;
	s9 =	sadd.s32 $0x2B600, s0;
	v0 =	vmul.u32 $0x3E8, v0;
	_ =	strace $0x80000047;
	s8 =	sshrl.u32 s1, $0x1  }
0xb: {  	v1 =	vimm.f32 $0.0e+00;
	v2 =	vsel vm0, $0x3, v2;
	s6 =	sshll.u32 s6, $0x1;
	s1 =	ssub.s32 s1, s8;
	s7 =	sshrl.u32 s4, $0x3  }
0xc: {  	[dreg:$0x3] =	wrdreg s9;
	v3 =	vor.u32 $0x1, v0;
	v4 =	vor.u32 $0x2, v0;
	v5 =	vor.u32 $0x3, v0;
	s31 =	smax.u32 s1, $0x1;
	s7 =	sadd.s32 s7, s0  }
0xd: {  	v6 =	vor.u32 $0x4, v0;
	v7 =	vor.u32 $0x5, v0;
	v8 =	vor.u32 $0x6, v0;
	s9 =	sadd.s32 s2, s4;
	[dreg:$0x7] =	wrdreg s31;
	s26 =	sadd.s32 $0x1EE00, s7  }
0xe: {  	v9 =	vor.u32 $0x7, v0;
	v10 =	vadd.s32 $0x3E0, v0;
	v11 =	vadd.s32 $0x3E1, v0;
	s0 =	sadd.s32 s6, s0;
	s28 =	sadd.s32 $0x25200, s7;
	[dreg:$0x4] =	wrdreg s26  }
0xf: {  	v12 =	vadd.s32 $0x3E2, v0;
	v13 =	vadd.s32 $0x3E3, v0;
	v14 =	vadd.s32 $0x3E4, v0;
	s10 =	sadd.s32 $0x4, s9;
	s0 =	sadd.s32 $0x2B800, s0;
	[dreg:$0x5] =	wrdreg s28  }
0x10: {  	v15 =	vadd.s32 $0x3E5, v0;
	v16 =	vadd.s32 $0x3E6, v0;
	v17 =	vadd.s32 $0x3E7, v0;
	s11 =	sadd.s32 $0x1888, s9;
	s12 =	sadd.s32 $0x188C, s9;
	[dreg:$0x6] =	wrdreg s0  }
.LBB2_1:
0x11: {  	s0 =	rddreg [dreg:$0x4]  }
0x12: {  	[tilespmem:s3], [sflag:$0x5] =	stream.linear.gather [hbm4b:s0+s3], $0x1900, $0x38;
	[tilespmem:$0x1ACF8] =	vst v63  }
0x13: {  	_ =	swait.ge [sflag:s15], $0x1900  }
0x14: {  	[sflag:s15] =	ssyncset.done $0x0  }
0x15: {  	s1 =	simm.s32 $0x1900;
	s31 =	rddreg [dreg:$0x5];
	[sflag:s15] =	ssyncadd.s32 $0xFFFFE700  }
0x16: {  	[tilespmem:s1], [sflag:$0x5] =	stream.linear.gather [hbm4b:s31+s3], $0x1900, $0x38;
	[tilespmem:$0x1ACF8] =	vst v63  }
0x17: {  	_ =	swait.ge [sflag:s15], $0x1900  }
0x18: {  	[sflag:s15] =	ssyncset.done $0x0  }
0x19: {  	s1 =	rddreg [dreg:$0x3];
	[sflag:s15] =	ssyncadd.s32 $0xFFFFE700  }
0x1a: {  	[tilespmem:s17], [sflag:$0x5] =	stream.linear.gather [hbm4b:s1+s3], $0x3E8, $0x38;
	[tilespmem:$0x1ACF8] =	vst v63  }
0x1b: {  	_ =	swait.ge [sflag:s15], $0x3E8  }
0x1c: {  	[sflag:s15] =	ssyncset.done $0x0  }
0x1d: {  	[sflag:s15] =	ssyncadd.s32 $0xFFFFFC18  }
0x1e: {  	[tilespmem:$0x1ACE8] =	vst v1  }
0x1f: {  	[tilespmem:s19], [sflag:$0x1] =	stream.indirect.gather [hbm4b:s5+s18], $0x3E8, s3, s18, $0xb8;
	[tilespmem:$0x1ACF8] =	vst v63  }
0x20: {  	_ = 	snop  }
0x21: {  	[tilespmem:s20], [sflag:$0x2] =	stream.indirect.gather [hbm4b:s5+s18], $0x3E8, s18, s18, $0xb8;
	[tilespmem:$0x1ACF8] =	vst v63  }
0x22: {  	_ =	swait.ge [sflag:s21], $0x3E80  }
0x23: {  	[sflag:s21] =	ssyncset.done $0x0  }
0x24: {  	[sflag:s21] =	ssyncadd.s32 $0xFFFFC180  }
0x25: {  	v18 =	vld [tilespmem:$0x1900]  }
0x26: {  	v19 =	vld [tilespmem:$0x0];
	_ =	sdelay $0x3  }
0x27: {  	v18 =	vadd.s32 v0, v18;
	_ =	sdelay $0x3  }
0x28: {  	v19 =	vld.idx.msk [tilespmem:v19+s17+$0x0], $0xffff  }
0x29: {  	s6 =	simm.s32 $0x10;
	v18 =	vld.idx.msk [tilespmem:v18+s19+$0x0], $0xffff  }
0x2a: {  	v20 =	vmov s6  }
0x2b: {  	v20 =	vshrl.u32 v20, $0x3  }
0x2c: {  	v22 =	vmov s3;
	v20 =	vshll.u32 v20, v2;
	v21 =	vld [tilespmem:$0x1ACE8]  }
0x2d: {  	v24 =	vbroadcast v20, $0x0;
	v20 =	vshrl.u32 v22, $0x3  }
0x2e: {  	s7 =	simm.s32 $0x8;
	v18 =	vsub.f32 v19, v18;
	v19 =	vshll.u32 v20, v2  }
0x2f: {  	v23 =	vadd.s32 v0, v24;
	v20 =	vmov s7;
	v22 =	vbroadcast v19, $0x0  }
0x30: {  	v19 =	vshrl.u32 v20, $0x3  }
0x31: {  	v18 =	vadd.f32 v18, v21;
	v19 =	vshll.u32 v19, v2;
	v20 =	vadd.s32 v0, v22  }
0x32: {  	v25 =	vbroadcast v19, $0x0  }
0x33: {  	[tilespmem:$0x1ACE8] =	vst v18  }
0x34: {  	v18 =	vadd.s32 v0, v25;
	v19 =	vld.idx.msk [tilespmem:v23+s19+$0x0], $0xffff  }
0x35: {  	v21 =	vadd.s32 v3, v24  }
0x36: {  	v20 =	vld.idx.msk [tilespmem:v20+s19+$0x0], $0xffff  }
0x37: {  	v23 =	vadd.s32 v3, v22  }
0x38: {  	s0 =	simm.s32 $0xB4E8  }
0x39: {  	s8 =	simm.s32 $0x18;
	v18 =	vld.idx.msk [tilespmem:v18+s19+$0x0], $0xffff;
	[tilespmem:s0+$0x0] =	vst v19  }
0x3a: {  	v26 =	vmov s8;
	v19 =	vadd.s32 v3, v25;
	v21 =	vld.idx.msk [tilespmem:v21+s19+$0x0], $0xffff  }
0x3b: {  	v26 =	vshrl.u32 v26, $0x3;
	[tilespmem:s0+$0xFFFFFE00] =	vst v20;
	v20 =	vadd.s32 v4, v24  }
0x3c: {  	v26 =	vshll.u32 v26, v2;
	v23 =	vld.idx.msk [tilespmem:v23+s19+$0x0], $0xffff  }
0x3d: {  	v26 =	vbroadcast v26, $0x0;
	v27 =	vadd.s32 v4, v22  }
0x3e: {  	s13 =	simm.s32 $0x28;
	[tilespmem:s0+$0xFFFFFF00] =	vst v18  }
0x3f: {  	s14 =	simm.s32 $0x30;
	v30 =	vadd.s32 v5, v24;
	v31 =	vadd.s32 v0, v26;
	v18 =	vmov s13;
	v28 =	vld.idx.msk [tilespmem:v19+s19+$0x0], $0xffff;
	[tilespmem:s0+$0x20] =	vst v21  }
0x40: {  	s6 =	simm.s32 $0x20;
	v29 =	vadd.s32 v4, v25;
	v18 =	vshrl.u32 v18, $0x3;
	v19 =	vmov s14;
	v20 =	vld.idx.msk [tilespmem:v20+s19+$0x0], $0xffff  }
0x41: {  	v21 =	vmov s6;
	v18 =	vshll.u32 v18, v2;
	v19 =	vshrl.u32 v19, $0x3;
	[tilespmem:s0+$0xFFFFFE20] =	vst v23  }
0x42: {  	v21 =	vshrl.u32 v21, $0x3;
	v18 =	vbroadcast v18, $0x0;
	v19 =	vshll.u32 v19, v2;
	v23 =	vld.idx.msk [tilespmem:v27+s19+$0x0], $0xffff  }
0x43: {  	v21 =	vshll.u32 v21, v2;
	v19 =	vbroadcast v19, $0x0;
	v27 =	vadd.s32 v5, v22  }
0x44: {  	v21 =	vbroadcast v21, $0x0;
	[tilespmem:s0+$0xFFFFFF20] =	vst v28;
	v28 =	vadd.s32 v0, v18  }
0x45: {  	v31 =	vld.idx.msk [tilespmem:v31+s19+$0x0], $0xffff;
	[tilespmem:s0+$0x40] =	vst v20;
	v20 =	vadd.s32 v0, v19  }
0x46: {  	v32 =	vadd.s32 v0, v21;
	v30 =	vld.idx.msk [tilespmem:v30+s19+$0x0], $0xffff  }
0x47: {  	v33 =	vadd.s32 v6, v24;
	v29 =	vld.idx.msk [tilespmem:v29+s19+$0x0], $0xffff;
	[tilespmem:s0+$0xFFFFFE40] =	vst v23  }
0x48: {  	v23 =	vld.idx.msk [tilespmem:v27+s19+$0x0], $0xffff;
	v27 =	vadd.s32 v3, v26  }
0x49: {  	v34 =	vadd.s32 v6, v22;
	v28 =	vld.idx.msk [tilespmem:v28+s19+$0x0], $0xffff  }
0x4a: {  	v35 =	vadd.s32 v3, v18;
	v20 =	vld.idx.msk [tilespmem:v20+s19+$0x0], $0xffff  }
0x4b: {  	v52 =	vadd.s32 v3, v19;
	[tilespmem:s0+$0x60] =	vst v30;
	v30 =	vld.idx.msk [tilespmem:v32+s19+$0x0], $0xffff  }
0x4c: {  	[tilespmem:s0+$0x100] =	vst v31;
	v31 =	vadd.s32 v3, v21;
	v33 =	vld.idx.msk [tilespmem:v33+s19+$0x0], $0xffff  }
0x4d: {  	v36 =	vadd.s32 v7, v24;
	s1 =	simm.s32 $0xB8E8;
	[tilespmem:s0+$0xFFFFFE60] =	vst v23;
	v23 =	vld.idx.msk [tilespmem:v27+s19+$0x0], $0xffff  }
0x4e: {  	[tilespmem:s1+$0xFFFFFF00] =	vst v28;
	v28 =	vadd.s32 v4, v26;
	v27 =	vld.idx.msk [tilespmem:v34+s19+$0x0], $0xffff  }
0x4f: {  	v53 =	vadd.s32 v7, v22;
	[tilespmem:s1+$0x0] =	vst v20;
	v20 =	vld.idx.msk [tilespmem:v35+s19+$0x0], $0xffff  }
0x50: {  	v54 =	vadd.s32 v4, v18;
	v32 =	vld.idx.msk [tilespmem:v52+s19+$0x0], $0xffff;
	[tilespmem:s1+$0xFFFFFE00] =	vst v30  }
0x51: {  	[tilespmem:s0+$0x80] =	vst v33;
	v30 =	vld.idx.msk [tilespmem:v31+s19+$0x0], $0xffff;
	v31 =	vadd.s32 v4, v19  }
0x52: {  	s25 =	simm.s32 $0x38;
	v33 =	vld.idx.msk [tilespmem:v36+s19+$0x0], $0xffff;
	[tilespmem:s0+$0x120] =	vst v23;
	v23 =	vadd.s32 v4, v21  }
0x53: {  	v55 =	vmov s25;
	[tilespmem:s0+$0xFFFFFE80] =	vst v27;
	v27 =	vld.idx.msk [tilespmem:v28+s19+$0x0], $0xffff;
	v28 =	vadd.s32 v5, v25  }
0x54: {  	v37 =	vadd.s32 v5, v26;
	v34 =	vld.idx.msk [tilespmem:v53+s19+$0x0], $0xffff;
	[tilespmem:s1+$0xFFFFFF20] =	vst v20;
	v20 =	vshrl.u32 v55, $0x3  }
0x55: {  	v56 =	vadd.s32 v8, v22;
	v35 =	vld.idx.msk [tilespmem:v54+s19+$0x0], $0xffff;
	[tilespmem:s1+$0x20] =	vst v32;
	v20 =	vshll.u32 v20, v2  }
0x56: {  	v31 =	vld.idx.msk [tilespmem:v31+s19+$0x0], $0xffff;
	[tilespmem:s1+$0xFFFFFE20] =	vst v30;
	v30 =	vadd.s32 v8, v24;
	v20 =	vbroadcast v20, $0x0  }
0x57: {  	[tilespmem:s0+$0xFFFFFF40] =	vst v29;
	v29 =	vld.idx.msk [tilespmem:v23+s19+$0x0], $0xffff;
	v23 =	vadd.s32 v5, v19  }
0x58: {  	v28 =	vld.idx.msk [tilespmem:v28+s19+$0x0], $0xffff;
	[tilespmem:s0+$0x140] =	vst v27;
	v27 =	vadd.s32 v0, v20  }
0x59: {  	s26 =	simm.s32 $0x48;
	v38 =	vadd.s32 v5, v21;
	[tilespmem:s0+$0xFFFFFEA0] =	vst v34;
	v58 =	vld.idx.msk [tilespmem:v37+s19+$0x0], $0xffff  }
0x5a: {  	s28 =	simm.s32 $0x50;
	v59 =	vmov s26;
	v57 =	vadd.s32 v6, v25;
	[tilespmem:s0+$0xA0] =	vst v33;
	v32 =	vld.idx.msk [tilespmem:v56+s19+$0x0], $0xffff  }
0x5b: {  	v61 =	vmov s28;
	v60 =	vadd.s32 v6, v26;
	[tilespmem:s1+$0x40] =	vst v31;
	v30 =	vld.idx.msk [tilespmem:v30+s19+$0x0], $0xffff;
	v31 =	vshrl.u32 v59, $0x3  }
0x5c: {  	v62 =	vadd.s32 v9, v22;
	v39 =	vld.idx.msk [tilespmem:v23+s19+$0x0], $0xffff;
	v23 =	vshll.u32 v31, v2;
	v31 =	vshrl.u32 v61, $0x3  }
0x5d: {  	[tilespmem:s1+$0xFFFFFE40] =	vst v29;
	v22 =	vbroadcast v23, $0x0;
	v23 =	vshll.u32 v31, v2;
	v31 =	vadd.s32 v6, v19;
	v27 =	vld.idx.msk [tilespmem:v27+s19+$0x0], $0xffff  }
0x5e: {  	[tilespmem:s0+$0xFFFFFF60] =	vst v28;
	v28 =	vadd.s32 v9, v24;
	v38 =	vld.idx.msk [tilespmem:v38+s19+$0x0], $0xffff  }
0x5f: {  	s31 =	simm.s32 $0x40;
	v44 =	vadd.s32 v6, v21;
	v36 =	vld.idx.msk [tilespmem:v57+s19+$0x0], $0xffff;
	[tilespmem:s0+$0x160] =	vst v58  }
0x60: {  	v24 =	vmov s31;
	v23 =	vbroadcast v23, $0x0;
	v63 =	vadd.s32 v0, v22;
	v29 =	vld.idx.msk [tilespmem:v60+s19+$0x0], $0xffff;
	[tilespmem:s0+$0xFFFFFEC0] =	vst v32  }
0x61: {  	v43 =	vadd.s32 v7, v25;
	v24 =	vshrl.u32 v24, $0x3;
	v32 =	vld.idx.msk [tilespmem:v62+s19+$0x0], $0xffff;
	[tilespmem:s1+$0x60] =	vst v39  }
0x62: {  	v24 =	vshll.u32 v24, v2;
	v42 =	vadd.s32 v0, v23;
	[tilespmem:s0+$0xC0] =	vst v30;
	v31 =	vld.idx.msk [tilespmem:v31+s19+$0x0], $0xffff  }
0x63: {  	v24 =	vbroadcast v24, $0x0;
	v30 =	vadd.s32 v7, v26;
	v28 =	vld.idx.msk [tilespmem:v28+s19+$0x0], $0xffff;
	[tilespmem:s1+$0xFFFFFE60] =	vst v38  }
0x64: {  	v40 =	vadd.s32 v5, v18;
	[tilespmem:s1+$0xFFFFFF40] =	vst v35;
	v49 =	vld.idx.msk [tilespmem:v44+s19+$0x0], $0xffff  }
0x65: {  	v45 =	vadd.s32 v0, v24;
	[tilespmem:s0+$0xFFFFFF80] =	vst v36;
	v34 =	vld.idx.msk [tilespmem:v63+s19+$0x0], $0xffff  }
0x66: {  	v47 =	vadd.s32 v7, v19;
	[tilespmem:s1+$0x100] =	vst v27;
	v33 =	vld.idx.msk [tilespmem:v43+s19+$0x0], $0xffff  }
0x67: {  	[tilespmem:s0+$0x180] =	vst v29;
	v29 =	vadd.s32 v3, v20;
	v46 =	vld.idx.msk [tilespmem:v42+s19+$0x0], $0xffff  }
0x68: {  	v55 =	vadd.s32 v7, v21;
	[tilespmem:s0+$0xFFFFFEE0] =	vst v32;
	v30 =	vld.idx.msk [tilespmem:v30+s19+$0x0], $0xffff  }
0x69: {  	v48 =	vadd.s32 v3, v22;
	v32 =	vld.idx.msk [tilespmem:v40+s19+$0x0], $0xffff;
	[tilespmem:s1+$0x80] =	vst v31  }
0x6a: {  	s6 =	simm.s32 $0xBCE8;
	v31 =	vadd.s32 v8, v25;
	v50 =	vld.idx.msk [tilespmem:v45+s19+$0x0], $0xffff;
	[tilespmem:s1+$0xFFFFFE80] =	vst v49  }
0x6b: {  	v51 =	vadd.s32 v3, v23;
	v27 =	vld.idx.msk [tilespmem:v47+s19+$0x0], $0xffff;
	[tilespmem:s6+$0xFFFFFF00] =	vst v34  }
0x6c: {  	v52 =	vadd.s32 v8, v26;
	v29 =	vld.idx.msk [tilespmem:v29+s19+$0x0], $0xffff;
	[tilespmem:s0+$0xFFFFFFA0] =	vst v33  }
0x6d: {  	v53 =	vadd.s32 v3, v24;
	v60 =	vld.idx.msk [tilespmem:v55+s19+$0x0], $0xffff;
	[tilespmem:s6+$0x0] =	vst v46  }
0x6e: {  	v56 =	vadd.s32 v4, v20;
	v54 =	vld.idx.msk [tilespmem:v48+s19+$0x0], $0xffff;
	[tilespmem:s0+$0x1A0] =	vst v30  }
0x6f: {  	v30 =	vadd.s32 v4, v22;
	v31 =	vld.idx.msk [tilespmem:v31+s19+$0x0], $0xffff;
	[tilespmem:s6+$0xFFFFFE00] =	vst v50  }
0x70: {  	v25 =	vadd.s32 v9, v25;
	v39 =	vld.idx.msk [tilespmem:v51+s19+$0x0], $0xffff;
	[tilespmem:s1+$0xA0] =	vst v27  }
0x71: {  	v59 =	vadd.s32 v4, v23;
	v57 =	vld.idx.msk [tilespmem:v52+s19+$0x0], $0xffff;
	[tilespmem:s1+$0x120] =	vst v29  }
0x72: {  	v26 =	vadd.s32 v9, v26;
	v58 =	vld.idx.msk [tilespmem:v53+s19+$0x0], $0xffff;
	[tilespmem:s1+$0xFFFFFEA0] =	vst v60  }
0x73: {  	s7 =	simm.s32 $0x58;
	v29 =	vadd.s32 v4, v24;
	[tilespmem:s6+$0xFFFFFF20] =	vst v54;
	v61 =	vld.idx.msk [tilespmem:v56+s19+$0x0], $0xffff  }
0x74: {  	v63 =	vadd.s32 v5, v20;
	v27 =	vmov s7;
	v62 =	vld.idx.msk [tilespmem:v30+s19+$0x0], $0xffff;
	[tilespmem:s0+$0xFFFFFFC0] =	vst v31  }
0x75: {  	v37 =	vadd.s32 v8, v21;
	[tilespmem:s6+$0x20] =	vst v39;
	v30 =	vld.idx.msk [tilespmem:v25+s19+$0x0], $0xffff;
	v25 =	vshrl.u32 v27, $0x3  }
0x76: {  	v35 =	vadd.s32 v8, v19;
	[tilespmem:s0+$0x1C0] =	vst v57;
	v33 =	vld.idx.msk [tilespmem:v59+s19+$0x0], $0xffff;
	v25 =	vshll.u32 v25, v2  }
0x77: {  	v36 =	vadd.s32 v5, v23;
	v31 =	vld.idx.msk [tilespmem:v26+s19+$0x0], $0xffff;
	[tilespmem:s6+$0xFFFFFE20] =	vst v58;
	v25 =	vbroadcast v25, $0x0  }
0x78: {  	v26 =	vadd.s32 v6, v22;
	v29 =	vld.idx.msk [tilespmem:v29+s19+$0x0], $0xffff;
	[tilespmem:s1+$0x140] =	vst v61  }
0x79: {  	s8 =	simm.s32 $0x60;
	s7 =	simm.s32 $0x8;
	v27 =	vadd.s32 v6, v18;
	[tilespmem:s6+$0xFFFFFF40] =	vst v62;
	v34 =	vld.idx.msk [tilespmem:v63+s19+$0x0], $0xffff;
	v38 =	vadd.s32 v0, v25  }
.LBB2_2:
0x7a: {  	s13 =	sadd.s32 $0x8, s8;
	s7 =	sadd.s32 $0x4, s7;
	v37 =	vld.idx.msk [tilespmem:v37+s19+$0x0], $0xffff;
	[tilespmem:s0+$0xE0] =	vst v28  }
0x7b: {  	v28 =	vmov s13;
	s13 =	sadd.s32 $0x10, s8;
	p0 =	slt.u32 s7, $0x78;
	[tilespmem:s6+$0x40] =	vst v33;
	v33 =	vld.idx.msk [tilespmem:v35+s19+$0x0], $0xffff;
	v35 =	vadd.s32 v6, v20  }
0x7c: {  	v40 =	vadd.s32 v5, v24;
	v28 =	vshrl.u32 v28, $0x3;
	v39 =	vmov s13;
	v36 =	vld.idx.msk [tilespmem:v36+s19+$0x0], $0xffff;
	[tilespmem:s0+$0xFFFFFFE0] =	vst v30  }
0x7d: {  	v28 =	vshll.u32 v28, v2;
	v30 =	vshrl.u32 v39, $0x3;
	v39 =	vadd.s32 v9, v21;
	[tilespmem:s0+$0x1E0] =	vst v31;
	v21 =	vmovc v24;
	s0 =	smov.u32 s1;
	s1 =	smov.u32 s6  }
0x7e: {  	v31 =	vbroadcast v28, $0x0;
	v24 =	vshll.u32 v30, v2;
	v28 =	vadd.s32 v6, v23;
	v30 =	vld.idx.msk [tilespmem:v38+s19+$0x0], $0xffff;
	[tilespmem:s0+$0xFFFFFF60] =	vst v32  }
0x7f: {  	v41 =	vadd.s32 v9, v19;
	v19 =	vmovc v23;
	v32 =	vmov s8;
	v38 =	vld.idx.msk [tilespmem:v27+s19+$0x0], $0xffff;
	[tilespmem:s0+$0x160] =	vst v34;
	v23 =	vbroadcast v24, $0x0;
	v27 =	vmovc v26  }
0x80: {  	v24 =	vshrl.u32 v32, $0x3;
	v32 =	vadd.s32 v0, v31;
	v26 =	vadd.s32 v6, v31;
	[tilespmem:s6+$0xFFFFFE40] =	vst v29;
	v29 =	vld.idx.msk [tilespmem:v35+s19+$0x0], $0xffff  }
0x81: {  	v24 =	vshll.u32 v24, v2;
	v34 =	vadd.s32 v0, v23;
	v35 =	vld.idx.msk [tilespmem:v40+s19+$0x0], $0xffff;
	[tilespmem:s0+$0xFFFFFEC0] =	vst v37  }
0x82: {  	v24 =	vbroadcast v24, $0x0;
	v37 =	vadd.s32 v7, v18;
	[tilespmem:s6+$0x60] =	vst v36;
	v36 =	vld.idx.msk [tilespmem:v39+s19+$0x0], $0xffff  }
0x83: {  	v39 =	vld.idx.msk [tilespmem:v28+s19+$0x0], $0xffff;
	[tilespmem:s0+$0xC0] =	vst v33;
	v33 =	vadd.s32 v7, v20  }
0x84: {  	v42 =	vadd.s32 v6, v21;
	v40 =	vadd.s32 v0, v24;
	v28 =	vld.idx.msk [tilespmem:v41+s19+$0x0], $0xffff  }
0x85: {  	v32 =	vld.idx.msk [tilespmem:v32+s19+$0x0], $0xffff;
	[tilespmem:s0+$0xFFFFFF80] =	vst v38  }
0x86: {  	v38 =	vadd.s32 v7, v19;
	v34 =	vld.idx.msk [tilespmem:v34+s19+$0x0], $0xffff;
	[tilespmem:s0+$0x180] =	vst v29  }
0x87: {  	v29 =	vadd.s32 v3, v31;
	[tilespmem:s6+$0xFFFFFE60] =	vst v35;
	v35 =	vadd.s32 v3, v25;
	v37 =	vld.idx.msk [tilespmem:v37+s19+$0x0], $0xffff  }
0x88: {  	[tilespmem:s0+$0xFFFFFEE0] =	vst v36;
	v33 =	vld.idx.msk [tilespmem:v33+s19+$0x0], $0xffff  }
0x89: {  	v36 =	vld.idx.msk [tilespmem:v42+s19+$0x0], $0xffff;
	[tilespmem:s6+$0x80] =	vst v39;
	v39 =	vadd.s32 v8, v18  }
0x8a: {  	v41 =	vadd.s32 v3, v23;
	s6 =	sadd.s32 $0x400, s6;
	v40 =	vld.idx.msk [tilespmem:v40+s19+$0x0], $0xffff;
	[tilespmem:s1+$0x100] =	vst v30  }
0x8b: {  	v30 =	vadd.s32 v3, v24;
	[tilespmem:s6+$0xFFFFFF00] =	vst v32;
	v32 =	vld.idx.msk [tilespmem:v38+s19+$0x0], $0xffff;
	v38 =	vadd.s32 v8, v20  }
0x8c: {  	[tilespmem:s6+$0x0] =	vst v34;
	v34 =	vld.idx.msk [tilespmem:v35+s19+$0x0], $0xffff  }
0x8d: {  	v35 =	vadd.s32 v7, v21;
	v29 =	vld.idx.msk [tilespmem:v29+s19+$0x0], $0xffff;
	[tilespmem:s0+$0xFFFFFFA0] =	vst v37  }
0x8e: {  	v37 =	vadd.s32 v4, v25;
	v39 =	vld.idx.msk [tilespmem:v39+s19+$0x0], $0xffff;
	[tilespmem:s0+$0x1A0] =	vst v33  }
0x8f: {  	v33 =	vadd.s32 v4, v31;
	v41 =	vld.idx.msk [tilespmem:v41+s19+$0x0], $0xffff;
	[tilespmem:s1+$0xFFFFFE80] =	vst v36  }
0x90: {  	v36 =	vadd.s32 v9, v18;
	v18 =	vmov v22;
	v22 =	vmov v31;
	[tilespmem:s6+$0xFFFFFE00] =	vst v40;
	v38 =	vld.idx.msk [tilespmem:v38+s19+$0x0], $0xffff  }
0x91: {  	v40 =	vadd.s32 v4, v23;
	v31 =	vld.idx.msk [tilespmem:v30+s19+$0x0], $0xffff;
	[tilespmem:s1+$0xA0] =	vst v32  }
0x92: {  	v32 =	vld.idx.msk [tilespmem:v35+s19+$0x0], $0xffff;
	[tilespmem:s1+$0x120] =	vst v34;
	v34 =	vadd.s32 v9, v20;
	v20 =	vmov v25  }
0x93: {  	v25 =	vadd.s32 v4, v24;
	[tilespmem:s6+$0xFFFFFF20] =	vst v29;
	v42 =	vld.idx.msk [tilespmem:v37+s19+$0x0], $0xffff  }
0x94: {  	s13 =	sadd.s32 $0x18, s8;
	v44 =	vadd.s32 v5, v18;
	v43 =	vld.idx.msk [tilespmem:v33+s19+$0x0], $0xffff;
	[tilespmem:s0+$0xFFFFFFC0] =	vst v39  }
0x95: {  	v29 =	vmov s13;
	v39 =	vadd.s32 v5, v20;
	[tilespmem:s6+$0x20] =	vst v41;
	v30 =	vld.idx.msk [tilespmem:v36+s19+$0x0], $0xffff  }
.Ltmp0:
0x96: {  	v37 =	vadd.s32 v8, v21;
	v29 =	vshrl.u32 v29, $0x3;
	v33 =	vld.idx.msk [tilespmem:v40+s19+$0x0], $0xffff;
	[tilespmem:s0+$0x1C0] =	vst v38;
	(pc) =	sbr.rel @p0 .LBB2_2-.Ltmp0, $4  }
0x97: {  	v35 =	vadd.s32 v8, v19;
	v38 =	vshll.u32 v29, v2;
	[tilespmem:s6+$0xFFFFFE20] =	vst v31;
	v31 =	vld.idx.msk [tilespmem:v34+s19+$0x0], $0xffff  }
0x98: {  	v36 =	vadd.s32 v5, v23;
	v29 =	vld.idx.msk [tilespmem:v25+s19+$0x0], $0xffff;
	v25 =	vbroadcast v38, $0x0;
	[tilespmem:s1+$0xFFFFFEA0] =	vst v32  }
0x99: {  	v32 =	vld.idx.msk [tilespmem:v44+s19+$0x0], $0xffff;
	[tilespmem:s1+$0x140] =	vst v42  }
0x9a: {  	s8 =	sadd.s32 $0x20, s8;
	[tilespmem:s6+$0xFFFFFF40] =	vst v43;
	v38 =	vadd.s32 v0, v25;
	v34 =	vld.idx.msk [tilespmem:v39+s19+$0x0], $0xffff  }
0x9b: {  	_ =	sdelay $0x3  }
0x9c: {  	v38 =	vld.idx.msk [tilespmem:v38+s19+$0x0], $0xffff  }
0x9d: {  	v39 =	vadd.s32 v3, v25;
	_ =	sdelay $0x3  }
0x9e: {  	[tilespmem:s6+$0x100] =	vst v38  }
0x9f: {  	v38 =	vld.idx.msk [tilespmem:v39+s19+$0x0], $0xffff  }
0xa0: {  	[tilespmem:s0+$0xE0] =	vst v28;
	v28 =	vadd.s32 v4, v25  }
0xa1: {  	[tilespmem:s6+$0x40] =	vst v33  }
0xa2: {  	[tilespmem:s0+$0xFFFFFFE0] =	vst v30;
	v60 =	vadd.s32 v5, v24  }
0xa3: {  	v30 =	vld.idx.msk [tilespmem:v37+s19+$0x0], $0xffff;
	[tilespmem:s0+$0x1E0] =	vst v31;
	v31 =	vadd.s32 v6, v20  }
0xa4: {  	v61 =	vadd.s32 v5, v22;
	v36 =	vld.idx.msk [tilespmem:v36+s19+$0x0], $0xffff;
	[tilespmem:s6+$0x120] =	vst v38  }
0xa5: {  	v21 =	vadd.s32 v9, v21;
	[tilespmem:s1+$0xFFFFFF60] =	vst v32;
	v28 =	vld.idx.msk [tilespmem:v28+s19+$0x0], $0xffff  }
0xa6: {  	v62 =	vadd.s32 v5, v25;
	[tilespmem:s6+$0xFFFFFE40] =	vst v29;
	v27 =	vld.idx.msk [tilespmem:v27+s19+$0x0], $0xffff  }
0xa7: {  	v29 =	vadd.s32 v6, v23;
	[tilespmem:s1+$0x160] =	vst v34;
	v33 =	vld.idx.msk [tilespmem:v60+s19+$0x0], $0xffff  }
0xa8: {  	[tilespmem:s1+$0xFFFFFEC0] =	vst v30;
	v30 =	vld.idx.msk [tilespmem:v31+s19+$0x0], $0xffff;
	v31 =	vadd.s32 v6, v24  }
0xa9: {  	v32 =	vld.idx.msk [tilespmem:v61+s19+$0x0], $0xffff;
	[tilespmem:s6+$0x60] =	vst v36  }
0xaa: {  	v63 =	vadd.s32 v7, v18;
	v21 =	vld.idx.msk [tilespmem:v21+s19+$0x0], $0xffff;
	[tilespmem:s6+$0x140] =	vst v28  }
0xab: {  	[tilespmem:s1+$0xFFFFFF80] =	vst v27;
	v28 =	vld.idx.msk [tilespmem:v62+s19+$0x0], $0xffff  }
0xac: {  	v29 =	vld.idx.msk [tilespmem:v29+s19+$0x0], $0xffff;
	v27 =	vadd.s32 v6, v25;
	[tilespmem:s6+$0xFFFFFE60] =	vst v33  }
0xad: {  	v37 =	vadd.s32 v7, v20;
	[tilespmem:s1+$0x180] =	vst v30;
	v30 =	vld.idx.msk [tilespmem:v31+s19+$0x0], $0xffff  }
0xae: {  	v35 =	vld.idx.msk [tilespmem:v35+s19+$0x0], $0xffff;
	v39 =	vadd.s32 v7, v24;
	[tilespmem:s6+$0xFFFFFF60] =	vst v32  }
0xaf: {  	v19 =	vadd.s32 v9, v19;
	v31 =	vld.idx.msk [tilespmem:v63+s19+$0x0], $0xffff;
	[tilespmem:s1+$0xFFFFFEE0] =	vst v21  }
0xb0: {  	v38 =	vadd.s32 v7, v23;
	v26 =	vld.idx.msk [tilespmem:v26+s19+$0x0], $0xffff;
	[tilespmem:s6+$0x160] =	vst v28  }
0xb1: {  	[tilespmem:s6+$0x80] =	vst v29;
	v21 =	vld.idx.msk [tilespmem:v27+s19+$0x0], $0xffff;
	v27 =	vadd.s32 v7, v22  }
0xb2: {  	v29 =	vadd.s32 v7, v25;
	[tilespmem:s6+$0xFFFFFE80] =	vst v30;
	v28 =	vld.idx.msk [tilespmem:v37+s19+$0x0], $0xffff  }
0xb3: {  	v40 =	vadd.s32 v8, v18;
	[tilespmem:s1+$0xC0] =	vst v35;
	v30 =	vld.idx.msk [tilespmem:v39+s19+$0x0], $0xffff  }
0xb4: {  	v42 =	vadd.s32 v8, v24;
	v19 =	vld.idx.msk [tilespmem:v19+s19+$0x0], $0xffff;
	[tilespmem:s1+$0xFFFFFFA0] =	vst v31  }
0xb5: {  	v41 =	vadd.s32 v8, v20;
	v33 =	vld.idx.msk [tilespmem:v38+s19+$0x0], $0xffff;
	[tilespmem:s6+$0xFFFFFF80] =	vst v26  }
0xb6: {  	v26 =	vadd.s32 v8, v23;
	[tilespmem:s6+$0x180] =	vst v21;
	v21 =	vld.idx.msk [tilespmem:v27+s19+$0x0], $0xffff  }
0xb7: {  	[tilespmem:s1+$0x1A0] =	vst v28;
	v28 =	vadd.s32 v8, v22;
	v27 =	vld.idx.msk [tilespmem:v29+s19+$0x0], $0xffff  }
0xb8: {  	v43 =	vadd.s32 v8, v25;
	v31 =	vld.idx.msk [tilespmem:v40+s19+$0x0], $0xffff;
	[tilespmem:s6+$0xFFFFFEA0] =	vst v30  }
0xb9: {  	v18 =	vadd.s32 v9, v18;
	[tilespmem:s1+$0xE0] =	vst v19;
	v30 =	vld.idx.msk [tilespmem:v42+s19+$0x0], $0xffff  }
0xba: {  	v24 =	vadd.s32 v9, v24;
	[tilespmem:s6+$0xA0] =	vst v33;
	v29 =	vld.idx.msk [tilespmem:v41+s19+$0x0], $0xffff  }
0xbb: {  	v20 =	vadd.s32 v9, v20;
	v26 =	vld.idx.msk [tilespmem:v26+s19+$0x0], $0xffff;
	[tilespmem:s6+$0xFFFFFFA0] =	vst v21  }
0xbc: {  	v21 =	vadd.s32 v9, v23;
	v23 =	vld.idx.msk [tilespmem:v28+s19+$0x0], $0xffff;
	[tilespmem:s6+$0x1A0] =	vst v27  }
0xbd: {  	[tilespmem:s1+$0xFFFFFFC0] =	vst v31;
	v22 =	vadd.s32 v9, v22;
	v27 =	vld.idx.msk [tilespmem:v43+s19+$0x0], $0xffff  }
0xbe: {  	v19 =	vadd.s32 v9, v25;
	v18 =	vld.idx.msk [tilespmem:v18+s19+$0x0], $0xffff;
	[tilespmem:s6+$0xFFFFFEC0] =	vst v30  }
0xbf: {  	v24 =	vld.idx.msk [tilespmem:v24+s19+$0x0], $0xffff;
	[tilespmem:s1+$0x1C0] =	vst v29  }
0xc0: {  	[tilespmem:s6+$0xC0] =	vst v26;
	v20 =	vld.idx.msk [tilespmem:v20+s19+$0x0], $0xffff  }
0xc1: {  	v21 =	vld.idx.msk [tilespmem:v21+s19+$0x0], $0xffff;
	[tilespmem:s6+$0xFFFFFFC0] =	vst v23  }
0xc2: {  	v22 =	vld.idx.msk [tilespmem:v22+s19+$0x0], $0xffff;
	[tilespmem:s6+$0x1C0] =	vst v27  }
0xc3: {  	[tilespmem:s1+$0xFFFFFFE0] =	vst v18;
	v18 =	vld.idx.msk [tilespmem:v19+s19+$0x0], $0xffff  }
0xc4: {  	[tilespmem:s6+$0xFFFFFEE0] =	vst v24  }
0xc5: {  	[tilespmem:s1+$0x1E0] =	vst v20  }
0xc6: {  	[tilespmem:s6+$0xE0] =	vst v21  }
0xc7: {  	[tilespmem:s6+$0xFFFFFFE0] =	vst v22  }
0xc8: {  	[tilespmem:s6+$0x1E0] =	vst v18  }
0xc9: {  	v18 =	vld.idx.msk [tilespmem:v10+s19+$0x0], $0xffff;
	_ =	sdelay $0x4  }
0xca: {  	[tilespmem:$0x12EE8] =	vst v18  }
0xcb: {  	v18 =	vld.idx.msk [tilespmem:v11+s19+$0x0], $0xffff;
	_ =	sdelay $0x4  }
0xcc: {  	[tilespmem:$0x12F08] =	vst v18  }
0xcd: {  	v18 =	vld.idx.msk [tilespmem:v12+s19+$0x0], $0xffff;
	_ =	sdelay $0x4  }
0xce: {  	[tilespmem:$0x12F28] =	vst v18  }
0xcf: {  	v18 =	vld.idx.msk [tilespmem:v13+s19+$0x0], $0xffff;
	_ =	sdelay $0x4  }
0xd0: {  	[tilespmem:$0x12F48] =	vst v18  }
0xd1: {  	v18 =	vld.idx.msk [tilespmem:v14+s19+$0x0], $0xffff;
	_ =	sdelay $0x4  }
0xd2: {  	[tilespmem:$0x12F68] =	vst v18  }
0xd3: {  	v18 =	vld.idx.msk [tilespmem:v15+s19+$0x0], $0xffff;
	_ =	sdelay $0x4  }
0xd4: {  	[tilespmem:$0x12F88] =	vst v18  }
0xd5: {  	v18 =	vld.idx.msk [tilespmem:v16+s19+$0x0], $0xffff;
	_ =	sdelay $0x4  }
0xd6: {  	[tilespmem:$0x12FA8] =	vst v18  }
0xd7: {  	v18 =	vld.idx.msk [tilespmem:v17+s19+$0x0], $0xffff;
	_ =	sdelay $0x4  }
0xd8: {  	[tilespmem:$0x12FC8] =	vst v18  }
0xd9: {  	[tilespmem:s19], [sflag:$0x1] =	stream.indirect.gather [hbm4b:s5+s18], $0x3E8, s22, s18, $0xb8;
	[tilespmem:$0x1ACF8] =	vst v63  }
0xda: {  	_ =	swait.ge [sflag:s23], $0x3E80  }
0xdb: {  	[sflag:s23] =	ssyncset.done $0x0  }
0xdc: {  	[sflag:s23] =	ssyncadd.s32 $0xFFFFC180  }
0xdd: {  	v18 =	vld [tilespmem:$0x1910]  }
0xde: {  	v19 =	vld [tilespmem:$0x10];
	_ =	sdelay $0x3  }
0xdf: {  	v18 =	vadd.s32 v0, v18;
	_ =	sdelay $0x3  }
0xe0: {  	v19 =	vld.idx.msk [tilespmem:v19+s17+$0x0], $0xffff  }
0xe1: {  	s31 =	simm.s32 $0x10;
	v18 =	vld.idx.msk [tilespmem:v18+s20+$0x0], $0xffff  }
0xe2: {  	v20 =	vmov s31  }
0xe3: {  	s1 =	simm.s32 $0x0;
	v20 =	vshrl.u32 v20, $0x3  }
0xe4: {  	v20 =	vshll.u32 v20, v2;
	v22 =	vmov s1;
	v21 =	vld [tilespmem:$0x1ACE8]  }
0xe5: {  	v24 =	vbroadcast v20, $0x0;
	v20 =	vshrl.u32 v22, $0x3  }
0xe6: {  	s6 =	simm.s32 $0x8;
	v18 =	vsub.f32 v19, v18;
	v19 =	vshll.u32 v20, v2  }
0xe7: {  	v23 =	vadd.s32 v0, v24;
	v20 =	vmov s6;
	v22 =	vbroadcast v19, $0x0  }
0xe8: {  	v19 =	vshrl.u32 v20, $0x3  }
0xe9: {  	v18 =	vadd.f32 v18, v21;
	v19 =	vshll.u32 v19, v2;
	v20 =	vadd.s32 v0, v22  }
0xea: {  	v25 =	vbroadcast v19, $0x0  }
0xeb: {  	[tilespmem:$0x1ACE8] =	vst v18  }
0xec: {  	v18 =	vadd.s32 v0, v25;
	v19 =	vld.idx.msk [tilespmem:v23+s20+$0x0], $0xffff  }
0xed: {  	v21 =	vadd.s32 v3, v24  }
0xee: {  	v20 =	vld.idx.msk [tilespmem:v20+s20+$0x0], $0xffff  }
0xef: {  	v23 =	vadd.s32 v3, v22  }
0xf0: {  	s0 =	simm.s32 $0xB4F8  }
0xf1: {  	s7 =	simm.s32 $0x18;
	v18 =	vld.idx.msk [tilespmem:v18+s20+$0x0], $0xffff;
	[tilespmem:s0+$0x0] =	vst v19  }
0xf2: {  	v26 =	vmov s7;
	v19 =	vadd.s32 v3, v25;
	v21 =	vld.idx.msk [tilespmem:v21+s20+$0x0], $0xffff  }
0xf3: {  	v26 =	vshrl.u32 v26, $0x3;
	[tilespmem:s0+$0xFFFFFE00] =	vst v20;
	v20 =	vadd.s32 v4, v24  }
0xf4: {  	v26 =	vshll.u32 v26, v2;
	v23 =	vld.idx.msk [tilespmem:v23+s20+$0x0], $0xffff  }
0xf5: {  	v26 =	vbroadcast v26, $0x0;
	v27 =	vadd.s32 v4, v22  }
0xf6: {  	s8 =	simm.s32 $0x28;
	[tilespmem:s0+$0xFFFFFF00] =	vst v18  }
0xf7: {  	s13 =	simm.s32 $0x30;
	v31 =	vadd.s32 v0, v26;
	v30 =	vadd.s32 v5, v24;
	v18 =	vmov s8;
	v28 =	vld.idx.msk [tilespmem:v19+s20+$0x0], $0xffff;
	[tilespmem:s0+$0x20] =	vst v21  }
0xf8: {  	s14 =	simm.s32 $0x20;
	v29 =	vadd.s32 v4, v25;
	v18 =	vshrl.u32 v18, $0x3;
	v19 =	vmov s13;
	v20 =	vld.idx.msk [tilespmem:v20+s20+$0x0], $0xffff  }
0xf9: {  	v21 =	vmov s14;
	v18 =	vshll.u32 v18, v2;
	v19 =	vshrl.u32 v19, $0x3;
	[tilespmem:s0+$0xFFFFFE20] =	vst v23  }
0xfa: {  	v21 =	vshrl.u32 v21, $0x3;
	v18 =	vbroadcast v18, $0x0;
	v19 =	vshll.u32 v19, v2;
	v23 =	vld.idx.msk [tilespmem:v27+s20+$0x0], $0xffff  }
0xfb: {  	v21 =	vshll.u32 v21, v2;
	v19 =	vbroadcast v19, $0x0;
	v27 =	vadd.s32 v5, v22  }
0xfc: {  	v21 =	vbroadcast v21, $0x0;
	[tilespmem:s0+$0xFFFFFF20] =	vst v28;
	v28 =	vadd.s32 v0, v18  }
0xfd: {  	v31 =	vld.idx.msk [tilespmem:v31+s20+$0x0], $0xffff;
	[tilespmem:s0+$0x40] =	vst v20;
	v20 =	vadd.s32 v0, v19  }
0xfe: {  	v44 =	vadd.s32 v0, v21;
	v30 =	vld.idx.msk [tilespmem:v30+s20+$0x0], $0xffff  }
0xff: {  	v45 =	vadd.s32 v6, v24;
	v29 =	vld.idx.msk [tilespmem:v29+s20+$0x0], $0xffff;
	[tilespmem:s0+$0xFFFFFE40] =	vst v23  }
0x100: {  	v23 =	vld.idx.msk [tilespmem:v27+s20+$0x0], $0xffff;
	v27 =	vadd.s32 v3, v26  }
0x101: {  	v46 =	vadd.s32 v6, v22;
	v28 =	vld.idx.msk [tilespmem:v28+s20+$0x0], $0xffff  }
0x102: {  	v47 =	vadd.s32 v3, v18;
	v20 =	vld.idx.msk [tilespmem:v20+s20+$0x0], $0xffff  }
0x103: {  	v48 =	vadd.s32 v3, v19;
	[tilespmem:s0+$0x60] =	vst v30;
	v30 =	vld.idx.msk [tilespmem:v44+s20+$0x0], $0xffff  }
0x104: {  	[tilespmem:s0+$0x100] =	vst v31;
	v31 =	vadd.s32 v3, v21;
	v33 =	vld.idx.msk [tilespmem:v45+s20+$0x0], $0xffff  }
0x105: {  	v49 =	vadd.s32 v7, v24;
	s1 =	simm.s32 $0xB8F8;
	[tilespmem:s0+$0xFFFFFE60] =	vst v23;
	v23 =	vld.idx.msk [tilespmem:v27+s20+$0x0], $0xffff  }
0x106: {  	[tilespmem:s1+$0xFFFFFF00] =	vst v28;
	v28 =	vadd.s32 v4, v26;
	v27 =	vld.idx.msk [tilespmem:v46+s20+$0x0], $0xffff  }
0x107: {  	v50 =	vadd.s32 v7, v22;
	[tilespmem:s1+$0x0] =	vst v20;
	v20 =	vld.idx.msk [tilespmem:v47+s20+$0x0], $0xffff  }
0x108: {  	v51 =	vadd.s32 v4, v18;
	v32 =	vld.idx.msk [tilespmem:v48+s20+$0x0], $0xffff;
	[tilespmem:s1+$0xFFFFFE00] =	vst v30  }
0x109: {  	[tilespmem:s0+$0x80] =	vst v33;
	v30 =	vld.idx.msk [tilespmem:v31+s20+$0x0], $0xffff;
	v31 =	vadd.s32 v4, v19  }
0x10a: {  	s25 =	simm.s32 $0x38;
	v33 =	vld.idx.msk [tilespmem:v49+s20+$0x0], $0xffff;
	[tilespmem:s0+$0x120] =	vst v23;
	v23 =	vadd.s32 v4, v21  }
0x10b: {  	v52 =	vmov s25;
	[tilespmem:s0+$0xFFFFFE80] =	vst v27;
	v27 =	vld.idx.msk [tilespmem:v28+s20+$0x0], $0xffff;
	v28 =	vadd.s32 v5, v25  }
0x10c: {  	v53 =	vadd.s32 v5, v26;
	v34 =	vld.idx.msk [tilespmem:v50+s20+$0x0], $0xffff;
	[tilespmem:s1+$0xFFFFFF20] =	vst v20;
	v20 =	vshrl.u32 v52, $0x3  }
0x10d: {  	v54 =	vadd.s32 v8, v22;
	v35 =	vld.idx.msk [tilespmem:v51+s20+$0x0], $0xffff;
	[tilespmem:s1+$0x20] =	vst v32;
	v20 =	vshll.u32 v20, v2  }
0x10e: {  	v31 =	vld.idx.msk [tilespmem:v31+s20+$0x0], $0xffff;
	[tilespmem:s1+$0xFFFFFE20] =	vst v30;
	v30 =	vadd.s32 v8, v24;
	v20 =	vbroadcast v20, $0x0  }
0x10f: {  	[tilespmem:s0+$0xFFFFFF40] =	vst v29;
	v29 =	vld.idx.msk [tilespmem:v23+s20+$0x0], $0xffff;
	v23 =	vadd.s32 v5, v19  }
0x110: {  	v28 =	vld.idx.msk [tilespmem:v28+s20+$0x0], $0xffff;
	[tilespmem:s0+$0x140] =	vst v27;
	v27 =	vadd.s32 v0, v20  }
0x111: {  	s26 =	simm.s32 $0x48;
	v60 =	vadd.s32 v5, v21;
	[tilespmem:s0+$0xFFFFFEA0] =	vst v34;
	v56 =	vld.idx.msk [tilespmem:v53+s20+$0x0], $0xffff  }
0x112: {  	s28 =	simm.s32 $0x50;
	v57 =	vmov s26;
	v55 =	vadd.s32 v6, v25;
	[tilespmem:s0+$0xA0] =	vst v33;
	v32 =	vld.idx.msk [tilespmem:v54+s20+$0x0], $0xffff  }
0x113: {  	v59 =	vmov s28;
	v58 =	vadd.s32 v6, v26;
	[tilespmem:s1+$0x40] =	vst v31;
	v30 =	vld.idx.msk [tilespmem:v30+s20+$0x0], $0xffff;
	v31 =	vshrl.u32 v57, $0x3  }
0x114: {  	v62 =	vadd.s32 v9, v22;
	v61 =	vld.idx.msk [tilespmem:v23+s20+$0x0], $0xffff;
	v23 =	vshll.u32 v31, v2;
	v31 =	vshrl.u32 v59, $0x3  }
0x115: {  	[tilespmem:s1+$0xFFFFFE40] =	vst v29;
	v22 =	vbroadcast v23, $0x0;
	v23 =	vshll.u32 v31, v2;
	v31 =	vadd.s32 v6, v19;
	v27 =	vld.idx.msk [tilespmem:v27+s20+$0x0], $0xffff  }
0x116: {  	[tilespmem:s0+$0xFFFFFF60] =	vst v28;
	v28 =	vadd.s32 v9, v24;
	v38 =	vld.idx.msk [tilespmem:v60+s20+$0x0], $0xffff  }
0x117: {  	s31 =	simm.s32 $0x40;
	v44 =	vadd.s32 v6, v21;
	v36 =	vld.idx.msk [tilespmem:v55+s20+$0x0], $0xffff;
	[tilespmem:s0+$0x160] =	vst v56  }
0x118: {  	v24 =	vmov s31;
	v23 =	vbroadcast v23, $0x0;
	v63 =	vadd.s32 v0, v22;
	v29 =	vld.idx.msk [tilespmem:v58+s20+$0x0], $0xffff;
	[tilespmem:s0+$0xFFFFFEC0] =	vst v32  }
0x119: {  	v43 =	vadd.s32 v7, v25;
	v24 =	vshrl.u32 v24, $0x3;
	v32 =	vld.idx.msk [tilespmem:v62+s20+$0x0], $0xffff;
	[tilespmem:s1+$0x60] =	vst v61  }
0x11a: {  	v24 =	vshll.u32 v24, v2;
	v42 =	vadd.s32 v0, v23;
	[tilespmem:s0+$0xC0] =	vst v30;
	v31 =	vld.idx.msk [tilespmem:v31+s20+$0x0], $0xffff  }
0x11b: {  	v24 =	vbroadcast v24, $0x0;
	v30 =	vadd.s32 v7, v26;
	v28 =	vld.idx.msk [tilespmem:v28+s20+$0x0], $0xffff;
	[tilespmem:s1+$0xFFFFFE60] =	vst v38  }
0x11c: {  	v40 =	vadd.s32 v5, v18;
	[tilespmem:s1+$0xFFFFFF40] =	vst v35;
	v49 =	vld.idx.msk [tilespmem:v44+s20+$0x0], $0xffff  }
0x11d: {  	v45 =	vadd.s32 v0, v24;
	[tilespmem:s0+$0xFFFFFF80] =	vst v36;
	v34 =	vld.idx.msk [tilespmem:v63+s20+$0x0], $0xffff  }
0x11e: {  	v47 =	vadd.s32 v7, v19;
	[tilespmem:s1+$0x100] =	vst v27;
	v33 =	vld.idx.msk [tilespmem:v43+s20+$0x0], $0xffff  }
0x11f: {  	[tilespmem:s0+$0x180] =	vst v29;
	v29 =	vadd.s32 v3, v20;
	v46 =	vld.idx.msk [tilespmem:v42+s20+$0x0], $0xffff  }
0x120: {  	v55 =	vadd.s32 v7, v21;
	[tilespmem:s0+$0xFFFFFEE0] =	vst v32;
	v30 =	vld.idx.msk [tilespmem:v30+s20+$0x0], $0xffff  }
0x121: {  	v48 =	vadd.s32 v3, v22;
	v32 =	vld.idx.msk [tilespmem:v40+s20+$0x0], $0xffff;
	[tilespmem:s1+$0x80] =	vst v31  }
0x122: {  	s6 =	simm.s32 $0xBCF8;
	v31 =	vadd.s32 v8, v25;
	v50 =	vld.idx.msk [tilespmem:v45+s20+$0x0], $0xffff;
	[tilespmem:s1+$0xFFFFFE80] =	vst v49  }
0x123: {  	v51 =	vadd.s32 v3, v23;
	v27 =	vld.idx.msk [tilespmem:v47+s20+$0x0], $0xffff;
	[tilespmem:s6+$0xFFFFFF00] =	vst v34  }
0x124: {  	v52 =	vadd.s32 v8, v26;
	v29 =	vld.idx.msk [tilespmem:v29+s20+$0x0], $0xffff;
	[tilespmem:s0+$0xFFFFFFA0] =	vst v33  }
0x125: {  	v53 =	vadd.s32 v3, v24;
	v60 =	vld.idx.msk [tilespmem:v55+s20+$0x0], $0xffff;
	[tilespmem:s6+$0x0] =	vst v46  }
0x126: {  	v56 =	vadd.s32 v4, v20;
	v54 =	vld.idx.msk [tilespmem:v48+s20+$0x0], $0xffff;
	[tilespmem:s0+$0x1A0] =	vst v30  }
0x127: {  	v30 =	vadd.s32 v4, v22;
	v31 =	vld.idx.msk [tilespmem:v31+s20+$0x0], $0xffff;
	[tilespmem:s6+$0xFFFFFE00] =	vst v50  }
0x128: {  	v25 =	vadd.s32 v9, v25;
	v39 =	vld.idx.msk [tilespmem:v51+s20+$0x0], $0xffff;
	[tilespmem:s1+$0xA0] =	vst v27  }
0x129: {  	v59 =	vadd.s32 v4, v23;
	v57 =	vld.idx.msk [tilespmem:v52+s20+$0x0], $0xffff;
	[tilespmem:s1+$0x120] =	vst v29  }
0x12a: {  	v26 =	vadd.s32 v9, v26;
	v58 =	vld.idx.msk [tilespmem:v53+s20+$0x0], $0xffff;
	[tilespmem:s1+$0xFFFFFEA0] =	vst v60  }
0x12b: {  	s7 =	simm.s32 $0x58;
	v29 =	vadd.s32 v4, v24;
	[tilespmem:s6+$0xFFFFFF20] =	vst v54;
	v61 =	vld.idx.msk [tilespmem:v56+s20+$0x0], $0xffff  }
0x12c: {  	v63 =	vadd.s32 v5, v20;
	v27 =	vmov s7;
	v62 =	vld.idx.msk [tilespmem:v30+s20+$0x0], $0xffff;
	[tilespmem:s0+$0xFFFFFFC0] =	vst v31  }
0x12d: {  	v37 =	vadd.s32 v8, v21;
	[tilespmem:s6+$0x20] =	vst v39;
	v30 =	vld.idx.msk [tilespmem:v25+s20+$0x0], $0xffff;
	v25 =	vshrl.u32 v27, $0x3  }
0x12e: {  	v35 =	vadd.s32 v8, v19;
	[tilespmem:s0+$0x1C0] =	vst v57;
	v33 =	vld.idx.msk [tilespmem:v59+s20+$0x0], $0xffff;
	v25 =	vshll.u32 v25, v2  }
0x12f: {  	v36 =	vadd.s32 v5, v23;
	v31 =	vld.idx.msk [tilespmem:v26+s20+$0x0], $0xffff;
	[tilespmem:s6+$0xFFFFFE20] =	vst v58;
	v25 =	vbroadcast v25, $0x0  }
0x130: {  	v26 =	vadd.s32 v6, v22;
	v29 =	vld.idx.msk [tilespmem:v29+s20+$0x0], $0xffff;
	[tilespmem:s1+$0x140] =	vst v61  }
0x131: {  	s8 =	simm.s32 $0x60;
	s7 =	simm.s32 $0x8;
	v27 =	vadd.s32 v6, v18;
	[tilespmem:s6+$0xFFFFFF40] =	vst v62;
	v34 =	vld.idx.msk [tilespmem:v63+s20+$0x0], $0xffff;
	v38 =	vadd.s32 v0, v25  }
.LBB2_4:
0x132: {  	s13 =	sadd.s32 $0x8, s8;
	s7 =	sadd.s32 $0x4, s7;
	v37 =	vld.idx.msk [tilespmem:v37+s20+$0x0], $0xffff;
	[tilespmem:s0+$0xE0] =	vst v28  }
0x133: {  	v28 =	vmov s13;
	s13 =	sadd.s32 $0x10, s8;
	p0 =	slt.u32 s7, $0x78;
	[tilespmem:s6+$0x40] =	vst v33;
	v33 =	vld.idx.msk [tilespmem:v35+s20+$0x0], $0xffff;
	v35 =	vadd.s32 v6, v20  }
0x134: {  	v40 =	vadd.s32 v5, v24;
	v28 =	vshrl.u32 v28, $0x3;
	v39 =	vmov s13;
	v36 =	vld.idx.msk [tilespmem:v36+s20+$0x0], $0xffff;
	[tilespmem:s0+$0xFFFFFFE0] =	vst v30  }
0x135: {  	v28 =	vshll.u32 v28, v2;
	v30 =	vshrl.u32 v39, $0x3;
	v39 =	vadd.s32 v9, v21;
	[tilespmem:s0+$0x1E0] =	vst v31;
	v21 =	vmovc v24;
	s0 =	smov.u32 s1;
	s1 =	smov.u32 s6  }
0x136: {  	v31 =	vbroadcast v28, $0x0;
	v24 =	vshll.u32 v30, v2;
	v28 =	vadd.s32 v6, v23;
	v30 =	vld.idx.msk [tilespmem:v38+s20+$0x0], $0xffff;
	[tilespmem:s0+$0xFFFFFF60] =	vst v32  }
0x137: {  	v41 =	vadd.s32 v9, v19;
	v19 =	vmovc v23;
	v32 =	vmov s8;
	v38 =	vld.idx.msk [tilespmem:v27+s20+$0x0], $0xffff;
	[tilespmem:s0+$0x160] =	vst v34;
	v23 =	vbroadcast v24, $0x0;
	v27 =	vmovc v26  }
0x138: {  	v24 =	vshrl.u32 v32, $0x3;
	v32 =	vadd.s32 v0, v31;
	v26 =	vadd.s32 v6, v31;
	[tilespmem:s6+$0xFFFFFE40] =	vst v29;
	v29 =	vld.idx.msk [tilespmem:v35+s20+$0x0], $0xffff  }
0x139: {  	v24 =	vshll.u32 v24, v2;
	v34 =	vadd.s32 v0, v23;
	v35 =	vld.idx.msk [tilespmem:v40+s20+$0x0], $0xffff;
	[tilespmem:s0+$0xFFFFFEC0] =	vst v37  }
0x13a: {  	v24 =	vbroadcast v24, $0x0;
	v37 =	vadd.s32 v7, v18;
	[tilespmem:s6+$0x60] =	vst v36;
	v36 =	vld.idx.msk [tilespmem:v39+s20+$0x0], $0xffff  }
0x13b: {  	v39 =	vld.idx.msk [tilespmem:v28+s20+$0x0], $0xffff;
	[tilespmem:s0+$0xC0] =	vst v33;
	v33 =	vadd.s32 v7, v20  }
0x13c: {  	v42 =	vadd.s32 v6, v21;
	v40 =	vadd.s32 v0, v24;
	v28 =	vld.idx.msk [tilespmem:v41+s20+$0x0], $0xffff  }
0x13d: {  	v32 =	vld.idx.msk [tilespmem:v32+s20+$0x0], $0xffff;
	[tilespmem:s0+$0xFFFFFF80] =	vst v38  }
0x13e: {  	v38 =	vadd.s32 v7, v19;
	v34 =	vld.idx.msk [tilespmem:v34+s20+$0x0], $0xffff;
	[tilespmem:s0+$0x180] =	vst v29  }
0x13f: {  	v29 =	vadd.s32 v3, v31;
	[tilespmem:s6+$0xFFFFFE60] =	vst v35;
	v35 =	vadd.s32 v3, v25;
	v37 =	vld.idx.msk [tilespmem:v37+s20+$0x0], $0xffff  }
0x140: {  	[tilespmem:s0+$0xFFFFFEE0] =	vst v36;
	v33 =	vld.idx.msk [tilespmem:v33+s20+$0x0], $0xffff  }
0x141: {  	v36 =	vld.idx.msk [tilespmem:v42+s20+$0x0], $0xffff;
	[tilespmem:s6+$0x80] =	vst v39;
	v39 =	vadd.s32 v8, v18  }
0x142: {  	v41 =	vadd.s32 v3, v23;
	s6 =	sadd.s32 $0x400, s6;
	v40 =	vld.idx.msk [tilespmem:v40+s20+$0x0], $0xffff;
	[tilespmem:s1+$0x100] =	vst v30  }
0x143: {  	v30 =	vadd.s32 v3, v24;
	[tilespmem:s6+$0xFFFFFF00] =	vst v32;
	v32 =	vld.idx.msk [tilespmem:v38+s20+$0x0], $0xffff;
	v38 =	vadd.s32 v8, v20  }
0x144: {  	[tilespmem:s6+$0x0] =	vst v34;
	v34 =	vld.idx.msk [tilespmem:v35+s20+$0x0], $0xffff  }
0x145: {  	v35 =	vadd.s32 v7, v21;
	v29 =	vld.idx.msk [tilespmem:v29+s20+$0x0], $0xffff;
	[tilespmem:s0+$0xFFFFFFA0] =	vst v37  }
0x146: {  	v37 =	vadd.s32 v4, v25;
	v39 =	vld.idx.msk [tilespmem:v39+s20+$0x0], $0xffff;
	[tilespmem:s0+$0x1A0] =	vst v33  }
0x147: {  	v33 =	vadd.s32 v4, v31;
	v41 =	vld.idx.msk [tilespmem:v41+s20+$0x0], $0xffff;
	[tilespmem:s1+$0xFFFFFE80] =	vst v36  }
0x148: {  	v36 =	vadd.s32 v9, v18;
	v18 =	vmov v22;
	v22 =	vmov v31;
	[tilespmem:s6+$0xFFFFFE00] =	vst v40;
	v38 =	vld.idx.msk [tilespmem:v38+s20+$0x0], $0xffff  }
0x149: {  	v40 =	vadd.s32 v4, v23;
	v31 =	vld.idx.msk [tilespmem:v30+s20+$0x0], $0xffff;
	[tilespmem:s1+$0xA0] =	vst v32  }
0x14a: {  	v32 =	vld.idx.msk [tilespmem:v35+s20+$0x0], $0xffff;
	[tilespmem:s1+$0x120] =	vst v34;
	v34 =	vadd.s32 v9, v20;
	v20 =	vmov v25  }
0x14b: {  	v25 =	vadd.s32 v4, v24;
	[tilespmem:s6+$0xFFFFFF20] =	vst v29;
	v42 =	vld.idx.msk [tilespmem:v37+s20+$0x0], $0xffff  }
0x14c: {  	s13 =	sadd.s32 $0x18, s8;
	v44 =	vadd.s32 v5, v18;
	v43 =	vld.idx.msk [tilespmem:v33+s20+$0x0], $0xffff;
	[tilespmem:s0+$0xFFFFFFC0] =	vst v39  }
0x14d: {  	v29 =	vmov s13;
	v39 =	vadd.s32 v5, v20;
	[tilespmem:s6+$0x20] =	vst v41;
	v30 =	vld.idx.msk [tilespmem:v36+s20+$0x0], $0xffff  }
.Ltmp1:
0x14e: {  	v37 =	vadd.s32 v8, v21;
	v29 =	vshrl.u32 v29, $0x3;
	v33 =	vld.idx.msk [tilespmem:v40+s20+$0x0], $0xffff;
	[tilespmem:s0+$0x1C0] =	vst v38;
	(pc) =	sbr.rel @p0 .LBB2_4-.Ltmp1, $4  }
0x14f: {  	v35 =	vadd.s32 v8, v19;
	v38 =	vshll.u32 v29, v2;
	[tilespmem:s6+$0xFFFFFE20] =	vst v31;
	v31 =	vld.idx.msk [tilespmem:v34+s20+$0x0], $0xffff  }
0x150: {  	v36 =	vadd.s32 v5, v23;
	v29 =	vld.idx.msk [tilespmem:v25+s20+$0x0], $0xffff;
	v25 =	vbroadcast v38, $0x0;
	[tilespmem:s1+$0xFFFFFEA0] =	vst v32  }
0x151: {  	v32 =	vld.idx.msk [tilespmem:v44+s20+$0x0], $0xffff;
	[tilespmem:s1+$0x140] =	vst v42  }
0x152: {  	s8 =	sadd.s32 $0x20, s8;
	[tilespmem:s6+$0xFFFFFF40] =	vst v43;
	v38 =	vadd.s32 v0, v25;
	v34 =	vld.idx.msk [tilespmem:v39+s20+$0x0], $0xffff  }
0x153: {  	_ =	sdelay $0x3  }
0x154: {  	v38 =	vld.idx.msk [tilespmem:v38+s20+$0x0], $0xffff  }
0x155: {  	v39 =	vadd.s32 v3, v25;
	_ =	sdelay $0x3  }
0x156: {  	[tilespmem:s6+$0x100] =	vst v38  }
0x157: {  	v38 =	vld.idx.msk [tilespmem:v39+s20+$0x0], $0xffff  }
0x158: {  	[tilespmem:s0+$0xE0] =	vst v28;
	v54 =	vadd.s32 v4, v25  }
0x159: {  	[tilespmem:s6+$0x40] =	vst v33  }
0x15a: {  	[tilespmem:s0+$0xFFFFFFE0] =	vst v30  }
0x15b: {  	v55 =	vld.idx.msk [tilespmem:v37+s20+$0x0], $0xffff;
	v56 =	vadd.s32 v5, v24;
	[tilespmem:s0+$0x1E0] =	vst v31  }
0x15c: {  	v57 =	vadd.s32 v6, v20;
	v35 =	vld.idx.msk [tilespmem:v35+s20+$0x0], $0xffff;
	[tilespmem:s6+$0x120] =	vst v38  }
0x15d: {  	v58 =	vadd.s32 v5, v22;
	[tilespmem:s6+$0xFFFFFE40] =	vst v29;
	v28 =	vld.idx.msk [tilespmem:v54+s20+$0x0], $0xffff  }
0x15e: {  	v59 =	vadd.s32 v5, v25;
	v36 =	vld.idx.msk [tilespmem:v36+s20+$0x0], $0xffff;
	[tilespmem:s1+$0xFFFFFF60] =	vst v32  }
0x15f: {  	v21 =	vadd.s32 v9, v21;
	[tilespmem:s1+$0x160] =	vst v34;
	v27 =	vld.idx.msk [tilespmem:v27+s20+$0x0], $0xffff  }
0x160: {  	v19 =	vadd.s32 v9, v19;
	v33 =	vld.idx.msk [tilespmem:v56+s20+$0x0], $0xffff;
	[tilespmem:s1+$0xFFFFFEC0] =	vst v55  }
0x161: {  	v60 =	vadd.s32 v6, v23;
	v61 =	vld.idx.msk [tilespmem:v57+s20+$0x0], $0xffff;
	[tilespmem:s1+$0xC0] =	vst v35  }
0x162: {  	v62 =	vadd.s32 v6, v24;
	v32 =	vld.idx.msk [tilespmem:v58+s20+$0x0], $0xffff;
	[tilespmem:s6+$0x140] =	vst v28  }
0x163: {  	[tilespmem:s6+$0x60] =	vst v36;
	v28 =	vld.idx.msk [tilespmem:v59+s20+$0x0], $0xffff  }
0x164: {  	v40 =	vadd.s32 v6, v25;
	v21 =	vld.idx.msk [tilespmem:v21+s20+$0x0], $0xffff;
	[tilespmem:s1+$0xFFFFFF80] =	vst v27  }
0x165: {  	v63 =	vadd.s32 v7, v18;
	v19 =	vld.idx.msk [tilespmem:v19+s20+$0x0], $0xffff;
	[tilespmem:s6+$0xFFFFFE60] =	vst v33  }
0x166: {  	v41 =	vadd.s32 v7, v20;
	v29 =	vld.idx.msk [tilespmem:v60+s20+$0x0], $0xffff;
	[tilespmem:s1+$0x180] =	vst v61  }
0x167: {  	v42 =	vadd.s32 v7, v23;
	[tilespmem:s6+$0xFFFFFF60] =	vst v32;
	v43 =	vld.idx.msk [tilespmem:v62+s20+$0x0], $0xffff  }
0x168: {  	v45 =	vadd.s32 v7, v24;
	v26 =	vld.idx.msk [tilespmem:v26+s20+$0x0], $0xffff;
	[tilespmem:s6+$0x160] =	vst v28  }
0x169: {  	v48 =	vadd.s32 v7, v22;
	[tilespmem:s1+$0xFFFFFEE0] =	vst v21;
	v47 =	vld.idx.msk [tilespmem:v40+s20+$0x0], $0xffff  }
0x16a: {  	v50 =	vadd.s32 v7, v25;
	v44 =	vld.idx.msk [tilespmem:v63+s20+$0x0], $0xffff;
	[tilespmem:s1+$0xE0] =	vst v19  }
0x16b: {  	v46 =	vadd.s32 v8, v18;
	v49 =	vld.idx.msk [tilespmem:v41+s20+$0x0], $0xffff;
	[tilespmem:s6+$0x80] =	vst v29  }
0x16c: {  	v51 =	vadd.s32 v8, v20;
	v33 =	vld.idx.msk [tilespmem:v42+s20+$0x0], $0xffff;
	[tilespmem:s6+$0xFFFFFE80] =	vst v43  }
0x16d: {  	v53 =	vadd.s32 v8, v23;
	[tilespmem:s6+$0xFFFFFF80] =	vst v26;
	v30 =	vld.idx.msk [tilespmem:v45+s20+$0x0], $0xffff  }
0x16e: {  	v52 =	vadd.s32 v8, v24;
	v54 =	vld.idx.msk [tilespmem:v48+s20+$0x0], $0xffff;
	[tilespmem:s6+$0x180] =	vst v47  }
0x16f: {  	v56 =	vadd.s32 v8, v22;
	[tilespmem:s1+$0xFFFFFFA0] =	vst v44;
	v55 =	vld.idx.msk [tilespmem:v50+s20+$0x0], $0xffff  }
0x170: {  	v58 =	vadd.s32 v8, v25;
	v31 =	vld.idx.msk [tilespmem:v46+s20+$0x0], $0xffff;
	[tilespmem:s1+$0x1A0] =	vst v49  }
0x171: {  	v18 =	vadd.s32 v9, v18;
	v57 =	vld.idx.msk [tilespmem:v51+s20+$0x0], $0xffff;
	[tilespmem:s6+$0xA0] =	vst v33  }
0x172: {  	v59 =	vadd.s32 v9, v20;
	v26 =	vld.idx.msk [tilespmem:v53+s20+$0x0], $0xffff;
	[tilespmem:s6+$0xFFFFFEA0] =	vst v30  }
0x173: {  	v61 =	vadd.s32 v9, v23;
	[tilespmem:s6+$0xFFFFFFA0] =	vst v54;
	v30 =	vld.idx.msk [tilespmem:v52+s20+$0x0], $0xffff  }
0x174: {  	v60 =	vadd.s32 v9, v24;
	v62 =	vld.idx.msk [tilespmem:v56+s20+$0x0], $0xffff;
	[tilespmem:s6+$0x1A0] =	vst v55  }
0x175: {  	v63 =	vadd.s32 v9, v22;
	[tilespmem:s1+$0xFFFFFFC0] =	vst v31;
	v27 =	vld.idx.msk [tilespmem:v58+s20+$0x0], $0xffff  }
0x176: {  	v19 =	vadd.s32 v9, v25;
	[tilespmem:s1+$0x1C0] =	vst v57;
	v18 =	vld.idx.msk [tilespmem:v18+s20+$0x0], $0xffff  }
0x177: {  	v20 =	vld.idx.msk [tilespmem:v59+s20+$0x0], $0xffff;
	[tilespmem:s6+$0xC0] =	vst v26  }
0x178: {  	v21 =	vld.idx.msk [tilespmem:v61+s20+$0x0], $0xffff;
	[tilespmem:s6+$0xFFFFFEC0] =	vst v30  }
0x179: {  	[tilespmem:s6+$0xFFFFFFC0] =	vst v62;
	v24 =	vld.idx.msk [tilespmem:v60+s20+$0x0], $0xffff  }
0x17a: {  	v22 =	vld.idx.msk [tilespmem:v63+s20+$0x0], $0xffff;
	[tilespmem:s6+$0x1C0] =	vst v27  }
0x17b: {  	[tilespmem:s1+$0xFFFFFFE0] =	vst v18;
	v18 =	vld.idx.msk [tilespmem:v19+s20+$0x0], $0xffff  }
0x17c: {  	[tilespmem:s1+$0x1E0] =	vst v20  }
0x17d: {  	[tilespmem:s6+$0xE0] =	vst v21  }
0x17e: {  	[tilespmem:s6+$0xFFFFFEE0] =	vst v24  }
0x17f: {  	[tilespmem:s6+$0xFFFFFFE0] =	vst v22  }
0x180: {  	[tilespmem:s6+$0x1E0] =	vst v18  }
0x181: {  	v18 =	vld.idx.msk [tilespmem:v10+s20+$0x0], $0xffff;
	_ =	sdelay $0x4  }
0x182: {  	[tilespmem:$0x12EF8] =	vst v18  }
0x183: {  	v18 =	vld.idx.msk [tilespmem:v11+s20+$0x0], $0xffff;
	_ =	sdelay $0x4  }
0x184: {  	[tilespmem:$0x12F18] =	vst v18  }
0x185: {  	v18 =	vld.idx.msk [tilespmem:v12+s20+$0x0], $0xffff;
	_ =	sdelay $0x4  }
0x186: {  	[tilespmem:$0x12F38] =	vst v18  }
0x187: {  	v18 =	vld.idx.msk [tilespmem:v13+s20+$0x0], $0xffff;
	_ =	sdelay $0x4  }
0x188: {  	[tilespmem:$0x12F58] =	vst v18  }
0x189: {  	v18 =	vld.idx.msk [tilespmem:v14+s20+$0x0], $0xffff;
	_ =	sdelay $0x4  }
0x18a: {  	[tilespmem:$0x12F78] =	vst v18  }
0x18b: {  	v18 =	vld.idx.msk [tilespmem:v15+s20+$0x0], $0xffff;
	_ =	sdelay $0x4  }
0x18c: {  	[tilespmem:$0x12F98] =	vst v18  }
0x18d: {  	v18 =	vld.idx.msk [tilespmem:v16+s20+$0x0], $0xffff;
	_ =	sdelay $0x4  }
0x18e: {  	[tilespmem:$0x12FB8] =	vst v18  }
0x18f: {  	v18 =	vld.idx.msk [tilespmem:v17+s20+$0x0], $0xffff;
	_ =	sdelay $0x4  }
0x190: {  	s31 =	simm.s32 $0xB2E8;
	s0 =	simm.s32 $0x400;
	s1 =	smov.u32 s9;
	[tilespmem:$0x12FD8] =	vst v18  }
0x191: {  	[hbm4b:s9+s22] =	stream.strided.scatter [tilespmem:s31], [sflag:$0x3], $0x100, s24, s22, $0x38;
	[tilespmem:$0x1ACF8] =	vst v63  }
.LBB2_6:
0x192: {  	p0 =	sne.s32 s0, $0x1F000  }
.Ltmp2:
0x193: {  	_ = 	snop;
	(pc) =	sbr.rel @p0 .LBB2_6-.Ltmp2, $4  }
0x194: {  	_ = 	snop  }
0x195: {  	s6 =	sshra.s32 s0, $0x2;
	s0 =	sadd.s32 $0x400, s0  }
0x196: {  	s1 =	sadd.s32 $0x32000, s1;
	s6 =	sadd.s32 $0xB2E8, s6  }
0x197: {  	[hbm4b:s1+s22] =	stream.strided.scatter [tilespmem:s6], [sflag:$0x3], $0x100, s24, s22, $0x38;
	[tilespmem:$0x1ACF8] =	vst v63  }
0x198: {  	s0 =	simm.s32 $0x30  }
0x199: {  	[tilespmem:s20], [sflag:$0x2] =	stream.indirect.gather [hbm4b:s5+s18], $0x3E8, s0, s18, $0xb8;
	[tilespmem:$0x1ACF8] =	vst v63  }
0x19a: {  	_ =	swait.ge [sflag:s21], $0x3E80  }
0x19b: {  	[sflag:s21] =	ssyncset.done $0x0  }
0x19c: {  	[sflag:s21] =	ssyncadd.s32 $0xFFFFC180  }
0x19d: {  	v18 =	vld [tilespmem:$0x1920]  }
0x19e: {  	v19 =	vld [tilespmem:$0x20];
	_ =	sdelay $0x3  }
0x19f: {  	v18 =	vadd.s32 v0, v18;
	_ =	sdelay $0x3  }
0x1a0: {  	v19 =	vld.idx.msk [tilespmem:v19+s17+$0x0], $0xffff  }
0x1a1: {  	s6 =	simm.s32 $0x10;
	v18 =	vld.idx.msk [tilespmem:v18+s19+$0x0], $0xffff  }
0x1a2: {  	v20 =	vmov s6  }
0x1a3: {  	s7 =	simm.s32 $0x0;
	v20 =	vshrl.u32 v20, $0x3  }
0x1a4: {  	v22 =	vmov s7;
	v20 =	vshll.u32 v20, v2;
	v21 =	vld [tilespmem:$0x1ACE8]  }
0x1a5: {  	v24 =	vbroadcast v20, $0x0;
	v20 =	vshrl.u32 v22, $0x3  }
0x1a6: {  	s8 =	simm.s32 $0x8;
	v18 =	vsub.f32 v19, v18;
	v19 =	vshll.u32 v20, v2  }
0x1a7: {  	v23 =	vadd.s32 v0, v24;
	v20 =	vmov s8;
	v22 =	vbroadcast v19, $0x0  }
0x1a8: {  	v19 =	vshrl.u32 v20, $0x3  }
0x1a9: {  	v18 =	vadd.f32 v18, v21;
	v19 =	vshll.u32 v19, v2;
	v20 =	vadd.s32 v0, v22  }
0x1aa: {  	v25 =	vbroadcast v19, $0x0  }
0x1ab: {  	[tilespmem:$0x1ACE8] =	vst v18  }
0x1ac: {  	v18 =	vadd.s32 v0, v25;
	v19 =	vld.idx.msk [tilespmem:v23+s19+$0x0], $0xffff  }
0x1ad: {  	v21 =	vadd.s32 v3, v24  }
0x1ae: {  	v20 =	vld.idx.msk [tilespmem:v20+s19+$0x0], $0xffff  }
0x1af: {  	v23 =	vadd.s32 v3, v22  }
0x1b0: {  	s0 =	simm.s32 $0x131E8  }
0x1b1: {  	s1 =	simm.s32 $0x18;
	v18 =	vld.idx.msk [tilespmem:v18+s19+$0x0], $0xffff;
	[tilespmem:s0+$0x0] =	vst v19  }
0x1b2: {  	v26 =	vmov s1;
	v19 =	vadd.s32 v3, v25;
	v21 =	vld.idx.msk [tilespmem:v21+s19+$0x0], $0xffff  }
0x1b3: {  	v26 =	vshrl.u32 v26, $0x3;
	[tilespmem:s0+$0xFFFFFE00] =	vst v20;
	v20 =	vadd.s32 v4, v24  }
0x1b4: {  	v26 =	vshll.u32 v26, v2;
	v23 =	vld.idx.msk [tilespmem:v23+s19+$0x0], $0xffff  }
0x1b5: {  	v26 =	vbroadcast v26, $0x0;
	v27 =	vadd.s32 v4, v22  }
0x1b6: {  	s13 =	simm.s32 $0x28;
	[tilespmem:s0+$0xFFFFFF00] =	vst v18  }
0x1b7: {  	s14 =	simm.s32 $0x30;
	v30 =	vadd.s32 v5, v24;
	v31 =	vadd.s32 v0, v26;
	v18 =	vmov s13;
	v28 =	vld.idx.msk [tilespmem:v19+s19+$0x0], $0xffff;
	[tilespmem:s0+$0x20] =	vst v21  }
0x1b8: {  	s6 =	simm.s32 $0x20;
	v29 =	vadd.s32 v4, v25;
	v18 =	vshrl.u32 v18, $0x3;
	v19 =	vmov s14;
	v20 =	vld.idx.msk [tilespmem:v20+s19+$0x0], $0xffff  }
0x1b9: {  	v21 =	vmov s6;
	v18 =	vshll.u32 v18, v2;
	v19 =	vshrl.u32 v19, $0x3;
	[tilespmem:s0+$0xFFFFFE20] =	vst v23  }
0x1ba: {  	v21 =	vshrl.u32 v21, $0x3;
	v18 =	vbroadcast v18, $0x0;
	v19 =	vshll.u32 v19, v2;
	v23 =	vld.idx.msk [tilespmem:v27+s19+$0x0], $0xffff  }
0x1bb: {  	v21 =	vshll.u32 v21, v2;
	v19 =	vbroadcast v19, $0x0;
	v27 =	vadd.s32 v5, v22  }
0x1bc: {  	v21 =	vbroadcast v21, $0x0;
	[tilespmem:s0+$0xFFFFFF20] =	vst v28;
	v28 =	vadd.s32 v0, v18  }
0x1bd: {  	v31 =	vld.idx.msk [tilespmem:v31+s19+$0x0], $0xffff;
	[tilespmem:s0+$0x40] =	vst v20;
	v20 =	vadd.s32 v0, v19  }
0x1be: {  	v32 =	vadd.s32 v0, v21;
	v30 =	vld.idx.msk [tilespmem:v30+s19+$0x0], $0xffff  }
0x1bf: {  	v33 =	vadd.s32 v6, v24;
	v29 =	vld.idx.msk [tilespmem:v29+s19+$0x0], $0xffff;
	[tilespmem:s0+$0xFFFFFE40] =	vst v23  }
0x1c0: {  	v23 =	vld.idx.msk [tilespmem:v27+s19+$0x0], $0xffff;
	v27 =	vadd.s32 v3, v26  }
0x1c1: {  	v34 =	vadd.s32 v6, v22;
	v28 =	vld.idx.msk [tilespmem:v28+s19+$0x0], $0xffff  }
0x1c2: {  	v35 =	vadd.s32 v3, v18;
	v20 =	vld.idx.msk [tilespmem:v20+s19+$0x0], $0xffff  }
0x1c3: {  	v52 =	vadd.s32 v3, v19;
	[tilespmem:s0+$0x60] =	vst v30;
	v30 =	vld.idx.msk [tilespmem:v32+s19+$0x0], $0xffff  }
0x1c4: {  	[tilespmem:s0+$0x100] =	vst v31;
	v31 =	vadd.s32 v3, v21;
	v33 =	vld.idx.msk [tilespmem:v33+s19+$0x0], $0xffff  }
0x1c5: {  	s1 =	simm.s32 $0x135E8;
	v36 =	vadd.s32 v7, v24;
	[tilespmem:s0+$0xFFFFFE60] =	vst v23;
	v23 =	vld.idx.msk [tilespmem:v27+s19+$0x0], $0xffff  }
0x1c6: {  	[tilespmem:s1+$0xFFFFFF00] =	vst v28;
	v28 =	vadd.s32 v4, v26;
	v27 =	vld.idx.msk [tilespmem:v34+s19+$0x0], $0xffff  }
0x1c7: {  	v53 =	vadd.s32 v7, v22;
	[tilespmem:s1+$0x0] =	vst v20;
	v20 =	vld.idx.msk [tilespmem:v35+s19+$0x0], $0xffff  }
0x1c8: {  	v54 =	vadd.s32 v4, v18;
	v32 =	vld.idx.msk [tilespmem:v52+s19+$0x0], $0xffff;
	[tilespmem:s1+$0xFFFFFE00] =	vst v30  }
0x1c9: {  	[tilespmem:s0+$0x80] =	vst v33;
	v30 =	vld.idx.msk [tilespmem:v31+s19+$0x0], $0xffff;
	v31 =	vadd.s32 v4, v19  }
0x1ca: {  	s25 =	simm.s32 $0x38;
	v33 =	vld.idx.msk [tilespmem:v36+s19+$0x0], $0xffff;
	[tilespmem:s0+$0x120] =	vst v23;
	v23 =	vadd.s32 v4, v21  }
0x1cb: {  	v55 =	vmov s25;
	[tilespmem:s0+$0xFFFFFE80] =	vst v27;
	v27 =	vld.idx.msk [tilespmem:v28+s19+$0x0], $0xffff;
	v28 =	vadd.s32 v5, v25  }
0x1cc: {  	v37 =	vadd.s32 v5, v26;
	v34 =	vld.idx.msk [tilespmem:v53+s19+$0x0], $0xffff;
	[tilespmem:s1+$0xFFFFFF20] =	vst v20;
	v20 =	vshrl.u32 v55, $0x3  }
0x1cd: {  	v56 =	vadd.s32 v8, v22;
	v35 =	vld.idx.msk [tilespmem:v54+s19+$0x0], $0xffff;
	[tilespmem:s1+$0x20] =	vst v32;
	v20 =	vshll.u32 v20, v2  }
0x1ce: {  	v31 =	vld.idx.msk [tilespmem:v31+s19+$0x0], $0xffff;
	[tilespmem:s1+$0xFFFFFE20] =	vst v30;
	v30 =	vadd.s32 v8, v24;
	v20 =	vbroadcast v20, $0x0  }
0x1cf: {  	[tilespmem:s0+$0xFFFFFF40] =	vst v29;
	v29 =	vld.idx.msk [tilespmem:v23+s19+$0x0], $0xffff;
	v23 =	vadd.s32 v5, v19  }
0x1d0: {  	v28 =	vld.idx.msk [tilespmem:v28+s19+$0x0], $0xffff;
	[tilespmem:s0+$0x140] =	vst v27;
	v27 =	vadd.s32 v0, v20  }
0x1d1: {  	s26 =	simm.s32 $0x48;
	v38 =	vadd.s32 v5, v21;
	[tilespmem:s0+$0xFFFFFEA0] =	vst v34;
	v58 =	vld.idx.msk [tilespmem:v37+s19+$0x0], $0xffff  }
0x1d2: {  	s28 =	simm.s32 $0x50;
	v59 =	vmov s26;
	v57 =	vadd.s32 v6, v25;
	[tilespmem:s0+$0xA0] =	vst v33;
	v32 =	vld.idx.msk [tilespmem:v56+s19+$0x0], $0xffff  }
0x1d3: {  	v61 =	vmov s28;
	v60 =	vadd.s32 v6, v26;
	[tilespmem:s1+$0x40] =	vst v31;
	v30 =	vld.idx.msk [tilespmem:v30+s19+$0x0], $0xffff;
	v31 =	vshrl.u32 v59, $0x3  }
0x1d4: {  	v62 =	vadd.s32 v9, v22;
	v39 =	vld.idx.msk [tilespmem:v23+s19+$0x0], $0xffff;
	v23 =	vshll.u32 v31, v2;
	v31 =	vshrl.u32 v61, $0x3  }
0x1d5: {  	[tilespmem:s1+$0xFFFFFE40] =	vst v29;
	v22 =	vbroadcast v23, $0x0;
	v23 =	vshll.u32 v31, v2;
	v31 =	vadd.s32 v6, v19;
	v27 =	vld.idx.msk [tilespmem:v27+s19+$0x0], $0xffff  }
0x1d6: {  	[tilespmem:s0+$0xFFFFFF60] =	vst v28;
	v28 =	vadd.s32 v9, v24;
	v38 =	vld.idx.msk [tilespmem:v38+s19+$0x0], $0xffff  }
0x1d7: {  	s31 =	simm.s32 $0x40;
	v44 =	vadd.s32 v6, v21;
	v36 =	vld.idx.msk [tilespmem:v57+s19+$0x0], $0xffff;
	[tilespmem:s0+$0x160] =	vst v58  }
0x1d8: {  	v24 =	vmov s31;
	v23 =	vbroadcast v23, $0x0;
	v63 =	vadd.s32 v0, v22;
	v29 =	vld.idx.msk [tilespmem:v60+s19+$0x0], $0xffff;
	[tilespmem:s0+$0xFFFFFEC0] =	vst v32  }
0x1d9: {  	v43 =	vadd.s32 v7, v25;
	v24 =	vshrl.u32 v24, $0x3;
	v32 =	vld.idx.msk [tilespmem:v62+s19+$0x0], $0xffff;
	[tilespmem:s1+$0x60] =	vst v39  }
0x1da: {  	v24 =	vshll.u32 v24, v2;
	v42 =	vadd.s32 v0, v23;
	[tilespmem:s0+$0xC0] =	vst v30;
	v31 =	vld.idx.msk [tilespmem:v31+s19+$0x0], $0xffff  }
0x1db: {  	v24 =	vbroadcast v24, $0x0;
	v30 =	vadd.s32 v7, v26;
	v28 =	vld.idx.msk [tilespmem:v28+s19+$0x0], $0xffff;
	[tilespmem:s1+$0xFFFFFE60] =	vst v38  }
0x1dc: {  	v40 =	vadd.s32 v5, v18;
	[tilespmem:s1+$0xFFFFFF40] =	vst v35;
	v49 =	vld.idx.msk [tilespmem:v44+s19+$0x0], $0xffff  }
0x1dd: {  	v45 =	vadd.s32 v0, v24;
	[tilespmem:s0+$0xFFFFFF80] =	vst v36;
	v34 =	vld.idx.msk [tilespmem:v63+s19+$0x0], $0xffff  }
0x1de: {  	v47 =	vadd.s32 v7, v19;
	[tilespmem:s1+$0x100] =	vst v27;
	v33 =	vld.idx.msk [tilespmem:v43+s19+$0x0], $0xffff  }
0x1df: {  	[tilespmem:s0+$0x180] =	vst v29;
	v29 =	vadd.s32 v3, v20;
	v46 =	vld.idx.msk [tilespmem:v42+s19+$0x0], $0xffff  }
0x1e0: {  	v55 =	vadd.s32 v7, v21;
	[tilespmem:s0+$0xFFFFFEE0] =	vst v32;
	v30 =	vld.idx.msk [tilespmem:v30+s19+$0x0], $0xffff  }
0x1e1: {  	v48 =	vadd.s32 v3, v22;
	v32 =	vld.idx.msk [tilespmem:v40+s19+$0x0], $0xffff;
	[tilespmem:s1+$0x80] =	vst v31  }
0x1e2: {  	s6 =	simm.s32 $0x139E8;
	v31 =	vadd.s32 v8, v25;
	v50 =	vld.idx.msk [tilespmem:v45+s19+$0x0], $0xffff;
	[tilespmem:s1+$0xFFFFFE80] =	vst v49  }
0x1e3: {  	v51 =	vadd.s32 v3, v23;
	v27 =	vld.idx.msk [tilespmem:v47+s19+$0x0], $0xffff;
	[tilespmem:s6+$0xFFFFFF00] =	vst v34  }
0x1e4: {  	v52 =	vadd.s32 v8, v26;
	v29 =	vld.idx.msk [tilespmem:v29+s19+$0x0], $0xffff;
	[tilespmem:s0+$0xFFFFFFA0] =	vst v33  }
0x1e5: {  	v53 =	vadd.s32 v3, v24;
	v60 =	vld.idx.msk [tilespmem:v55+s19+$0x0], $0xffff;
	[tilespmem:s6+$0x0] =	vst v46  }
0x1e6: {  	v56 =	vadd.s32 v4, v20;
	v54 =	vld.idx.msk [tilespmem:v48+s19+$0x0], $0xffff;
	[tilespmem:s0+$0x1A0] =	vst v30  }
0x1e7: {  	v30 =	vadd.s32 v4, v22;
	v31 =	vld.idx.msk [tilespmem:v31+s19+$0x0], $0xffff;
	[tilespmem:s6+$0xFFFFFE00] =	vst v50  }
0x1e8: {  	v25 =	vadd.s32 v9, v25;
	v39 =	vld.idx.msk [tilespmem:v51+s19+$0x0], $0xffff;
	[tilespmem:s1+$0xA0] =	vst v27  }
0x1e9: {  	v59 =	vadd.s32 v4, v23;
	v57 =	vld.idx.msk [tilespmem:v52+s19+$0x0], $0xffff;
	[tilespmem:s1+$0x120] =	vst v29  }
0x1ea: {  	v26 =	vadd.s32 v9, v26;
	v58 =	vld.idx.msk [tilespmem:v53+s19+$0x0], $0xffff;
	[tilespmem:s1+$0xFFFFFEA0] =	vst v60  }
0x1eb: {  	s7 =	simm.s32 $0x58;
	v29 =	vadd.s32 v4, v24;
	[tilespmem:s6+$0xFFFFFF20] =	vst v54;
	v61 =	vld.idx.msk [tilespmem:v56+s19+$0x0], $0xffff  }
0x1ec: {  	v63 =	vadd.s32 v5, v20;
	v27 =	vmov s7;
	v62 =	vld.idx.msk [tilespmem:v30+s19+$0x0], $0xffff;
	[tilespmem:s0+$0xFFFFFFC0] =	vst v31  }
0x1ed: {  	v37 =	vadd.s32 v8, v21;
	[tilespmem:s6+$0x20] =	vst v39;
	v30 =	vld.idx.msk [tilespmem:v25+s19+$0x0], $0xffff;
	v25 =	vshrl.u32 v27, $0x3  }
0x1ee: {  	v35 =	vadd.s32 v8, v19;
	[tilespmem:s0+$0x1C0] =	vst v57;
	v33 =	vld.idx.msk [tilespmem:v59+s19+$0x0], $0xffff;
	v25 =	vshll.u32 v25, v2  }
0x1ef: {  	v36 =	vadd.s32 v5, v23;
	v31 =	vld.idx.msk [tilespmem:v26+s19+$0x0], $0xffff;
	[tilespmem:s6+$0xFFFFFE20] =	vst v58;
	v25 =	vbroadcast v25, $0x0  }
0x1f0: {  	v26 =	vadd.s32 v6, v22;
	v29 =	vld.idx.msk [tilespmem:v29+s19+$0x0], $0xffff;
	[tilespmem:s1+$0x140] =	vst v61  }
0x1f1: {  	s8 =	simm.s32 $0x60;
	s7 =	simm.s32 $0x8;
	v27 =	vadd.s32 v6, v18;
	[tilespmem:s6+$0xFFFFFF40] =	vst v62;
	v34 =	vld.idx.msk [tilespmem:v63+s19+$0x0], $0xffff;
	v38 =	vadd.s32 v0, v25  }
.LBB2_8:
0x1f2: {  	s13 =	sadd.s32 $0x8, s8;
	s7 =	sadd.s32 $0x4, s7;
	v37 =	vld.idx.msk [tilespmem:v37+s19+$0x0], $0xffff;
	[tilespmem:s0+$0xE0] =	vst v28  }
0x1f3: {  	v28 =	vmov s13;
	s13 =	sadd.s32 $0x10, s8;
	p0 =	slt.u32 s7, $0x78;
	[tilespmem:s6+$0x40] =	vst v33;
	v33 =	vld.idx.msk [tilespmem:v35+s19+$0x0], $0xffff;
	v35 =	vadd.s32 v6, v20  }
0x1f4: {  	v40 =	vadd.s32 v5, v24;
	v28 =	vshrl.u32 v28, $0x3;
	v39 =	vmov s13;
	v36 =	vld.idx.msk [tilespmem:v36+s19+$0x0], $0xffff;
	[tilespmem:s0+$0xFFFFFFE0] =	vst v30  }
0x1f5: {  	v28 =	vshll.u32 v28, v2;
	v30 =	vshrl.u32 v39, $0x3;
	v39 =	vadd.s32 v9, v21;
	[tilespmem:s0+$0x1E0] =	vst v31;
	v21 =	vmovc v24;
	s0 =	smov.u32 s1;
	s1 =	smov.u32 s6  }
0x1f6: {  	v31 =	vbroadcast v28, $0x0;
	v24 =	vshll.u32 v30, v2;
	v28 =	vadd.s32 v6, v23;
	v30 =	vld.idx.msk [tilespmem:v38+s19+$0x0], $0xffff;
	[tilespmem:s0+$0xFFFFFF60] =	vst v32  }
0x1f7: {  	v41 =	vadd.s32 v9, v19;
	v19 =	vmovc v23;
	v32 =	vmov s8;
	v38 =	vld.idx.msk [tilespmem:v27+s19+$0x0], $0xffff;
	[tilespmem:s0+$0x160] =	vst v34;
	v23 =	vbroadcast v24, $0x0;
	v27 =	vmovc v26  }
0x1f8: {  	v24 =	vshrl.u32 v32, $0x3;
	v32 =	vadd.s32 v0, v31;
	v26 =	vadd.s32 v6, v31;
	[tilespmem:s6+$0xFFFFFE40] =	vst v29;
	v29 =	vld.idx.msk [tilespmem:v35+s19+$0x0], $0xffff  }
0x1f9: {  	v24 =	vshll.u32 v24, v2;
	v34 =	vadd.s32 v0, v23;
	v35 =	vld.idx.msk [tilespmem:v40+s19+$0x0], $0xffff;
	[tilespmem:s0+$0xFFFFFEC0] =	vst v37  }
0x1fa: {  	v24 =	vbroadcast v24, $0x0;
	v37 =	vadd.s32 v7, v18;
	[tilespmem:s6+$0x60] =	vst v36;
	v36 =	vld.idx.msk [tilespmem:v39+s19+$0x0], $0xffff  }
0x1fb: {  	v39 =	vld.idx.msk [tilespmem:v28+s19+$0x0], $0xffff;
	[tilespmem:s0+$0xC0] =	vst v33;
	v33 =	vadd.s32 v7, v20  }
0x1fc: {  	v42 =	vadd.s32 v6, v21;
	v40 =	vadd.s32 v0, v24;
	v28 =	vld.idx.msk [tilespmem:v41+s19+$0x0], $0xffff  }
0x1fd: {  	v32 =	vld.idx.msk [tilespmem:v32+s19+$0x0], $0xffff;
	[tilespmem:s0+$0xFFFFFF80] =	vst v38  }
0x1fe: {  	v38 =	vadd.s32 v7, v19;
	v34 =	vld.idx.msk [tilespmem:v34+s19+$0x0], $0xffff;
	[tilespmem:s0+$0x180] =	vst v29  }
0x1ff: {  	v29 =	vadd.s32 v3, v31;
	[tilespmem:s6+$0xFFFFFE60] =	vst v35;
	v35 =	vadd.s32 v3, v25;
	v37 =	vld.idx.msk [tilespmem:v37+s19+$0x0], $0xffff  }
0x200: {  	[tilespmem:s0+$0xFFFFFEE0] =	vst v36;
	v33 =	vld.idx.msk [tilespmem:v33+s19+$0x0], $0xffff  }
0x201: {  	v36 =	vld.idx.msk [tilespmem:v42+s19+$0x0], $0xffff;
	[tilespmem:s6+$0x80] =	vst v39;
	v39 =	vadd.s32 v8, v18  }
0x202: {  	v41 =	vadd.s32 v3, v23;
	s6 =	sadd.s32 $0x400, s6;
	v40 =	vld.idx.msk [tilespmem:v40+s19+$0x0], $0xffff;
	[tilespmem:s1+$0x100] =	vst v30  }
0x203: {  	v30 =	vadd.s32 v3, v24;
	[tilespmem:s6+$0xFFFFFF00] =	vst v32;
	v32 =	vld.idx.msk [tilespmem:v38+s19+$0x0], $0xffff;
	v38 =	vadd.s32 v8, v20  }
0x204: {  	[tilespmem:s6+$0x0] =	vst v34;
	v34 =	vld.idx.msk [tilespmem:v35+s19+$0x0], $0xffff  }
0x205: {  	v35 =	vadd.s32 v7, v21;
	v29 =	vld.idx.msk [tilespmem:v29+s19+$0x0], $0xffff;
	[tilespmem:s0+$0xFFFFFFA0] =	vst v37  }
0x206: {  	v37 =	vadd.s32 v4, v25;
	v39 =	vld.idx.msk [tilespmem:v39+s19+$0x0], $0xffff;
	[tilespmem:s0+$0x1A0] =	vst v33  }
0x207: {  	v33 =	vadd.s32 v4, v31;
	v41 =	vld.idx.msk [tilespmem:v41+s19+$0x0], $0xffff;
	[tilespmem:s1+$0xFFFFFE80] =	vst v36  }
0x208: {  	v36 =	vadd.s32 v9, v18;
	v18 =	vmov v22;
	v22 =	vmov v31;
	[tilespmem:s6+$0xFFFFFE00] =	vst v40;
	v38 =	vld.idx.msk [tilespmem:v38+s19+$0x0], $0xffff  }
0x209: {  	v40 =	vadd.s32 v4, v23;
	v31 =	vld.idx.msk [tilespmem:v30+s19+$0x0], $0xffff;
	[tilespmem:s1+$0xA0] =	vst v32  }
0x20a: {  	v32 =	vld.idx.msk [tilespmem:v35+s19+$0x0], $0xffff;
	[tilespmem:s1+$0x120] =	vst v34;
	v34 =	vadd.s32 v9, v20;
	v20 =	vmov v25  }
0x20b: {  	v25 =	vadd.s32 v4, v24;
	[tilespmem:s6+$0xFFFFFF20] =	vst v29;
	v42 =	vld.idx.msk [tilespmem:v37+s19+$0x0], $0xffff  }
0x20c: {  	s13 =	sadd.s32 $0x18, s8;
	v44 =	vadd.s32 v5, v18;
	v43 =	vld.idx.msk [tilespmem:v33+s19+$0x0], $0xffff;
	[tilespmem:s0+$0xFFFFFFC0] =	vst v39  }
0x20d: {  	v29 =	vmov s13;
	v39 =	vadd.s32 v5, v20;
	[tilespmem:s6+$0x20] =	vst v41;
	v30 =	vld.idx.msk [tilespmem:v36+s19+$0x0], $0xffff  }
.Ltmp3:
0x20e: {  	v37 =	vadd.s32 v8, v21;
	v29 =	vshrl.u32 v29, $0x3;
	v33 =	vld.idx.msk [tilespmem:v40+s19+$0x0], $0xffff;
	[tilespmem:s0+$0x1C0] =	vst v38;
	(pc) =	sbr.rel @p0 .LBB2_8-.Ltmp3, $4  }
0x20f: {  	v35 =	vadd.s32 v8, v19;
	v38 =	vshll.u32 v29, v2;
	[tilespmem:s6+$0xFFFFFE20] =	vst v31;
	v31 =	vld.idx.msk [tilespmem:v34+s19+$0x0], $0xffff  }
0x210: {  	v36 =	vadd.s32 v5, v23;
	v29 =	vld.idx.msk [tilespmem:v25+s19+$0x0], $0xffff;
	v25 =	vbroadcast v38, $0x0;
	[tilespmem:s1+$0xFFFFFEA0] =	vst v32  }
0x211: {  	v32 =	vld.idx.msk [tilespmem:v44+s19+$0x0], $0xffff;
	[tilespmem:s1+$0x140] =	vst v42  }
0x212: {  	s8 =	sadd.s32 $0x20, s8;
	[tilespmem:s6+$0xFFFFFF40] =	vst v43;
	v38 =	vadd.s32 v0, v25;
	v34 =	vld.idx.msk [tilespmem:v39+s19+$0x0], $0xffff  }
0x213: {  	_ =	sdelay $0x3  }
0x214: {  	v38 =	vld.idx.msk [tilespmem:v38+s19+$0x0], $0xffff  }
0x215: {  	v39 =	vadd.s32 v3, v25;
	_ =	sdelay $0x3  }
0x216: {  	[tilespmem:s6+$0x100] =	vst v38  }
0x217: {  	v38 =	vld.idx.msk [tilespmem:v39+s19+$0x0], $0xffff  }
0x218: {  	[tilespmem:s0+$0xE0] =	vst v28;
	v28 =	vadd.s32 v4, v25  }
0x219: {  	[tilespmem:s6+$0x40] =	vst v33  }
0x21a: {  	[tilespmem:s0+$0xFFFFFFE0] =	vst v30;
	v60 =	vadd.s32 v5, v24  }
0x21b: {  	v30 =	vld.idx.msk [tilespmem:v37+s19+$0x0], $0xffff;
	[tilespmem:s0+$0x1E0] =	vst v31;
	v31 =	vadd.s32 v6, v20  }
0x21c: {  	v61 =	vadd.s32 v5, v22;
	v36 =	vld.idx.msk [tilespmem:v36+s19+$0x0], $0xffff;
	[tilespmem:s6+$0x120] =	vst v38  }
0x21d: {  	v21 =	vadd.s32 v9, v21;
	[tilespmem:s1+$0xFFFFFF60] =	vst v32;
	v28 =	vld.idx.msk [tilespmem:v28+s19+$0x0], $0xffff  }
0x21e: {  	v62 =	vadd.s32 v5, v25;
	[tilespmem:s6+$0xFFFFFE40] =	vst v29;
	v27 =	vld.idx.msk [tilespmem:v27+s19+$0x0], $0xffff  }
0x21f: {  	v29 =	vadd.s32 v6, v23;
	[tilespmem:s1+$0x160] =	vst v34;
	v33 =	vld.idx.msk [tilespmem:v60+s19+$0x0], $0xffff  }
0x220: {  	[tilespmem:s1+$0xFFFFFEC0] =	vst v30;
	v30 =	vld.idx.msk [tilespmem:v31+s19+$0x0], $0xffff;
	v31 =	vadd.s32 v6, v24  }
0x221: {  	v32 =	vld.idx.msk [tilespmem:v61+s19+$0x0], $0xffff;
	[tilespmem:s6+$0x60] =	vst v36  }
0x222: {  	v63 =	vadd.s32 v7, v18;
	v21 =	vld.idx.msk [tilespmem:v21+s19+$0x0], $0xffff;
	[tilespmem:s6+$0x140] =	vst v28  }
0x223: {  	[tilespmem:s1+$0xFFFFFF80] =	vst v27;
	v28 =	vld.idx.msk [tilespmem:v62+s19+$0x0], $0xffff  }
0x224: {  	v29 =	vld.idx.msk [tilespmem:v29+s19+$0x0], $0xffff;
	v27 =	vadd.s32 v6, v25;
	[tilespmem:s6+$0xFFFFFE60] =	vst v33  }
0x225: {  	v37 =	vadd.s32 v7, v20;
	[tilespmem:s1+$0x180] =	vst v30;
	v30 =	vld.idx.msk [tilespmem:v31+s19+$0x0], $0xffff  }
0x226: {  	v35 =	vld.idx.msk [tilespmem:v35+s19+$0x0], $0xffff;
	v39 =	vadd.s32 v7, v24;
	[tilespmem:s6+$0xFFFFFF60] =	vst v32  }
0x227: {  	v19 =	vadd.s32 v9, v19;
	v31 =	vld.idx.msk [tilespmem:v63+s19+$0x0], $0xffff;
	[tilespmem:s1+$0xFFFFFEE0] =	vst v21  }
0x228: {  	v38 =	vadd.s32 v7, v23;
	v26 =	vld.idx.msk [tilespmem:v26+s19+$0x0], $0xffff;
	[tilespmem:s6+$0x160] =	vst v28  }
0x229: {  	[tilespmem:s6+$0x80] =	vst v29;
	v21 =	vld.idx.msk [tilespmem:v27+s19+$0x0], $0xffff;
	v27 =	vadd.s32 v7, v22  }
0x22a: {  	v29 =	vadd.s32 v7, v25;
	[tilespmem:s6+$0xFFFFFE80] =	vst v30;
	v28 =	vld.idx.msk [tilespmem:v37+s19+$0x0], $0xffff  }
0x22b: {  	v40 =	vadd.s32 v8, v18;
	[tilespmem:s1+$0xC0] =	vst v35;
	v30 =	vld.idx.msk [tilespmem:v39+s19+$0x0], $0xffff  }
0x22c: {  	v42 =	vadd.s32 v8, v24;
	v19 =	vld.idx.msk [tilespmem:v19+s19+$0x0], $0xffff;
	[tilespmem:s1+$0xFFFFFFA0] =	vst v31  }
0x22d: {  	v41 =	vadd.s32 v8, v20;
	v33 =	vld.idx.msk [tilespmem:v38+s19+$0x0], $0xffff;
	[tilespmem:s6+$0xFFFFFF80] =	vst v26  }
0x22e: {  	v26 =	vadd.s32 v8, v23;
	[tilespmem:s6+$0x180] =	vst v21;
	v21 =	vld.idx.msk [tilespmem:v27+s19+$0x0], $0xffff  }
0x22f: {  	[tilespmem:s1+$0x1A0] =	vst v28;
	v28 =	vadd.s32 v8, v22;
	v27 =	vld.idx.msk [tilespmem:v29+s19+$0x0], $0xffff  }
0x230: {  	v43 =	vadd.s32 v8, v25;
	v31 =	vld.idx.msk [tilespmem:v40+s19+$0x0], $0xffff;
	[tilespmem:s6+$0xFFFFFEA0] =	vst v30  }
0x231: {  	v18 =	vadd.s32 v9, v18;
	[tilespmem:s1+$0xE0] =	vst v19;
	v30 =	vld.idx.msk [tilespmem:v42+s19+$0x0], $0xffff  }
0x232: {  	v24 =	vadd.s32 v9, v24;
	[tilespmem:s6+$0xA0] =	vst v33;
	v29 =	vld.idx.msk [tilespmem:v41+s19+$0x0], $0xffff  }
0x233: {  	v20 =	vadd.s32 v9, v20;
	v26 =	vld.idx.msk [tilespmem:v26+s19+$0x0], $0xffff;
	[tilespmem:s6+$0xFFFFFFA0] =	vst v21  }
0x234: {  	v21 =	vadd.s32 v9, v23;
	v23 =	vld.idx.msk [tilespmem:v28+s19+$0x0], $0xffff;
	[tilespmem:s6+$0x1A0] =	vst v27  }
0x235: {  	[tilespmem:s1+$0xFFFFFFC0] =	vst v31;
	v22 =	vadd.s32 v9, v22;
	v27 =	vld.idx.msk [tilespmem:v43+s19+$0x0], $0xffff  }
0x236: {  	v19 =	vadd.s32 v9, v25;
	v18 =	vld.idx.msk [tilespmem:v18+s19+$0x0], $0xffff;
	[tilespmem:s6+$0xFFFFFEC0] =	vst v30  }
0x237: {  	v24 =	vld.idx.msk [tilespmem:v24+s19+$0x0], $0xffff;
	[tilespmem:s1+$0x1C0] =	vst v29  }
0x238: {  	[tilespmem:s6+$0xC0] =	vst v26;
	v20 =	vld.idx.msk [tilespmem:v20+s19+$0x0], $0xffff  }
0x239: {  	v21 =	vld.idx.msk [tilespmem:v21+s19+$0x0], $0xffff;
	[tilespmem:s6+$0xFFFFFFC0] =	vst v23  }
0x23a: {  	v22 =	vld.idx.msk [tilespmem:v22+s19+$0x0], $0xffff;
	[tilespmem:s6+$0x1C0] =	vst v27  }
0x23b: {  	[tilespmem:s1+$0xFFFFFFE0] =	vst v18;
	v18 =	vld.idx.msk [tilespmem:v19+s19+$0x0], $0xffff  }
0x23c: {  	[tilespmem:s6+$0xFFFFFEE0] =	vst v24  }
0x23d: {  	[tilespmem:s1+$0x1E0] =	vst v20  }
0x23e: {  	[tilespmem:s6+$0xE0] =	vst v21  }
0x23f: {  	[tilespmem:s6+$0xFFFFFFE0] =	vst v22  }
0x240: {  	[tilespmem:s6+$0x1E0] =	vst v18  }
0x241: {  	v18 =	vld.idx.msk [tilespmem:v10+s19+$0x0], $0xffff;
	_ =	sdelay $0x4  }
0x242: {  	[tilespmem:$0x1ABE8] =	vst v18  }
0x243: {  	v18 =	vld.idx.msk [tilespmem:v11+s19+$0x0], $0xffff;
	_ =	sdelay $0x4  }
0x244: {  	[tilespmem:$0x1AC08] =	vst v18  }
0x245: {  	v18 =	vld.idx.msk [tilespmem:v12+s19+$0x0], $0xffff;
	_ =	sdelay $0x4  }
0x246: {  	[tilespmem:$0x1AC28] =	vst v18  }
0x247: {  	v18 =	vld.idx.msk [tilespmem:v13+s19+$0x0], $0xffff;
	_ =	sdelay $0x4  }
0x248: {  	[tilespmem:$0x1AC48] =	vst v18  }
0x249: {  	v18 =	vld.idx.msk [tilespmem:v14+s19+$0x0], $0xffff;
	_ =	sdelay $0x4  }
0x24a: {  	[tilespmem:$0x1AC68] =	vst v18  }
0x24b: {  	v18 =	vld.idx.msk [tilespmem:v15+s19+$0x0], $0xffff;
	_ =	sdelay $0x4  }
0x24c: {  	[tilespmem:$0x1AC88] =	vst v18  }
0x24d: {  	v18 =	vld.idx.msk [tilespmem:v16+s19+$0x0], $0xffff;
	_ =	sdelay $0x4  }
0x24e: {  	[tilespmem:$0x1ACA8] =	vst v18  }
0x24f: {  	v18 =	vld.idx.msk [tilespmem:v17+s19+$0x0], $0xffff;
	_ =	sdelay $0x4  }
0x250: {  	s28 =	simm.s32 $0x40;
	[tilespmem:$0x1ACC8] =	vst v18  }
0x251: {  	[tilespmem:s19], [sflag:$0x1] =	stream.indirect.gather [hbm4b:s5+s18], $0x3E8, s28, s18, $0xb8;
	[tilespmem:$0x1ACF8] =	vst v63  }
0x252: {  	_ =	swait.ge [sflag:s23], $0x3E80  }
0x253: {  	[sflag:s23] =	ssyncset.done $0x0  }
0x254: {  	[sflag:s23] =	ssyncadd.s32 $0xFFFFC180  }
0x255: {  	v18 =	vld [tilespmem:$0x1930]  }
0x256: {  	v19 =	vld [tilespmem:$0x30];
	_ =	sdelay $0x3  }
0x257: {  	v18 =	vadd.s32 v0, v18;
	_ =	sdelay $0x3  }
0x258: {  	v19 =	vld.idx.msk [tilespmem:v19+s17+$0x0], $0xffff  }
0x259: {  	s31 =	simm.s32 $0x10;
	v18 =	vld.idx.msk [tilespmem:v18+s20+$0x0], $0xffff  }
0x25a: {  	v20 =	vmov s31  }
0x25b: {  	s1 =	simm.s32 $0x0;
	v20 =	vshrl.u32 v20, $0x3  }
0x25c: {  	v20 =	vshll.u32 v20, v2;
	v22 =	vmov s1;
	v21 =	vld [tilespmem:$0x1ACE8]  }
0x25d: {  	v24 =	vbroadcast v20, $0x0;
	v20 =	vshrl.u32 v22, $0x3  }
0x25e: {  	s6 =	simm.s32 $0x8;
	v18 =	vsub.f32 v19, v18;
	v19 =	vshll.u32 v20, v2  }
0x25f: {  	v23 =	vadd.s32 v0, v24;
	v20 =	vmov s6;
	v22 =	vbroadcast v19, $0x0  }
0x260: {  	v19 =	vshrl.u32 v20, $0x3  }
0x261: {  	v18 =	vadd.f32 v18, v21;
	v19 =	vshll.u32 v19, v2;
	v20 =	vadd.s32 v0, v22  }
0x262: {  	v25 =	vbroadcast v19, $0x0  }
0x263: {  	[tilespmem:$0x1ACE8] =	vst v18  }
0x264: {  	v18 =	vadd.s32 v0, v25;
	v19 =	vld.idx.msk [tilespmem:v23+s20+$0x0], $0xffff  }
0x265: {  	v21 =	vadd.s32 v3, v24  }
0x266: {  	v20 =	vld.idx.msk [tilespmem:v20+s20+$0x0], $0xffff  }
0x267: {  	v23 =	vadd.s32 v3, v22  }
0x268: {  	s0 =	simm.s32 $0x131F8  }
0x269: {  	s7 =	simm.s32 $0x18;
	v18 =	vld.idx.msk [tilespmem:v18+s20+$0x0], $0xffff;
	[tilespmem:s0+$0x0] =	vst v19  }
0x26a: {  	v26 =	vmov s7;
	v19 =	vadd.s32 v3, v25;
	v21 =	vld.idx.msk [tilespmem:v21+s20+$0x0], $0xffff  }
0x26b: {  	v26 =	vshrl.u32 v26, $0x3;
	[tilespmem:s0+$0xFFFFFE00] =	vst v20;
	v20 =	vadd.s32 v4, v24  }
0x26c: {  	v26 =	vshll.u32 v26, v2;
	v23 =	vld.idx.msk [tilespmem:v23+s20+$0x0], $0xffff  }
0x26d: {  	v26 =	vbroadcast v26, $0x0;
	v27 =	vadd.s32 v4, v22  }
0x26e: {  	s8 =	simm.s32 $0x28;
	[tilespmem:s0+$0xFFFFFF00] =	vst v18  }
0x26f: {  	s13 =	simm.s32 $0x30;
	v31 =	vadd.s32 v0, v26;
	v30 =	vadd.s32 v5, v24;
	v18 =	vmov s8;
	v28 =	vld.idx.msk [tilespmem:v19+s20+$0x0], $0xffff;
	[tilespmem:s0+$0x20] =	vst v21  }
0x270: {  	s14 =	simm.s32 $0x20;
	v29 =	vadd.s32 v4, v25;
	v18 =	vshrl.u32 v18, $0x3;
	v19 =	vmov s13;
	v20 =	vld.idx.msk [tilespmem:v20+s20+$0x0], $0xffff  }
0x271: {  	v21 =	vmov s14;
	v18 =	vshll.u32 v18, v2;
	v19 =	vshrl.u32 v19, $0x3;
	[tilespmem:s0+$0xFFFFFE20] =	vst v23  }
0x272: {  	v21 =	vshrl.u32 v21, $0x3;
	v18 =	vbroadcast v18, $0x0;
	v19 =	vshll.u32 v19, v2;
	v23 =	vld.idx.msk [tilespmem:v27+s20+$0x0], $0xffff  }
0x273: {  	v21 =	vshll.u32 v21, v2;
	v19 =	vbroadcast v19, $0x0;
	v27 =	vadd.s32 v5, v22  }
0x274: {  	v21 =	vbroadcast v21, $0x0;
	[tilespmem:s0+$0xFFFFFF20] =	vst v28;
	v28 =	vadd.s32 v0, v18  }
0x275: {  	v31 =	vld.idx.msk [tilespmem:v31+s20+$0x0], $0xffff;
	[tilespmem:s0+$0x40] =	vst v20;
	v20 =	vadd.s32 v0, v19  }
0x276: {  	v44 =	vadd.s32 v0, v21;
	v30 =	vld.idx.msk [tilespmem:v30+s20+$0x0], $0xffff  }
0x277: {  	v45 =	vadd.s32 v6, v24;
	v29 =	vld.idx.msk [tilespmem:v29+s20+$0x0], $0xffff;
	[tilespmem:s0+$0xFFFFFE40] =	vst v23  }
0x278: {  	v23 =	vld.idx.msk [tilespmem:v27+s20+$0x0], $0xffff;
	v27 =	vadd.s32 v3, v26  }
0x279: {  	v46 =	vadd.s32 v6, v22;
	v28 =	vld.idx.msk [tilespmem:v28+s20+$0x0], $0xffff  }
0x27a: {  	v47 =	vadd.s32 v3, v18;
	v20 =	vld.idx.msk [tilespmem:v20+s20+$0x0], $0xffff  }
0x27b: {  	v48 =	vadd.s32 v3, v19;
	[tilespmem:s0+$0x60] =	vst v30;
	v30 =	vld.idx.msk [tilespmem:v44+s20+$0x0], $0xffff  }
0x27c: {  	[tilespmem:s0+$0x100] =	vst v31;
	v31 =	vadd.s32 v3, v21;
	v33 =	vld.idx.msk [tilespmem:v45+s20+$0x0], $0xffff  }
0x27d: {  	v49 =	vadd.s32 v7, v24;
	s1 =	simm.s32 $0x135F8;
	[tilespmem:s0+$0xFFFFFE60] =	vst v23;
	v23 =	vld.idx.msk [tilespmem:v27+s20+$0x0], $0xffff  }
0x27e: {  	[tilespmem:s1+$0xFFFFFF00] =	vst v28;
	v28 =	vadd.s32 v4, v26;
	v27 =	vld.idx.msk [tilespmem:v46+s20+$0x0], $0xffff  }
0x27f: {  	v50 =	vadd.s32 v7, v22;
	[tilespmem:s1+$0x0] =	vst v20;
	v20 =	vld.idx.msk [tilespmem:v47+s20+$0x0], $0xffff  }
0x280: {  	v51 =	vadd.s32 v4, v18;
	v32 =	vld.idx.msk [tilespmem:v48+s20+$0x0], $0xffff;
	[tilespmem:s1+$0xFFFFFE00] =	vst v30  }
0x281: {  	[tilespmem:s0+$0x80] =	vst v33;
	v30 =	vld.idx.msk [tilespmem:v31+s20+$0x0], $0xffff;
	v31 =	vadd.s32 v4, v19  }
0x282: {  	s25 =	simm.s32 $0x38;
	v33 =	vld.idx.msk [tilespmem:v49+s20+$0x0], $0xffff;
	[tilespmem:s0+$0x120] =	vst v23;
	v23 =	vadd.s32 v4, v21  }
0x283: {  	v52 =	vmov s25;
	[tilespmem:s0+$0xFFFFFE80] =	vst v27;
	v27 =	vld.idx.msk [tilespmem:v28+s20+$0x0], $0xffff;
	v28 =	vadd.s32 v5, v25  }
0x284: {  	v53 =	vadd.s32 v5, v26;
	v34 =	vld.idx.msk [tilespmem:v50+s20+$0x0], $0xffff;
	[tilespmem:s1+$0xFFFFFF20] =	vst v20;
	v20 =	vshrl.u32 v52, $0x3  }
0x285: {  	v54 =	vadd.s32 v8, v22;
	v35 =	vld.idx.msk [tilespmem:v51+s20+$0x0], $0xffff;
	[tilespmem:s1+$0x20] =	vst v32;
	v20 =	vshll.u32 v20, v2  }
0x286: {  	v31 =	vld.idx.msk [tilespmem:v31+s20+$0x0], $0xffff;
	[tilespmem:s1+$0xFFFFFE20] =	vst v30;
	v30 =	vadd.s32 v8, v24;
	v20 =	vbroadcast v20, $0x0  }
0x287: {  	[tilespmem:s0+$0xFFFFFF40] =	vst v29;
	v29 =	vld.idx.msk [tilespmem:v23+s20+$0x0], $0xffff;
	v23 =	vadd.s32 v5, v19  }
0x288: {  	v28 =	vld.idx.msk [tilespmem:v28+s20+$0x0], $0xffff;
	[tilespmem:s0+$0x140] =	vst v27;
	v27 =	vadd.s32 v0, v20  }
0x289: {  	s26 =	simm.s32 $0x48;
	v60 =	vadd.s32 v5, v21;
	[tilespmem:s0+$0xFFFFFEA0] =	vst v34;
	v56 =	vld.idx.msk [tilespmem:v53+s20+$0x0], $0xffff  }
0x28a: {  	v57 =	vmov s26;
	s28 =	simm.s32 $0x50;
	v55 =	vadd.s32 v6, v25;
	[tilespmem:s0+$0xA0] =	vst v33;
	v32 =	vld.idx.msk [tilespmem:v54+s20+$0x0], $0xffff  }
0x28b: {  	v58 =	vadd.s32 v6, v26;
	v59 =	vmov s28;
	[tilespmem:s1+$0x40] =	vst v31;
	v30 =	vld.idx.msk [tilespmem:v30+s20+$0x0], $0xffff;
	v31 =	vshrl.u32 v57, $0x3  }
0x28c: {  	v62 =	vadd.s32 v9, v22;
	v61 =	vld.idx.msk [tilespmem:v23+s20+$0x0], $0xffff;
	v23 =	vshll.u32 v31, v2;
	v31 =	vshrl.u32 v59, $0x3  }
0x28d: {  	[tilespmem:s1+$0xFFFFFE40] =	vst v29;
	v22 =	vbroadcast v23, $0x0;
	v23 =	vshll.u32 v31, v2;
	v31 =	vadd.s32 v6, v19;
	v27 =	vld.idx.msk [tilespmem:v27+s20+$0x0], $0xffff  }
0x28e: {  	[tilespmem:s0+$0xFFFFFF60] =	vst v28;
	v28 =	vadd.s32 v9, v24;
	v38 =	vld.idx.msk [tilespmem:v60+s20+$0x0], $0xffff  }
0x28f: {  	s31 =	simm.s32 $0x40;
	v44 =	vadd.s32 v6, v21;
	v36 =	vld.idx.msk [tilespmem:v55+s20+$0x0], $0xffff;
	[tilespmem:s0+$0x160] =	vst v56  }
0x290: {  	v24 =	vmov s31;
	v23 =	vbroadcast v23, $0x0;
	v63 =	vadd.s32 v0, v22;
	v29 =	vld.idx.msk [tilespmem:v58+s20+$0x0], $0xffff;
	[tilespmem:s0+$0xFFFFFEC0] =	vst v32  }
0x291: {  	v43 =	vadd.s32 v7, v25;
	v24 =	vshrl.u32 v24, $0x3;
	v32 =	vld.idx.msk [tilespmem:v62+s20+$0x0], $0xffff;
	[tilespmem:s1+$0x60] =	vst v61  }
0x292: {  	v24 =	vshll.u32 v24, v2;
	v42 =	vadd.s32 v0, v23;
	[tilespmem:s0+$0xC0] =	vst v30;
	v31 =	vld.idx.msk [tilespmem:v31+s20+$0x0], $0xffff  }
0x293: {  	v24 =	vbroadcast v24, $0x0;
	v30 =	vadd.s32 v7, v26;
	v28 =	vld.idx.msk [tilespmem:v28+s20+$0x0], $0xffff;
	[tilespmem:s1+$0xFFFFFE60] =	vst v38  }
0x294: {  	v40 =	vadd.s32 v5, v18;
	[tilespmem:s1+$0xFFFFFF40] =	vst v35;
	v49 =	vld.idx.msk [tilespmem:v44+s20+$0x0], $0xffff  }
0x295: {  	v45 =	vadd.s32 v0, v24;
	[tilespmem:s0+$0xFFFFFF80] =	vst v36;
	v34 =	vld.idx.msk [tilespmem:v63+s20+$0x0], $0xffff  }
0x296: {  	v47 =	vadd.s32 v7, v19;
	[tilespmem:s1+$0x100] =	vst v27;
	v33 =	vld.idx.msk [tilespmem:v43+s20+$0x0], $0xffff  }
0x297: {  	[tilespmem:s0+$0x180] =	vst v29;
	v29 =	vadd.s32 v3, v20;
	v46 =	vld.idx.msk [tilespmem:v42+s20+$0x0], $0xffff  }
0x298: {  	v55 =	vadd.s32 v7, v21;
	[tilespmem:s0+$0xFFFFFEE0] =	vst v32;
	v30 =	vld.idx.msk [tilespmem:v30+s20+$0x0], $0xffff  }
0x299: {  	v48 =	vadd.s32 v3, v22;
	v32 =	vld.idx.msk [tilespmem:v40+s20+$0x0], $0xffff;
	[tilespmem:s1+$0x80] =	vst v31  }
0x29a: {  	s6 =	simm.s32 $0x139F8;
	v31 =	vadd.s32 v8, v25;
	v50 =	vld.idx.msk [tilespmem:v45+s20+$0x0], $0xffff;
	[tilespmem:s1+$0xFFFFFE80] =	vst v49  }
0x29b: {  	v51 =	vadd.s32 v3, v23;
	v27 =	vld.idx.msk [tilespmem:v47+s20+$0x0], $0xffff;
	[tilespmem:s6+$0xFFFFFF00] =	vst v34  }
0x29c: {  	v52 =	vadd.s32 v8, v26;
	v29 =	vld.idx.msk [tilespmem:v29+s20+$0x0], $0xffff;
	[tilespmem:s0+$0xFFFFFFA0] =	vst v33  }
0x29d: {  	v53 =	vadd.s32 v3, v24;
	v60 =	vld.idx.msk [tilespmem:v55+s20+$0x0], $0xffff;
	[tilespmem:s6+$0x0] =	vst v46  }
0x29e: {  	v56 =	vadd.s32 v4, v20;
	v54 =	vld.idx.msk [tilespmem:v48+s20+$0x0], $0xffff;
	[tilespmem:s0+$0x1A0] =	vst v30  }
0x29f: {  	v30 =	vadd.s32 v4, v22;
	v31 =	vld.idx.msk [tilespmem:v31+s20+$0x0], $0xffff;
	[tilespmem:s6+$0xFFFFFE00] =	vst v50  }
0x2a0: {  	v25 =	vadd.s32 v9, v25;
	v39 =	vld.idx.msk [tilespmem:v51+s20+$0x0], $0xffff;
	[tilespmem:s1+$0xA0] =	vst v27  }
0x2a1: {  	v59 =	vadd.s32 v4, v23;
	v57 =	vld.idx.msk [tilespmem:v52+s20+$0x0], $0xffff;
	[tilespmem:s1+$0x120] =	vst v29  }
0x2a2: {  	v26 =	vadd.s32 v9, v26;
	v58 =	vld.idx.msk [tilespmem:v53+s20+$0x0], $0xffff;
	[tilespmem:s1+$0xFFFFFEA0] =	vst v60  }
0x2a3: {  	s7 =	simm.s32 $0x58;
	v29 =	vadd.s32 v4, v24;
	[tilespmem:s6+$0xFFFFFF20] =	vst v54;
	v61 =	vld.idx.msk [tilespmem:v56+s20+$0x0], $0xffff  }
0x2a4: {  	v63 =	vadd.s32 v5, v20;
	v27 =	vmov s7;
	v62 =	vld.idx.msk [tilespmem:v30+s20+$0x0], $0xffff;
	[tilespmem:s0+$0xFFFFFFC0] =	vst v31  }
0x2a5: {  	v37 =	vadd.s32 v8, v21;
	[tilespmem:s6+$0x20] =	vst v39;
	v30 =	vld.idx.msk [tilespmem:v25+s20+$0x0], $0xffff;
	v25 =	vshrl.u32 v27, $0x3  }
0x2a6: {  	v35 =	vadd.s32 v8, v19;
	[tilespmem:s0+$0x1C0] =	vst v57;
	v33 =	vld.idx.msk [tilespmem:v59+s20+$0x0], $0xffff;
	v25 =	vshll.u32 v25, v2  }
0x2a7: {  	v36 =	vadd.s32 v5, v23;
	v31 =	vld.idx.msk [tilespmem:v26+s20+$0x0], $0xffff;
	[tilespmem:s6+$0xFFFFFE20] =	vst v58;
	v25 =	vbroadcast v25, $0x0  }
0x2a8: {  	v26 =	vadd.s32 v6, v22;
	v29 =	vld.idx.msk [tilespmem:v29+s20+$0x0], $0xffff;
	[tilespmem:s1+$0x140] =	vst v61  }
0x2a9: {  	s8 =	simm.s32 $0x60;
	s7 =	simm.s32 $0x8;
	v27 =	vadd.s32 v6, v18;
	[tilespmem:s6+$0xFFFFFF40] =	vst v62;
	v34 =	vld.idx.msk [tilespmem:v63+s20+$0x0], $0xffff;
	v38 =	vadd.s32 v0, v25  }
.LBB2_10:
0x2aa: {  	s13 =	sadd.s32 $0x8, s8;
	s7 =	sadd.s32 $0x4, s7;
	v37 =	vld.idx.msk [tilespmem:v37+s20+$0x0], $0xffff;
	[tilespmem:s0+$0xE0] =	vst v28  }
0x2ab: {  	v28 =	vmov s13;
	s13 =	sadd.s32 $0x10, s8;
	p0 =	slt.u32 s7, $0x78;
	[tilespmem:s6+$0x40] =	vst v33;
	v33 =	vld.idx.msk [tilespmem:v35+s20+$0x0], $0xffff;
	v35 =	vadd.s32 v6, v20  }
0x2ac: {  	v40 =	vadd.s32 v5, v24;
	v28 =	vshrl.u32 v28, $0x3;
	v39 =	vmov s13;
	v36 =	vld.idx.msk [tilespmem:v36+s20+$0x0], $0xffff;
	[tilespmem:s0+$0xFFFFFFE0] =	vst v30  }
0x2ad: {  	v28 =	vshll.u32 v28, v2;
	v30 =	vshrl.u32 v39, $0x3;
	v39 =	vadd.s32 v9, v21;
	[tilespmem:s0+$0x1E0] =	vst v31;
	v21 =	vmovc v24;
	s0 =	smov.u32 s1;
	s1 =	smov.u32 s6  }
0x2ae: {  	v31 =	vbroadcast v28, $0x0;
	v24 =	vshll.u32 v30, v2;
	v28 =	vadd.s32 v6, v23;
	v30 =	vld.idx.msk [tilespmem:v38+s20+$0x0], $0xffff;
	[tilespmem:s0+$0xFFFFFF60] =	vst v32  }
0x2af: {  	v41 =	vadd.s32 v9, v19;
	v19 =	vmovc v23;
	v32 =	vmov s8;
	v38 =	vld.idx.msk [tilespmem:v27+s20+$0x0], $0xffff;
	[tilespmem:s0+$0x160] =	vst v34;
	v23 =	vbroadcast v24, $0x0;
	v27 =	vmovc v26  }
0x2b0: {  	v24 =	vshrl.u32 v32, $0x3;
	v32 =	vadd.s32 v0, v31;
	v26 =	vadd.s32 v6, v31;
	[tilespmem:s6+$0xFFFFFE40] =	vst v29;
	v29 =	vld.idx.msk [tilespmem:v35+s20+$0x0], $0xffff  }
0x2b1: {  	v24 =	vshll.u32 v24, v2;
	v34 =	vadd.s32 v0, v23;
	v35 =	vld.idx.msk [tilespmem:v40+s20+$0x0], $0xffff;
	[tilespmem:s0+$0xFFFFFEC0] =	vst v37  }
0x2b2: {  	v24 =	vbroadcast v24, $0x0;
	v37 =	vadd.s32 v7, v18;
	[tilespmem:s6+$0x60] =	vst v36;
	v36 =	vld.idx.msk [tilespmem:v39+s20+$0x0], $0xffff  }
0x2b3: {  	v39 =	vld.idx.msk [tilespmem:v28+s20+$0x0], $0xffff;
	[tilespmem:s0+$0xC0] =	vst v33;
	v33 =	vadd.s32 v7, v20  }
0x2b4: {  	v42 =	vadd.s32 v6, v21;
	v40 =	vadd.s32 v0, v24;
	v28 =	vld.idx.msk [tilespmem:v41+s20+$0x0], $0xffff  }
0x2b5: {  	v32 =	vld.idx.msk [tilespmem:v32+s20+$0x0], $0xffff;
	[tilespmem:s0+$0xFFFFFF80] =	vst v38  }
0x2b6: {  	v38 =	vadd.s32 v7, v19;
	v34 =	vld.idx.msk [tilespmem:v34+s20+$0x0], $0xffff;
	[tilespmem:s0+$0x180] =	vst v29  }
0x2b7: {  	v29 =	vadd.s32 v3, v31;
	[tilespmem:s6+$0xFFFFFE60] =	vst v35;
	v35 =	vadd.s32 v3, v25;
	v37 =	vld.idx.msk [tilespmem:v37+s20+$0x0], $0xffff  }
0x2b8: {  	[tilespmem:s0+$0xFFFFFEE0] =	vst v36;
	v33 =	vld.idx.msk [tilespmem:v33+s20+$0x0], $0xffff  }
0x2b9: {  	v36 =	vld.idx.msk [tilespmem:v42+s20+$0x0], $0xffff;
	[tilespmem:s6+$0x80] =	vst v39;
	v39 =	vadd.s32 v8, v18  }
0x2ba: {  	v41 =	vadd.s32 v3, v23;
	s6 =	sadd.s32 $0x400, s6;
	v40 =	vld.idx.msk [tilespmem:v40+s20+$0x0], $0xffff;
	[tilespmem:s1+$0x100] =	vst v30  }
0x2bb: {  	v30 =	vadd.s32 v3, v24;
	[tilespmem:s6+$0xFFFFFF00] =	vst v32;
	v32 =	vld.idx.msk [tilespmem:v38+s20+$0x0], $0xffff;
	v38 =	vadd.s32 v8, v20  }
0x2bc: {  	[tilespmem:s6+$0x0] =	vst v34;
	v34 =	vld.idx.msk [tilespmem:v35+s20+$0x0], $0xffff  }
0x2bd: {  	v35 =	vadd.s32 v7, v21;
	v29 =	vld.idx.msk [tilespmem:v29+s20+$0x0], $0xffff;
	[tilespmem:s0+$0xFFFFFFA0] =	vst v37  }
0x2be: {  	v37 =	vadd.s32 v4, v25;
	v39 =	vld.idx.msk [tilespmem:v39+s20+$0x0], $0xffff;
	[tilespmem:s0+$0x1A0] =	vst v33  }
0x2bf: {  	v33 =	vadd.s32 v4, v31;
	v41 =	vld.idx.msk [tilespmem:v41+s20+$0x0], $0xffff;
	[tilespmem:s1+$0xFFFFFE80] =	vst v36  }
0x2c0: {  	v36 =	vadd.s32 v9, v18;
	v18 =	vmov v22;
	v22 =	vmov v31;
	[tilespmem:s6+$0xFFFFFE00] =	vst v40;
	v38 =	vld.idx.msk [tilespmem:v38+s20+$0x0], $0xffff  }
0x2c1: {  	v40 =	vadd.s32 v4, v23;
	v31 =	vld.idx.msk [tilespmem:v30+s20+$0x0], $0xffff;
	[tilespmem:s1+$0xA0] =	vst v32  }
0x2c2: {  	v32 =	vld.idx.msk [tilespmem:v35+s20+$0x0], $0xffff;
	[tilespmem:s1+$0x120] =	vst v34;
	v34 =	vadd.s32 v9, v20;
	v20 =	vmov v25  }
0x2c3: {  	v25 =	vadd.s32 v4, v24;
	[tilespmem:s6+$0xFFFFFF20] =	vst v29;
	v42 =	vld.idx.msk [tilespmem:v37+s20+$0x0], $0xffff  }
0x2c4: {  	s13 =	sadd.s32 $0x18, s8;
	v44 =	vadd.s32 v5, v18;
	v43 =	vld.idx.msk [tilespmem:v33+s20+$0x0], $0xffff;
	[tilespmem:s0+$0xFFFFFFC0] =	vst v39  }
0x2c5: {  	v29 =	vmov s13;
	v39 =	vadd.s32 v5, v20;
	[tilespmem:s6+$0x20] =	vst v41;
	v30 =	vld.idx.msk [tilespmem:v36+s20+$0x0], $0xffff  }
.Ltmp4:
0x2c6: {  	v37 =	vadd.s32 v8, v21;
	v29 =	vshrl.u32 v29, $0x3;
	v33 =	vld.idx.msk [tilespmem:v40+s20+$0x0], $0xffff;
	[tilespmem:s0+$0x1C0] =	vst v38;
	(pc) =	sbr.rel @p0 .LBB2_10-.Ltmp4, $4  }
0x2c7: {  	v35 =	vadd.s32 v8, v19;
	v38 =	vshll.u32 v29, v2;
	[tilespmem:s6+$0xFFFFFE20] =	vst v31;
	v31 =	vld.idx.msk [tilespmem:v34+s20+$0x0], $0xffff  }
0x2c8: {  	v36 =	vadd.s32 v5, v23;
	v29 =	vld.idx.msk [tilespmem:v25+s20+$0x0], $0xffff;
	v25 =	vbroadcast v38, $0x0;
	[tilespmem:s1+$0xFFFFFEA0] =	vst v32  }
0x2c9: {  	v32 =	vld.idx.msk [tilespmem:v44+s20+$0x0], $0xffff;
	[tilespmem:s1+$0x140] =	vst v42  }
0x2ca: {  	s8 =	sadd.s32 $0x20, s8;
	[tilespmem:s6+$0xFFFFFF40] =	vst v43;
	v38 =	vadd.s32 v0, v25;
	v34 =	vld.idx.msk [tilespmem:v39+s20+$0x0], $0xffff  }
0x2cb: {  	_ =	sdelay $0x3  }
0x2cc: {  	v38 =	vld.idx.msk [tilespmem:v38+s20+$0x0], $0xffff  }
0x2cd: {  	v39 =	vadd.s32 v3, v25;
	_ =	sdelay $0x3  }
0x2ce: {  	[tilespmem:s6+$0x100] =	vst v38  }
0x2cf: {  	v38 =	vld.idx.msk [tilespmem:v39+s20+$0x0], $0xffff  }
0x2d0: {  	[tilespmem:s0+$0xE0] =	vst v28;
	v54 =	vadd.s32 v4, v25  }
0x2d1: {  	[tilespmem:s6+$0x40] =	vst v33  }
0x2d2: {  	[tilespmem:s0+$0xFFFFFFE0] =	vst v30  }
0x2d3: {  	v55 =	vld.idx.msk [tilespmem:v37+s20+$0x0], $0xffff;
	v56 =	vadd.s32 v5, v24;
	[tilespmem:s0+$0x1E0] =	vst v31  }
0x2d4: {  	v57 =	vadd.s32 v6, v20;
	v35 =	vld.idx.msk [tilespmem:v35+s20+$0x0], $0xffff;
	[tilespmem:s6+$0x120] =	vst v38  }
0x2d5: {  	v58 =	vadd.s32 v5, v22;
	[tilespmem:s6+$0xFFFFFE40] =	vst v29;
	v28 =	vld.idx.msk [tilespmem:v54+s20+$0x0], $0xffff  }
0x2d6: {  	v59 =	vadd.s32 v5, v25;
	v36 =	vld.idx.msk [tilespmem:v36+s20+$0x0], $0xffff;
	[tilespmem:s1+$0xFFFFFF60] =	vst v32  }
0x2d7: {  	v21 =	vadd.s32 v9, v21;
	[tilespmem:s1+$0x160] =	vst v34;
	v27 =	vld.idx.msk [tilespmem:v27+s20+$0x0], $0xffff  }
0x2d8: {  	v19 =	vadd.s32 v9, v19;
	v33 =	vld.idx.msk [tilespmem:v56+s20+$0x0], $0xffff;
	[tilespmem:s1+$0xFFFFFEC0] =	vst v55  }
0x2d9: {  	v60 =	vadd.s32 v6, v23;
	v61 =	vld.idx.msk [tilespmem:v57+s20+$0x0], $0xffff;
	[tilespmem:s1+$0xC0] =	vst v35  }
0x2da: {  	v62 =	vadd.s32 v6, v24;
	v32 =	vld.idx.msk [tilespmem:v58+s20+$0x0], $0xffff;
	[tilespmem:s6+$0x140] =	vst v28  }
0x2db: {  	[tilespmem:s6+$0x60] =	vst v36;
	v28 =	vld.idx.msk [tilespmem:v59+s20+$0x0], $0xffff  }
0x2dc: {  	v40 =	vadd.s32 v6, v25;
	v21 =	vld.idx.msk [tilespmem:v21+s20+$0x0], $0xffff;
	[tilespmem:s1+$0xFFFFFF80] =	vst v27  }
0x2dd: {  	v63 =	vadd.s32 v7, v18;
	v19 =	vld.idx.msk [tilespmem:v19+s20+$0x0], $0xffff;
	[tilespmem:s6+$0xFFFFFE60] =	vst v33  }
0x2de: {  	v41 =	vadd.s32 v7, v20;
	v29 =	vld.idx.msk [tilespmem:v60+s20+$0x0], $0xffff;
	[tilespmem:s1+$0x180] =	vst v61  }
0x2df: {  	v42 =	vadd.s32 v7, v23;
	[tilespmem:s6+$0xFFFFFF60] =	vst v32;
	v43 =	vld.idx.msk [tilespmem:v62+s20+$0x0], $0xffff  }
0x2e0: {  	v45 =	vadd.s32 v7, v24;
	v26 =	vld.idx.msk [tilespmem:v26+s20+$0x0], $0xffff;
	[tilespmem:s6+$0x160] =	vst v28  }
0x2e1: {  	v48 =	vadd.s32 v7, v22;
	[tilespmem:s1+$0xFFFFFEE0] =	vst v21;
	v47 =	vld.idx.msk [tilespmem:v40+s20+$0x0], $0xffff  }
0x2e2: {  	v50 =	vadd.s32 v7, v25;
	v44 =	vld.idx.msk [tilespmem:v63+s20+$0x0], $0xffff;
	[tilespmem:s1+$0xE0] =	vst v19  }
0x2e3: {  	v46 =	vadd.s32 v8, v18;
	v49 =	vld.idx.msk [tilespmem:v41+s20+$0x0], $0xffff;
	[tilespmem:s6+$0x80] =	vst v29  }
0x2e4: {  	v51 =	vadd.s32 v8, v20;
	v33 =	vld.idx.msk [tilespmem:v42+s20+$0x0], $0xffff;
	[tilespmem:s6+$0xFFFFFE80] =	vst v43  }
0x2e5: {  	v53 =	vadd.s32 v8, v23;
	[tilespmem:s6+$0xFFFFFF80] =	vst v26;
	v30 =	vld.idx.msk [tilespmem:v45+s20+$0x0], $0xffff  }
0x2e6: {  	v52 =	vadd.s32 v8, v24;
	v54 =	vld.idx.msk [tilespmem:v48+s20+$0x0], $0xffff;
	[tilespmem:s6+$0x180] =	vst v47  }
0x2e7: {  	v56 =	vadd.s32 v8, v22;
	[tilespmem:s1+$0xFFFFFFA0] =	vst v44;
	v55 =	vld.idx.msk [tilespmem:v50+s20+$0x0], $0xffff  }
0x2e8: {  	v58 =	vadd.s32 v8, v25;
	v31 =	vld.idx.msk [tilespmem:v46+s20+$0x0], $0xffff;
	[tilespmem:s1+$0x1A0] =	vst v49  }
0x2e9: {  	v18 =	vadd.s32 v9, v18;
	v57 =	vld.idx.msk [tilespmem:v51+s20+$0x0], $0xffff;
	[tilespmem:s6+$0xA0] =	vst v33  }
0x2ea: {  	v59 =	vadd.s32 v9, v20;
	v26 =	vld.idx.msk [tilespmem:v53+s20+$0x0], $0xffff;
	[tilespmem:s6+$0xFFFFFEA0] =	vst v30  }
0x2eb: {  	v61 =	vadd.s32 v9, v23;
	[tilespmem:s6+$0xFFFFFFA0] =	vst v54;
	v30 =	vld.idx.msk [tilespmem:v52+s20+$0x0], $0xffff  }
0x2ec: {  	v60 =	vadd.s32 v9, v24;
	v62 =	vld.idx.msk [tilespmem:v56+s20+$0x0], $0xffff;
	[tilespmem:s6+$0x1A0] =	vst v55  }
0x2ed: {  	v63 =	vadd.s32 v9, v22;
	[tilespmem:s1+$0xFFFFFFC0] =	vst v31;
	v27 =	vld.idx.msk [tilespmem:v58+s20+$0x0], $0xffff  }
0x2ee: {  	v19 =	vadd.s32 v9, v25;
	[tilespmem:s1+$0x1C0] =	vst v57;
	v18 =	vld.idx.msk [tilespmem:v18+s20+$0x0], $0xffff  }
0x2ef: {  	v20 =	vld.idx.msk [tilespmem:v59+s20+$0x0], $0xffff;
	[tilespmem:s6+$0xC0] =	vst v26  }
0x2f0: {  	v21 =	vld.idx.msk [tilespmem:v61+s20+$0x0], $0xffff;
	[tilespmem:s6+$0xFFFFFEC0] =	vst v30  }
0x2f1: {  	[tilespmem:s6+$0xFFFFFFC0] =	vst v62;
	v24 =	vld.idx.msk [tilespmem:v60+s20+$0x0], $0xffff  }
0x2f2: {  	v22 =	vld.idx.msk [tilespmem:v63+s20+$0x0], $0xffff;
	[tilespmem:s6+$0x1C0] =	vst v27  }
0x2f3: {  	[tilespmem:s1+$0xFFFFFFE0] =	vst v18;
	v18 =	vld.idx.msk [tilespmem:v19+s20+$0x0], $0xffff  }
0x2f4: {  	[tilespmem:s1+$0x1E0] =	vst v20  }
0x2f5: {  	[tilespmem:s6+$0xE0] =	vst v21  }
0x2f6: {  	[tilespmem:s6+$0xFFFFFEE0] =	vst v24  }
0x2f7: {  	[tilespmem:s6+$0xFFFFFFE0] =	vst v22  }
0x2f8: {  	[tilespmem:s6+$0x1E0] =	vst v18  }
0x2f9: {  	v18 =	vld.idx.msk [tilespmem:v10+s20+$0x0], $0xffff;
	_ =	sdelay $0x4  }
0x2fa: {  	[tilespmem:$0x1ABF8] =	vst v18  }
0x2fb: {  	v18 =	vld.idx.msk [tilespmem:v11+s20+$0x0], $0xffff;
	_ =	sdelay $0x4  }
0x2fc: {  	[tilespmem:$0x1AC18] =	vst v18  }
0x2fd: {  	v18 =	vld.idx.msk [tilespmem:v12+s20+$0x0], $0xffff;
	_ =	sdelay $0x4  }
0x2fe: {  	[tilespmem:$0x1AC38] =	vst v18  }
0x2ff: {  	v18 =	vld.idx.msk [tilespmem:v13+s20+$0x0], $0xffff;
	_ =	sdelay $0x4  }
0x300: {  	[tilespmem:$0x1AC58] =	vst v18  }
0x301: {  	v18 =	vld.idx.msk [tilespmem:v14+s20+$0x0], $0xffff;
	_ =	sdelay $0x4  }
0x302: {  	[tilespmem:$0x1AC78] =	vst v18  }
0x303: {  	v18 =	vld.idx.msk [tilespmem:v15+s20+$0x0], $0xffff;
	_ =	sdelay $0x4  }
0x304: {  	[tilespmem:$0x1AC98] =	vst v18  }
0x305: {  	v18 =	vld.idx.msk [tilespmem:v16+s20+$0x0], $0xffff;
	_ =	sdelay $0x4  }
0x306: {  	[tilespmem:$0x1ACB8] =	vst v18  }
0x307: {  	v18 =	vld.idx.msk [tilespmem:v17+s20+$0x0], $0xffff;
	_ =	sdelay $0x4  }
0x308: {  	s31 =	simm.s32 $0x12FE8;
	s0 =	simm.s32 $0x400;
	s1 =	smov.u32 s10;
	[tilespmem:$0x1ACD8] =	vst v18  }
0x309: {  	[hbm4b:s10+s22] =	stream.strided.scatter [tilespmem:s31], [sflag:$0x4], $0x100, s24, s22, $0x38;
	[tilespmem:$0x1ACF8] =	vst v63  }
.LBB2_12:
0x30a: {  	p0 =	sne.s32 s0, $0x1F000  }
.Ltmp5:
0x30b: {  	_ = 	snop;
	(pc) =	sbr.rel @p0 .LBB2_12-.Ltmp5, $4  }
0x30c: {  	_ = 	snop  }
0x30d: {  	s6 =	sshra.s32 s0, $0x2;
	s0 =	sadd.s32 $0x400, s0  }
0x30e: {  	s1 =	sadd.s32 $0x32000, s1;
	s6 =	sadd.s32 $0x12FE8, s6  }
0x30f: {  	[hbm4b:s1+s22] =	stream.strided.scatter [tilespmem:s6], [sflag:$0x4], $0x100, s24, s22, $0x38;
	[tilespmem:$0x1ACF8] =	vst v63  }
0x310: {  	s0 =	simm.s32 $0x50;
	s25 =	simm.s32 $0x1  }
0x311: {  	[tilespmem:s20], [sflag:$0x2] =	stream.indirect.gather [hbm4b:s5+s18], $0x3E8, s0, s18, $0xb8;
	[tilespmem:$0x1ACF8] =	vst v63  }
.LBB2_14:
0x312: {  	_ =	swait.ge [sflag:s21], $0x3E80  }
0x313: {  	[sflag:s21] =	ssyncset.done $0x0  }
0x314: {  	[sflag:s21] =	ssyncadd.s32 $0xFFFFC180  }
0x315: {  	_ =	swait.ge [sflag:s29], $0x7D00  }
0x316: {  	[sflag:s29] =	ssyncset.done $0x0  }
0x317: {  	s28 =	sshll.u32 s25, $0x6;
	[sflag:s29] =	ssyncadd.s32 $0xFFFF8300  }
0x318: {  	v18 =	vld [tilespmem:s28+$0x1900]  }
0x319: {  	v19 =	vld [tilespmem:s28+$0x0];
	_ =	sdelay $0x3  }
0x31a: {  	v18 =	vadd.s32 v0, v18;
	_ =	sdelay $0x3  }
0x31b: {  	v19 =	vld.idx.msk [tilespmem:v19+s17+$0x0], $0xffff  }
0x31c: {  	s0 =	simm.s32 $0x10;
	v18 =	vld.idx.msk [tilespmem:v18+s19+$0x0], $0xffff  }
0x31d: {  	v20 =	vmov s0  }
0x31e: {  	s1 =	simm.s32 $0x0;
	v20 =	vshrl.u32 v20, $0x3  }
0x31f: {  	v22 =	vmov s1;
	v20 =	vshll.u32 v20, v2;
	v21 =	vld [tilespmem:$0x1ACE8]  }
0x320: {  	v24 =	vbroadcast v20, $0x0;
	v20 =	vshrl.u32 v22, $0x3  }
0x321: {  	s6 =	simm.s32 $0x8;
	v18 =	vsub.f32 v19, v18;
	v19 =	vshll.u32 v20, v2  }
0x322: {  	v23 =	vadd.s32 v0, v24;
	v20 =	vmov s6;
	v22 =	vbroadcast v19, $0x0  }
0x323: {  	v19 =	vshrl.u32 v20, $0x3  }
0x324: {  	v18 =	vadd.f32 v18, v21;
	v19 =	vshll.u32 v19, v2;
	v20 =	vadd.s32 v0, v22  }
0x325: {  	v25 =	vbroadcast v19, $0x0  }
0x326: {  	[tilespmem:$0x1ACE8] =	vst v18  }
0x327: {  	v18 =	vadd.s32 v0, v25;
	v19 =	vld.idx.msk [tilespmem:v23+s19+$0x0], $0xffff  }
0x328: {  	v21 =	vadd.s32 v3, v24  }
0x329: {  	v20 =	vld.idx.msk [tilespmem:v20+s19+$0x0], $0xffff  }
0x32a: {  	v23 =	vadd.s32 v3, v22  }
0x32b: {  	s0 =	simm.s32 $0xB4E8  }
0x32c: {  	s1 =	simm.s32 $0x18;
	v18 =	vld.idx.msk [tilespmem:v18+s19+$0x0], $0xffff;
	[tilespmem:s0+$0x0] =	vst v19  }
0x32d: {  	v26 =	vmov s1;
	v19 =	vadd.s32 v3, v25;
	v21 =	vld.idx.msk [tilespmem:v21+s19+$0x0], $0xffff  }
0x32e: {  	v26 =	vshrl.u32 v26, $0x3;
	[tilespmem:s0+$0xFFFFFE00] =	vst v20;
	v20 =	vadd.s32 v4, v24  }
0x32f: {  	v26 =	vshll.u32 v26, v2;
	v23 =	vld.idx.msk [tilespmem:v23+s19+$0x0], $0xffff  }
0x330: {  	v26 =	vbroadcast v26, $0x0;
	v27 =	vadd.s32 v4, v22  }
0x331: {  	s7 =	simm.s32 $0x28;
	[tilespmem:s0+$0xFFFFFF00] =	vst v18  }
0x332: {  	s8 =	simm.s32 $0x30;
	v30 =	vadd.s32 v5, v24;
	v31 =	vadd.s32 v0, v26;
	v18 =	vmov s7;
	v28 =	vld.idx.msk [tilespmem:v19+s19+$0x0], $0xffff;
	[tilespmem:s0+$0x20] =	vst v21  }
0x333: {  	s6 =	simm.s32 $0x20;
	v29 =	vadd.s32 v4, v25;
	v18 =	vshrl.u32 v18, $0x3;
	v19 =	vmov s8;
	v20 =	vld.idx.msk [tilespmem:v20+s19+$0x0], $0xffff  }
0x334: {  	v21 =	vmov s6;
	v18 =	vshll.u32 v18, v2;
	v19 =	vshrl.u32 v19, $0x3;
	[tilespmem:s0+$0xFFFFFE20] =	vst v23  }
0x335: {  	v21 =	vshrl.u32 v21, $0x3;
	v18 =	vbroadcast v18, $0x0;
	v19 =	vshll.u32 v19, v2;
	v23 =	vld.idx.msk [tilespmem:v27+s19+$0x0], $0xffff  }
0x336: {  	v21 =	vshll.u32 v21, v2;
	v19 =	vbroadcast v19, $0x0;
	v27 =	vadd.s32 v5, v22  }
0x337: {  	v21 =	vbroadcast v21, $0x0;
	[tilespmem:s0+$0xFFFFFF20] =	vst v28;
	v28 =	vadd.s32 v0, v18  }
0x338: {  	v31 =	vld.idx.msk [tilespmem:v31+s19+$0x0], $0xffff;
	[tilespmem:s0+$0x40] =	vst v20;
	v20 =	vadd.s32 v0, v19  }
0x339: {  	v32 =	vadd.s32 v0, v21;
	v30 =	vld.idx.msk [tilespmem:v30+s19+$0x0], $0xffff  }
0x33a: {  	v33 =	vadd.s32 v6, v24;
	v29 =	vld.idx.msk [tilespmem:v29+s19+$0x0], $0xffff;
	[tilespmem:s0+$0xFFFFFE40] =	vst v23  }
0x33b: {  	v23 =	vld.idx.msk [tilespmem:v27+s19+$0x0], $0xffff;
	v27 =	vadd.s32 v3, v26  }
0x33c: {  	v34 =	vadd.s32 v6, v22;
	v28 =	vld.idx.msk [tilespmem:v28+s19+$0x0], $0xffff  }
0x33d: {  	v35 =	vadd.s32 v3, v18;
	v20 =	vld.idx.msk [tilespmem:v20+s19+$0x0], $0xffff  }
0x33e: {  	v52 =	vadd.s32 v3, v19;
	[tilespmem:s0+$0x60] =	vst v30;
	v30 =	vld.idx.msk [tilespmem:v32+s19+$0x0], $0xffff  }
0x33f: {  	[tilespmem:s0+$0x100] =	vst v31;
	v31 =	vadd.s32 v3, v21;
	v33 =	vld.idx.msk [tilespmem:v33+s19+$0x0], $0xffff  }
0x340: {  	s1 =	simm.s32 $0xB8E8;
	v36 =	vadd.s32 v7, v24;
	[tilespmem:s0+$0xFFFFFE60] =	vst v23;
	v23 =	vld.idx.msk [tilespmem:v27+s19+$0x0], $0xffff  }
0x341: {  	[tilespmem:s1+$0xFFFFFF00] =	vst v28;
	v28 =	vadd.s32 v4, v26;
	v27 =	vld.idx.msk [tilespmem:v34+s19+$0x0], $0xffff  }
0x342: {  	v53 =	vadd.s32 v7, v22;
	[tilespmem:s1+$0x0] =	vst v20;
	v20 =	vld.idx.msk [tilespmem:v35+s19+$0x0], $0xffff  }
0x343: {  	v54 =	vadd.s32 v4, v18;
	v32 =	vld.idx.msk [tilespmem:v52+s19+$0x0], $0xffff;
	[tilespmem:s1+$0xFFFFFE00] =	vst v30  }
0x344: {  	[tilespmem:s0+$0x80] =	vst v33;
	v30 =	vld.idx.msk [tilespmem:v31+s19+$0x0], $0xffff;
	v31 =	vadd.s32 v4, v19  }
0x345: {  	s13 =	simm.s32 $0x38;
	v33 =	vld.idx.msk [tilespmem:v36+s19+$0x0], $0xffff;
	[tilespmem:s0+$0x120] =	vst v23;
	v23 =	vadd.s32 v4, v21  }
0x346: {  	v55 =	vmov s13;
	[tilespmem:s0+$0xFFFFFE80] =	vst v27;
	v27 =	vld.idx.msk [tilespmem:v28+s19+$0x0], $0xffff;
	v28 =	vadd.s32 v5, v25  }
0x347: {  	v37 =	vadd.s32 v5, v26;
	v34 =	vld.idx.msk [tilespmem:v53+s19+$0x0], $0xffff;
	[tilespmem:s1+$0xFFFFFF20] =	vst v20;
	v20 =	vshrl.u32 v55, $0x3  }
0x348: {  	v56 =	vadd.s32 v8, v22;
	v35 =	vld.idx.msk [tilespmem:v54+s19+$0x0], $0xffff;
	[tilespmem:s1+$0x20] =	vst v32;
	v20 =	vshll.u32 v20, v2  }
0x349: {  	v31 =	vld.idx.msk [tilespmem:v31+s19+$0x0], $0xffff;
	[tilespmem:s1+$0xFFFFFE20] =	vst v30;
	v30 =	vadd.s32 v8, v24;
	v20 =	vbroadcast v20, $0x0  }
0x34a: {  	[tilespmem:s0+$0xFFFFFF40] =	vst v29;
	v29 =	vld.idx.msk [tilespmem:v23+s19+$0x0], $0xffff;
	v23 =	vadd.s32 v5, v19  }
0x34b: {  	v28 =	vld.idx.msk [tilespmem:v28+s19+$0x0], $0xffff;
	[tilespmem:s0+$0x140] =	vst v27;
	v27 =	vadd.s32 v0, v20  }
0x34c: {  	s14 =	simm.s32 $0x48;
	v38 =	vadd.s32 v5, v21;
	[tilespmem:s0+$0xFFFFFEA0] =	vst v34;
	v58 =	vld.idx.msk [tilespmem:v37+s19+$0x0], $0xffff  }
0x34d: {  	s26 =	simm.s32 $0x50;
	v59 =	vmov s14;
	v57 =	vadd.s32 v6, v25;
	[tilespmem:s0+$0xA0] =	vst v33;
	v32 =	vld.idx.msk [tilespmem:v56+s19+$0x0], $0xffff  }
0x34e: {  	v61 =	vmov s26;
	v60 =	vadd.s32 v6, v26;
	[tilespmem:s1+$0x40] =	vst v31;
	v30 =	vld.idx.msk [tilespmem:v30+s19+$0x0], $0xffff;
	v31 =	vshrl.u32 v59, $0x3  }
0x34f: {  	v62 =	vadd.s32 v9, v22;
	v39 =	vld.idx.msk [tilespmem:v23+s19+$0x0], $0xffff;
	v23 =	vshll.u32 v31, v2;
	v31 =	vshrl.u32 v61, $0x3  }
0x350: {  	[tilespmem:s1+$0xFFFFFE40] =	vst v29;
	v22 =	vbroadcast v23, $0x0;
	v23 =	vshll.u32 v31, v2;
	v31 =	vadd.s32 v6, v19;
	v27 =	vld.idx.msk [tilespmem:v27+s19+$0x0], $0xffff  }
0x351: {  	[tilespmem:s0+$0xFFFFFF60] =	vst v28;
	v28 =	vadd.s32 v9, v24;
	v38 =	vld.idx.msk [tilespmem:v38+s19+$0x0], $0xffff  }
0x352: {  	s31 =	simm.s32 $0x40;
	v44 =	vadd.s32 v6, v21;
	v36 =	vld.idx.msk [tilespmem:v57+s19+$0x0], $0xffff;
	[tilespmem:s0+$0x160] =	vst v58  }
0x353: {  	v24 =	vmov s31;
	v23 =	vbroadcast v23, $0x0;
	v63 =	vadd.s32 v0, v22;
	v29 =	vld.idx.msk [tilespmem:v60+s19+$0x0], $0xffff;
	[tilespmem:s0+$0xFFFFFEC0] =	vst v32  }
0x354: {  	v43 =	vadd.s32 v7, v25;
	v24 =	vshrl.u32 v24, $0x3;
	v32 =	vld.idx.msk [tilespmem:v62+s19+$0x0], $0xffff;
	[tilespmem:s1+$0x60] =	vst v39  }
0x355: {  	v24 =	vshll.u32 v24, v2;
	v42 =	vadd.s32 v0, v23;
	[tilespmem:s0+$0xC0] =	vst v30;
	v31 =	vld.idx.msk [tilespmem:v31+s19+$0x0], $0xffff  }
0x356: {  	v24 =	vbroadcast v24, $0x0;
	v30 =	vadd.s32 v7, v26;
	v28 =	vld.idx.msk [tilespmem:v28+s19+$0x0], $0xffff;
	[tilespmem:s1+$0xFFFFFE60] =	vst v38  }
0x357: {  	v40 =	vadd.s32 v5, v18;
	[tilespmem:s1+$0xFFFFFF40] =	vst v35;
	v49 =	vld.idx.msk [tilespmem:v44+s19+$0x0], $0xffff  }
0x358: {  	v45 =	vadd.s32 v0, v24;
	[tilespmem:s0+$0xFFFFFF80] =	vst v36;
	v34 =	vld.idx.msk [tilespmem:v63+s19+$0x0], $0xffff  }
0x359: {  	v47 =	vadd.s32 v7, v19;
	[tilespmem:s1+$0x100] =	vst v27;
	v33 =	vld.idx.msk [tilespmem:v43+s19+$0x0], $0xffff  }
0x35a: {  	[tilespmem:s0+$0x180] =	vst v29;
	v29 =	vadd.s32 v3, v20;
	v46 =	vld.idx.msk [tilespmem:v42+s19+$0x0], $0xffff  }
0x35b: {  	v55 =	vadd.s32 v7, v21;
	[tilespmem:s0+$0xFFFFFEE0] =	vst v32;
	v30 =	vld.idx.msk [tilespmem:v30+s19+$0x0], $0xffff  }
0x35c: {  	v48 =	vadd.s32 v3, v22;
	v32 =	vld.idx.msk [tilespmem:v40+s19+$0x0], $0xffff;
	[tilespmem:s1+$0x80] =	vst v31  }
0x35d: {  	s6 =	simm.s32 $0xBCE8;
	v31 =	vadd.s32 v8, v25;
	v50 =	vld.idx.msk [tilespmem:v45+s19+$0x0], $0xffff;
	[tilespmem:s1+$0xFFFFFE80] =	vst v49  }
0x35e: {  	v51 =	vadd.s32 v3, v23;
	v27 =	vld.idx.msk [tilespmem:v47+s19+$0x0], $0xffff;
	[tilespmem:s6+$0xFFFFFF00] =	vst v34  }
0x35f: {  	v52 =	vadd.s32 v8, v26;
	v29 =	vld.idx.msk [tilespmem:v29+s19+$0x0], $0xffff;
	[tilespmem:s0+$0xFFFFFFA0] =	vst v33  }
0x360: {  	v53 =	vadd.s32 v3, v24;
	v60 =	vld.idx.msk [tilespmem:v55+s19+$0x0], $0xffff;
	[tilespmem:s6+$0x0] =	vst v46  }
0x361: {  	v56 =	vadd.s32 v4, v20;
	v54 =	vld.idx.msk [tilespmem:v48+s19+$0x0], $0xffff;
	[tilespmem:s0+$0x1A0] =	vst v30  }
0x362: {  	v30 =	vadd.s32 v4, v22;
	v31 =	vld.idx.msk [tilespmem:v31+s19+$0x0], $0xffff;
	[tilespmem:s6+$0xFFFFFE00] =	vst v50  }
0x363: {  	v25 =	vadd.s32 v9, v25;
	v39 =	vld.idx.msk [tilespmem:v51+s19+$0x0], $0xffff;
	[tilespmem:s1+$0xA0] =	vst v27  }
0x364: {  	v59 =	vadd.s32 v4, v23;
	v57 =	vld.idx.msk [tilespmem:v52+s19+$0x0], $0xffff;
	[tilespmem:s1+$0x120] =	vst v29  }
0x365: {  	v26 =	vadd.s32 v9, v26;
	v58 =	vld.idx.msk [tilespmem:v53+s19+$0x0], $0xffff;
	[tilespmem:s1+$0xFFFFFEA0] =	vst v60  }
0x366: {  	s7 =	simm.s32 $0x58;
	v29 =	vadd.s32 v4, v24;
	[tilespmem:s6+$0xFFFFFF20] =	vst v54;
	v61 =	vld.idx.msk [tilespmem:v56+s19+$0x0], $0xffff  }
0x367: {  	v63 =	vadd.s32 v5, v20;
	v27 =	vmov s7;
	v62 =	vld.idx.msk [tilespmem:v30+s19+$0x0], $0xffff;
	[tilespmem:s0+$0xFFFFFFC0] =	vst v31  }
0x368: {  	v37 =	vadd.s32 v8, v21;
	[tilespmem:s6+$0x20] =	vst v39;
	v30 =	vld.idx.msk [tilespmem:v25+s19+$0x0], $0xffff;
	v25 =	vshrl.u32 v27, $0x3  }
0x369: {  	v35 =	vadd.s32 v8, v19;
	[tilespmem:s0+$0x1C0] =	vst v57;
	v33 =	vld.idx.msk [tilespmem:v59+s19+$0x0], $0xffff;
	v25 =	vshll.u32 v25, v2  }
0x36a: {  	v36 =	vadd.s32 v5, v23;
	v31 =	vld.idx.msk [tilespmem:v26+s19+$0x0], $0xffff;
	[tilespmem:s6+$0xFFFFFE20] =	vst v58;
	v25 =	vbroadcast v25, $0x0  }
0x36b: {  	v26 =	vadd.s32 v6, v22;
	v29 =	vld.idx.msk [tilespmem:v29+s19+$0x0], $0xffff;
	[tilespmem:s1+$0x140] =	vst v61  }
0x36c: {  	s8 =	simm.s32 $0x60;
	s7 =	simm.s32 $0x8;
	v27 =	vadd.s32 v6, v18;
	[tilespmem:s6+$0xFFFFFF40] =	vst v62;
	v34 =	vld.idx.msk [tilespmem:v63+s19+$0x0], $0xffff;
	v38 =	vadd.s32 v0, v25  }
.LBB2_15:
0x36d: {  	s13 =	sadd.s32 $0x8, s8;
	s7 =	sadd.s32 $0x4, s7;
	v37 =	vld.idx.msk [tilespmem:v37+s19+$0x0], $0xffff;
	[tilespmem:s0+$0xE0] =	vst v28  }
0x36e: {  	v28 =	vmov s13;
	s13 =	sadd.s32 $0x10, s8;
	p0 =	slt.u32 s7, $0x78;
	[tilespmem:s6+$0x40] =	vst v33;
	v33 =	vld.idx.msk [tilespmem:v35+s19+$0x0], $0xffff;
	v35 =	vadd.s32 v6, v20  }
0x36f: {  	v40 =	vadd.s32 v5, v24;
	v28 =	vshrl.u32 v28, $0x3;
	v39 =	vmov s13;
	v36 =	vld.idx.msk [tilespmem:v36+s19+$0x0], $0xffff;
	[tilespmem:s0+$0xFFFFFFE0] =	vst v30  }
0x370: {  	v28 =	vshll.u32 v28, v2;
	v30 =	vshrl.u32 v39, $0x3;
	v39 =	vadd.s32 v9, v21;
	[tilespmem:s0+$0x1E0] =	vst v31;
	v21 =	vmovc v24;
	s0 =	smov.u32 s1;
	s1 =	smov.u32 s6  }
0x371: {  	v31 =	vbroadcast v28, $0x0;
	v24 =	vshll.u32 v30, v2;
	v28 =	vadd.s32 v6, v23;
	v30 =	vld.idx.msk [tilespmem:v38+s19+$0x0], $0xffff;
	[tilespmem:s0+$0xFFFFFF60] =	vst v32  }
0x372: {  	v41 =	vadd.s32 v9, v19;
	v19 =	vmovc v23;
	v32 =	vmov s8;
	v38 =	vld.idx.msk [tilespmem:v27+s19+$0x0], $0xffff;
	[tilespmem:s0+$0x160] =	vst v34;
	v23 =	vbroadcast v24, $0x0;
	v27 =	vmovc v26  }
0x373: {  	v24 =	vshrl.u32 v32, $0x3;
	v32 =	vadd.s32 v0, v31;
	v26 =	vadd.s32 v6, v31;
	[tilespmem:s6+$0xFFFFFE40] =	vst v29;
	v29 =	vld.idx.msk [tilespmem:v35+s19+$0x0], $0xffff  }
0x374: {  	v24 =	vshll.u32 v24, v2;
	v34 =	vadd.s32 v0, v23;
	v35 =	vld.idx.msk [tilespmem:v40+s19+$0x0], $0xffff;
	[tilespmem:s0+$0xFFFFFEC0] =	vst v37  }
0x375: {  	v24 =	vbroadcast v24, $0x0;
	v37 =	vadd.s32 v7, v18;
	[tilespmem:s6+$0x60] =	vst v36;
	v36 =	vld.idx.msk [tilespmem:v39+s19+$0x0], $0xffff  }
0x376: {  	v39 =	vld.idx.msk [tilespmem:v28+s19+$0x0], $0xffff;
	[tilespmem:s0+$0xC0] =	vst v33;
	v33 =	vadd.s32 v7, v20  }
0x377: {  	v42 =	vadd.s32 v6, v21;
	v40 =	vadd.s32 v0, v24;
	v28 =	vld.idx.msk [tilespmem:v41+s19+$0x0], $0xffff  }
0x378: {  	v32 =	vld.idx.msk [tilespmem:v32+s19+$0x0], $0xffff;
	[tilespmem:s0+$0xFFFFFF80] =	vst v38  }
0x379: {  	v38 =	vadd.s32 v7, v19;
	v34 =	vld.idx.msk [tilespmem:v34+s19+$0x0], $0xffff;
	[tilespmem:s0+$0x180] =	vst v29  }
0x37a: {  	v29 =	vadd.s32 v3, v31;
	[tilespmem:s6+$0xFFFFFE60] =	vst v35;
	v35 =	vadd.s32 v3, v25;
	v37 =	vld.idx.msk [tilespmem:v37+s19+$0x0], $0xffff  }
0x37b: {  	[tilespmem:s0+$0xFFFFFEE0] =	vst v36;
	v33 =	vld.idx.msk [tilespmem:v33+s19+$0x0], $0xffff  }
0x37c: {  	v36 =	vld.idx.msk [tilespmem:v42+s19+$0x0], $0xffff;
	[tilespmem:s6+$0x80] =	vst v39;
	v39 =	vadd.s32 v8, v18  }
0x37d: {  	v41 =	vadd.s32 v3, v23;
	s6 =	sadd.s32 $0x400, s6;
	v40 =	vld.idx.msk [tilespmem:v40+s19+$0x0], $0xffff;
	[tilespmem:s1+$0x100] =	vst v30  }
0x37e: {  	v30 =	vadd.s32 v3, v24;
	[tilespmem:s6+$0xFFFFFF00] =	vst v32;
	v32 =	vld.idx.msk [tilespmem:v38+s19+$0x0], $0xffff;
	v38 =	vadd.s32 v8, v20  }
0x37f: {  	[tilespmem:s6+$0x0] =	vst v34;
	v34 =	vld.idx.msk [tilespmem:v35+s19+$0x0], $0xffff  }
0x380: {  	v35 =	vadd.s32 v7, v21;
	v29 =	vld.idx.msk [tilespmem:v29+s19+$0x0], $0xffff;
	[tilespmem:s0+$0xFFFFFFA0] =	vst v37  }
0x381: {  	v37 =	vadd.s32 v4, v25;
	v39 =	vld.idx.msk [tilespmem:v39+s19+$0x0], $0xffff;
	[tilespmem:s0+$0x1A0] =	vst v33  }
0x382: {  	v33 =	vadd.s32 v4, v31;
	v41 =	vld.idx.msk [tilespmem:v41+s19+$0x0], $0xffff;
	[tilespmem:s1+$0xFFFFFE80] =	vst v36  }
0x383: {  	v36 =	vadd.s32 v9, v18;
	v18 =	vmov v22;
	v22 =	vmov v31;
	[tilespmem:s6+$0xFFFFFE00] =	vst v40;
	v38 =	vld.idx.msk [tilespmem:v38+s19+$0x0], $0xffff  }
0x384: {  	v40 =	vadd.s32 v4, v23;
	v31 =	vld.idx.msk [tilespmem:v30+s19+$0x0], $0xffff;
	[tilespmem:s1+$0xA0] =	vst v32  }
0x385: {  	v32 =	vld.idx.msk [tilespmem:v35+s19+$0x0], $0xffff;
	[tilespmem:s1+$0x120] =	vst v34;
	v34 =	vadd.s32 v9, v20;
	v20 =	vmov v25  }
0x386: {  	v25 =	vadd.s32 v4, v24;
	[tilespmem:s6+$0xFFFFFF20] =	vst v29;
	v42 =	vld.idx.msk [tilespmem:v37+s19+$0x0], $0xffff  }
0x387: {  	s13 =	sadd.s32 $0x18, s8;
	v44 =	vadd.s32 v5, v18;
	v43 =	vld.idx.msk [tilespmem:v33+s19+$0x0], $0xffff;
	[tilespmem:s0+$0xFFFFFFC0] =	vst v39  }
0x388: {  	v29 =	vmov s13;
	v39 =	vadd.s32 v5, v20;
	[tilespmem:s6+$0x20] =	vst v41;
	v30 =	vld.idx.msk [tilespmem:v36+s19+$0x0], $0xffff  }
.Ltmp6:
0x389: {  	v37 =	vadd.s32 v8, v21;
	v29 =	vshrl.u32 v29, $0x3;
	v33 =	vld.idx.msk [tilespmem:v40+s19+$0x0], $0xffff;
	[tilespmem:s0+$0x1C0] =	vst v38;
	(pc) =	sbr.rel @p0 .LBB2_15-.Ltmp6, $4  }
0x38a: {  	v35 =	vadd.s32 v8, v19;
	v38 =	vshll.u32 v29, v2;
	[tilespmem:s6+$0xFFFFFE20] =	vst v31;
	v31 =	vld.idx.msk [tilespmem:v34+s19+$0x0], $0xffff  }
0x38b: {  	v36 =	vadd.s32 v5, v23;
	v29 =	vld.idx.msk [tilespmem:v25+s19+$0x0], $0xffff;
	v25 =	vbroadcast v38, $0x0;
	[tilespmem:s1+$0xFFFFFEA0] =	vst v32  }
0x38c: {  	v32 =	vld.idx.msk [tilespmem:v44+s19+$0x0], $0xffff;
	[tilespmem:s1+$0x140] =	vst v42  }
0x38d: {  	s8 =	sadd.s32 $0x20, s8;
	[tilespmem:s6+$0xFFFFFF40] =	vst v43;
	v38 =	vadd.s32 v0, v25;
	v34 =	vld.idx.msk [tilespmem:v39+s19+$0x0], $0xffff  }
0x38e: {  	_ =	sdelay $0x3  }
0x38f: {  	v38 =	vld.idx.msk [tilespmem:v38+s19+$0x0], $0xffff  }
0x390: {  	v39 =	vadd.s32 v3, v25;
	_ =	sdelay $0x3  }
0x391: {  	[tilespmem:s6+$0x100] =	vst v38  }
0x392: {  	v38 =	vld.idx.msk [tilespmem:v39+s19+$0x0], $0xffff  }
0x393: {  	[tilespmem:s0+$0xE0] =	vst v28;
	v28 =	vadd.s32 v4, v25  }
0x394: {  	[tilespmem:s6+$0x40] =	vst v33  }
0x395: {  	[tilespmem:s0+$0xFFFFFFE0] =	vst v30;
	v60 =	vadd.s32 v5, v24  }
0x396: {  	v30 =	vld.idx.msk [tilespmem:v37+s19+$0x0], $0xffff;
	[tilespmem:s0+$0x1E0] =	vst v31;
	v31 =	vadd.s32 v6, v20  }
0x397: {  	v61 =	vadd.s32 v5, v22;
	v36 =	vld.idx.msk [tilespmem:v36+s19+$0x0], $0xffff;
	[tilespmem:s6+$0x120] =	vst v38  }
0x398: {  	v21 =	vadd.s32 v9, v21;
	[tilespmem:s1+$0xFFFFFF60] =	vst v32;
	v28 =	vld.idx.msk [tilespmem:v28+s19+$0x0], $0xffff  }
0x399: {  	v62 =	vadd.s32 v5, v25;
	[tilespmem:s6+$0xFFFFFE40] =	vst v29;
	v27 =	vld.idx.msk [tilespmem:v27+s19+$0x0], $0xffff  }
0x39a: {  	v29 =	vadd.s32 v6, v23;
	[tilespmem:s1+$0x160] =	vst v34;
	v33 =	vld.idx.msk [tilespmem:v60+s19+$0x0], $0xffff  }
0x39b: {  	[tilespmem:s1+$0xFFFFFEC0] =	vst v30;
	v30 =	vld.idx.msk [tilespmem:v31+s19+$0x0], $0xffff;
	v31 =	vadd.s32 v6, v24  }
0x39c: {  	v32 =	vld.idx.msk [tilespmem:v61+s19+$0x0], $0xffff;
	[tilespmem:s6+$0x60] =	vst v36  }
0x39d: {  	v63 =	vadd.s32 v7, v18;
	v21 =	vld.idx.msk [tilespmem:v21+s19+$0x0], $0xffff;
	[tilespmem:s6+$0x140] =	vst v28  }
0x39e: {  	[tilespmem:s1+$0xFFFFFF80] =	vst v27;
	v28 =	vld.idx.msk [tilespmem:v62+s19+$0x0], $0xffff  }
0x39f: {  	v29 =	vld.idx.msk [tilespmem:v29+s19+$0x0], $0xffff;
	v27 =	vadd.s32 v6, v25;
	[tilespmem:s6+$0xFFFFFE60] =	vst v33  }
0x3a0: {  	v37 =	vadd.s32 v7, v20;
	[tilespmem:s1+$0x180] =	vst v30;
	v30 =	vld.idx.msk [tilespmem:v31+s19+$0x0], $0xffff  }
0x3a1: {  	v35 =	vld.idx.msk [tilespmem:v35+s19+$0x0], $0xffff;
	v39 =	vadd.s32 v7, v24;
	[tilespmem:s6+$0xFFFFFF60] =	vst v32  }
0x3a2: {  	v19 =	vadd.s32 v9, v19;
	v31 =	vld.idx.msk [tilespmem:v63+s19+$0x0], $0xffff;
	[tilespmem:s1+$0xFFFFFEE0] =	vst v21  }
0x3a3: {  	v38 =	vadd.s32 v7, v23;
	v26 =	vld.idx.msk [tilespmem:v26+s19+$0x0], $0xffff;
	[tilespmem:s6+$0x160] =	vst v28  }
0x3a4: {  	[tilespmem:s6+$0x80] =	vst v29;
	v21 =	vld.idx.msk [tilespmem:v27+s19+$0x0], $0xffff;
	v27 =	vadd.s32 v7, v22  }
0x3a5: {  	v29 =	vadd.s32 v7, v25;
	[tilespmem:s6+$0xFFFFFE80] =	vst v30;
	v28 =	vld.idx.msk [tilespmem:v37+s19+$0x0], $0xffff  }
0x3a6: {  	v40 =	vadd.s32 v8, v18;
	[tilespmem:s1+$0xC0] =	vst v35;
	v30 =	vld.idx.msk [tilespmem:v39+s19+$0x0], $0xffff  }
0x3a7: {  	v42 =	vadd.s32 v8, v24;
	v19 =	vld.idx.msk [tilespmem:v19+s19+$0x0], $0xffff;
	[tilespmem:s1+$0xFFFFFFA0] =	vst v31  }
0x3a8: {  	v41 =	vadd.s32 v8, v20;
	v33 =	vld.idx.msk [tilespmem:v38+s19+$0x0], $0xffff;
	[tilespmem:s6+$0xFFFFFF80] =	vst v26  }
0x3a9: {  	v26 =	vadd.s32 v8, v23;
	[tilespmem:s6+$0x180] =	vst v21;
	v21 =	vld.idx.msk [tilespmem:v27+s19+$0x0], $0xffff  }
0x3aa: {  	[tilespmem:s1+$0x1A0] =	vst v28;
	v28 =	vadd.s32 v8, v22;
	v27 =	vld.idx.msk [tilespmem:v29+s19+$0x0], $0xffff  }
0x3ab: {  	v43 =	vadd.s32 v8, v25;
	v31 =	vld.idx.msk [tilespmem:v40+s19+$0x0], $0xffff;
	[tilespmem:s6+$0xFFFFFEA0] =	vst v30  }
0x3ac: {  	v18 =	vadd.s32 v9, v18;
	[tilespmem:s1+$0xE0] =	vst v19;
	v30 =	vld.idx.msk [tilespmem:v42+s19+$0x0], $0xffff  }
0x3ad: {  	v24 =	vadd.s32 v9, v24;
	[tilespmem:s6+$0xA0] =	vst v33;
	v29 =	vld.idx.msk [tilespmem:v41+s19+$0x0], $0xffff  }
0x3ae: {  	v20 =	vadd.s32 v9, v20;
	v26 =	vld.idx.msk [tilespmem:v26+s19+$0x0], $0xffff;
	[tilespmem:s6+$0xFFFFFFA0] =	vst v21  }
0x3af: {  	v21 =	vadd.s32 v9, v23;
	v23 =	vld.idx.msk [tilespmem:v28+s19+$0x0], $0xffff;
	[tilespmem:s6+$0x1A0] =	vst v27  }
0x3b0: {  	[tilespmem:s1+$0xFFFFFFC0] =	vst v31;
	v22 =	vadd.s32 v9, v22;
	v27 =	vld.idx.msk [tilespmem:v43+s19+$0x0], $0xffff  }
0x3b1: {  	v19 =	vadd.s32 v9, v25;
	v18 =	vld.idx.msk [tilespmem:v18+s19+$0x0], $0xffff;
	[tilespmem:s6+$0xFFFFFEC0] =	vst v30  }
0x3b2: {  	v24 =	vld.idx.msk [tilespmem:v24+s19+$0x0], $0xffff;
	[tilespmem:s1+$0x1C0] =	vst v29  }
0x3b3: {  	[tilespmem:s6+$0xC0] =	vst v26;
	v20 =	vld.idx.msk [tilespmem:v20+s19+$0x0], $0xffff  }
0x3b4: {  	v21 =	vld.idx.msk [tilespmem:v21+s19+$0x0], $0xffff;
	[tilespmem:s6+$0xFFFFFFC0] =	vst v23  }
0x3b5: {  	v22 =	vld.idx.msk [tilespmem:v22+s19+$0x0], $0xffff;
	[tilespmem:s6+$0x1C0] =	vst v27  }
0x3b6: {  	[tilespmem:s1+$0xFFFFFFE0] =	vst v18;
	v18 =	vld.idx.msk [tilespmem:v19+s19+$0x0], $0xffff  }
0x3b7: {  	[tilespmem:s6+$0xFFFFFEE0] =	vst v24  }
0x3b8: {  	[tilespmem:s1+$0x1E0] =	vst v20  }
0x3b9: {  	[tilespmem:s6+$0xE0] =	vst v21  }
0x3ba: {  	[tilespmem:s6+$0xFFFFFFE0] =	vst v22  }
0x3bb: {  	[tilespmem:s6+$0x1E0] =	vst v18  }
0x3bc: {  	v18 =	vld.idx.msk [tilespmem:v10+s19+$0x0], $0xffff;
	_ =	sdelay $0x4  }
0x3bd: {  	[tilespmem:$0x12EE8] =	vst v18  }
0x3be: {  	v18 =	vld.idx.msk [tilespmem:v11+s19+$0x0], $0xffff;
	_ =	sdelay $0x4  }
0x3bf: {  	[tilespmem:$0x12F08] =	vst v18  }
0x3c0: {  	v18 =	vld.idx.msk [tilespmem:v12+s19+$0x0], $0xffff;
	_ =	sdelay $0x4  }
0x3c1: {  	[tilespmem:$0x12F28] =	vst v18  }
0x3c2: {  	v18 =	vld.idx.msk [tilespmem:v13+s19+$0x0], $0xffff;
	_ =	sdelay $0x4  }
0x3c3: {  	[tilespmem:$0x12F48] =	vst v18  }
0x3c4: {  	v18 =	vld.idx.msk [tilespmem:v14+s19+$0x0], $0xffff;
	_ =	sdelay $0x4  }
0x3c5: {  	[tilespmem:$0x12F68] =	vst v18  }
0x3c6: {  	v18 =	vld.idx.msk [tilespmem:v15+s19+$0x0], $0xffff;
	_ =	sdelay $0x4  }
0x3c7: {  	[tilespmem:$0x12F88] =	vst v18  }
0x3c8: {  	v18 =	vld.idx.msk [tilespmem:v16+s19+$0x0], $0xffff;
	_ =	sdelay $0x4  }
0x3c9: {  	[tilespmem:$0x12FA8] =	vst v18  }
0x3ca: {  	v18 =	vld.idx.msk [tilespmem:v17+s19+$0x0], $0xffff;
	_ =	sdelay $0x4  }
0x3cb: {  	s26 =	sor.u32 $0x20, s28;
	[tilespmem:$0x12FC8] =	vst v18  }
0x3cc: {  	[tilespmem:s19], [sflag:$0x1] =	stream.indirect.gather [hbm4b:s5+s18], $0x3E8, s26, s18, $0xb8;
	[tilespmem:$0x1ACF8] =	vst v63  }
0x3cd: {  	_ =	swait.ge [sflag:s23], $0x3E80  }
0x3ce: {  	[sflag:s23] =	ssyncset.done $0x0  }
0x3cf: {  	[sflag:s23] =	ssyncadd.s32 $0xFFFFC180  }
0x3d0: {  	s6 =	sor.u32 $0x10, s28;
	v18 =	vld [tilespmem:s28+$0x1910]  }
0x3d1: {  	v19 =	vld [tilespmem:s6+$0x0];
	_ =	sdelay $0x3  }
0x3d2: {  	v18 =	vadd.s32 v0, v18;
	_ =	sdelay $0x3  }
0x3d3: {  	v19 =	vld.idx.msk [tilespmem:v19+s17+$0x0], $0xffff  }
0x3d4: {  	s7 =	simm.s32 $0x10;
	v18 =	vld.idx.msk [tilespmem:v18+s20+$0x0], $0xffff  }
0x3d5: {  	v20 =	vmov s7  }
0x3d6: {  	s8 =	simm.s32 $0x0;
	v20 =	vshrl.u32 v20, $0x3  }
0x3d7: {  	v20 =	vshll.u32 v20, v2;
	v22 =	vmov s8;
	v21 =	vld [tilespmem:$0x1ACE8]  }
0x3d8: {  	v24 =	vbroadcast v20, $0x0;
	v20 =	vshrl.u32 v22, $0x3  }
0x3d9: {  	s13 =	simm.s32 $0x8;
	v18 =	vsub.f32 v19, v18;
	v19 =	vshll.u32 v20, v2  }
0x3da: {  	v23 =	vadd.s32 v0, v24;
	v20 =	vmov s13;
	v22 =	vbroadcast v19, $0x0  }
0x3db: {  	v19 =	vshrl.u32 v20, $0x3  }
0x3dc: {  	v18 =	vadd.f32 v18, v21;
	v19 =	vshll.u32 v19, v2;
	v20 =	vadd.s32 v0, v22  }
0x3dd: {  	v25 =	vbroadcast v19, $0x0  }
0x3de: {  	[tilespmem:$0x1ACE8] =	vst v18  }
0x3df: {  	v18 =	vadd.s32 v0, v25;
	v19 =	vld.idx.msk [tilespmem:v23+s20+$0x0], $0xffff  }
0x3e0: {  	v21 =	vadd.s32 v3, v24  }
0x3e1: {  	v20 =	vld.idx.msk [tilespmem:v20+s20+$0x0], $0xffff  }
0x3e2: {  	v23 =	vadd.s32 v3, v22  }
0x3e3: {  	s0 =	simm.s32 $0xB4F8  }
0x3e4: {  	s14 =	simm.s32 $0x18;
	v18 =	vld.idx.msk [tilespmem:v18+s20+$0x0], $0xffff;
	[tilespmem:s0+$0x0] =	vst v19  }
0x3e5: {  	v26 =	vmov s14;
	v19 =	vadd.s32 v3, v25;
	v21 =	vld.idx.msk [tilespmem:v21+s20+$0x0], $0xffff  }
0x3e6: {  	v26 =	vshrl.u32 v26, $0x3;
	[tilespmem:s0+$0xFFFFFE00] =	vst v20;
	v20 =	vadd.s32 v4, v24  }
0x3e7: {  	v26 =	vshll.u32 v26, v2;
	v23 =	vld.idx.msk [tilespmem:v23+s20+$0x0], $0xffff  }
0x3e8: {  	v26 =	vbroadcast v26, $0x0;
	v27 =	vadd.s32 v4, v22  }
0x3e9: {  	s31 =	simm.s32 $0x28;
	[tilespmem:s0+$0xFFFFFF00] =	vst v18  }
0x3ea: {  	v31 =	vadd.s32 v0, v26;
	v30 =	vadd.s32 v5, v24;
	s6 =	simm.s32 $0x30;
	v18 =	vmov s31;
	v28 =	vld.idx.msk [tilespmem:v19+s20+$0x0], $0xffff;
	[tilespmem:s0+$0x20] =	vst v21  }
0x3eb: {  	s7 =	simm.s32 $0x20;
	v29 =	vadd.s32 v4, v25;
	v18 =	vshrl.u32 v18, $0x3;
	v19 =	vmov s6;
	v20 =	vld.idx.msk [tilespmem:v20+s20+$0x0], $0xffff  }
0x3ec: {  	v21 =	vmov s7;
	v18 =	vshll.u32 v18, v2;
	v19 =	vshrl.u32 v19, $0x3;
	[tilespmem:s0+$0xFFFFFE20] =	vst v23  }
0x3ed: {  	v21 =	vshrl.u32 v21, $0x3;
	v18 =	vbroadcast v18, $0x0;
	v19 =	vshll.u32 v19, v2;
	v23 =	vld.idx.msk [tilespmem:v27+s20+$0x0], $0xffff  }
0x3ee: {  	v21 =	vshll.u32 v21, v2;
	v19 =	vbroadcast v19, $0x0;
	v27 =	vadd.s32 v5, v22  }
0x3ef: {  	v21 =	vbroadcast v21, $0x0;
	[tilespmem:s0+$0xFFFFFF20] =	vst v28;
	v28 =	vadd.s32 v0, v18  }
0x3f0: {  	v31 =	vld.idx.msk [tilespmem:v31+s20+$0x0], $0xffff;
	[tilespmem:s0+$0x40] =	vst v20;
	v20 =	vadd.s32 v0, v19  }
0x3f1: {  	v44 =	vadd.s32 v0, v21;
	v30 =	vld.idx.msk [tilespmem:v30+s20+$0x0], $0xffff  }
0x3f2: {  	v45 =	vadd.s32 v6, v24;
	v29 =	vld.idx.msk [tilespmem:v29+s20+$0x0], $0xffff;
	[tilespmem:s0+$0xFFFFFE40] =	vst v23  }
0x3f3: {  	v23 =	vld.idx.msk [tilespmem:v27+s20+$0x0], $0xffff;
	v27 =	vadd.s32 v3, v26  }
0x3f4: {  	v46 =	vadd.s32 v6, v22;
	v28 =	vld.idx.msk [tilespmem:v28+s20+$0x0], $0xffff  }
0x3f5: {  	v47 =	vadd.s32 v3, v18;
	v20 =	vld.idx.msk [tilespmem:v20+s20+$0x0], $0xffff  }
0x3f6: {  	v48 =	vadd.s32 v3, v19;
	[tilespmem:s0+$0x60] =	vst v30;
	v30 =	vld.idx.msk [tilespmem:v44+s20+$0x0], $0xffff  }
0x3f7: {  	[tilespmem:s0+$0x100] =	vst v31;
	v31 =	vadd.s32 v3, v21;
	v33 =	vld.idx.msk [tilespmem:v45+s20+$0x0], $0xffff  }
0x3f8: {  	s1 =	simm.s32 $0xB8F8;
	v49 =	vadd.s32 v7, v24;
	[tilespmem:s0+$0xFFFFFE60] =	vst v23;
	v23 =	vld.idx.msk [tilespmem:v27+s20+$0x0], $0xffff  }
0x3f9: {  	[tilespmem:s1+$0xFFFFFF00] =	vst v28;
	v28 =	vadd.s32 v4, v26;
	v27 =	vld.idx.msk [tilespmem:v46+s20+$0x0], $0xffff  }
0x3fa: {  	v50 =	vadd.s32 v7, v22;
	[tilespmem:s1+$0x0] =	vst v20;
	v20 =	vld.idx.msk [tilespmem:v47+s20+$0x0], $0xffff  }
0x3fb: {  	v51 =	vadd.s32 v4, v18;
	v32 =	vld.idx.msk [tilespmem:v48+s20+$0x0], $0xffff;
	[tilespmem:s1+$0xFFFFFE00] =	vst v30  }
0x3fc: {  	[tilespmem:s0+$0x80] =	vst v33;
	v30 =	vld.idx.msk [tilespmem:v31+s20+$0x0], $0xffff;
	v31 =	vadd.s32 v4, v19  }
0x3fd: {  	s8 =	simm.s32 $0x38;
	v33 =	vld.idx.msk [tilespmem:v49+s20+$0x0], $0xffff;
	[tilespmem:s0+$0x120] =	vst v23;
	v23 =	vadd.s32 v4, v21  }
0x3fe: {  	v52 =	vmov s8;
	[tilespmem:s0+$0xFFFFFE80] =	vst v27;
	v27 =	vld.idx.msk [tilespmem:v28+s20+$0x0], $0xffff;
	v28 =	vadd.s32 v5, v25  }
0x3ff: {  	v53 =	vadd.s32 v5, v26;
	v34 =	vld.idx.msk [tilespmem:v50+s20+$0x0], $0xffff;
	[tilespmem:s1+$0xFFFFFF20] =	vst v20;
	v20 =	vshrl.u32 v52, $0x3  }
0x400: {  	v54 =	vadd.s32 v8, v22;
	v35 =	vld.idx.msk [tilespmem:v51+s20+$0x0], $0xffff;
	[tilespmem:s1+$0x20] =	vst v32;
	v20 =	vshll.u32 v20, v2  }
0x401: {  	v31 =	vld.idx.msk [tilespmem:v31+s20+$0x0], $0xffff;
	[tilespmem:s1+$0xFFFFFE20] =	vst v30;
	v30 =	vadd.s32 v8, v24;
	v20 =	vbroadcast v20, $0x0  }
0x402: {  	[tilespmem:s0+$0xFFFFFF40] =	vst v29;
	v29 =	vld.idx.msk [tilespmem:v23+s20+$0x0], $0xffff;
	v23 =	vadd.s32 v5, v19  }
0x403: {  	v28 =	vld.idx.msk [tilespmem:v28+s20+$0x0], $0xffff;
	[tilespmem:s0+$0x140] =	vst v27;
	v27 =	vadd.s32 v0, v20  }
0x404: {  	s13 =	simm.s32 $0x48;
	v60 =	vadd.s32 v5, v21;
	[tilespmem:s0+$0xFFFFFEA0] =	vst v34;
	v56 =	vld.idx.msk [tilespmem:v53+s20+$0x0], $0xffff  }
0x405: {  	s14 =	simm.s32 $0x50;
	v57 =	vmov s13;
	v55 =	vadd.s32 v6, v25;
	[tilespmem:s0+$0xA0] =	vst v33;
	v32 =	vld.idx.msk [tilespmem:v54+s20+$0x0], $0xffff  }
0x406: {  	v59 =	vmov s14;
	v58 =	vadd.s32 v6, v26;
	[tilespmem:s1+$0x40] =	vst v31;
	v30 =	vld.idx.msk [tilespmem:v30+s20+$0x0], $0xffff;
	v31 =	vshrl.u32 v57, $0x3  }
0x407: {  	v62 =	vadd.s32 v9, v22;
	v61 =	vld.idx.msk [tilespmem:v23+s20+$0x0], $0xffff;
	v23 =	vshll.u32 v31, v2;
	v31 =	vshrl.u32 v59, $0x3  }
0x408: {  	[tilespmem:s1+$0xFFFFFE40] =	vst v29;
	v22 =	vbroadcast v23, $0x0;
	v23 =	vshll.u32 v31, v2;
	v31 =	vadd.s32 v6, v19;
	v27 =	vld.idx.msk [tilespmem:v27+s20+$0x0], $0xffff  }
0x409: {  	[tilespmem:s0+$0xFFFFFF60] =	vst v28;
	v28 =	vadd.s32 v9, v24;
	v38 =	vld.idx.msk [tilespmem:v60+s20+$0x0], $0xffff  }
0x40a: {  	s31 =	simm.s32 $0x40;
	v44 =	vadd.s32 v6, v21;
	v36 =	vld.idx.msk [tilespmem:v55+s20+$0x0], $0xffff;
	[tilespmem:s0+$0x160] =	vst v56  }
0x40b: {  	v24 =	vmov s31;
	v23 =	vbroadcast v23, $0x0;
	v63 =	vadd.s32 v0, v22;
	v29 =	vld.idx.msk [tilespmem:v58+s20+$0x0], $0xffff;
	[tilespmem:s0+$0xFFFFFEC0] =	vst v32  }
0x40c: {  	v43 =	vadd.s32 v7, v25;
	v24 =	vshrl.u32 v24, $0x3;
	v32 =	vld.idx.msk [tilespmem:v62+s20+$0x0], $0xffff;
	[tilespmem:s1+$0x60] =	vst v61  }
0x40d: {  	v24 =	vshll.u32 v24, v2;
	v42 =	vadd.s32 v0, v23;
	[tilespmem:s0+$0xC0] =	vst v30;
	v31 =	vld.idx.msk [tilespmem:v31+s20+$0x0], $0xffff  }
0x40e: {  	v24 =	vbroadcast v24, $0x0;
	v30 =	vadd.s32 v7, v26;
	v28 =	vld.idx.msk [tilespmem:v28+s20+$0x0], $0xffff;
	[tilespmem:s1+$0xFFFFFE60] =	vst v38  }
0x40f: {  	v40 =	vadd.s32 v5, v18;
	[tilespmem:s1+$0xFFFFFF40] =	vst v35;
	v49 =	vld.idx.msk [tilespmem:v44+s20+$0x0], $0xffff  }
0x410: {  	v45 =	vadd.s32 v0, v24;
	[tilespmem:s0+$0xFFFFFF80] =	vst v36;
	v34 =	vld.idx.msk [tilespmem:v63+s20+$0x0], $0xffff  }
0x411: {  	v47 =	vadd.s32 v7, v19;
	[tilespmem:s1+$0x100] =	vst v27;
	v33 =	vld.idx.msk [tilespmem:v43+s20+$0x0], $0xffff  }
0x412: {  	[tilespmem:s0+$0x180] =	vst v29;
	v29 =	vadd.s32 v3, v20;
	v46 =	vld.idx.msk [tilespmem:v42+s20+$0x0], $0xffff  }
0x413: {  	v55 =	vadd.s32 v7, v21;
	[tilespmem:s0+$0xFFFFFEE0] =	vst v32;
	v30 =	vld.idx.msk [tilespmem:v30+s20+$0x0], $0xffff  }
0x414: {  	v48 =	vadd.s32 v3, v22;
	v32 =	vld.idx.msk [tilespmem:v40+s20+$0x0], $0xffff;
	[tilespmem:s1+$0x80] =	vst v31  }
0x415: {  	s6 =	simm.s32 $0xBCF8;
	v31 =	vadd.s32 v8, v25;
	v50 =	vld.idx.msk [tilespmem:v45+s20+$0x0], $0xffff;
	[tilespmem:s1+$0xFFFFFE80] =	vst v49  }
0x416: {  	v51 =	vadd.s32 v3, v23;
	v27 =	vld.idx.msk [tilespmem:v47+s20+$0x0], $0xffff;
	[tilespmem:s6+$0xFFFFFF00] =	vst v34  }
0x417: {  	v52 =	vadd.s32 v8, v26;
	v29 =	vld.idx.msk [tilespmem:v29+s20+$0x0], $0xffff;
	[tilespmem:s0+$0xFFFFFFA0] =	vst v33  }
0x418: {  	v53 =	vadd.s32 v3, v24;
	v60 =	vld.idx.msk [tilespmem:v55+s20+$0x0], $0xffff;
	[tilespmem:s6+$0x0] =	vst v46  }
0x419: {  	v56 =	vadd.s32 v4, v20;
	v54 =	vld.idx.msk [tilespmem:v48+s20+$0x0], $0xffff;
	[tilespmem:s0+$0x1A0] =	vst v30  }
0x41a: {  	v30 =	vadd.s32 v4, v22;
	v31 =	vld.idx.msk [tilespmem:v31+s20+$0x0], $0xffff;
	[tilespmem:s6+$0xFFFFFE00] =	vst v50  }
0x41b: {  	v25 =	vadd.s32 v9, v25;
	v39 =	vld.idx.msk [tilespmem:v51+s20+$0x0], $0xffff;
	[tilespmem:s1+$0xA0] =	vst v27  }
0x41c: {  	v59 =	vadd.s32 v4, v23;
	v57 =	vld.idx.msk [tilespmem:v52+s20+$0x0], $0xffff;
	[tilespmem:s1+$0x120] =	vst v29  }
0x41d: {  	v26 =	vadd.s32 v9, v26;
	v58 =	vld.idx.msk [tilespmem:v53+s20+$0x0], $0xffff;
	[tilespmem:s1+$0xFFFFFEA0] =	vst v60  }
0x41e: {  	s7 =	simm.s32 $0x58;
	v29 =	vadd.s32 v4, v24;
	[tilespmem:s6+$0xFFFFFF20] =	vst v54;
	v61 =	vld.idx.msk [tilespmem:v56+s20+$0x0], $0xffff  }
0x41f: {  	v63 =	vadd.s32 v5, v20;
	v27 =	vmov s7;
	v62 =	vld.idx.msk [tilespmem:v30+s20+$0x0], $0xffff;
	[tilespmem:s0+$0xFFFFFFC0] =	vst v31  }
0x420: {  	v37 =	vadd.s32 v8, v21;
	[tilespmem:s6+$0x20] =	vst v39;
	v30 =	vld.idx.msk [tilespmem:v25+s20+$0x0], $0xffff;
	v25 =	vshrl.u32 v27, $0x3  }
0x421: {  	v35 =	vadd.s32 v8, v19;
	[tilespmem:s0+$0x1C0] =	vst v57;
	v33 =	vld.idx.msk [tilespmem:v59+s20+$0x0], $0xffff;
	v25 =	vshll.u32 v25, v2  }
0x422: {  	v36 =	vadd.s32 v5, v23;
	v31 =	vld.idx.msk [tilespmem:v26+s20+$0x0], $0xffff;
	[tilespmem:s6+$0xFFFFFE20] =	vst v58;
	v25 =	vbroadcast v25, $0x0  }
0x423: {  	v26 =	vadd.s32 v6, v22;
	v29 =	vld.idx.msk [tilespmem:v29+s20+$0x0], $0xffff;
	[tilespmem:s1+$0x140] =	vst v61  }
0x424: {  	s8 =	simm.s32 $0x60;
	s7 =	simm.s32 $0x8;
	v27 =	vadd.s32 v6, v18;
	[tilespmem:s6+$0xFFFFFF40] =	vst v62;
	v34 =	vld.idx.msk [tilespmem:v63+s20+$0x0], $0xffff;
	v38 =	vadd.s32 v0, v25  }
.LBB2_17:
0x425: {  	s13 =	sadd.s32 $0x8, s8;
	s7 =	sadd.s32 $0x4, s7;
	v37 =	vld.idx.msk [tilespmem:v37+s20+$0x0], $0xffff;
	[tilespmem:s0+$0xE0] =	vst v28  }
0x426: {  	v28 =	vmov s13;
	s13 =	sadd.s32 $0x10, s8;
	p0 =	slt.u32 s7, $0x78;
	[tilespmem:s6+$0x40] =	vst v33;
	v33 =	vld.idx.msk [tilespmem:v35+s20+$0x0], $0xffff;
	v35 =	vadd.s32 v6, v20  }
0x427: {  	v40 =	vadd.s32 v5, v24;
	v28 =	vshrl.u32 v28, $0x3;
	v39 =	vmov s13;
	v36 =	vld.idx.msk [tilespmem:v36+s20+$0x0], $0xffff;
	[tilespmem:s0+$0xFFFFFFE0] =	vst v30  }
0x428: {  	v28 =	vshll.u32 v28, v2;
	v30 =	vshrl.u32 v39, $0x3;
	v39 =	vadd.s32 v9, v21;
	[tilespmem:s0+$0x1E0] =	vst v31;
	v21 =	vmovc v24;
	s0 =	smov.u32 s1;
	s1 =	smov.u32 s6  }
0x429: {  	v31 =	vbroadcast v28, $0x0;
	v24 =	vshll.u32 v30, v2;
	v28 =	vadd.s32 v6, v23;
	v30 =	vld.idx.msk [tilespmem:v38+s20+$0x0], $0xffff;
	[tilespmem:s0+$0xFFFFFF60] =	vst v32  }
0x42a: {  	v41 =	vadd.s32 v9, v19;
	v19 =	vmovc v23;
	v32 =	vmov s8;
	v38 =	vld.idx.msk [tilespmem:v27+s20+$0x0], $0xffff;
	[tilespmem:s0+$0x160] =	vst v34;
	v23 =	vbroadcast v24, $0x0;
	v27 =	vmovc v26  }
0x42b: {  	v24 =	vshrl.u32 v32, $0x3;
	v32 =	vadd.s32 v0, v31;
	v26 =	vadd.s32 v6, v31;
	[tilespmem:s6+$0xFFFFFE40] =	vst v29;
	v29 =	vld.idx.msk [tilespmem:v35+s20+$0x0], $0xffff  }
0x42c: {  	v24 =	vshll.u32 v24, v2;
	v34 =	vadd.s32 v0, v23;
	v35 =	vld.idx.msk [tilespmem:v40+s20+$0x0], $0xffff;
	[tilespmem:s0+$0xFFFFFEC0] =	vst v37  }
0x42d: {  	v24 =	vbroadcast v24, $0x0;
	v37 =	vadd.s32 v7, v18;
	[tilespmem:s6+$0x60] =	vst v36;
	v36 =	vld.idx.msk [tilespmem:v39+s20+$0x0], $0xffff  }
0x42e: {  	v39 =	vld.idx.msk [tilespmem:v28+s20+$0x0], $0xffff;
	[tilespmem:s0+$0xC0] =	vst v33;
	v33 =	vadd.s32 v7, v20  }
0x42f: {  	v42 =	vadd.s32 v6, v21;
	v40 =	vadd.s32 v0, v24;
	v28 =	vld.idx.msk [tilespmem:v41+s20+$0x0], $0xffff  }
0x430: {  	v32 =	vld.idx.msk [tilespmem:v32+s20+$0x0], $0xffff;
	[tilespmem:s0+$0xFFFFFF80] =	vst v38  }
0x431: {  	v38 =	vadd.s32 v7, v19;
	v34 =	vld.idx.msk [tilespmem:v34+s20+$0x0], $0xffff;
	[tilespmem:s0+$0x180] =	vst v29  }
0x432: {  	v29 =	vadd.s32 v3, v31;
	[tilespmem:s6+$0xFFFFFE60] =	vst v35;
	v35 =	vadd.s32 v3, v25;
	v37 =	vld.idx.msk [tilespmem:v37+s20+$0x0], $0xffff  }
0x433: {  	[tilespmem:s0+$0xFFFFFEE0] =	vst v36;
	v33 =	vld.idx.msk [tilespmem:v33+s20+$0x0], $0xffff  }
0x434: {  	v36 =	vld.idx.msk [tilespmem:v42+s20+$0x0], $0xffff;
	[tilespmem:s6+$0x80] =	vst v39;
	v39 =	vadd.s32 v8, v18  }
0x435: {  	v41 =	vadd.s32 v3, v23;
	s6 =	sadd.s32 $0x400, s6;
	v40 =	vld.idx.msk [tilespmem:v40+s20+$0x0], $0xffff;
	[tilespmem:s1+$0x100] =	vst v30  }
0x436: {  	v30 =	vadd.s32 v3, v24;
	[tilespmem:s6+$0xFFFFFF00] =	vst v32;
	v32 =	vld.idx.msk [tilespmem:v38+s20+$0x0], $0xffff;
	v38 =	vadd.s32 v8, v20  }
0x437: {  	[tilespmem:s6+$0x0] =	vst v34;
	v34 =	vld.idx.msk [tilespmem:v35+s20+$0x0], $0xffff  }
0x438: {  	v35 =	vadd.s32 v7, v21;
	v29 =	vld.idx.msk [tilespmem:v29+s20+$0x0], $0xffff;
	[tilespmem:s0+$0xFFFFFFA0] =	vst v37  }
0x439: {  	v37 =	vadd.s32 v4, v25;
	v39 =	vld.idx.msk [tilespmem:v39+s20+$0x0], $0xffff;
	[tilespmem:s0+$0x1A0] =	vst v33  }
0x43a: {  	v33 =	vadd.s32 v4, v31;
	v41 =	vld.idx.msk [tilespmem:v41+s20+$0x0], $0xffff;
	[tilespmem:s1+$0xFFFFFE80] =	vst v36  }
0x43b: {  	v36 =	vadd.s32 v9, v18;
	v18 =	vmov v22;
	v22 =	vmov v31;
	[tilespmem:s6+$0xFFFFFE00] =	vst v40;
	v38 =	vld.idx.msk [tilespmem:v38+s20+$0x0], $0xffff  }
0x43c: {  	v40 =	vadd.s32 v4, v23;
	v31 =	vld.idx.msk [tilespmem:v30+s20+$0x0], $0xffff;
	[tilespmem:s1+$0xA0] =	vst v32  }
0x43d: {  	v32 =	vld.idx.msk [tilespmem:v35+s20+$0x0], $0xffff;
	[tilespmem:s1+$0x120] =	vst v34;
	v34 =	vadd.s32 v9, v20;
	v20 =	vmov v25  }
0x43e: {  	v25 =	vadd.s32 v4, v24;
	[tilespmem:s6+$0xFFFFFF20] =	vst v29;
	v42 =	vld.idx.msk [tilespmem:v37+s20+$0x0], $0xffff  }
0x43f: {  	s13 =	sadd.s32 $0x18, s8;
	v44 =	vadd.s32 v5, v18;
	v43 =	vld.idx.msk [tilespmem:v33+s20+$0x0], $0xffff;
	[tilespmem:s0+$0xFFFFFFC0] =	vst v39  }
0x440: {  	v29 =	vmov s13;
	v39 =	vadd.s32 v5, v20;
	[tilespmem:s6+$0x20] =	vst v41;
	v30 =	vld.idx.msk [tilespmem:v36+s20+$0x0], $0xffff  }
.Ltmp7:
0x441: {  	v37 =	vadd.s32 v8, v21;
	v29 =	vshrl.u32 v29, $0x3;
	v33 =	vld.idx.msk [tilespmem:v40+s20+$0x0], $0xffff;
	[tilespmem:s0+$0x1C0] =	vst v38;
	(pc) =	sbr.rel @p0 .LBB2_17-.Ltmp7, $4  }
0x442: {  	v35 =	vadd.s32 v8, v19;
	v38 =	vshll.u32 v29, v2;
	[tilespmem:s6+$0xFFFFFE20] =	vst v31;
	v31 =	vld.idx.msk [tilespmem:v34+s20+$0x0], $0xffff  }
0x443: {  	v36 =	vadd.s32 v5, v23;
	v29 =	vld.idx.msk [tilespmem:v25+s20+$0x0], $0xffff;
	v25 =	vbroadcast v38, $0x0;
	[tilespmem:s1+$0xFFFFFEA0] =	vst v32  }
0x444: {  	v32 =	vld.idx.msk [tilespmem:v44+s20+$0x0], $0xffff;
	[tilespmem:s1+$0x140] =	vst v42  }
0x445: {  	s8 =	sadd.s32 $0x20, s8;
	[tilespmem:s6+$0xFFFFFF40] =	vst v43;
	v38 =	vadd.s32 v0, v25;
	v34 =	vld.idx.msk [tilespmem:v39+s20+$0x0], $0xffff  }
0x446: {  	_ =	sdelay $0x3  }
0x447: {  	v38 =	vld.idx.msk [tilespmem:v38+s20+$0x0], $0xffff  }
0x448: {  	v39 =	vadd.s32 v3, v25;
	_ =	sdelay $0x3  }
0x449: {  	[tilespmem:s6+$0x100] =	vst v38  }
0x44a: {  	v38 =	vld.idx.msk [tilespmem:v39+s20+$0x0], $0xffff  }
0x44b: {  	[tilespmem:s0+$0xE0] =	vst v28;
	v54 =	vadd.s32 v4, v25  }
0x44c: {  	[tilespmem:s6+$0x40] =	vst v33  }
0x44d: {  	[tilespmem:s0+$0xFFFFFFE0] =	vst v30  }
0x44e: {  	v55 =	vld.idx.msk [tilespmem:v37+s20+$0x0], $0xffff;
	v56 =	vadd.s32 v5, v24;
	[tilespmem:s0+$0x1E0] =	vst v31  }
0x44f: {  	v57 =	vadd.s32 v6, v20;
	v35 =	vld.idx.msk [tilespmem:v35+s20+$0x0], $0xffff;
	[tilespmem:s6+$0x120] =	vst v38  }
0x450: {  	v58 =	vadd.s32 v5, v22;
	[tilespmem:s6+$0xFFFFFE40] =	vst v29;
	v28 =	vld.idx.msk [tilespmem:v54+s20+$0x0], $0xffff  }
0x451: {  	v59 =	vadd.s32 v5, v25;
	v36 =	vld.idx.msk [tilespmem:v36+s20+$0x0], $0xffff;
	[tilespmem:s1+$0xFFFFFF60] =	vst v32  }
0x452: {  	v21 =	vadd.s32 v9, v21;
	[tilespmem:s1+$0x160] =	vst v34;
	v27 =	vld.idx.msk [tilespmem:v27+s20+$0x0], $0xffff  }
0x453: {  	v19 =	vadd.s32 v9, v19;
	v33 =	vld.idx.msk [tilespmem:v56+s20+$0x0], $0xffff;
	[tilespmem:s1+$0xFFFFFEC0] =	vst v55  }
0x454: {  	v60 =	vadd.s32 v6, v23;
	v61 =	vld.idx.msk [tilespmem:v57+s20+$0x0], $0xffff;
	[tilespmem:s1+$0xC0] =	vst v35  }
0x455: {  	v62 =	vadd.s32 v6, v24;
	v32 =	vld.idx.msk [tilespmem:v58+s20+$0x0], $0xffff;
	[tilespmem:s6+$0x140] =	vst v28  }
0x456: {  	[tilespmem:s6+$0x60] =	vst v36;
	v28 =	vld.idx.msk [tilespmem:v59+s20+$0x0], $0xffff  }
0x457: {  	v40 =	vadd.s32 v6, v25;
	v21 =	vld.idx.msk [tilespmem:v21+s20+$0x0], $0xffff;
	[tilespmem:s1+$0xFFFFFF80] =	vst v27  }
0x458: {  	v63 =	vadd.s32 v7, v18;
	v19 =	vld.idx.msk [tilespmem:v19+s20+$0x0], $0xffff;
	[tilespmem:s6+$0xFFFFFE60] =	vst v33  }
0x459: {  	v41 =	vadd.s32 v7, v20;
	v29 =	vld.idx.msk [tilespmem:v60+s20+$0x0], $0xffff;
	[tilespmem:s1+$0x180] =	vst v61  }
0x45a: {  	v42 =	vadd.s32 v7, v23;
	[tilespmem:s6+$0xFFFFFF60] =	vst v32;
	v43 =	vld.idx.msk [tilespmem:v62+s20+$0x0], $0xffff  }
0x45b: {  	v45 =	vadd.s32 v7, v24;
	v26 =	vld.idx.msk [tilespmem:v26+s20+$0x0], $0xffff;
	[tilespmem:s6+$0x160] =	vst v28  }
0x45c: {  	v48 =	vadd.s32 v7, v22;
	[tilespmem:s1+$0xFFFFFEE0] =	vst v21;
	v47 =	vld.idx.msk [tilespmem:v40+s20+$0x0], $0xffff  }
0x45d: {  	v50 =	vadd.s32 v7, v25;
	v44 =	vld.idx.msk [tilespmem:v63+s20+$0x0], $0xffff;
	[tilespmem:s1+$0xE0] =	vst v19  }
0x45e: {  	v46 =	vadd.s32 v8, v18;
	v49 =	vld.idx.msk [tilespmem:v41+s20+$0x0], $0xffff;
	[tilespmem:s6+$0x80] =	vst v29  }
0x45f: {  	v51 =	vadd.s32 v8, v20;
	v33 =	vld.idx.msk [tilespmem:v42+s20+$0x0], $0xffff;
	[tilespmem:s6+$0xFFFFFE80] =	vst v43  }
0x460: {  	v53 =	vadd.s32 v8, v23;
	[tilespmem:s6+$0xFFFFFF80] =	vst v26;
	v30 =	vld.idx.msk [tilespmem:v45+s20+$0x0], $0xffff  }
0x461: {  	v52 =	vadd.s32 v8, v24;
	v54 =	vld.idx.msk [tilespmem:v48+s20+$0x0], $0xffff;
	[tilespmem:s6+$0x180] =	vst v47  }
0x462: {  	v56 =	vadd.s32 v8, v22;
	[tilespmem:s1+$0xFFFFFFA0] =	vst v44;
	v55 =	vld.idx.msk [tilespmem:v50+s20+$0x0], $0xffff  }
0x463: {  	v58 =	vadd.s32 v8, v25;
	v31 =	vld.idx.msk [tilespmem:v46+s20+$0x0], $0xffff;
	[tilespmem:s1+$0x1A0] =	vst v49  }
0x464: {  	v18 =	vadd.s32 v9, v18;
	v57 =	vld.idx.msk [tilespmem:v51+s20+$0x0], $0xffff;
	[tilespmem:s6+$0xA0] =	vst v33  }
0x465: {  	v59 =	vadd.s32 v9, v20;
	v26 =	vld.idx.msk [tilespmem:v53+s20+$0x0], $0xffff;
	[tilespmem:s6+$0xFFFFFEA0] =	vst v30  }
0x466: {  	v61 =	vadd.s32 v9, v23;
	[tilespmem:s6+$0xFFFFFFA0] =	vst v54;
	v30 =	vld.idx.msk [tilespmem:v52+s20+$0x0], $0xffff  }
0x467: {  	v60 =	vadd.s32 v9, v24;
	v62 =	vld.idx.msk [tilespmem:v56+s20+$0x0], $0xffff;
	[tilespmem:s6+$0x1A0] =	vst v55  }
0x468: {  	v63 =	vadd.s32 v9, v22;
	[tilespmem:s1+$0xFFFFFFC0] =	vst v31;
	v27 =	vld.idx.msk [tilespmem:v58+s20+$0x0], $0xffff  }
0x469: {  	v19 =	vadd.s32 v9, v25;
	[tilespmem:s1+$0x1C0] =	vst v57;
	v18 =	vld.idx.msk [tilespmem:v18+s20+$0x0], $0xffff  }
0x46a: {  	v20 =	vld.idx.msk [tilespmem:v59+s20+$0x0], $0xffff;
	[tilespmem:s6+$0xC0] =	vst v26  }
0x46b: {  	v21 =	vld.idx.msk [tilespmem:v61+s20+$0x0], $0xffff;
	[tilespmem:s6+$0xFFFFFEC0] =	vst v30  }
0x46c: {  	[tilespmem:s6+$0xFFFFFFC0] =	vst v62;
	v24 =	vld.idx.msk [tilespmem:v60+s20+$0x0], $0xffff  }
0x46d: {  	v22 =	vld.idx.msk [tilespmem:v63+s20+$0x0], $0xffff;
	[tilespmem:s6+$0x1C0] =	vst v27  }
0x46e: {  	[tilespmem:s1+$0xFFFFFFE0] =	vst v18;
	v18 =	vld.idx.msk [tilespmem:v19+s20+$0x0], $0xffff  }
0x46f: {  	[tilespmem:s1+$0x1E0] =	vst v20  }
0x470: {  	[tilespmem:s6+$0xE0] =	vst v21  }
0x471: {  	[tilespmem:s6+$0xFFFFFEE0] =	vst v24  }
0x472: {  	[tilespmem:s6+$0xFFFFFFE0] =	vst v22  }
0x473: {  	[tilespmem:s6+$0x1E0] =	vst v18  }
0x474: {  	v18 =	vld.idx.msk [tilespmem:v10+s20+$0x0], $0xffff;
	_ =	sdelay $0x4  }
0x475: {  	[tilespmem:$0x12EF8] =	vst v18  }
0x476: {  	v18 =	vld.idx.msk [tilespmem:v11+s20+$0x0], $0xffff;
	_ =	sdelay $0x4  }
0x477: {  	[tilespmem:$0x12F18] =	vst v18  }
0x478: {  	v18 =	vld.idx.msk [tilespmem:v12+s20+$0x0], $0xffff;
	_ =	sdelay $0x4  }
0x479: {  	[tilespmem:$0x12F38] =	vst v18  }
0x47a: {  	v18 =	vld.idx.msk [tilespmem:v13+s20+$0x0], $0xffff;
	_ =	sdelay $0x4  }
0x47b: {  	[tilespmem:$0x12F58] =	vst v18  }
0x47c: {  	v18 =	vld.idx.msk [tilespmem:v14+s20+$0x0], $0xffff;
	_ =	sdelay $0x4  }
0x47d: {  	[tilespmem:$0x12F78] =	vst v18  }
0x47e: {  	v18 =	vld.idx.msk [tilespmem:v15+s20+$0x0], $0xffff;
	_ =	sdelay $0x4  }
0x47f: {  	[tilespmem:$0x12F98] =	vst v18  }
0x480: {  	v18 =	vld.idx.msk [tilespmem:v16+s20+$0x0], $0xffff;
	_ =	sdelay $0x4  }
0x481: {  	[tilespmem:$0x12FB8] =	vst v18  }
0x482: {  	s8 =	sadd.s32 s4, s28;
	v18 =	vld.idx.msk [tilespmem:v17+s20+$0x0], $0xffff  }
0x483: {  	s0 =	sshll.u32 s8, $0x3  }
0x484: {  	s13 =	sand.u32 $0x40, s28;
	s31 =	sand.u32 $0x7FFFFC00, s0  }
0x485: {  	s0 =	sor.u32 s13, s31  }
0x486: {  	s0 =	sshrl.u32 s0, $0x3  }
0x487: {  	s14 =	simm.s32 $0xB2E8;
	s0 =	sadd.s32 s2, s0;
	s1 =	simm.s32 $0x400;
	[tilespmem:$0x12FD8] =	vst v18  }
0x488: {  	[hbm4b:s0+s22] =	stream.strided.scatter [tilespmem:s14], [sflag:$0x3], $0x100, s24, s22, $0x38;
	[tilespmem:$0x1ACF8] =	vst v63  }
.LBB2_19:
0x489: {  	p0 =	sne.s32 s1, $0x1F000  }
.Ltmp8:
0x48a: {  	_ = 	snop;
	(pc) =	sbr.rel @p0 .LBB2_19-.Ltmp8, $4  }
0x48b: {  	_ = 	snop  }
0x48c: {  	s6 =	sshra.s32 s1, $0x2;
	s1 =	sadd.s32 $0x400, s1  }
0x48d: {  	s0 =	sadd.s32 $0x32000, s0;
	s6 =	sadd.s32 $0xB2E8, s6  }
0x48e: {  	[hbm4b:s0+s22] =	stream.strided.scatter [tilespmem:s6], [sflag:$0x3], $0x100, s24, s22, $0x38;
	[tilespmem:$0x1ACF8] =	vst v63  }
0x48f: {  	s1 =	sor.u32 $0x30, s28  }
0x490: {  	[tilespmem:s20], [sflag:$0x2] =	stream.indirect.gather [hbm4b:s5+s18], $0x3E8, s1, s18, $0xb8;
	[tilespmem:$0x1ACF8] =	vst v63  }
0x491: {  	_ =	swait.ge [sflag:s21], $0x3E80  }
0x492: {  	[sflag:s21] =	ssyncset.done $0x0  }
0x493: {  	[sflag:s21] =	ssyncadd.s32 $0xFFFFC180  }
0x494: {  	_ =	swait.ge [sflag:s30], $0x7D00  }
0x495: {  	[sflag:s30] =	ssyncset.done $0x0  }
0x496: {  	[sflag:s30] =	ssyncadd.s32 $0xFFFF8300  }
0x497: {  	v18 =	vld [tilespmem:s26+$0x1900]  }
0x498: {  	v19 =	vld [tilespmem:s26+$0x0];
	_ =	sdelay $0x3  }
0x499: {  	v18 =	vadd.s32 v0, v18;
	_ =	sdelay $0x3  }
0x49a: {  	v19 =	vld.idx.msk [tilespmem:v19+s17+$0x0], $0xffff  }
0x49b: {  	s0 =	simm.s32 $0x10;
	v18 =	vld.idx.msk [tilespmem:v18+s19+$0x0], $0xffff  }
0x49c: {  	v20 =	vmov s0  }
0x49d: {  	s14 =	simm.s32 $0x0;
	v20 =	vshrl.u32 v20, $0x3  }
0x49e: {  	v22 =	vmov s14;
	v20 =	vshll.u32 v20, v2;
	v21 =	vld [tilespmem:$0x1ACE8]  }
0x49f: {  	v24 =	vbroadcast v20, $0x0;
	v20 =	vshrl.u32 v22, $0x3  }
0x4a0: {  	s6 =	simm.s32 $0x8;
	v18 =	vsub.f32 v19, v18;
	v19 =	vshll.u32 v20, v2  }
0x4a1: {  	v23 =	vadd.s32 v0, v24;
	v20 =	vmov s6;
	v22 =	vbroadcast v19, $0x0  }
0x4a2: {  	v19 =	vshrl.u32 v20, $0x3  }
0x4a3: {  	v18 =	vadd.f32 v18, v21;
	v19 =	vshll.u32 v19, v2;
	v20 =	vadd.s32 v0, v22  }
0x4a4: {  	v25 =	vbroadcast v19, $0x0  }
0x4a5: {  	[tilespmem:$0x1ACE8] =	vst v18  }
0x4a6: {  	v18 =	vadd.s32 v0, v25;
	v19 =	vld.idx.msk [tilespmem:v23+s19+$0x0], $0xffff  }
0x4a7: {  	v21 =	vadd.s32 v3, v24  }
0x4a8: {  	v20 =	vld.idx.msk [tilespmem:v20+s19+$0x0], $0xffff  }
0x4a9: {  	v23 =	vadd.s32 v3, v22  }
0x4aa: {  	s6 =	simm.s32 $0x131E8  }
0x4ab: {  	s7 =	simm.s32 $0x18;
	v18 =	vld.idx.msk [tilespmem:v18+s19+$0x0], $0xffff;
	[tilespmem:s6+$0x0] =	vst v19  }
0x4ac: {  	v26 =	vmov s7;
	v19 =	vadd.s32 v3, v25;
	v21 =	vld.idx.msk [tilespmem:v21+s19+$0x0], $0xffff  }
0x4ad: {  	v26 =	vshrl.u32 v26, $0x3;
	[tilespmem:s6+$0xFFFFFE00] =	vst v20;
	v20 =	vadd.s32 v4, v24  }
0x4ae: {  	v26 =	vshll.u32 v26, v2;
	v23 =	vld.idx.msk [tilespmem:v23+s19+$0x0], $0xffff  }
0x4af: {  	v26 =	vbroadcast v26, $0x0;
	v27 =	vadd.s32 v4, v22  }
0x4b0: {  	s8 =	simm.s32 $0x28;
	[tilespmem:s6+$0xFFFFFF00] =	vst v18  }
0x4b1: {  	s13 =	simm.s32 $0x30;
	v30 =	vadd.s32 v5, v24;
	v31 =	vadd.s32 v0, v26;
	v18 =	vmov s8;
	v28 =	vld.idx.msk [tilespmem:v19+s19+$0x0], $0xffff;
	[tilespmem:s6+$0x20] =	vst v21  }
0x4b2: {  	s7 =	simm.s32 $0x20;
	v29 =	vadd.s32 v4, v25;
	v18 =	vshrl.u32 v18, $0x3;
	v19 =	vmov s13;
	v20 =	vld.idx.msk [tilespmem:v20+s19+$0x0], $0xffff  }
0x4b3: {  	v21 =	vmov s7;
	v18 =	vshll.u32 v18, v2;
	v19 =	vshrl.u32 v19, $0x3;
	[tilespmem:s6+$0xFFFFFE20] =	vst v23  }
0x4b4: {  	v21 =	vshrl.u32 v21, $0x3;
	v18 =	vbroadcast v18, $0x0;
	v19 =	vshll.u32 v19, v2;
	v23 =	vld.idx.msk [tilespmem:v27+s19+$0x0], $0xffff  }
0x4b5: {  	v21 =	vshll.u32 v21, v2;
	v19 =	vbroadcast v19, $0x0;
	v27 =	vadd.s32 v5, v22  }
0x4b6: {  	v21 =	vbroadcast v21, $0x0;
	[tilespmem:s6+$0xFFFFFF20] =	vst v28;
	v28 =	vadd.s32 v0, v18  }
0x4b7: {  	v31 =	vld.idx.msk [tilespmem:v31+s19+$0x0], $0xffff;
	[tilespmem:s6+$0x40] =	vst v20;
	v20 =	vadd.s32 v0, v19  }
0x4b8: {  	v32 =	vadd.s32 v0, v21;
	v30 =	vld.idx.msk [tilespmem:v30+s19+$0x0], $0xffff  }
0x4b9: {  	v33 =	vadd.s32 v6, v24;
	v29 =	vld.idx.msk [tilespmem:v29+s19+$0x0], $0xffff;
	[tilespmem:s6+$0xFFFFFE40] =	vst v23  }
0x4ba: {  	v23 =	vld.idx.msk [tilespmem:v27+s19+$0x0], $0xffff;
	v27 =	vadd.s32 v3, v26  }
0x4bb: {  	v34 =	vadd.s32 v6, v22;
	v28 =	vld.idx.msk [tilespmem:v28+s19+$0x0], $0xffff  }
0x4bc: {  	v35 =	vadd.s32 v3, v18;
	v20 =	vld.idx.msk [tilespmem:v20+s19+$0x0], $0xffff  }
0x4bd: {  	v52 =	vadd.s32 v3, v19;
	[tilespmem:s6+$0x60] =	vst v30;
	v30 =	vld.idx.msk [tilespmem:v32+s19+$0x0], $0xffff  }
0x4be: {  	[tilespmem:s6+$0x100] =	vst v31;
	v31 =	vadd.s32 v3, v21;
	v33 =	vld.idx.msk [tilespmem:v33+s19+$0x0], $0xffff  }
0x4bf: {  	s0 =	simm.s32 $0x135E8;
	v36 =	vadd.s32 v7, v24;
	[tilespmem:s6+$0xFFFFFE60] =	vst v23;
	v23 =	vld.idx.msk [tilespmem:v27+s19+$0x0], $0xffff  }
0x4c0: {  	[tilespmem:s0+$0xFFFFFF00] =	vst v28;
	v28 =	vadd.s32 v4, v26;
	v27 =	vld.idx.msk [tilespmem:v34+s19+$0x0], $0xffff  }
0x4c1: {  	v53 =	vadd.s32 v7, v22;
	[tilespmem:s0+$0x0] =	vst v20;
	v20 =	vld.idx.msk [tilespmem:v35+s19+$0x0], $0xffff  }
0x4c2: {  	v54 =	vadd.s32 v4, v18;
	v32 =	vld.idx.msk [tilespmem:v52+s19+$0x0], $0xffff;
	[tilespmem:s0+$0xFFFFFE00] =	vst v30  }
0x4c3: {  	[tilespmem:s6+$0x80] =	vst v33;
	v30 =	vld.idx.msk [tilespmem:v31+s19+$0x0], $0xffff;
	v31 =	vadd.s32 v4, v19  }
0x4c4: {  	s14 =	simm.s32 $0x38;
	v33 =	vld.idx.msk [tilespmem:v36+s19+$0x0], $0xffff;
	[tilespmem:s6+$0x120] =	vst v23;
	v23 =	vadd.s32 v4, v21  }
0x4c5: {  	v55 =	vmov s14;
	[tilespmem:s6+$0xFFFFFE80] =	vst v27;
	v27 =	vld.idx.msk [tilespmem:v28+s19+$0x0], $0xffff;
	v28 =	vadd.s32 v5, v25  }
0x4c6: {  	v37 =	vadd.s32 v5, v26;
	v34 =	vld.idx.msk [tilespmem:v53+s19+$0x0], $0xffff;
	[tilespmem:s0+$0xFFFFFF20] =	vst v20;
	v20 =	vshrl.u32 v55, $0x3  }
0x4c7: {  	v56 =	vadd.s32 v8, v22;
	v35 =	vld.idx.msk [tilespmem:v54+s19+$0x0], $0xffff;
	[tilespmem:s0+$0x20] =	vst v32;
	v20 =	vshll.u32 v20, v2  }
0x4c8: {  	v31 =	vld.idx.msk [tilespmem:v31+s19+$0x0], $0xffff;
	[tilespmem:s0+$0xFFFFFE20] =	vst v30;
	v30 =	vadd.s32 v8, v24;
	v20 =	vbroadcast v20, $0x0  }
0x4c9: {  	[tilespmem:s6+$0xFFFFFF40] =	vst v29;
	v29 =	vld.idx.msk [tilespmem:v23+s19+$0x0], $0xffff;
	v23 =	vadd.s32 v5, v19  }
0x4ca: {  	v28 =	vld.idx.msk [tilespmem:v28+s19+$0x0], $0xffff;
	[tilespmem:s6+$0x140] =	vst v27;
	v27 =	vadd.s32 v0, v20  }
0x4cb: {  	s8 =	simm.s32 $0x48;
	v38 =	vadd.s32 v5, v21;
	[tilespmem:s6+$0xFFFFFEA0] =	vst v34;
	v58 =	vld.idx.msk [tilespmem:v37+s19+$0x0], $0xffff  }
0x4cc: {  	v57 =	vadd.s32 v6, v25;
	v59 =	vmov s8;
	s13 =	simm.s32 $0x50;
	[tilespmem:s6+$0xA0] =	vst v33;
	v32 =	vld.idx.msk [tilespmem:v56+s19+$0x0], $0xffff  }
0x4cd: {  	v60 =	vadd.s32 v6, v26;
	v61 =	vmov s13;
	[tilespmem:s0+$0x40] =	vst v31;
	v30 =	vld.idx.msk [tilespmem:v30+s19+$0x0], $0xffff;
	v31 =	vshrl.u32 v59, $0x3  }
0x4ce: {  	v62 =	vadd.s32 v9, v22;
	v39 =	vld.idx.msk [tilespmem:v23+s19+$0x0], $0xffff;
	v23 =	vshll.u32 v31, v2;
	v31 =	vshrl.u32 v61, $0x3  }
0x4cf: {  	[tilespmem:s0+$0xFFFFFE40] =	vst v29;
	v22 =	vbroadcast v23, $0x0;
	v23 =	vshll.u32 v31, v2;
	v31 =	vadd.s32 v6, v19;
	v27 =	vld.idx.msk [tilespmem:v27+s19+$0x0], $0xffff  }
0x4d0: {  	[tilespmem:s6+$0xFFFFFF60] =	vst v28;
	v28 =	vadd.s32 v9, v24;
	v38 =	vld.idx.msk [tilespmem:v38+s19+$0x0], $0xffff  }
0x4d1: {  	s14 =	simm.s32 $0x40;
	v44 =	vadd.s32 v6, v21;
	v36 =	vld.idx.msk [tilespmem:v57+s19+$0x0], $0xffff;
	[tilespmem:s6+$0x160] =	vst v58  }
0x4d2: {  	v24 =	vmov s14;
	v23 =	vbroadcast v23, $0x0;
	v63 =	vadd.s32 v0, v22;
	v29 =	vld.idx.msk [tilespmem:v60+s19+$0x0], $0xffff;
	[tilespmem:s6+$0xFFFFFEC0] =	vst v32  }
0x4d3: {  	v43 =	vadd.s32 v7, v25;
	v24 =	vshrl.u32 v24, $0x3;
	v32 =	vld.idx.msk [tilespmem:v62+s19+$0x0], $0xffff;
	[tilespmem:s0+$0x60] =	vst v39  }
0x4d4: {  	v24 =	vshll.u32 v24, v2;
	v42 =	vadd.s32 v0, v23;
	[tilespmem:s6+$0xC0] =	vst v30;
	v31 =	vld.idx.msk [tilespmem:v31+s19+$0x0], $0xffff  }
0x4d5: {  	v24 =	vbroadcast v24, $0x0;
	v30 =	vadd.s32 v7, v26;
	v28 =	vld.idx.msk [tilespmem:v28+s19+$0x0], $0xffff;
	[tilespmem:s0+$0xFFFFFE60] =	vst v38  }
0x4d6: {  	v40 =	vadd.s32 v5, v18;
	[tilespmem:s0+$0xFFFFFF40] =	vst v35;
	v49 =	vld.idx.msk [tilespmem:v44+s19+$0x0], $0xffff  }
0x4d7: {  	v45 =	vadd.s32 v0, v24;
	[tilespmem:s6+$0xFFFFFF80] =	vst v36;
	v34 =	vld.idx.msk [tilespmem:v63+s19+$0x0], $0xffff  }
0x4d8: {  	v47 =	vadd.s32 v7, v19;
	[tilespmem:s0+$0x100] =	vst v27;
	v33 =	vld.idx.msk [tilespmem:v43+s19+$0x0], $0xffff  }
0x4d9: {  	[tilespmem:s6+$0x180] =	vst v29;
	v29 =	vadd.s32 v3, v20;
	v46 =	vld.idx.msk [tilespmem:v42+s19+$0x0], $0xffff  }
0x4da: {  	v55 =	vadd.s32 v7, v21;
	[tilespmem:s6+$0xFFFFFEE0] =	vst v32;
	v30 =	vld.idx.msk [tilespmem:v30+s19+$0x0], $0xffff  }
0x4db: {  	v48 =	vadd.s32 v3, v22;
	v32 =	vld.idx.msk [tilespmem:v40+s19+$0x0], $0xffff;
	[tilespmem:s0+$0x80] =	vst v31  }
0x4dc: {  	s7 =	simm.s32 $0x139E8;
	v31 =	vadd.s32 v8, v25;
	v50 =	vld.idx.msk [tilespmem:v45+s19+$0x0], $0xffff;
	[tilespmem:s0+$0xFFFFFE80] =	vst v49  }
0x4dd: {  	v51 =	vadd.s32 v3, v23;
	v27 =	vld.idx.msk [tilespmem:v47+s19+$0x0], $0xffff;
	[tilespmem:s7+$0xFFFFFF00] =	vst v34  }
0x4de: {  	v52 =	vadd.s32 v8, v26;
	v29 =	vld.idx.msk [tilespmem:v29+s19+$0x0], $0xffff;
	[tilespmem:s6+$0xFFFFFFA0] =	vst v33  }
0x4df: {  	v53 =	vadd.s32 v3, v24;
	v60 =	vld.idx.msk [tilespmem:v55+s19+$0x0], $0xffff;
	[tilespmem:s7+$0x0] =	vst v46  }
0x4e0: {  	v56 =	vadd.s32 v4, v20;
	v54 =	vld.idx.msk [tilespmem:v48+s19+$0x0], $0xffff;
	[tilespmem:s6+$0x1A0] =	vst v30  }
0x4e1: {  	v30 =	vadd.s32 v4, v22;
	v31 =	vld.idx.msk [tilespmem:v31+s19+$0x0], $0xffff;
	[tilespmem:s7+$0xFFFFFE00] =	vst v50  }
0x4e2: {  	v25 =	vadd.s32 v9, v25;
	v39 =	vld.idx.msk [tilespmem:v51+s19+$0x0], $0xffff;
	[tilespmem:s0+$0xA0] =	vst v27  }
0x4e3: {  	v59 =	vadd.s32 v4, v23;
	v57 =	vld.idx.msk [tilespmem:v52+s19+$0x0], $0xffff;
	[tilespmem:s0+$0x120] =	vst v29  }
0x4e4: {  	v26 =	vadd.s32 v9, v26;
	v58 =	vld.idx.msk [tilespmem:v53+s19+$0x0], $0xffff;
	[tilespmem:s0+$0xFFFFFEA0] =	vst v60  }
0x4e5: {  	s8 =	simm.s32 $0x58;
	v29 =	vadd.s32 v4, v24;
	[tilespmem:s7+$0xFFFFFF20] =	vst v54;
	v61 =	vld.idx.msk [tilespmem:v56+s19+$0x0], $0xffff  }
0x4e6: {  	v63 =	vadd.s32 v5, v20;
	v27 =	vmov s8;
	v62 =	vld.idx.msk [tilespmem:v30+s19+$0x0], $0xffff;
	[tilespmem:s6+$0xFFFFFFC0] =	vst v31  }
0x4e7: {  	v37 =	vadd.s32 v8, v21;
	[tilespmem:s7+$0x20] =	vst v39;
	v30 =	vld.idx.msk [tilespmem:v25+s19+$0x0], $0xffff;
	v25 =	vshrl.u32 v27, $0x3  }
0x4e8: {  	v35 =	vadd.s32 v8, v19;
	[tilespmem:s6+$0x1C0] =	vst v57;
	v33 =	vld.idx.msk [tilespmem:v59+s19+$0x0], $0xffff;
	v25 =	vshll.u32 v25, v2  }
0x4e9: {  	v36 =	vadd.s32 v5, v23;
	v31 =	vld.idx.msk [tilespmem:v26+s19+$0x0], $0xffff;
	[tilespmem:s7+$0xFFFFFE20] =	vst v58;
	v25 =	vbroadcast v25, $0x0  }
0x4ea: {  	v26 =	vadd.s32 v6, v22;
	v29 =	vld.idx.msk [tilespmem:v29+s19+$0x0], $0xffff;
	[tilespmem:s0+$0x140] =	vst v61  }
0x4eb: {  	s13 =	simm.s32 $0x60;
	s8 =	simm.s32 $0x8;
	v27 =	vadd.s32 v6, v18;
	[tilespmem:s7+$0xFFFFFF40] =	vst v62;
	v34 =	vld.idx.msk [tilespmem:v63+s19+$0x0], $0xffff;
	v38 =	vadd.s32 v0, v25  }
.LBB2_21:
0x4ec: {  	s14 =	sadd.s32 $0x8, s13;
	s8 =	sadd.s32 $0x4, s8;
	v37 =	vld.idx.msk [tilespmem:v37+s19+$0x0], $0xffff;
	[tilespmem:s6+$0xE0] =	vst v28  }
0x4ed: {  	v28 =	vmov s14;
	s14 =	sadd.s32 $0x10, s13;
	p0 =	slt.u32 s8, $0x78;
	[tilespmem:s7+$0x40] =	vst v33;
	v33 =	vld.idx.msk [tilespmem:v35+s19+$0x0], $0xffff;
	v35 =	vadd.s32 v6, v20  }
0x4ee: {  	v40 =	vadd.s32 v5, v24;
	v28 =	vshrl.u32 v28, $0x3;
	v39 =	vmov s14;
	v36 =	vld.idx.msk [tilespmem:v36+s19+$0x0], $0xffff;
	[tilespmem:s6+$0xFFFFFFE0] =	vst v30  }
0x4ef: {  	v28 =	vshll.u32 v28, v2;
	v30 =	vshrl.u32 v39, $0x3;
	v39 =	vadd.s32 v9, v21;
	[tilespmem:s6+$0x1E0] =	vst v31;
	v21 =	vmovc v24;
	s6 =	smov.u32 s0;
	s0 =	smov.u32 s7  }
0x4f0: {  	v31 =	vbroadcast v28, $0x0;
	v24 =	vshll.u32 v30, v2;
	v28 =	vadd.s32 v6, v23;
	v30 =	vld.idx.msk [tilespmem:v38+s19+$0x0], $0xffff;
	[tilespmem:s6+$0xFFFFFF60] =	vst v32  }
0x4f1: {  	v41 =	vadd.s32 v9, v19;
	v19 =	vmovc v23;
	v32 =	vmov s13;
	v38 =	vld.idx.msk [tilespmem:v27+s19+$0x0], $0xffff;
	[tilespmem:s6+$0x160] =	vst v34;
	v23 =	vbroadcast v24, $0x0;
	v27 =	vmovc v26  }
0x4f2: {  	v24 =	vshrl.u32 v32, $0x3;
	v32 =	vadd.s32 v0, v31;
	v26 =	vadd.s32 v6, v31;
	[tilespmem:s7+$0xFFFFFE40] =	vst v29;
	v29 =	vld.idx.msk [tilespmem:v35+s19+$0x0], $0xffff  }
0x4f3: {  	v24 =	vshll.u32 v24, v2;
	v34 =	vadd.s32 v0, v23;
	v35 =	vld.idx.msk [tilespmem:v40+s19+$0x0], $0xffff;
	[tilespmem:s6+$0xFFFFFEC0] =	vst v37  }
0x4f4: {  	v24 =	vbroadcast v24, $0x0;
	v37 =	vadd.s32 v7, v18;
	[tilespmem:s7+$0x60] =	vst v36;
	v36 =	vld.idx.msk [tilespmem:v39+s19+$0x0], $0xffff  }
0x4f5: {  	v39 =	vld.idx.msk [tilespmem:v28+s19+$0x0], $0xffff;
	[tilespmem:s6+$0xC0] =	vst v33;
	v33 =	vadd.s32 v7, v20  }
0x4f6: {  	v42 =	vadd.s32 v6, v21;
	v40 =	vadd.s32 v0, v24;
	v28 =	vld.idx.msk [tilespmem:v41+s19+$0x0], $0xffff  }
0x4f7: {  	v32 =	vld.idx.msk [tilespmem:v32+s19+$0x0], $0xffff;
	[tilespmem:s6+$0xFFFFFF80] =	vst v38  }
0x4f8: {  	v38 =	vadd.s32 v7, v19;
	v34 =	vld.idx.msk [tilespmem:v34+s19+$0x0], $0xffff;
	[tilespmem:s6+$0x180] =	vst v29  }
0x4f9: {  	v29 =	vadd.s32 v3, v31;
	[tilespmem:s7+$0xFFFFFE60] =	vst v35;
	v35 =	vadd.s32 v3, v25;
	v37 =	vld.idx.msk [tilespmem:v37+s19+$0x0], $0xffff  }
0x4fa: {  	[tilespmem:s6+$0xFFFFFEE0] =	vst v36;
	v33 =	vld.idx.msk [tilespmem:v33+s19+$0x0], $0xffff  }
0x4fb: {  	v36 =	vld.idx.msk [tilespmem:v42+s19+$0x0], $0xffff;
	[tilespmem:s7+$0x80] =	vst v39;
	v39 =	vadd.s32 v8, v18  }
0x4fc: {  	v41 =	vadd.s32 v3, v23;
	s7 =	sadd.s32 $0x400, s7;
	v40 =	vld.idx.msk [tilespmem:v40+s19+$0x0], $0xffff;
	[tilespmem:s0+$0x100] =	vst v30  }
0x4fd: {  	v30 =	vadd.s32 v3, v24;
	[tilespmem:s7+$0xFFFFFF00] =	vst v32;
	v32 =	vld.idx.msk [tilespmem:v38+s19+$0x0], $0xffff;
	v38 =	vadd.s32 v8, v20  }
0x4fe: {  	[tilespmem:s7+$0x0] =	vst v34;
	v34 =	vld.idx.msk [tilespmem:v35+s19+$0x0], $0xffff  }
0x4ff: {  	v35 =	vadd.s32 v7, v21;
	v29 =	vld.idx.msk [tilespmem:v29+s19+$0x0], $0xffff;
	[tilespmem:s6+$0xFFFFFFA0] =	vst v37  }
0x500: {  	v37 =	vadd.s32 v4, v25;
	v39 =	vld.idx.msk [tilespmem:v39+s19+$0x0], $0xffff;
	[tilespmem:s6+$0x1A0] =	vst v33  }
0x501: {  	v33 =	vadd.s32 v4, v31;
	v41 =	vld.idx.msk [tilespmem:v41+s19+$0x0], $0xffff;
	[tilespmem:s0+$0xFFFFFE80] =	vst v36  }
0x502: {  	v36 =	vadd.s32 v9, v18;
	v18 =	vmov v22;
	v22 =	vmov v31;
	[tilespmem:s7+$0xFFFFFE00] =	vst v40;
	v38 =	vld.idx.msk [tilespmem:v38+s19+$0x0], $0xffff  }
0x503: {  	v40 =	vadd.s32 v4, v23;
	v31 =	vld.idx.msk [tilespmem:v30+s19+$0x0], $0xffff;
	[tilespmem:s0+$0xA0] =	vst v32  }
0x504: {  	v32 =	vld.idx.msk [tilespmem:v35+s19+$0x0], $0xffff;
	[tilespmem:s0+$0x120] =	vst v34;
	v34 =	vadd.s32 v9, v20;
	v20 =	vmov v25  }
0x505: {  	v25 =	vadd.s32 v4, v24;
	[tilespmem:s7+$0xFFFFFF20] =	vst v29;
	v42 =	vld.idx.msk [tilespmem:v37+s19+$0x0], $0xffff  }
0x506: {  	s14 =	sadd.s32 $0x18, s13;
	v44 =	vadd.s32 v5, v18;
	v43 =	vld.idx.msk [tilespmem:v33+s19+$0x0], $0xffff;
	[tilespmem:s6+$0xFFFFFFC0] =	vst v39  }
0x507: {  	v29 =	vmov s14;
	v39 =	vadd.s32 v5, v20;
	[tilespmem:s7+$0x20] =	vst v41;
	v30 =	vld.idx.msk [tilespmem:v36+s19+$0x0], $0xffff  }
.Ltmp9:
0x508: {  	v37 =	vadd.s32 v8, v21;
	v29 =	vshrl.u32 v29, $0x3;
	v33 =	vld.idx.msk [tilespmem:v40+s19+$0x0], $0xffff;
	[tilespmem:s6+$0x1C0] =	vst v38;
	(pc) =	sbr.rel @p0 .LBB2_21-.Ltmp9, $4  }
0x509: {  	v35 =	vadd.s32 v8, v19;
	v38 =	vshll.u32 v29, v2;
	[tilespmem:s7+$0xFFFFFE20] =	vst v31;
	v31 =	vld.idx.msk [tilespmem:v34+s19+$0x0], $0xffff  }
0x50a: {  	v36 =	vadd.s32 v5, v23;
	v29 =	vld.idx.msk [tilespmem:v25+s19+$0x0], $0xffff;
	v25 =	vbroadcast v38, $0x0;
	[tilespmem:s0+$0xFFFFFEA0] =	vst v32  }
0x50b: {  	v32 =	vld.idx.msk [tilespmem:v44+s19+$0x0], $0xffff;
	[tilespmem:s0+$0x140] =	vst v42  }
0x50c: {  	s13 =	sadd.s32 $0x20, s13;
	[tilespmem:s7+$0xFFFFFF40] =	vst v43;
	v38 =	vadd.s32 v0, v25;
	v34 =	vld.idx.msk [tilespmem:v39+s19+$0x0], $0xffff  }
0x50d: {  	_ =	sdelay $0x3  }
0x50e: {  	v38 =	vld.idx.msk [tilespmem:v38+s19+$0x0], $0xffff  }
0x50f: {  	v39 =	vadd.s32 v3, v25;
	_ =	sdelay $0x3  }
0x510: {  	[tilespmem:s7+$0x100] =	vst v38  }
0x511: {  	v38 =	vld.idx.msk [tilespmem:v39+s19+$0x0], $0xffff  }
0x512: {  	[tilespmem:s6+$0xE0] =	vst v28;
	v28 =	vadd.s32 v4, v25  }
0x513: {  	[tilespmem:s7+$0x40] =	vst v33  }
0x514: {  	[tilespmem:s6+$0xFFFFFFE0] =	vst v30;
	v60 =	vadd.s32 v5, v24  }
0x515: {  	v30 =	vld.idx.msk [tilespmem:v37+s19+$0x0], $0xffff;
	[tilespmem:s6+$0x1E0] =	vst v31;
	v31 =	vadd.s32 v6, v20  }
0x516: {  	v61 =	vadd.s32 v5, v22;
	v36 =	vld.idx.msk [tilespmem:v36+s19+$0x0], $0xffff;
	[tilespmem:s7+$0x120] =	vst v38  }
0x517: {  	v21 =	vadd.s32 v9, v21;
	[tilespmem:s0+$0xFFFFFF60] =	vst v32;
	v28 =	vld.idx.msk [tilespmem:v28+s19+$0x0], $0xffff  }
0x518: {  	v62 =	vadd.s32 v5, v25;
	[tilespmem:s7+$0xFFFFFE40] =	vst v29;
	v27 =	vld.idx.msk [tilespmem:v27+s19+$0x0], $0xffff  }
0x519: {  	v29 =	vadd.s32 v6, v23;
	[tilespmem:s0+$0x160] =	vst v34;
	v33 =	vld.idx.msk [tilespmem:v60+s19+$0x0], $0xffff  }
0x51a: {  	[tilespmem:s0+$0xFFFFFEC0] =	vst v30;
	v30 =	vld.idx.msk [tilespmem:v31+s19+$0x0], $0xffff;
	v31 =	vadd.s32 v6, v24  }
0x51b: {  	v32 =	vld.idx.msk [tilespmem:v61+s19+$0x0], $0xffff;
	[tilespmem:s7+$0x60] =	vst v36  }
0x51c: {  	v63 =	vadd.s32 v7, v18;
	v21 =	vld.idx.msk [tilespmem:v21+s19+$0x0], $0xffff;
	[tilespmem:s7+$0x140] =	vst v28  }
0x51d: {  	[tilespmem:s0+$0xFFFFFF80] =	vst v27;
	v28 =	vld.idx.msk [tilespmem:v62+s19+$0x0], $0xffff  }
0x51e: {  	v29 =	vld.idx.msk [tilespmem:v29+s19+$0x0], $0xffff;
	v27 =	vadd.s32 v6, v25;
	[tilespmem:s7+$0xFFFFFE60] =	vst v33  }
0x51f: {  	v37 =	vadd.s32 v7, v20;
	[tilespmem:s0+$0x180] =	vst v30;
	v30 =	vld.idx.msk [tilespmem:v31+s19+$0x0], $0xffff  }
0x520: {  	v35 =	vld.idx.msk [tilespmem:v35+s19+$0x0], $0xffff;
	v39 =	vadd.s32 v7, v24;
	[tilespmem:s7+$0xFFFFFF60] =	vst v32  }
0x521: {  	v19 =	vadd.s32 v9, v19;
	v31 =	vld.idx.msk [tilespmem:v63+s19+$0x0], $0xffff;
	[tilespmem:s0+$0xFFFFFEE0] =	vst v21  }
0x522: {  	v38 =	vadd.s32 v7, v23;
	v26 =	vld.idx.msk [tilespmem:v26+s19+$0x0], $0xffff;
	[tilespmem:s7+$0x160] =	vst v28  }
0x523: {  	[tilespmem:s7+$0x80] =	vst v29;
	v21 =	vld.idx.msk [tilespmem:v27+s19+$0x0], $0xffff;
	v27 =	vadd.s32 v7, v22  }
0x524: {  	v29 =	vadd.s32 v7, v25;
	[tilespmem:s7+$0xFFFFFE80] =	vst v30;
	v28 =	vld.idx.msk [tilespmem:v37+s19+$0x0], $0xffff  }
0x525: {  	v40 =	vadd.s32 v8, v18;
	[tilespmem:s0+$0xC0] =	vst v35;
	v30 =	vld.idx.msk [tilespmem:v39+s19+$0x0], $0xffff  }
0x526: {  	v42 =	vadd.s32 v8, v24;
	v19 =	vld.idx.msk [tilespmem:v19+s19+$0x0], $0xffff;
	[tilespmem:s0+$0xFFFFFFA0] =	vst v31  }
0x527: {  	v41 =	vadd.s32 v8, v20;
	v33 =	vld.idx.msk [tilespmem:v38+s19+$0x0], $0xffff;
	[tilespmem:s7+$0xFFFFFF80] =	vst v26  }
0x528: {  	v26 =	vadd.s32 v8, v23;
	[tilespmem:s7+$0x180] =	vst v21;
	v21 =	vld.idx.msk [tilespmem:v27+s19+$0x0], $0xffff  }
0x529: {  	[tilespmem:s0+$0x1A0] =	vst v28;
	v28 =	vadd.s32 v8, v22;
	v27 =	vld.idx.msk [tilespmem:v29+s19+$0x0], $0xffff  }
0x52a: {  	v43 =	vadd.s32 v8, v25;
	v31 =	vld.idx.msk [tilespmem:v40+s19+$0x0], $0xffff;
	[tilespmem:s7+$0xFFFFFEA0] =	vst v30  }
0x52b: {  	v18 =	vadd.s32 v9, v18;
	[tilespmem:s0+$0xE0] =	vst v19;
	v30 =	vld.idx.msk [tilespmem:v42+s19+$0x0], $0xffff  }
0x52c: {  	v24 =	vadd.s32 v9, v24;
	[tilespmem:s7+$0xA0] =	vst v33;
	v29 =	vld.idx.msk [tilespmem:v41+s19+$0x0], $0xffff  }
0x52d: {  	v20 =	vadd.s32 v9, v20;
	v26 =	vld.idx.msk [tilespmem:v26+s19+$0x0], $0xffff;
	[tilespmem:s7+$0xFFFFFFA0] =	vst v21  }
0x52e: {  	v21 =	vadd.s32 v9, v23;
	v23 =	vld.idx.msk [tilespmem:v28+s19+$0x0], $0xffff;
	[tilespmem:s7+$0x1A0] =	vst v27  }
0x52f: {  	[tilespmem:s0+$0xFFFFFFC0] =	vst v31;
	v22 =	vadd.s32 v9, v22;
	v27 =	vld.idx.msk [tilespmem:v43+s19+$0x0], $0xffff  }
0x530: {  	v19 =	vadd.s32 v9, v25;
	v18 =	vld.idx.msk [tilespmem:v18+s19+$0x0], $0xffff;
	[tilespmem:s7+$0xFFFFFEC0] =	vst v30  }
0x531: {  	v24 =	vld.idx.msk [tilespmem:v24+s19+$0x0], $0xffff;
	[tilespmem:s0+$0x1C0] =	vst v29  }
0x532: {  	[tilespmem:s7+$0xC0] =	vst v26;
	v20 =	vld.idx.msk [tilespmem:v20+s19+$0x0], $0xffff  }
0x533: {  	v21 =	vld.idx.msk [tilespmem:v21+s19+$0x0], $0xffff;
	[tilespmem:s7+$0xFFFFFFC0] =	vst v23  }
0x534: {  	v22 =	vld.idx.msk [tilespmem:v22+s19+$0x0], $0xffff;
	[tilespmem:s7+$0x1C0] =	vst v27  }
0x535: {  	[tilespmem:s0+$0xFFFFFFE0] =	vst v18;
	v18 =	vld.idx.msk [tilespmem:v19+s19+$0x0], $0xffff  }
0x536: {  	[tilespmem:s7+$0xFFFFFEE0] =	vst v24  }
0x537: {  	[tilespmem:s0+$0x1E0] =	vst v20  }
0x538: {  	[tilespmem:s7+$0xE0] =	vst v21  }
0x539: {  	[tilespmem:s7+$0xFFFFFFE0] =	vst v22  }
0x53a: {  	[tilespmem:s7+$0x1E0] =	vst v18  }
0x53b: {  	v18 =	vld.idx.msk [tilespmem:v10+s19+$0x0], $0xffff;
	_ =	sdelay $0x4  }
0x53c: {  	[tilespmem:$0x1ABE8] =	vst v18  }
0x53d: {  	v18 =	vld.idx.msk [tilespmem:v11+s19+$0x0], $0xffff;
	_ =	sdelay $0x4  }
0x53e: {  	[tilespmem:$0x1AC08] =	vst v18  }
0x53f: {  	v18 =	vld.idx.msk [tilespmem:v12+s19+$0x0], $0xffff;
	_ =	sdelay $0x4  }
0x540: {  	[tilespmem:$0x1AC28] =	vst v18  }
0x541: {  	v18 =	vld.idx.msk [tilespmem:v13+s19+$0x0], $0xffff;
	_ =	sdelay $0x4  }
0x542: {  	[tilespmem:$0x1AC48] =	vst v18  }
0x543: {  	v18 =	vld.idx.msk [tilespmem:v14+s19+$0x0], $0xffff;
	_ =	sdelay $0x4  }
0x544: {  	[tilespmem:$0x1AC68] =	vst v18  }
0x545: {  	v18 =	vld.idx.msk [tilespmem:v15+s19+$0x0], $0xffff;
	_ =	sdelay $0x4  }
0x546: {  	[tilespmem:$0x1AC88] =	vst v18  }
0x547: {  	v18 =	vld.idx.msk [tilespmem:v16+s19+$0x0], $0xffff;
	_ =	sdelay $0x4  }
0x548: {  	[tilespmem:$0x1ACA8] =	vst v18  }
0x549: {  	v18 =	vld.idx.msk [tilespmem:v17+s19+$0x0], $0xffff;
	_ =	sdelay $0x3  }
0x54a: {  	s28 =	sand.u32 $0x3FFFFFC0, s28  }
0x54b: {  	s8 =	sadd.s32 $0x40, s28;
	[tilespmem:$0x1ACC8] =	vst v18  }
0x54c: {  	[tilespmem:s19], [sflag:$0x1] =	stream.indirect.gather [hbm4b:s5+s18], $0x3E8, s8, s18, $0xb8;
	[tilespmem:$0x1ACF8] =	vst v63  }
0x54d: {  	_ =	swait.ge [sflag:s23], $0x3E80  }
0x54e: {  	[sflag:s23] =	ssyncset.done $0x0  }
0x54f: {  	[sflag:s23] =	ssyncadd.s32 $0xFFFFC180  }
0x550: {  	v18 =	vld [tilespmem:s1+$0x1900]  }
0x551: {  	v19 =	vld [tilespmem:s1+$0x0];
	_ =	sdelay $0x3  }
0x552: {  	v18 =	vadd.s32 v0, v18;
	_ =	sdelay $0x3  }
0x553: {  	v19 =	vld.idx.msk [tilespmem:v19+s17+$0x0], $0xffff  }
0x554: {  	s13 =	simm.s32 $0x10;
	v18 =	vld.idx.msk [tilespmem:v18+s20+$0x0], $0xffff  }
0x555: {  	v20 =	vmov s13  }
0x556: {  	s14 =	simm.s32 $0x0;
	v20 =	vshrl.u32 v20, $0x3  }
0x557: {  	v20 =	vshll.u32 v20, v2;
	v22 =	vmov s14;
	v21 =	vld [tilespmem:$0x1ACE8]  }
0x558: {  	v24 =	vbroadcast v20, $0x0;
	v20 =	vshrl.u32 v22, $0x3  }
0x559: {  	s1 =	simm.s32 $0x8;
	v18 =	vsub.f32 v19, v18;
	v19 =	vshll.u32 v20, v2  }
0x55a: {  	v23 =	vadd.s32 v0, v24;
	v20 =	vmov s1;
	v22 =	vbroadcast v19, $0x0  }
0x55b: {  	v19 =	vshrl.u32 v20, $0x3  }
0x55c: {  	v18 =	vadd.f32 v18, v21;
	v19 =	vshll.u32 v19, v2;
	v20 =	vadd.s32 v0, v22  }
0x55d: {  	v25 =	vbroadcast v19, $0x0  }
0x55e: {  	[tilespmem:$0x1ACE8] =	vst v18  }
0x55f: {  	v18 =	vadd.s32 v0, v25;
	v19 =	vld.idx.msk [tilespmem:v23+s20+$0x0], $0xffff  }
0x560: {  	v21 =	vadd.s32 v3, v24  }
0x561: {  	v20 =	vld.idx.msk [tilespmem:v20+s20+$0x0], $0xffff  }
0x562: {  	v23 =	vadd.s32 v3, v22  }
0x563: {  	s1 =	simm.s32 $0x131F8  }
0x564: {  	s6 =	simm.s32 $0x18;
	v18 =	vld.idx.msk [tilespmem:v18+s20+$0x0], $0xffff;
	[tilespmem:s1+$0x0] =	vst v19  }
0x565: {  	v26 =	vmov s6;
	v19 =	vadd.s32 v3, v25;
	v21 =	vld.idx.msk [tilespmem:v21+s20+$0x0], $0xffff  }
0x566: {  	v26 =	vshrl.u32 v26, $0x3;
	[tilespmem:s1+$0xFFFFFE00] =	vst v20;
	v20 =	vadd.s32 v4, v24  }
0x567: {  	v26 =	vshll.u32 v26, v2;
	v23 =	vld.idx.msk [tilespmem:v23+s20+$0x0], $0xffff  }
0x568: {  	v26 =	vbroadcast v26, $0x0;
	v27 =	vadd.s32 v4, v22  }
0x569: {  	s7 =	simm.s32 $0x28;
	[tilespmem:s1+$0xFFFFFF00] =	vst v18  }
0x56a: {  	v31 =	vadd.s32 v0, v26;
	v30 =	vadd.s32 v5, v24;
	s8 =	simm.s32 $0x30;
	v18 =	vmov s7;
	v28 =	vld.idx.msk [tilespmem:v19+s20+$0x0], $0xffff;
	[tilespmem:s1+$0x20] =	vst v21  }
0x56b: {  	s13 =	simm.s32 $0x20;
	v29 =	vadd.s32 v4, v25;
	v18 =	vshrl.u32 v18, $0x3;
	v19 =	vmov s8;
	v20 =	vld.idx.msk [tilespmem:v20+s20+$0x0], $0xffff  }
0x56c: {  	v21 =	vmov s13;
	v18 =	vshll.u32 v18, v2;
	v19 =	vshrl.u32 v19, $0x3;
	[tilespmem:s1+$0xFFFFFE20] =	vst v23  }
0x56d: {  	v21 =	vshrl.u32 v21, $0x3;
	v18 =	vbroadcast v18, $0x0;
	v19 =	vshll.u32 v19, v2;
	v23 =	vld.idx.msk [tilespmem:v27+s20+$0x0], $0xffff  }
0x56e: {  	v21 =	vshll.u32 v21, v2;
	v19 =	vbroadcast v19, $0x0;
	v27 =	vadd.s32 v5, v22  }
0x56f: {  	v21 =	vbroadcast v21, $0x0;
	[tilespmem:s1+$0xFFFFFF20] =	vst v28;
	v28 =	vadd.s32 v0, v18  }
0x570: {  	v31 =	vld.idx.msk [tilespmem:v31+s20+$0x0], $0xffff;
	[tilespmem:s1+$0x40] =	vst v20;
	v20 =	vadd.s32 v0, v19  }
0x571: {  	v44 =	vadd.s32 v0, v21;
	v30 =	vld.idx.msk [tilespmem:v30+s20+$0x0], $0xffff  }
0x572: {  	v45 =	vadd.s32 v6, v24;
	v29 =	vld.idx.msk [tilespmem:v29+s20+$0x0], $0xffff;
	[tilespmem:s1+$0xFFFFFE40] =	vst v23  }
0x573: {  	v23 =	vld.idx.msk [tilespmem:v27+s20+$0x0], $0xffff;
	v27 =	vadd.s32 v3, v26  }
0x574: {  	v46 =	vadd.s32 v6, v22;
	v28 =	vld.idx.msk [tilespmem:v28+s20+$0x0], $0xffff  }
0x575: {  	v47 =	vadd.s32 v3, v18;
	v20 =	vld.idx.msk [tilespmem:v20+s20+$0x0], $0xffff  }
0x576: {  	v48 =	vadd.s32 v3, v19;
	[tilespmem:s1+$0x60] =	vst v30;
	v30 =	vld.idx.msk [tilespmem:v44+s20+$0x0], $0xffff  }
0x577: {  	[tilespmem:s1+$0x100] =	vst v31;
	v31 =	vadd.s32 v3, v21;
	v33 =	vld.idx.msk [tilespmem:v45+s20+$0x0], $0xffff  }
0x578: {  	s0 =	simm.s32 $0x135F8;
	v49 =	vadd.s32 v7, v24;
	[tilespmem:s1+$0xFFFFFE60] =	vst v23;
	v23 =	vld.idx.msk [tilespmem:v27+s20+$0x0], $0xffff  }
0x579: {  	[tilespmem:s0+$0xFFFFFF00] =	vst v28;
	v28 =	vadd.s32 v4, v26;
	v27 =	vld.idx.msk [tilespmem:v46+s20+$0x0], $0xffff  }
0x57a: {  	v50 =	vadd.s32 v7, v22;
	[tilespmem:s0+$0x0] =	vst v20;
	v20 =	vld.idx.msk [tilespmem:v47+s20+$0x0], $0xffff  }
0x57b: {  	v51 =	vadd.s32 v4, v18;
	v32 =	vld.idx.msk [tilespmem:v48+s20+$0x0], $0xffff;
	[tilespmem:s0+$0xFFFFFE00] =	vst v30  }
0x57c: {  	[tilespmem:s1+$0x80] =	vst v33;
	v30 =	vld.idx.msk [tilespmem:v31+s20+$0x0], $0xffff;
	v31 =	vadd.s32 v4, v19  }
0x57d: {  	s14 =	simm.s32 $0x38;
	v33 =	vld.idx.msk [tilespmem:v49+s20+$0x0], $0xffff;
	[tilespmem:s1+$0x120] =	vst v23;
	v23 =	vadd.s32 v4, v21  }
0x57e: {  	v52 =	vmov s14;
	[tilespmem:s1+$0xFFFFFE80] =	vst v27;
	v27 =	vld.idx.msk [tilespmem:v28+s20+$0x0], $0xffff;
	v28 =	vadd.s32 v5, v25  }
0x57f: {  	v53 =	vadd.s32 v5, v26;
	v34 =	vld.idx.msk [tilespmem:v50+s20+$0x0], $0xffff;
	[tilespmem:s0+$0xFFFFFF20] =	vst v20;
	v20 =	vshrl.u32 v52, $0x3  }
0x580: {  	v54 =	vadd.s32 v8, v22;
	v35 =	vld.idx.msk [tilespmem:v51+s20+$0x0], $0xffff;
	[tilespmem:s0+$0x20] =	vst v32;
	v20 =	vshll.u32 v20, v2  }
0x581: {  	v31 =	vld.idx.msk [tilespmem:v31+s20+$0x0], $0xffff;
	[tilespmem:s0+$0xFFFFFE20] =	vst v30;
	v30 =	vadd.s32 v8, v24;
	v20 =	vbroadcast v20, $0x0  }
0x582: {  	[tilespmem:s1+$0xFFFFFF40] =	vst v29;
	v29 =	vld.idx.msk [tilespmem:v23+s20+$0x0], $0xffff;
	v23 =	vadd.s32 v5, v19  }
0x583: {  	v28 =	vld.idx.msk [tilespmem:v28+s20+$0x0], $0xffff;
	[tilespmem:s1+$0x140] =	vst v27;
	v27 =	vadd.s32 v0, v20  }
0x584: {  	s7 =	simm.s32 $0x48;
	v60 =	vadd.s32 v5, v21;
	[tilespmem:s1+$0xFFFFFEA0] =	vst v34;
	v56 =	vld.idx.msk [tilespmem:v53+s20+$0x0], $0xffff  }
0x585: {  	v55 =	vadd.s32 v6, v25;
	v57 =	vmov s7;
	s8 =	simm.s32 $0x50;
	[tilespmem:s1+$0xA0] =	vst v33;
	v32 =	vld.idx.msk [tilespmem:v54+s20+$0x0], $0xffff  }
0x586: {  	v58 =	vadd.s32 v6, v26;
	v59 =	vmov s8;
	[tilespmem:s0+$0x40] =	vst v31;
	v30 =	vld.idx.msk [tilespmem:v30+s20+$0x0], $0xffff;
	v31 =	vshrl.u32 v57, $0x3  }
0x587: {  	v62 =	vadd.s32 v9, v22;
	v61 =	vld.idx.msk [tilespmem:v23+s20+$0x0], $0xffff;
	v23 =	vshll.u32 v31, v2;
	v31 =	vshrl.u32 v59, $0x3  }
0x588: {  	[tilespmem:s0+$0xFFFFFE40] =	vst v29;
	v22 =	vbroadcast v23, $0x0;
	v23 =	vshll.u32 v31, v2;
	v31 =	vadd.s32 v6, v19;
	v27 =	vld.idx.msk [tilespmem:v27+s20+$0x0], $0xffff  }
0x589: {  	[tilespmem:s1+$0xFFFFFF60] =	vst v28;
	v28 =	vadd.s32 v9, v24;
	v38 =	vld.idx.msk [tilespmem:v60+s20+$0x0], $0xffff  }
0x58a: {  	s13 =	simm.s32 $0x40;
	v44 =	vadd.s32 v6, v21;
	v36 =	vld.idx.msk [tilespmem:v55+s20+$0x0], $0xffff;
	[tilespmem:s1+$0x160] =	vst v56  }
0x58b: {  	v24 =	vmov s13;
	v23 =	vbroadcast v23, $0x0;
	v63 =	vadd.s32 v0, v22;
	v29 =	vld.idx.msk [tilespmem:v58+s20+$0x0], $0xffff;
	[tilespmem:s1+$0xFFFFFEC0] =	vst v32  }
0x58c: {  	v43 =	vadd.s32 v7, v25;
	v24 =	vshrl.u32 v24, $0x3;
	v32 =	vld.idx.msk [tilespmem:v62+s20+$0x0], $0xffff;
	[tilespmem:s0+$0x60] =	vst v61  }
0x58d: {  	v24 =	vshll.u32 v24, v2;
	v42 =	vadd.s32 v0, v23;
	[tilespmem:s1+$0xC0] =	vst v30;
	v31 =	vld.idx.msk [tilespmem:v31+s20+$0x0], $0xffff  }
0x58e: {  	v24 =	vbroadcast v24, $0x0;
	v30 =	vadd.s32 v7, v26;
	v28 =	vld.idx.msk [tilespmem:v28+s20+$0x0], $0xffff;
	[tilespmem:s0+$0xFFFFFE60] =	vst v38  }
0x58f: {  	v40 =	vadd.s32 v5, v18;
	[tilespmem:s0+$0xFFFFFF40] =	vst v35;
	v49 =	vld.idx.msk [tilespmem:v44+s20+$0x0], $0xffff  }
0x590: {  	v45 =	vadd.s32 v0, v24;
	[tilespmem:s1+$0xFFFFFF80] =	vst v36;
	v34 =	vld.idx.msk [tilespmem:v63+s20+$0x0], $0xffff  }
0x591: {  	v47 =	vadd.s32 v7, v19;
	[tilespmem:s0+$0x100] =	vst v27;
	v33 =	vld.idx.msk [tilespmem:v43+s20+$0x0], $0xffff  }
0x592: {  	[tilespmem:s1+$0x180] =	vst v29;
	v29 =	vadd.s32 v3, v20;
	v46 =	vld.idx.msk [tilespmem:v42+s20+$0x0], $0xffff  }
0x593: {  	v55 =	vadd.s32 v7, v21;
	[tilespmem:s1+$0xFFFFFEE0] =	vst v32;
	v30 =	vld.idx.msk [tilespmem:v30+s20+$0x0], $0xffff  }
0x594: {  	v48 =	vadd.s32 v3, v22;
	v32 =	vld.idx.msk [tilespmem:v40+s20+$0x0], $0xffff;
	[tilespmem:s0+$0x80] =	vst v31  }
0x595: {  	s6 =	simm.s32 $0x139F8;
	v31 =	vadd.s32 v8, v25;
	v50 =	vld.idx.msk [tilespmem:v45+s20+$0x0], $0xffff;
	[tilespmem:s0+$0xFFFFFE80] =	vst v49  }
0x596: {  	v51 =	vadd.s32 v3, v23;
	v27 =	vld.idx.msk [tilespmem:v47+s20+$0x0], $0xffff;
	[tilespmem:s6+$0xFFFFFF00] =	vst v34  }
0x597: {  	v52 =	vadd.s32 v8, v26;
	v29 =	vld.idx.msk [tilespmem:v29+s20+$0x0], $0xffff;
	[tilespmem:s1+$0xFFFFFFA0] =	vst v33  }
0x598: {  	v53 =	vadd.s32 v3, v24;
	v60 =	vld.idx.msk [tilespmem:v55+s20+$0x0], $0xffff;
	[tilespmem:s6+$0x0] =	vst v46  }
0x599: {  	v56 =	vadd.s32 v4, v20;
	v54 =	vld.idx.msk [tilespmem:v48+s20+$0x0], $0xffff;
	[tilespmem:s1+$0x1A0] =	vst v30  }
0x59a: {  	v30 =	vadd.s32 v4, v22;
	v31 =	vld.idx.msk [tilespmem:v31+s20+$0x0], $0xffff;
	[tilespmem:s6+$0xFFFFFE00] =	vst v50  }
0x59b: {  	v25 =	vadd.s32 v9, v25;
	v39 =	vld.idx.msk [tilespmem:v51+s20+$0x0], $0xffff;
	[tilespmem:s0+$0xA0] =	vst v27  }
0x59c: {  	v59 =	vadd.s32 v4, v23;
	v57 =	vld.idx.msk [tilespmem:v52+s20+$0x0], $0xffff;
	[tilespmem:s0+$0x120] =	vst v29  }
0x59d: {  	v26 =	vadd.s32 v9, v26;
	v58 =	vld.idx.msk [tilespmem:v53+s20+$0x0], $0xffff;
	[tilespmem:s0+$0xFFFFFEA0] =	vst v60  }
0x59e: {  	s14 =	simm.s32 $0x58;
	v29 =	vadd.s32 v4, v24;
	[tilespmem:s6+$0xFFFFFF20] =	vst v54;
	v61 =	vld.idx.msk [tilespmem:v56+s20+$0x0], $0xffff  }
0x59f: {  	v63 =	vadd.s32 v5, v20;
	v27 =	vmov s14;
	v62 =	vld.idx.msk [tilespmem:v30+s20+$0x0], $0xffff;
	[tilespmem:s1+$0xFFFFFFC0] =	vst v31  }
0x5a0: {  	v37 =	vadd.s32 v8, v21;
	[tilespmem:s6+$0x20] =	vst v39;
	v30 =	vld.idx.msk [tilespmem:v25+s20+$0x0], $0xffff;
	v25 =	vshrl.u32 v27, $0x3  }
0x5a1: {  	v35 =	vadd.s32 v8, v19;
	[tilespmem:s1+$0x1C0] =	vst v57;
	v33 =	vld.idx.msk [tilespmem:v59+s20+$0x0], $0xffff;
	v25 =	vshll.u32 v25, v2  }
0x5a2: {  	v36 =	vadd.s32 v5, v23;
	v31 =	vld.idx.msk [tilespmem:v26+s20+$0x0], $0xffff;
	[tilespmem:s6+$0xFFFFFE20] =	vst v58;
	v25 =	vbroadcast v25, $0x0  }
0x5a3: {  	v26 =	vadd.s32 v6, v22;
	v29 =	vld.idx.msk [tilespmem:v29+s20+$0x0], $0xffff;
	[tilespmem:s0+$0x140] =	vst v61  }
0x5a4: {  	s7 =	simm.s32 $0x8;
	s8 =	simm.s32 $0x60;
	v27 =	vadd.s32 v6, v18;
	[tilespmem:s6+$0xFFFFFF40] =	vst v62;
	v34 =	vld.idx.msk [tilespmem:v63+s20+$0x0], $0xffff;
	v38 =	vadd.s32 v0, v25  }
.LBB2_23:
0x5a5: {  	s13 =	sadd.s32 $0x8, s8;
	s7 =	sadd.s32 $0x4, s7;
	v37 =	vld.idx.msk [tilespmem:v37+s20+$0x0], $0xffff;
	[tilespmem:s1+$0xE0] =	vst v28  }
0x5a6: {  	v28 =	vmov s13;
	s13 =	sadd.s32 $0x10, s8;
	p0 =	slt.u32 s7, $0x78;
	[tilespmem:s6+$0x40] =	vst v33;
	v33 =	vld.idx.msk [tilespmem:v35+s20+$0x0], $0xffff;
	v35 =	vadd.s32 v6, v20  }
0x5a7: {  	v40 =	vadd.s32 v5, v24;
	v28 =	vshrl.u32 v28, $0x3;
	v39 =	vmov s13;
	v36 =	vld.idx.msk [tilespmem:v36+s20+$0x0], $0xffff;
	[tilespmem:s1+$0xFFFFFFE0] =	vst v30  }
0x5a8: {  	v28 =	vshll.u32 v28, v2;
	v30 =	vshrl.u32 v39, $0x3;
	v39 =	vadd.s32 v9, v21;
	[tilespmem:s1+$0x1E0] =	vst v31;
	v21 =	vmovc v24;
	s1 =	smov.u32 s0;
	s0 =	smov.u32 s6  }
0x5a9: {  	v31 =	vbroadcast v28, $0x0;
	v24 =	vshll.u32 v30, v2;
	v28 =	vadd.s32 v6, v23;
	v30 =	vld.idx.msk [tilespmem:v38+s20+$0x0], $0xffff;
	[tilespmem:s1+$0xFFFFFF60] =	vst v32  }
0x5aa: {  	v41 =	vadd.s32 v9, v19;
	v19 =	vmovc v23;
	v32 =	vmov s8;
	v38 =	vld.idx.msk [tilespmem:v27+s20+$0x0], $0xffff;
	[tilespmem:s1+$0x160] =	vst v34;
	v23 =	vbroadcast v24, $0x0;
	v27 =	vmovc v26  }
0x5ab: {  	v24 =	vshrl.u32 v32, $0x3;
	v32 =	vadd.s32 v0, v31;
	v26 =	vadd.s32 v6, v31;
	[tilespmem:s6+$0xFFFFFE40] =	vst v29;
	v29 =	vld.idx.msk [tilespmem:v35+s20+$0x0], $0xffff  }
0x5ac: {  	v24 =	vshll.u32 v24, v2;
	v34 =	vadd.s32 v0, v23;
	v35 =	vld.idx.msk [tilespmem:v40+s20+$0x0], $0xffff;
	[tilespmem:s1+$0xFFFFFEC0] =	vst v37  }
0x5ad: {  	v24 =	vbroadcast v24, $0x0;
	v37 =	vadd.s32 v7, v18;
	[tilespmem:s6+$0x60] =	vst v36;
	v36 =	vld.idx.msk [tilespmem:v39+s20+$0x0], $0xffff  }
0x5ae: {  	v39 =	vld.idx.msk [tilespmem:v28+s20+$0x0], $0xffff;
	[tilespmem:s1+$0xC0] =	vst v33;
	v33 =	vadd.s32 v7, v20  }
0x5af: {  	v42 =	vadd.s32 v6, v21;
	v40 =	vadd.s32 v0, v24;
	v28 =	vld.idx.msk [tilespmem:v41+s20+$0x0], $0xffff  }
0x5b0: {  	v32 =	vld.idx.msk [tilespmem:v32+s20+$0x0], $0xffff;
	[tilespmem:s1+$0xFFFFFF80] =	vst v38  }
0x5b1: {  	v38 =	vadd.s32 v7, v19;
	v34 =	vld.idx.msk [tilespmem:v34+s20+$0x0], $0xffff;
	[tilespmem:s1+$0x180] =	vst v29  }
0x5b2: {  	v29 =	vadd.s32 v3, v31;
	[tilespmem:s6+$0xFFFFFE60] =	vst v35;
	v35 =	vadd.s32 v3, v25;
	v37 =	vld.idx.msk [tilespmem:v37+s20+$0x0], $0xffff  }
0x5b3: {  	[tilespmem:s1+$0xFFFFFEE0] =	vst v36;
	v33 =	vld.idx.msk [tilespmem:v33+s20+$0x0], $0xffff  }
0x5b4: {  	v36 =	vld.idx.msk [tilespmem:v42+s20+$0x0], $0xffff;
	[tilespmem:s6+$0x80] =	vst v39;
	v39 =	vadd.s32 v8, v18  }
0x5b5: {  	v41 =	vadd.s32 v3, v23;
	s6 =	sadd.s32 $0x400, s6;
	v40 =	vld.idx.msk [tilespmem:v40+s20+$0x0], $0xffff;
	[tilespmem:s0+$0x100] =	vst v30  }
0x5b6: {  	v30 =	vadd.s32 v3, v24;
	[tilespmem:s6+$0xFFFFFF00] =	vst v32;
	v32 =	vld.idx.msk [tilespmem:v38+s20+$0x0], $0xffff;
	v38 =	vadd.s32 v8, v20  }
0x5b7: {  	[tilespmem:s6+$0x0] =	vst v34;
	v34 =	vld.idx.msk [tilespmem:v35+s20+$0x0], $0xffff  }
0x5b8: {  	v35 =	vadd.s32 v7, v21;
	v29 =	vld.idx.msk [tilespmem:v29+s20+$0x0], $0xffff;
	[tilespmem:s1+$0xFFFFFFA0] =	vst v37  }
0x5b9: {  	v37 =	vadd.s32 v4, v25;
	v39 =	vld.idx.msk [tilespmem:v39+s20+$0x0], $0xffff;
	[tilespmem:s1+$0x1A0] =	vst v33  }
0x5ba: {  	v33 =	vadd.s32 v4, v31;
	v41 =	vld.idx.msk [tilespmem:v41+s20+$0x0], $0xffff;
	[tilespmem:s0+$0xFFFFFE80] =	vst v36  }
0x5bb: {  	v36 =	vadd.s32 v9, v18;
	v18 =	vmov v22;
	v22 =	vmov v31;
	[tilespmem:s6+$0xFFFFFE00] =	vst v40;
	v38 =	vld.idx.msk [tilespmem:v38+s20+$0x0], $0xffff  }
0x5bc: {  	v40 =	vadd.s32 v4, v23;
	v31 =	vld.idx.msk [tilespmem:v30+s20+$0x0], $0xffff;
	[tilespmem:s0+$0xA0] =	vst v32  }
0x5bd: {  	v32 =	vld.idx.msk [tilespmem:v35+s20+$0x0], $0xffff;
	[tilespmem:s0+$0x120] =	vst v34;
	v34 =	vadd.s32 v9, v20;
	v20 =	vmov v25  }
0x5be: {  	v25 =	vadd.s32 v4, v24;
	[tilespmem:s6+$0xFFFFFF20] =	vst v29;
	v42 =	vld.idx.msk [tilespmem:v37+s20+$0x0], $0xffff  }
0x5bf: {  	s13 =	sadd.s32 $0x18, s8;
	v44 =	vadd.s32 v5, v18;
	v43 =	vld.idx.msk [tilespmem:v33+s20+$0x0], $0xffff;
	[tilespmem:s1+$0xFFFFFFC0] =	vst v39  }
0x5c0: {  	v29 =	vmov s13;
	v39 =	vadd.s32 v5, v20;
	[tilespmem:s6+$0x20] =	vst v41;
	v30 =	vld.idx.msk [tilespmem:v36+s20+$0x0], $0xffff  }
.Ltmp10:
0x5c1: {  	v37 =	vadd.s32 v8, v21;
	v29 =	vshrl.u32 v29, $0x3;
	v33 =	vld.idx.msk [tilespmem:v40+s20+$0x0], $0xffff;
	[tilespmem:s1+$0x1C0] =	vst v38;
	(pc) =	sbr.rel @p0 .LBB2_23-.Ltmp10, $4  }
0x5c2: {  	v35 =	vadd.s32 v8, v19;
	v38 =	vshll.u32 v29, v2;
	[tilespmem:s6+$0xFFFFFE20] =	vst v31;
	v31 =	vld.idx.msk [tilespmem:v34+s20+$0x0], $0xffff  }
0x5c3: {  	v36 =	vadd.s32 v5, v23;
	v29 =	vld.idx.msk [tilespmem:v25+s20+$0x0], $0xffff;
	v25 =	vbroadcast v38, $0x0;
	[tilespmem:s0+$0xFFFFFEA0] =	vst v32  }
0x5c4: {  	v32 =	vld.idx.msk [tilespmem:v44+s20+$0x0], $0xffff;
	[tilespmem:s0+$0x140] =	vst v42  }
0x5c5: {  	s8 =	sadd.s32 $0x20, s8;
	[tilespmem:s6+$0xFFFFFF40] =	vst v43;
	v38 =	vadd.s32 v0, v25;
	v34 =	vld.idx.msk [tilespmem:v39+s20+$0x0], $0xffff  }
0x5c6: {  	_ =	sdelay $0x3  }
0x5c7: {  	v38 =	vld.idx.msk [tilespmem:v38+s20+$0x0], $0xffff  }
0x5c8: {  	v39 =	vadd.s32 v3, v25;
	_ =	sdelay $0x3  }
0x5c9: {  	[tilespmem:s6+$0x100] =	vst v38  }
0x5ca: {  	v38 =	vld.idx.msk [tilespmem:v39+s20+$0x0], $0xffff  }
0x5cb: {  	[tilespmem:s1+$0xE0] =	vst v28;
	v54 =	vadd.s32 v4, v25  }
0x5cc: {  	[tilespmem:s6+$0x40] =	vst v33  }
0x5cd: {  	[tilespmem:s1+$0xFFFFFFE0] =	vst v30  }
0x5ce: {  	v55 =	vld.idx.msk [tilespmem:v37+s20+$0x0], $0xffff;
	v56 =	vadd.s32 v5, v24;
	[tilespmem:s1+$0x1E0] =	vst v31  }
0x5cf: {  	v57 =	vadd.s32 v6, v20;
	v35 =	vld.idx.msk [tilespmem:v35+s20+$0x0], $0xffff;
	[tilespmem:s6+$0x120] =	vst v38  }
0x5d0: {  	v58 =	vadd.s32 v5, v22;
	[tilespmem:s6+$0xFFFFFE40] =	vst v29;
	v28 =	vld.idx.msk [tilespmem:v54+s20+$0x0], $0xffff  }
0x5d1: {  	v59 =	vadd.s32 v5, v25;
	v36 =	vld.idx.msk [tilespmem:v36+s20+$0x0], $0xffff;
	[tilespmem:s0+$0xFFFFFF60] =	vst v32  }
0x5d2: {  	v21 =	vadd.s32 v9, v21;
	[tilespmem:s0+$0x160] =	vst v34;
	v27 =	vld.idx.msk [tilespmem:v27+s20+$0x0], $0xffff  }
0x5d3: {  	v19 =	vadd.s32 v9, v19;
	v33 =	vld.idx.msk [tilespmem:v56+s20+$0x0], $0xffff;
	[tilespmem:s0+$0xFFFFFEC0] =	vst v55  }
0x5d4: {  	v60 =	vadd.s32 v6, v23;
	v61 =	vld.idx.msk [tilespmem:v57+s20+$0x0], $0xffff;
	[tilespmem:s0+$0xC0] =	vst v35  }
0x5d5: {  	v62 =	vadd.s32 v6, v24;
	v32 =	vld.idx.msk [tilespmem:v58+s20+$0x0], $0xffff;
	[tilespmem:s6+$0x140] =	vst v28  }
0x5d6: {  	[tilespmem:s6+$0x60] =	vst v36;
	v28 =	vld.idx.msk [tilespmem:v59+s20+$0x0], $0xffff  }
0x5d7: {  	v40 =	vadd.s32 v6, v25;
	v21 =	vld.idx.msk [tilespmem:v21+s20+$0x0], $0xffff;
	[tilespmem:s0+$0xFFFFFF80] =	vst v27  }
0x5d8: {  	v63 =	vadd.s32 v7, v18;
	v19 =	vld.idx.msk [tilespmem:v19+s20+$0x0], $0xffff;
	[tilespmem:s6+$0xFFFFFE60] =	vst v33  }
0x5d9: {  	v41 =	vadd.s32 v7, v20;
	v29 =	vld.idx.msk [tilespmem:v60+s20+$0x0], $0xffff;
	[tilespmem:s0+$0x180] =	vst v61  }
0x5da: {  	v42 =	vadd.s32 v7, v23;
	[tilespmem:s6+$0xFFFFFF60] =	vst v32;
	v43 =	vld.idx.msk [tilespmem:v62+s20+$0x0], $0xffff  }
0x5db: {  	v45 =	vadd.s32 v7, v24;
	v26 =	vld.idx.msk [tilespmem:v26+s20+$0x0], $0xffff;
	[tilespmem:s6+$0x160] =	vst v28  }
0x5dc: {  	v48 =	vadd.s32 v7, v22;
	[tilespmem:s0+$0xFFFFFEE0] =	vst v21;
	v47 =	vld.idx.msk [tilespmem:v40+s20+$0x0], $0xffff  }
0x5dd: {  	v50 =	vadd.s32 v7, v25;
	v44 =	vld.idx.msk [tilespmem:v63+s20+$0x0], $0xffff;
	[tilespmem:s0+$0xE0] =	vst v19  }
0x5de: {  	v46 =	vadd.s32 v8, v18;
	v49 =	vld.idx.msk [tilespmem:v41+s20+$0x0], $0xffff;
	[tilespmem:s6+$0x80] =	vst v29  }
0x5df: {  	v51 =	vadd.s32 v8, v20;
	v33 =	vld.idx.msk [tilespmem:v42+s20+$0x0], $0xffff;
	[tilespmem:s6+$0xFFFFFE80] =	vst v43  }
0x5e0: {  	v53 =	vadd.s32 v8, v23;
	[tilespmem:s6+$0xFFFFFF80] =	vst v26;
	v30 =	vld.idx.msk [tilespmem:v45+s20+$0x0], $0xffff  }
0x5e1: {  	v52 =	vadd.s32 v8, v24;
	v54 =	vld.idx.msk [tilespmem:v48+s20+$0x0], $0xffff;
	[tilespmem:s6+$0x180] =	vst v47  }
0x5e2: {  	v56 =	vadd.s32 v8, v22;
	[tilespmem:s0+$0xFFFFFFA0] =	vst v44;
	v55 =	vld.idx.msk [tilespmem:v50+s20+$0x0], $0xffff  }
0x5e3: {  	v58 =	vadd.s32 v8, v25;
	v31 =	vld.idx.msk [tilespmem:v46+s20+$0x0], $0xffff;
	[tilespmem:s0+$0x1A0] =	vst v49  }
0x5e4: {  	v18 =	vadd.s32 v9, v18;
	v57 =	vld.idx.msk [tilespmem:v51+s20+$0x0], $0xffff;
	[tilespmem:s6+$0xA0] =	vst v33  }
0x5e5: {  	v59 =	vadd.s32 v9, v20;
	v26 =	vld.idx.msk [tilespmem:v53+s20+$0x0], $0xffff;
	[tilespmem:s6+$0xFFFFFEA0] =	vst v30  }
0x5e6: {  	v61 =	vadd.s32 v9, v23;
	[tilespmem:s6+$0xFFFFFFA0] =	vst v54;
	v30 =	vld.idx.msk [tilespmem:v52+s20+$0x0], $0xffff  }
0x5e7: {  	v60 =	vadd.s32 v9, v24;
	v62 =	vld.idx.msk [tilespmem:v56+s20+$0x0], $0xffff;
	[tilespmem:s6+$0x1A0] =	vst v55  }
0x5e8: {  	v63 =	vadd.s32 v9, v22;
	[tilespmem:s0+$0xFFFFFFC0] =	vst v31;
	v27 =	vld.idx.msk [tilespmem:v58+s20+$0x0], $0xffff  }
0x5e9: {  	v19 =	vadd.s32 v9, v25;
	[tilespmem:s0+$0x1C0] =	vst v57;
	v18 =	vld.idx.msk [tilespmem:v18+s20+$0x0], $0xffff  }
0x5ea: {  	v20 =	vld.idx.msk [tilespmem:v59+s20+$0x0], $0xffff;
	[tilespmem:s6+$0xC0] =	vst v26  }
0x5eb: {  	v21 =	vld.idx.msk [tilespmem:v61+s20+$0x0], $0xffff;
	[tilespmem:s6+$0xFFFFFEC0] =	vst v30  }
0x5ec: {  	[tilespmem:s6+$0xFFFFFFC0] =	vst v62;
	v24 =	vld.idx.msk [tilespmem:v60+s20+$0x0], $0xffff  }
0x5ed: {  	v22 =	vld.idx.msk [tilespmem:v63+s20+$0x0], $0xffff;
	[tilespmem:s6+$0x1C0] =	vst v27  }
0x5ee: {  	[tilespmem:s0+$0xFFFFFFE0] =	vst v18;
	v18 =	vld.idx.msk [tilespmem:v19+s20+$0x0], $0xffff  }
0x5ef: {  	[tilespmem:s0+$0x1E0] =	vst v20  }
0x5f0: {  	[tilespmem:s6+$0xE0] =	vst v21  }
0x5f1: {  	[tilespmem:s6+$0xFFFFFEE0] =	vst v24  }
0x5f2: {  	[tilespmem:s6+$0xFFFFFFE0] =	vst v22  }
0x5f3: {  	[tilespmem:s6+$0x1E0] =	vst v18  }
0x5f4: {  	v18 =	vld.idx.msk [tilespmem:v10+s20+$0x0], $0xffff;
	_ =	sdelay $0x4  }
0x5f5: {  	[tilespmem:$0x1ABF8] =	vst v18  }
0x5f6: {  	v18 =	vld.idx.msk [tilespmem:v11+s20+$0x0], $0xffff;
	_ =	sdelay $0x4  }
0x5f7: {  	[tilespmem:$0x1AC18] =	vst v18  }
0x5f8: {  	v18 =	vld.idx.msk [tilespmem:v12+s20+$0x0], $0xffff;
	_ =	sdelay $0x4  }
0x5f9: {  	[tilespmem:$0x1AC38] =	vst v18  }
0x5fa: {  	v18 =	vld.idx.msk [tilespmem:v13+s20+$0x0], $0xffff;
	_ =	sdelay $0x4  }
0x5fb: {  	[tilespmem:$0x1AC58] =	vst v18  }
0x5fc: {  	v18 =	vld.idx.msk [tilespmem:v14+s20+$0x0], $0xffff;
	_ =	sdelay $0x4  }
0x5fd: {  	[tilespmem:$0x1AC78] =	vst v18  }
0x5fe: {  	v18 =	vld.idx.msk [tilespmem:v15+s20+$0x0], $0xffff;
	_ =	sdelay $0x4  }
0x5ff: {  	[tilespmem:$0x1AC98] =	vst v18  }
0x600: {  	v18 =	vld.idx.msk [tilespmem:v16+s20+$0x0], $0xffff;
	_ =	sdelay $0x4  }
0x601: {  	[tilespmem:$0x1ACB8] =	vst v18  }
0x602: {  	v18 =	vld.idx.msk [tilespmem:v17+s20+$0x0], $0xffff;
	_ =	sdelay $0x1  }
0x603: {  	s26 =	sand.u32 $0x60, s26  }
0x604: {  	s0 =	sor.u32 s26, s31  }
0x605: {  	s0 =	sshrl.u32 s0, $0x3  }
0x606: {  	s1 =	simm.s32 $0x400;
	s31 =	simm.s32 $0x12FE8;
	s0 =	sadd.s32 s2, s0;
	[tilespmem:$0x1ACD8] =	vst v18  }
0x607: {  	[hbm4b:s0+s22] =	stream.strided.scatter [tilespmem:s31], [sflag:$0x4], $0x100, s24, s22, $0x38;
	[tilespmem:$0x1ACF8] =	vst v63  }
.LBB2_25:
0x608: {  	p0 =	sne.s32 s1, $0x1F000  }
.Ltmp11:
0x609: {  	_ = 	snop;
	(pc) =	sbr.rel @p0 .LBB2_25-.Ltmp11, $4  }
0x60a: {  	_ = 	snop  }
0x60b: {  	s6 =	sshra.s32 s1, $0x2;
	s1 =	sadd.s32 $0x400, s1  }
0x60c: {  	s0 =	sadd.s32 $0x32000, s0;
	s6 =	sadd.s32 $0x12FE8, s6  }
0x60d: {  	[hbm4b:s0+s22] =	stream.strided.scatter [tilespmem:s6], [sflag:$0x4], $0x100, s24, s22, $0x38;
	[tilespmem:$0x1ACF8] =	vst v63  }
0x60e: {  	s25 =	sadd.s32 $0x1, s25  }
0x60f: {  	p0 =	sne.s32 s25, $0x63  }
.Ltmp12:
0x610: {  	_ = 	snop;
	(pc) =	sbr.rel @p0 .LBB2_14-.Ltmp12, $3  }
0x611: {  	_ =	sdelay $0x1  }
0x612: {  	s0 =	sadd.s32 $0x50, s28  }
0x613: {  	[tilespmem:s20], [sflag:$0x2] =	stream.indirect.gather [hbm4b:s5+s18], $0x3E8, s0, s18, $0xb8;
	[tilespmem:$0x1ACF8] =	vst v63  }
0x614: {  	_ =	swait.ge [sflag:s21], $0x3E80  }
0x615: {  	[sflag:s21] =	ssyncset.done $0x0  }
0x616: {  	[sflag:s21] =	ssyncadd.s32 $0xFFFFC180  }
0x617: {  	_ =	swait.ge [sflag:s29], $0x7D00  }
0x618: {  	[sflag:s29] =	ssyncset.done $0x0  }
0x619: {  	[sflag:s29] =	ssyncadd.s32 $0xFFFF8300  }
0x61a: {  	v18 =	vld [tilespmem:$0x31C0]  }
0x61b: {  	v19 =	vld [tilespmem:$0x18C0];
	_ =	sdelay $0x3  }
0x61c: {  	v18 =	vadd.s32 v0, v18;
	_ =	sdelay $0x3  }
0x61d: {  	v19 =	vld.idx.msk [tilespmem:v19+s17+$0x0], $0xffff  }
0x61e: {  	s0 =	simm.s32 $0x10;
	v18 =	vld.idx.msk [tilespmem:v18+s19+$0x0], $0xffff  }
0x61f: {  	v20 =	vmov s0  }
0x620: {  	s6 =	simm.s32 $0x0;
	v20 =	vshrl.u32 v20, $0x3  }
0x621: {  	v22 =	vmov s6;
	v20 =	vshll.u32 v20, v2;
	v21 =	vld [tilespmem:$0x1ACE8]  }
0x622: {  	v24 =	vbroadcast v20, $0x0;
	v20 =	vshrl.u32 v22, $0x3  }
0x623: {  	s7 =	simm.s32 $0x8;
	v18 =	vsub.f32 v19, v18;
	v19 =	vshll.u32 v20, v2  }
0x624: {  	v23 =	vadd.s32 v0, v24;
	v20 =	vmov s7;
	v22 =	vbroadcast v19, $0x0  }
0x625: {  	v19 =	vshrl.u32 v20, $0x3  }
0x626: {  	v18 =	vadd.f32 v18, v21;
	v19 =	vshll.u32 v19, v2;
	v20 =	vadd.s32 v0, v22  }
0x627: {  	v25 =	vbroadcast v19, $0x0  }
0x628: {  	[tilespmem:$0x1ACE8] =	vst v18  }
0x629: {  	v18 =	vadd.s32 v0, v25;
	v19 =	vld.idx.msk [tilespmem:v23+s19+$0x0], $0xffff  }
0x62a: {  	v21 =	vadd.s32 v3, v24  }
0x62b: {  	v20 =	vld.idx.msk [tilespmem:v20+s19+$0x0], $0xffff  }
0x62c: {  	v23 =	vadd.s32 v3, v22  }
0x62d: {  	s1 =	simm.s32 $0xB4E8  }
0x62e: {  	s8 =	simm.s32 $0x18;
	v18 =	vld.idx.msk [tilespmem:v18+s19+$0x0], $0xffff;
	[tilespmem:s1+$0x0] =	vst v19  }
0x62f: {  	v26 =	vmov s8;
	v19 =	vadd.s32 v3, v25;
	v21 =	vld.idx.msk [tilespmem:v21+s19+$0x0], $0xffff  }
0x630: {  	v26 =	vshrl.u32 v26, $0x3;
	[tilespmem:s1+$0xFFFFFE00] =	vst v20;
	v20 =	vadd.s32 v4, v24  }
0x631: {  	v26 =	vshll.u32 v26, v2;
	v23 =	vld.idx.msk [tilespmem:v23+s19+$0x0], $0xffff  }
0x632: {  	v26 =	vbroadcast v26, $0x0;
	v27 =	vadd.s32 v4, v22  }
0x633: {  	s13 =	simm.s32 $0x28;
	[tilespmem:s1+$0xFFFFFF00] =	vst v18  }
0x634: {  	s14 =	simm.s32 $0x30;
	v30 =	vadd.s32 v5, v24;
	v31 =	vadd.s32 v0, v26;
	v18 =	vmov s13;
	v28 =	vld.idx.msk [tilespmem:v19+s19+$0x0], $0xffff;
	[tilespmem:s1+$0x20] =	vst v21  }
0x635: {  	s6 =	simm.s32 $0x20;
	v29 =	vadd.s32 v4, v25;
	v18 =	vshrl.u32 v18, $0x3;
	v19 =	vmov s14;
	v20 =	vld.idx.msk [tilespmem:v20+s19+$0x0], $0xffff  }
0x636: {  	v21 =	vmov s6;
	v18 =	vshll.u32 v18, v2;
	v19 =	vshrl.u32 v19, $0x3;
	[tilespmem:s1+$0xFFFFFE20] =	vst v23  }
0x637: {  	v21 =	vshrl.u32 v21, $0x3;
	v18 =	vbroadcast v18, $0x0;
	v19 =	vshll.u32 v19, v2;
	v23 =	vld.idx.msk [tilespmem:v27+s19+$0x0], $0xffff  }
0x638: {  	v21 =	vshll.u32 v21, v2;
	v19 =	vbroadcast v19, $0x0;
	v27 =	vadd.s32 v5, v22  }
0x639: {  	v21 =	vbroadcast v21, $0x0;
	[tilespmem:s1+$0xFFFFFF20] =	vst v28;
	v28 =	vadd.s32 v0, v18  }
0x63a: {  	v31 =	vld.idx.msk [tilespmem:v31+s19+$0x0], $0xffff;
	[tilespmem:s1+$0x40] =	vst v20;
	v20 =	vadd.s32 v0, v19  }
0x63b: {  	v32 =	vadd.s32 v0, v21;
	v30 =	vld.idx.msk [tilespmem:v30+s19+$0x0], $0xffff  }
0x63c: {  	v33 =	vadd.s32 v6, v24;
	v29 =	vld.idx.msk [tilespmem:v29+s19+$0x0], $0xffff;
	[tilespmem:s1+$0xFFFFFE40] =	vst v23  }
0x63d: {  	v23 =	vld.idx.msk [tilespmem:v27+s19+$0x0], $0xffff;
	v27 =	vadd.s32 v3, v26  }
0x63e: {  	v34 =	vadd.s32 v6, v22;
	v28 =	vld.idx.msk [tilespmem:v28+s19+$0x0], $0xffff  }
0x63f: {  	v35 =	vadd.s32 v3, v18;
	v20 =	vld.idx.msk [tilespmem:v20+s19+$0x0], $0xffff  }
0x640: {  	v52 =	vadd.s32 v3, v19;
	[tilespmem:s1+$0x60] =	vst v30;
	v30 =	vld.idx.msk [tilespmem:v32+s19+$0x0], $0xffff  }
0x641: {  	[tilespmem:s1+$0x100] =	vst v31;
	v31 =	vadd.s32 v3, v21;
	v33 =	vld.idx.msk [tilespmem:v33+s19+$0x0], $0xffff  }
0x642: {  	s0 =	simm.s32 $0xB8E8;
	v36 =	vadd.s32 v7, v24;
	[tilespmem:s1+$0xFFFFFE60] =	vst v23;
	v23 =	vld.idx.msk [tilespmem:v27+s19+$0x0], $0xffff  }
0x643: {  	[tilespmem:s0+$0xFFFFFF00] =	vst v28;
	v28 =	vadd.s32 v4, v26;
	v27 =	vld.idx.msk [tilespmem:v34+s19+$0x0], $0xffff  }
0x644: {  	v53 =	vadd.s32 v7, v22;
	[tilespmem:s0+$0x0] =	vst v20;
	v20 =	vld.idx.msk [tilespmem:v35+s19+$0x0], $0xffff  }
0x645: {  	v54 =	vadd.s32 v4, v18;
	v32 =	vld.idx.msk [tilespmem:v52+s19+$0x0], $0xffff;
	[tilespmem:s0+$0xFFFFFE00] =	vst v30  }
0x646: {  	[tilespmem:s1+$0x80] =	vst v33;
	v30 =	vld.idx.msk [tilespmem:v31+s19+$0x0], $0xffff;
	v31 =	vadd.s32 v4, v19  }
0x647: {  	s25 =	simm.s32 $0x38;
	v33 =	vld.idx.msk [tilespmem:v36+s19+$0x0], $0xffff;
	[tilespmem:s1+$0x120] =	vst v23;
	v23 =	vadd.s32 v4, v21  }
0x648: {  	v55 =	vmov s25;
	[tilespmem:s1+$0xFFFFFE80] =	vst v27;
	v27 =	vld.idx.msk [tilespmem:v28+s19+$0x0], $0xffff;
	v28 =	vadd.s32 v5, v25  }
0x649: {  	v37 =	vadd.s32 v5, v26;
	v34 =	vld.idx.msk [tilespmem:v53+s19+$0x0], $0xffff;
	[tilespmem:s0+$0xFFFFFF20] =	vst v20;
	v20 =	vshrl.u32 v55, $0x3  }
0x64a: {  	v56 =	vadd.s32 v8, v22;
	v35 =	vld.idx.msk [tilespmem:v54+s19+$0x0], $0xffff;
	[tilespmem:s0+$0x20] =	vst v32;
	v20 =	vshll.u32 v20, v2  }
0x64b: {  	v31 =	vld.idx.msk [tilespmem:v31+s19+$0x0], $0xffff;
	[tilespmem:s0+$0xFFFFFE20] =	vst v30;
	v30 =	vadd.s32 v8, v24;
	v20 =	vbroadcast v20, $0x0  }
0x64c: {  	[tilespmem:s1+$0xFFFFFF40] =	vst v29;
	v29 =	vld.idx.msk [tilespmem:v23+s19+$0x0], $0xffff;
	v23 =	vadd.s32 v5, v19  }
0x64d: {  	v28 =	vld.idx.msk [tilespmem:v28+s19+$0x0], $0xffff;
	[tilespmem:s1+$0x140] =	vst v27;
	v27 =	vadd.s32 v0, v20  }
0x64e: {  	s26 =	simm.s32 $0x48;
	v38 =	vadd.s32 v5, v21;
	[tilespmem:s1+$0xFFFFFEA0] =	vst v34;
	v58 =	vld.idx.msk [tilespmem:v37+s19+$0x0], $0xffff  }
0x64f: {  	s28 =	simm.s32 $0x50;
	v59 =	vmov s26;
	v57 =	vadd.s32 v6, v25;
	[tilespmem:s1+$0xA0] =	vst v33;
	v32 =	vld.idx.msk [tilespmem:v56+s19+$0x0], $0xffff  }
0x650: {  	v61 =	vmov s28;
	v60 =	vadd.s32 v6, v26;
	[tilespmem:s0+$0x40] =	vst v31;
	v30 =	vld.idx.msk [tilespmem:v30+s19+$0x0], $0xffff;
	v31 =	vshrl.u32 v59, $0x3  }
0x651: {  	v62 =	vadd.s32 v9, v22;
	v39 =	vld.idx.msk [tilespmem:v23+s19+$0x0], $0xffff;
	v23 =	vshll.u32 v31, v2;
	v31 =	vshrl.u32 v61, $0x3  }
0x652: {  	[tilespmem:s0+$0xFFFFFE40] =	vst v29;
	v22 =	vbroadcast v23, $0x0;
	v23 =	vshll.u32 v31, v2;
	v31 =	vadd.s32 v6, v19;
	v27 =	vld.idx.msk [tilespmem:v27+s19+$0x0], $0xffff  }
0x653: {  	[tilespmem:s1+$0xFFFFFF60] =	vst v28;
	v28 =	vadd.s32 v9, v24;
	v38 =	vld.idx.msk [tilespmem:v38+s19+$0x0], $0xffff  }
0x654: {  	s31 =	simm.s32 $0x40;
	v44 =	vadd.s32 v6, v21;
	v36 =	vld.idx.msk [tilespmem:v57+s19+$0x0], $0xffff;
	[tilespmem:s1+$0x160] =	vst v58  }
0x655: {  	v24 =	vmov s31;
	v23 =	vbroadcast v23, $0x0;
	v63 =	vadd.s32 v0, v22;
	v29 =	vld.idx.msk [tilespmem:v60+s19+$0x0], $0xffff;
	[tilespmem:s1+$0xFFFFFEC0] =	vst v32  }
0x656: {  	v43 =	vadd.s32 v7, v25;
	v24 =	vshrl.u32 v24, $0x3;
	v32 =	vld.idx.msk [tilespmem:v62+s19+$0x0], $0xffff;
	[tilespmem:s0+$0x60] =	vst v39  }
0x657: {  	v24 =	vshll.u32 v24, v2;
	v42 =	vadd.s32 v0, v23;
	[tilespmem:s1+$0xC0] =	vst v30;
	v31 =	vld.idx.msk [tilespmem:v31+s19+$0x0], $0xffff  }
0x658: {  	v24 =	vbroadcast v24, $0x0;
	v30 =	vadd.s32 v7, v26;
	v28 =	vld.idx.msk [tilespmem:v28+s19+$0x0], $0xffff;
	[tilespmem:s0+$0xFFFFFE60] =	vst v38  }
0x659: {  	v40 =	vadd.s32 v5, v18;
	[tilespmem:s0+$0xFFFFFF40] =	vst v35;
	v49 =	vld.idx.msk [tilespmem:v44+s19+$0x0], $0xffff  }
0x65a: {  	v45 =	vadd.s32 v0, v24;
	[tilespmem:s1+$0xFFFFFF80] =	vst v36;
	v34 =	vld.idx.msk [tilespmem:v63+s19+$0x0], $0xffff  }
0x65b: {  	v47 =	vadd.s32 v7, v19;
	[tilespmem:s0+$0x100] =	vst v27;
	v33 =	vld.idx.msk [tilespmem:v43+s19+$0x0], $0xffff  }
0x65c: {  	[tilespmem:s1+$0x180] =	vst v29;
	v29 =	vadd.s32 v3, v20;
	v46 =	vld.idx.msk [tilespmem:v42+s19+$0x0], $0xffff  }
0x65d: {  	v55 =	vadd.s32 v7, v21;
	[tilespmem:s1+$0xFFFFFEE0] =	vst v32;
	v30 =	vld.idx.msk [tilespmem:v30+s19+$0x0], $0xffff  }
0x65e: {  	v48 =	vadd.s32 v3, v22;
	v32 =	vld.idx.msk [tilespmem:v40+s19+$0x0], $0xffff;
	[tilespmem:s0+$0x80] =	vst v31  }
0x65f: {  	s6 =	simm.s32 $0xBCE8;
	v31 =	vadd.s32 v8, v25;
	v50 =	vld.idx.msk [tilespmem:v45+s19+$0x0], $0xffff;
	[tilespmem:s0+$0xFFFFFE80] =	vst v49  }
0x660: {  	v51 =	vadd.s32 v3, v23;
	v27 =	vld.idx.msk [tilespmem:v47+s19+$0x0], $0xffff;
	[tilespmem:s6+$0xFFFFFF00] =	vst v34  }
0x661: {  	v52 =	vadd.s32 v8, v26;
	v29 =	vld.idx.msk [tilespmem:v29+s19+$0x0], $0xffff;
	[tilespmem:s1+$0xFFFFFFA0] =	vst v33  }
0x662: {  	v53 =	vadd.s32 v3, v24;
	v60 =	vld.idx.msk [tilespmem:v55+s19+$0x0], $0xffff;
	[tilespmem:s6+$0x0] =	vst v46  }
0x663: {  	v56 =	vadd.s32 v4, v20;
	v54 =	vld.idx.msk [tilespmem:v48+s19+$0x0], $0xffff;
	[tilespmem:s1+$0x1A0] =	vst v30  }
0x664: {  	v30 =	vadd.s32 v4, v22;
	v31 =	vld.idx.msk [tilespmem:v31+s19+$0x0], $0xffff;
	[tilespmem:s6+$0xFFFFFE00] =	vst v50  }
0x665: {  	v25 =	vadd.s32 v9, v25;
	v39 =	vld.idx.msk [tilespmem:v51+s19+$0x0], $0xffff;
	[tilespmem:s0+$0xA0] =	vst v27  }
0x666: {  	v59 =	vadd.s32 v4, v23;
	v57 =	vld.idx.msk [tilespmem:v52+s19+$0x0], $0xffff;
	[tilespmem:s0+$0x120] =	vst v29  }
0x667: {  	v26 =	vadd.s32 v9, v26;
	v58 =	vld.idx.msk [tilespmem:v53+s19+$0x0], $0xffff;
	[tilespmem:s0+$0xFFFFFEA0] =	vst v60  }
0x668: {  	s7 =	simm.s32 $0x58;
	v29 =	vadd.s32 v4, v24;
	[tilespmem:s6+$0xFFFFFF20] =	vst v54;
	v61 =	vld.idx.msk [tilespmem:v56+s19+$0x0], $0xffff  }
0x669: {  	v63 =	vadd.s32 v5, v20;
	v27 =	vmov s7;
	v62 =	vld.idx.msk [tilespmem:v30+s19+$0x0], $0xffff;
	[tilespmem:s1+$0xFFFFFFC0] =	vst v31  }
0x66a: {  	v37 =	vadd.s32 v8, v21;
	[tilespmem:s6+$0x20] =	vst v39;
	v30 =	vld.idx.msk [tilespmem:v25+s19+$0x0], $0xffff;
	v25 =	vshrl.u32 v27, $0x3  }
0x66b: {  	v35 =	vadd.s32 v8, v19;
	[tilespmem:s1+$0x1C0] =	vst v57;
	v33 =	vld.idx.msk [tilespmem:v59+s19+$0x0], $0xffff;
	v25 =	vshll.u32 v25, v2  }
0x66c: {  	v36 =	vadd.s32 v5, v23;
	v31 =	vld.idx.msk [tilespmem:v26+s19+$0x0], $0xffff;
	[tilespmem:s6+$0xFFFFFE20] =	vst v58;
	v25 =	vbroadcast v25, $0x0  }
0x66d: {  	v26 =	vadd.s32 v6, v22;
	v29 =	vld.idx.msk [tilespmem:v29+s19+$0x0], $0xffff;
	[tilespmem:s0+$0x140] =	vst v61  }
0x66e: {  	s8 =	simm.s32 $0x60;
	s7 =	simm.s32 $0x8;
	v27 =	vadd.s32 v6, v18;
	[tilespmem:s6+$0xFFFFFF40] =	vst v62;
	v34 =	vld.idx.msk [tilespmem:v63+s19+$0x0], $0xffff;
	v38 =	vadd.s32 v0, v25  }
.LBB2_28:
0x66f: {  	s13 =	sadd.s32 $0x8, s8;
	s7 =	sadd.s32 $0x4, s7;
	v37 =	vld.idx.msk [tilespmem:v37+s19+$0x0], $0xffff;
	[tilespmem:s1+$0xE0] =	vst v28  }
0x670: {  	v28 =	vmov s13;
	s13 =	sadd.s32 $0x10, s8;
	p0 =	slt.u32 s7, $0x78;
	[tilespmem:s6+$0x40] =	vst v33;
	v33 =	vld.idx.msk [tilespmem:v35+s19+$0x0], $0xffff;
	v35 =	vadd.s32 v6, v20  }
0x671: {  	v40 =	vadd.s32 v5, v24;
	v28 =	vshrl.u32 v28, $0x3;
	v39 =	vmov s13;
	v36 =	vld.idx.msk [tilespmem:v36+s19+$0x0], $0xffff;
	[tilespmem:s1+$0xFFFFFFE0] =	vst v30  }
0x672: {  	v28 =	vshll.u32 v28, v2;
	v30 =	vshrl.u32 v39, $0x3;
	v39 =	vadd.s32 v9, v21;
	[tilespmem:s1+$0x1E0] =	vst v31;
	v21 =	vmovc v24;
	s1 =	smov.u32 s0;
	s0 =	smov.u32 s6  }
0x673: {  	v31 =	vbroadcast v28, $0x0;
	v24 =	vshll.u32 v30, v2;
	v28 =	vadd.s32 v6, v23;
	v30 =	vld.idx.msk [tilespmem:v38+s19+$0x0], $0xffff;
	[tilespmem:s1+$0xFFFFFF60] =	vst v32  }
0x674: {  	v41 =	vadd.s32 v9, v19;
	v19 =	vmovc v23;
	v32 =	vmov s8;
	v38 =	vld.idx.msk [tilespmem:v27+s19+$0x0], $0xffff;
	[tilespmem:s1+$0x160] =	vst v34;
	v23 =	vbroadcast v24, $0x0;
	v27 =	vmovc v26  }
0x675: {  	v24 =	vshrl.u32 v32, $0x3;
	v32 =	vadd.s32 v0, v31;
	v26 =	vadd.s32 v6, v31;
	[tilespmem:s6+$0xFFFFFE40] =	vst v29;
	v29 =	vld.idx.msk [tilespmem:v35+s19+$0x0], $0xffff  }
0x676: {  	v24 =	vshll.u32 v24, v2;
	v34 =	vadd.s32 v0, v23;
	v35 =	vld.idx.msk [tilespmem:v40+s19+$0x0], $0xffff;
	[tilespmem:s1+$0xFFFFFEC0] =	vst v37  }
0x677: {  	v24 =	vbroadcast v24, $0x0;
	v37 =	vadd.s32 v7, v18;
	[tilespmem:s6+$0x60] =	vst v36;
	v36 =	vld.idx.msk [tilespmem:v39+s19+$0x0], $0xffff  }
0x678: {  	v39 =	vld.idx.msk [tilespmem:v28+s19+$0x0], $0xffff;
	[tilespmem:s1+$0xC0] =	vst v33;
	v33 =	vadd.s32 v7, v20  }
0x679: {  	v42 =	vadd.s32 v6, v21;
	v40 =	vadd.s32 v0, v24;
	v28 =	vld.idx.msk [tilespmem:v41+s19+$0x0], $0xffff  }
0x67a: {  	v32 =	vld.idx.msk [tilespmem:v32+s19+$0x0], $0xffff;
	[tilespmem:s1+$0xFFFFFF80] =	vst v38  }
0x67b: {  	v38 =	vadd.s32 v7, v19;
	v34 =	vld.idx.msk [tilespmem:v34+s19+$0x0], $0xffff;
	[tilespmem:s1+$0x180] =	vst v29  }
0x67c: {  	v29 =	vadd.s32 v3, v31;
	[tilespmem:s6+$0xFFFFFE60] =	vst v35;
	v35 =	vadd.s32 v3, v25;
	v37 =	vld.idx.msk [tilespmem:v37+s19+$0x0], $0xffff  }
0x67d: {  	[tilespmem:s1+$0xFFFFFEE0] =	vst v36;
	v33 =	vld.idx.msk [tilespmem:v33+s19+$0x0], $0xffff  }
0x67e: {  	v36 =	vld.idx.msk [tilespmem:v42+s19+$0x0], $0xffff;
	[tilespmem:s6+$0x80] =	vst v39;
	v39 =	vadd.s32 v8, v18  }
0x67f: {  	v41 =	vadd.s32 v3, v23;
	s6 =	sadd.s32 $0x400, s6;
	v40 =	vld.idx.msk [tilespmem:v40+s19+$0x0], $0xffff;
	[tilespmem:s0+$0x100] =	vst v30  }
0x680: {  	v30 =	vadd.s32 v3, v24;
	[tilespmem:s6+$0xFFFFFF00] =	vst v32;
	v32 =	vld.idx.msk [tilespmem:v38+s19+$0x0], $0xffff;
	v38 =	vadd.s32 v8, v20  }
0x681: {  	[tilespmem:s6+$0x0] =	vst v34;
	v34 =	vld.idx.msk [tilespmem:v35+s19+$0x0], $0xffff  }
0x682: {  	v35 =	vadd.s32 v7, v21;
	v29 =	vld.idx.msk [tilespmem:v29+s19+$0x0], $0xffff;
	[tilespmem:s1+$0xFFFFFFA0] =	vst v37  }
0x683: {  	v37 =	vadd.s32 v4, v25;
	v39 =	vld.idx.msk [tilespmem:v39+s19+$0x0], $0xffff;
	[tilespmem:s1+$0x1A0] =	vst v33  }
0x684: {  	v33 =	vadd.s32 v4, v31;
	v41 =	vld.idx.msk [tilespmem:v41+s19+$0x0], $0xffff;
	[tilespmem:s0+$0xFFFFFE80] =	vst v36  }
0x685: {  	v36 =	vadd.s32 v9, v18;
	v18 =	vmov v22;
	v22 =	vmov v31;
	[tilespmem:s6+$0xFFFFFE00] =	vst v40;
	v38 =	vld.idx.msk [tilespmem:v38+s19+$0x0], $0xffff  }
0x686: {  	v40 =	vadd.s32 v4, v23;
	v31 =	vld.idx.msk [tilespmem:v30+s19+$0x0], $0xffff;
	[tilespmem:s0+$0xA0] =	vst v32  }
0x687: {  	v32 =	vld.idx.msk [tilespmem:v35+s19+$0x0], $0xffff;
	[tilespmem:s0+$0x120] =	vst v34;
	v34 =	vadd.s32 v9, v20;
	v20 =	vmov v25  }
0x688: {  	v25 =	vadd.s32 v4, v24;
	[tilespmem:s6+$0xFFFFFF20] =	vst v29;
	v42 =	vld.idx.msk [tilespmem:v37+s19+$0x0], $0xffff  }
0x689: {  	s13 =	sadd.s32 $0x18, s8;
	v44 =	vadd.s32 v5, v18;
	v43 =	vld.idx.msk [tilespmem:v33+s19+$0x0], $0xffff;
	[tilespmem:s1+$0xFFFFFFC0] =	vst v39  }
0x68a: {  	v29 =	vmov s13;
	v39 =	vadd.s32 v5, v20;
	[tilespmem:s6+$0x20] =	vst v41;
	v30 =	vld.idx.msk [tilespmem:v36+s19+$0x0], $0xffff  }
.Ltmp13:
0x68b: {  	v37 =	vadd.s32 v8, v21;
	v29 =	vshrl.u32 v29, $0x3;
	v33 =	vld.idx.msk [tilespmem:v40+s19+$0x0], $0xffff;
	[tilespmem:s1+$0x1C0] =	vst v38;
	(pc) =	sbr.rel @p0 .LBB2_28-.Ltmp13, $4  }
0x68c: {  	v35 =	vadd.s32 v8, v19;
	v38 =	vshll.u32 v29, v2;
	[tilespmem:s6+$0xFFFFFE20] =	vst v31;
	v31 =	vld.idx.msk [tilespmem:v34+s19+$0x0], $0xffff  }
0x68d: {  	v36 =	vadd.s32 v5, v23;
	v29 =	vld.idx.msk [tilespmem:v25+s19+$0x0], $0xffff;
	v25 =	vbroadcast v38, $0x0;
	[tilespmem:s0+$0xFFFFFEA0] =	vst v32  }
0x68e: {  	v32 =	vld.idx.msk [tilespmem:v44+s19+$0x0], $0xffff;
	[tilespmem:s0+$0x140] =	vst v42  }
0x68f: {  	s8 =	sadd.s32 $0x20, s8;
	[tilespmem:s6+$0xFFFFFF40] =	vst v43;
	v38 =	vadd.s32 v0, v25;
	v34 =	vld.idx.msk [tilespmem:v39+s19+$0x0], $0xffff  }
0x690: {  	_ =	sdelay $0x3  }
0x691: {  	v38 =	vld.idx.msk [tilespmem:v38+s19+$0x0], $0xffff  }
0x692: {  	v39 =	vadd.s32 v3, v25;
	_ =	sdelay $0x3  }
0x693: {  	[tilespmem:s6+$0x100] =	vst v38  }
0x694: {  	v38 =	vld.idx.msk [tilespmem:v39+s19+$0x0], $0xffff  }
0x695: {  	[tilespmem:s1+$0xE0] =	vst v28;
	v28 =	vadd.s32 v4, v25  }
0x696: {  	[tilespmem:s6+$0x40] =	vst v33  }
0x697: {  	[tilespmem:s1+$0xFFFFFFE0] =	vst v30;
	v60 =	vadd.s32 v5, v24  }
0x698: {  	v30 =	vld.idx.msk [tilespmem:v37+s19+$0x0], $0xffff;
	[tilespmem:s1+$0x1E0] =	vst v31;
	v31 =	vadd.s32 v6, v20  }
0x699: {  	v61 =	vadd.s32 v5, v22;
	v36 =	vld.idx.msk [tilespmem:v36+s19+$0x0], $0xffff;
	[tilespmem:s6+$0x120] =	vst v38  }
0x69a: {  	v21 =	vadd.s32 v9, v21;
	[tilespmem:s0+$0xFFFFFF60] =	vst v32;
	v28 =	vld.idx.msk [tilespmem:v28+s19+$0x0], $0xffff  }
0x69b: {  	v62 =	vadd.s32 v5, v25;
	[tilespmem:s6+$0xFFFFFE40] =	vst v29;
	v27 =	vld.idx.msk [tilespmem:v27+s19+$0x0], $0xffff  }
0x69c: {  	v29 =	vadd.s32 v6, v23;
	[tilespmem:s0+$0x160] =	vst v34;
	v33 =	vld.idx.msk [tilespmem:v60+s19+$0x0], $0xffff  }
0x69d: {  	[tilespmem:s0+$0xFFFFFEC0] =	vst v30;
	v30 =	vld.idx.msk [tilespmem:v31+s19+$0x0], $0xffff;
	v31 =	vadd.s32 v6, v24  }
0x69e: {  	v32 =	vld.idx.msk [tilespmem:v61+s19+$0x0], $0xffff;
	[tilespmem:s6+$0x60] =	vst v36  }
0x69f: {  	v63 =	vadd.s32 v7, v18;
	v21 =	vld.idx.msk [tilespmem:v21+s19+$0x0], $0xffff;
	[tilespmem:s6+$0x140] =	vst v28  }
0x6a0: {  	[tilespmem:s0+$0xFFFFFF80] =	vst v27;
	v28 =	vld.idx.msk [tilespmem:v62+s19+$0x0], $0xffff  }
0x6a1: {  	v29 =	vld.idx.msk [tilespmem:v29+s19+$0x0], $0xffff;
	v27 =	vadd.s32 v6, v25;
	[tilespmem:s6+$0xFFFFFE60] =	vst v33  }
0x6a2: {  	v37 =	vadd.s32 v7, v20;
	[tilespmem:s0+$0x180] =	vst v30;
	v30 =	vld.idx.msk [tilespmem:v31+s19+$0x0], $0xffff  }
0x6a3: {  	v35 =	vld.idx.msk [tilespmem:v35+s19+$0x0], $0xffff;
	v39 =	vadd.s32 v7, v24;
	[tilespmem:s6+$0xFFFFFF60] =	vst v32  }
0x6a4: {  	v19 =	vadd.s32 v9, v19;
	v31 =	vld.idx.msk [tilespmem:v63+s19+$0x0], $0xffff;
	[tilespmem:s0+$0xFFFFFEE0] =	vst v21  }
0x6a5: {  	v38 =	vadd.s32 v7, v23;
	v26 =	vld.idx.msk [tilespmem:v26+s19+$0x0], $0xffff;
	[tilespmem:s6+$0x160] =	vst v28  }
0x6a6: {  	[tilespmem:s6+$0x80] =	vst v29;
	v21 =	vld.idx.msk [tilespmem:v27+s19+$0x0], $0xffff;
	v27 =	vadd.s32 v7, v22  }
0x6a7: {  	v29 =	vadd.s32 v7, v25;
	[tilespmem:s6+$0xFFFFFE80] =	vst v30;
	v28 =	vld.idx.msk [tilespmem:v37+s19+$0x0], $0xffff  }
0x6a8: {  	v40 =	vadd.s32 v8, v18;
	[tilespmem:s0+$0xC0] =	vst v35;
	v30 =	vld.idx.msk [tilespmem:v39+s19+$0x0], $0xffff  }
0x6a9: {  	v42 =	vadd.s32 v8, v24;
	v19 =	vld.idx.msk [tilespmem:v19+s19+$0x0], $0xffff;
	[tilespmem:s0+$0xFFFFFFA0] =	vst v31  }
0x6aa: {  	v41 =	vadd.s32 v8, v20;
	v33 =	vld.idx.msk [tilespmem:v38+s19+$0x0], $0xffff;
	[tilespmem:s6+$0xFFFFFF80] =	vst v26  }
0x6ab: {  	v26 =	vadd.s32 v8, v23;
	[tilespmem:s6+$0x180] =	vst v21;
	v21 =	vld.idx.msk [tilespmem:v27+s19+$0x0], $0xffff  }
0x6ac: {  	[tilespmem:s0+$0x1A0] =	vst v28;
	v28 =	vadd.s32 v8, v22;
	v27 =	vld.idx.msk [tilespmem:v29+s19+$0x0], $0xffff  }
0x6ad: {  	v43 =	vadd.s32 v8, v25;
	v31 =	vld.idx.msk [tilespmem:v40+s19+$0x0], $0xffff;
	[tilespmem:s6+$0xFFFFFEA0] =	vst v30  }
0x6ae: {  	v18 =	vadd.s32 v9, v18;
	[tilespmem:s0+$0xE0] =	vst v19;
	v30 =	vld.idx.msk [tilespmem:v42+s19+$0x0], $0xffff  }
0x6af: {  	v24 =	vadd.s32 v9, v24;
	[tilespmem:s6+$0xA0] =	vst v33;
	v29 =	vld.idx.msk [tilespmem:v41+s19+$0x0], $0xffff  }
0x6b0: {  	v20 =	vadd.s32 v9, v20;
	v26 =	vld.idx.msk [tilespmem:v26+s19+$0x0], $0xffff;
	[tilespmem:s6+$0xFFFFFFA0] =	vst v21  }
0x6b1: {  	v21 =	vadd.s32 v9, v23;
	v23 =	vld.idx.msk [tilespmem:v28+s19+$0x0], $0xffff;
	[tilespmem:s6+$0x1A0] =	vst v27  }
0x6b2: {  	[tilespmem:s0+$0xFFFFFFC0] =	vst v31;
	v22 =	vadd.s32 v9, v22;
	v27 =	vld.idx.msk [tilespmem:v43+s19+$0x0], $0xffff  }
0x6b3: {  	v19 =	vadd.s32 v9, v25;
	v18 =	vld.idx.msk [tilespmem:v18+s19+$0x0], $0xffff;
	[tilespmem:s6+$0xFFFFFEC0] =	vst v30  }
0x6b4: {  	v24 =	vld.idx.msk [tilespmem:v24+s19+$0x0], $0xffff;
	[tilespmem:s0+$0x1C0] =	vst v29  }
0x6b5: {  	[tilespmem:s6+$0xC0] =	vst v26;
	v20 =	vld.idx.msk [tilespmem:v20+s19+$0x0], $0xffff  }
0x6b6: {  	v21 =	vld.idx.msk [tilespmem:v21+s19+$0x0], $0xffff;
	[tilespmem:s6+$0xFFFFFFC0] =	vst v23  }
0x6b7: {  	v22 =	vld.idx.msk [tilespmem:v22+s19+$0x0], $0xffff;
	[tilespmem:s6+$0x1C0] =	vst v27  }
0x6b8: {  	[tilespmem:s0+$0xFFFFFFE0] =	vst v18;
	v18 =	vld.idx.msk [tilespmem:v19+s19+$0x0], $0xffff  }
0x6b9: {  	[tilespmem:s6+$0xFFFFFEE0] =	vst v24  }
0x6ba: {  	[tilespmem:s0+$0x1E0] =	vst v20  }
0x6bb: {  	[tilespmem:s6+$0xE0] =	vst v21  }
0x6bc: {  	[tilespmem:s6+$0xFFFFFFE0] =	vst v22  }
0x6bd: {  	[tilespmem:s6+$0x1E0] =	vst v18  }
0x6be: {  	v18 =	vld.idx.msk [tilespmem:v10+s19+$0x0], $0xffff;
	_ =	sdelay $0x4  }
0x6bf: {  	[tilespmem:$0x12EE8] =	vst v18  }
0x6c0: {  	v18 =	vld.idx.msk [tilespmem:v11+s19+$0x0], $0xffff;
	_ =	sdelay $0x4  }
0x6c1: {  	[tilespmem:$0x12F08] =	vst v18  }
0x6c2: {  	v18 =	vld.idx.msk [tilespmem:v12+s19+$0x0], $0xffff;
	_ =	sdelay $0x4  }
0x6c3: {  	[tilespmem:$0x12F28] =	vst v18  }
0x6c4: {  	v18 =	vld.idx.msk [tilespmem:v13+s19+$0x0], $0xffff;
	_ =	sdelay $0x4  }
0x6c5: {  	[tilespmem:$0x12F48] =	vst v18  }
0x6c6: {  	v18 =	vld.idx.msk [tilespmem:v14+s19+$0x0], $0xffff;
	_ =	sdelay $0x4  }
0x6c7: {  	[tilespmem:$0x12F68] =	vst v18  }
0x6c8: {  	v18 =	vld.idx.msk [tilespmem:v15+s19+$0x0], $0xffff;
	_ =	sdelay $0x4  }
0x6c9: {  	[tilespmem:$0x12F88] =	vst v18  }
0x6ca: {  	v18 =	vld.idx.msk [tilespmem:v16+s19+$0x0], $0xffff;
	_ =	sdelay $0x4  }
0x6cb: {  	[tilespmem:$0x12FA8] =	vst v18  }
0x6cc: {  	v18 =	vld.idx.msk [tilespmem:v17+s19+$0x0], $0xffff;
	_ =	sdelay $0x4  }
0x6cd: {  	s28 =	simm.s32 $0x18E0;
	[tilespmem:$0x12FC8] =	vst v18  }
0x6ce: {  	[tilespmem:s19], [sflag:$0x1] =	stream.indirect.gather [hbm4b:s5+s18], $0x3E8, s28, s18, $0xb8;
	[tilespmem:$0x1ACF8] =	vst v63  }
0x6cf: {  	_ =	swait.ge [sflag:s23], $0x3E80  }
0x6d0: {  	[sflag:s23] =	ssyncset.done $0x0  }
0x6d1: {  	[sflag:s23] =	ssyncadd.s32 $0xFFFFC180  }
0x6d2: {  	v18 =	vld [tilespmem:$0x31D0]  }
0x6d3: {  	v19 =	vld [tilespmem:$0x18D0];
	_ =	sdelay $0x3  }
0x6d4: {  	v18 =	vadd.s32 v0, v18;
	_ =	sdelay $0x3  }
0x6d5: {  	v19 =	vld.idx.msk [tilespmem:v19+s17+$0x0], $0xffff  }
0x6d6: {  	s31 =	simm.s32 $0x10;
	v18 =	vld.idx.msk [tilespmem:v18+s20+$0x0], $0xffff  }
0x6d7: {  	v20 =	vmov s31  }
0x6d8: {  	s1 =	simm.s32 $0x0;
	v20 =	vshrl.u32 v20, $0x3  }
0x6d9: {  	v20 =	vshll.u32 v20, v2;
	v22 =	vmov s1;
	v21 =	vld [tilespmem:$0x1ACE8]  }
0x6da: {  	v24 =	vbroadcast v20, $0x0;
	v20 =	vshrl.u32 v22, $0x3  }
0x6db: {  	s6 =	simm.s32 $0x8;
	v18 =	vsub.f32 v19, v18;
	v19 =	vshll.u32 v20, v2  }
0x6dc: {  	v23 =	vadd.s32 v0, v24;
	v20 =	vmov s6;
	v22 =	vbroadcast v19, $0x0  }
0x6dd: {  	v19 =	vshrl.u32 v20, $0x3  }
0x6de: {  	v18 =	vadd.f32 v18, v21;
	v19 =	vshll.u32 v19, v2;
	v20 =	vadd.s32 v0, v22  }
0x6df: {  	v25 =	vbroadcast v19, $0x0  }
0x6e0: {  	[tilespmem:$0x1ACE8] =	vst v18  }
0x6e1: {  	v18 =	vadd.s32 v0, v25;
	v19 =	vld.idx.msk [tilespmem:v23+s20+$0x0], $0xffff  }
0x6e2: {  	v21 =	vadd.s32 v3, v24  }
0x6e3: {  	v20 =	vld.idx.msk [tilespmem:v20+s20+$0x0], $0xffff  }
0x6e4: {  	v23 =	vadd.s32 v3, v22  }
0x6e5: {  	s1 =	simm.s32 $0xB4F8  }
0x6e6: {  	s7 =	simm.s32 $0x18;
	v18 =	vld.idx.msk [tilespmem:v18+s20+$0x0], $0xffff;
	[tilespmem:s1+$0x0] =	vst v19  }
0x6e7: {  	v26 =	vmov s7;
	v19 =	vadd.s32 v3, v25;
	v21 =	vld.idx.msk [tilespmem:v21+s20+$0x0], $0xffff  }
0x6e8: {  	v26 =	vshrl.u32 v26, $0x3;
	[tilespmem:s1+$0xFFFFFE00] =	vst v20;
	v20 =	vadd.s32 v4, v24  }
0x6e9: {  	v26 =	vshll.u32 v26, v2;
	v23 =	vld.idx.msk [tilespmem:v23+s20+$0x0], $0xffff  }
0x6ea: {  	v26 =	vbroadcast v26, $0x0;
	v27 =	vadd.s32 v4, v22  }
0x6eb: {  	s8 =	simm.s32 $0x28;
	[tilespmem:s1+$0xFFFFFF00] =	vst v18  }
0x6ec: {  	s13 =	simm.s32 $0x30;
	v31 =	vadd.s32 v0, v26;
	v30 =	vadd.s32 v5, v24;
	v18 =	vmov s8;
	v28 =	vld.idx.msk [tilespmem:v19+s20+$0x0], $0xffff;
	[tilespmem:s1+$0x20] =	vst v21  }
0x6ed: {  	s14 =	simm.s32 $0x20;
	v29 =	vadd.s32 v4, v25;
	v18 =	vshrl.u32 v18, $0x3;
	v19 =	vmov s13;
	v20 =	vld.idx.msk [tilespmem:v20+s20+$0x0], $0xffff  }
0x6ee: {  	v21 =	vmov s14;
	v18 =	vshll.u32 v18, v2;
	v19 =	vshrl.u32 v19, $0x3;
	[tilespmem:s1+$0xFFFFFE20] =	vst v23  }
0x6ef: {  	v21 =	vshrl.u32 v21, $0x3;
	v18 =	vbroadcast v18, $0x0;
	v19 =	vshll.u32 v19, v2;
	v23 =	vld.idx.msk [tilespmem:v27+s20+$0x0], $0xffff  }
0x6f0: {  	v21 =	vshll.u32 v21, v2;
	v19 =	vbroadcast v19, $0x0;
	v27 =	vadd.s32 v5, v22  }
0x6f1: {  	v21 =	vbroadcast v21, $0x0;
	[tilespmem:s1+$0xFFFFFF20] =	vst v28;
	v28 =	vadd.s32 v0, v18  }
0x6f2: {  	v31 =	vld.idx.msk [tilespmem:v31+s20+$0x0], $0xffff;
	[tilespmem:s1+$0x40] =	vst v20;
	v20 =	vadd.s32 v0, v19  }
0x6f3: {  	v44 =	vadd.s32 v0, v21;
	v30 =	vld.idx.msk [tilespmem:v30+s20+$0x0], $0xffff  }
0x6f4: {  	v45 =	vadd.s32 v6, v24;
	v29 =	vld.idx.msk [tilespmem:v29+s20+$0x0], $0xffff;
	[tilespmem:s1+$0xFFFFFE40] =	vst v23  }
0x6f5: {  	v23 =	vld.idx.msk [tilespmem:v27+s20+$0x0], $0xffff;
	v27 =	vadd.s32 v3, v26  }
0x6f6: {  	v46 =	vadd.s32 v6, v22;
	v28 =	vld.idx.msk [tilespmem:v28+s20+$0x0], $0xffff  }
0x6f7: {  	v47 =	vadd.s32 v3, v18;
	v20 =	vld.idx.msk [tilespmem:v20+s20+$0x0], $0xffff  }
0x6f8: {  	v48 =	vadd.s32 v3, v19;
	[tilespmem:s1+$0x60] =	vst v30;
	v30 =	vld.idx.msk [tilespmem:v44+s20+$0x0], $0xffff  }
0x6f9: {  	[tilespmem:s1+$0x100] =	vst v31;
	v31 =	vadd.s32 v3, v21;
	v33 =	vld.idx.msk [tilespmem:v45+s20+$0x0], $0xffff  }
0x6fa: {  	s0 =	simm.s32 $0xB8F8;
	v49 =	vadd.s32 v7, v24;
	[tilespmem:s1+$0xFFFFFE60] =	vst v23;
	v23 =	vld.idx.msk [tilespmem:v27+s20+$0x0], $0xffff  }
0x6fb: {  	[tilespmem:s0+$0xFFFFFF00] =	vst v28;
	v28 =	vadd.s32 v4, v26;
	v27 =	vld.idx.msk [tilespmem:v46+s20+$0x0], $0xffff  }
0x6fc: {  	v50 =	vadd.s32 v7, v22;
	[tilespmem:s0+$0x0] =	vst v20;
	v20 =	vld.idx.msk [tilespmem:v47+s20+$0x0], $0xffff  }
0x6fd: {  	v51 =	vadd.s32 v4, v18;
	v32 =	vld.idx.msk [tilespmem:v48+s20+$0x0], $0xffff;
	[tilespmem:s0+$0xFFFFFE00] =	vst v30  }
0x6fe: {  	[tilespmem:s1+$0x80] =	vst v33;
	v30 =	vld.idx.msk [tilespmem:v31+s20+$0x0], $0xffff;
	v31 =	vadd.s32 v4, v19  }
0x6ff: {  	s25 =	simm.s32 $0x38;
	v33 =	vld.idx.msk [tilespmem:v49+s20+$0x0], $0xffff;
	[tilespmem:s1+$0x120] =	vst v23;
	v23 =	vadd.s32 v4, v21  }
0x700: {  	v52 =	vmov s25;
	[tilespmem:s1+$0xFFFFFE80] =	vst v27;
	v27 =	vld.idx.msk [tilespmem:v28+s20+$0x0], $0xffff;
	v28 =	vadd.s32 v5, v25  }
0x701: {  	v53 =	vadd.s32 v5, v26;
	v34 =	vld.idx.msk [tilespmem:v50+s20+$0x0], $0xffff;
	[tilespmem:s0+$0xFFFFFF20] =	vst v20;
	v20 =	vshrl.u32 v52, $0x3  }
0x702: {  	v54 =	vadd.s32 v8, v22;
	v35 =	vld.idx.msk [tilespmem:v51+s20+$0x0], $0xffff;
	[tilespmem:s0+$0x20] =	vst v32;
	v20 =	vshll.u32 v20, v2  }
0x703: {  	v31 =	vld.idx.msk [tilespmem:v31+s20+$0x0], $0xffff;
	[tilespmem:s0+$0xFFFFFE20] =	vst v30;
	v30 =	vadd.s32 v8, v24;
	v20 =	vbroadcast v20, $0x0  }
0x704: {  	[tilespmem:s1+$0xFFFFFF40] =	vst v29;
	v29 =	vld.idx.msk [tilespmem:v23+s20+$0x0], $0xffff;
	v23 =	vadd.s32 v5, v19  }
0x705: {  	v28 =	vld.idx.msk [tilespmem:v28+s20+$0x0], $0xffff;
	[tilespmem:s1+$0x140] =	vst v27;
	v27 =	vadd.s32 v0, v20  }
0x706: {  	s26 =	simm.s32 $0x48;
	v60 =	vadd.s32 v5, v21;
	[tilespmem:s1+$0xFFFFFEA0] =	vst v34;
	v56 =	vld.idx.msk [tilespmem:v53+s20+$0x0], $0xffff  }
0x707: {  	v57 =	vmov s26;
	s28 =	simm.s32 $0x50;
	v55 =	vadd.s32 v6, v25;
	[tilespmem:s1+$0xA0] =	vst v33;
	v32 =	vld.idx.msk [tilespmem:v54+s20+$0x0], $0xffff  }
0x708: {  	v58 =	vadd.s32 v6, v26;
	v59 =	vmov s28;
	[tilespmem:s0+$0x40] =	vst v31;
	v30 =	vld.idx.msk [tilespmem:v30+s20+$0x0], $0xffff;
	v31 =	vshrl.u32 v57, $0x3  }
0x709: {  	v62 =	vadd.s32 v9, v22;
	v61 =	vld.idx.msk [tilespmem:v23+s20+$0x0], $0xffff;
	v23 =	vshll.u32 v31, v2;
	v31 =	vshrl.u32 v59, $0x3  }
0x70a: {  	[tilespmem:s0+$0xFFFFFE40] =	vst v29;
	v22 =	vbroadcast v23, $0x0;
	v23 =	vshll.u32 v31, v2;
	v31 =	vadd.s32 v6, v19;
	v27 =	vld.idx.msk [tilespmem:v27+s20+$0x0], $0xffff  }
0x70b: {  	[tilespmem:s1+$0xFFFFFF60] =	vst v28;
	v28 =	vadd.s32 v9, v24;
	v38 =	vld.idx.msk [tilespmem:v60+s20+$0x0], $0xffff  }
0x70c: {  	s31 =	simm.s32 $0x40;
	v44 =	vadd.s32 v6, v21;
	v36 =	vld.idx.msk [tilespmem:v55+s20+$0x0], $0xffff;
	[tilespmem:s1+$0x160] =	vst v56  }
0x70d: {  	v24 =	vmov s31;
	v23 =	vbroadcast v23, $0x0;
	v63 =	vadd.s32 v0, v22;
	v29 =	vld.idx.msk [tilespmem:v58+s20+$0x0], $0xffff;
	[tilespmem:s1+$0xFFFFFEC0] =	vst v32  }
0x70e: {  	v43 =	vadd.s32 v7, v25;
	v24 =	vshrl.u32 v24, $0x3;
	v32 =	vld.idx.msk [tilespmem:v62+s20+$0x0], $0xffff;
	[tilespmem:s0+$0x60] =	vst v61  }
0x70f: {  	v24 =	vshll.u32 v24, v2;
	v42 =	vadd.s32 v0, v23;
	[tilespmem:s1+$0xC0] =	vst v30;
	v31 =	vld.idx.msk [tilespmem:v31+s20+$0x0], $0xffff  }
0x710: {  	v24 =	vbroadcast v24, $0x0;
	v30 =	vadd.s32 v7, v26;
	v28 =	vld.idx.msk [tilespmem:v28+s20+$0x0], $0xffff;
	[tilespmem:s0+$0xFFFFFE60] =	vst v38  }
0x711: {  	v40 =	vadd.s32 v5, v18;
	[tilespmem:s0+$0xFFFFFF40] =	vst v35;
	v49 =	vld.idx.msk [tilespmem:v44+s20+$0x0], $0xffff  }
0x712: {  	v45 =	vadd.s32 v0, v24;
	[tilespmem:s1+$0xFFFFFF80] =	vst v36;
	v34 =	vld.idx.msk [tilespmem:v63+s20+$0x0], $0xffff  }
0x713: {  	v47 =	vadd.s32 v7, v19;
	[tilespmem:s0+$0x100] =	vst v27;
	v33 =	vld.idx.msk [tilespmem:v43+s20+$0x0], $0xffff  }
0x714: {  	[tilespmem:s1+$0x180] =	vst v29;
	v29 =	vadd.s32 v3, v20;
	v46 =	vld.idx.msk [tilespmem:v42+s20+$0x0], $0xffff  }
0x715: {  	v55 =	vadd.s32 v7, v21;
	[tilespmem:s1+$0xFFFFFEE0] =	vst v32;
	v30 =	vld.idx.msk [tilespmem:v30+s20+$0x0], $0xffff  }
0x716: {  	v48 =	vadd.s32 v3, v22;
	v32 =	vld.idx.msk [tilespmem:v40+s20+$0x0], $0xffff;
	[tilespmem:s0+$0x80] =	vst v31  }
0x717: {  	s6 =	simm.s32 $0xBCF8;
	v31 =	vadd.s32 v8, v25;
	v50 =	vld.idx.msk [tilespmem:v45+s20+$0x0], $0xffff;
	[tilespmem:s0+$0xFFFFFE80] =	vst v49  }
0x718: {  	v51 =	vadd.s32 v3, v23;
	v27 =	vld.idx.msk [tilespmem:v47+s20+$0x0], $0xffff;
	[tilespmem:s6+$0xFFFFFF00] =	vst v34  }
0x719: {  	v52 =	vadd.s32 v8, v26;
	v29 =	vld.idx.msk [tilespmem:v29+s20+$0x0], $0xffff;
	[tilespmem:s1+$0xFFFFFFA0] =	vst v33  }
0x71a: {  	v53 =	vadd.s32 v3, v24;
	v60 =	vld.idx.msk [tilespmem:v55+s20+$0x0], $0xffff;
	[tilespmem:s6+$0x0] =	vst v46  }
0x71b: {  	v56 =	vadd.s32 v4, v20;
	v54 =	vld.idx.msk [tilespmem:v48+s20+$0x0], $0xffff;
	[tilespmem:s1+$0x1A0] =	vst v30  }
0x71c: {  	v30 =	vadd.s32 v4, v22;
	v31 =	vld.idx.msk [tilespmem:v31+s20+$0x0], $0xffff;
	[tilespmem:s6+$0xFFFFFE00] =	vst v50  }
0x71d: {  	v25 =	vadd.s32 v9, v25;
	v39 =	vld.idx.msk [tilespmem:v51+s20+$0x0], $0xffff;
	[tilespmem:s0+$0xA0] =	vst v27  }
0x71e: {  	v59 =	vadd.s32 v4, v23;
	v57 =	vld.idx.msk [tilespmem:v52+s20+$0x0], $0xffff;
	[tilespmem:s0+$0x120] =	vst v29  }
0x71f: {  	v26 =	vadd.s32 v9, v26;
	v58 =	vld.idx.msk [tilespmem:v53+s20+$0x0], $0xffff;
	[tilespmem:s0+$0xFFFFFEA0] =	vst v60  }
0x720: {  	s7 =	simm.s32 $0x58;
	v29 =	vadd.s32 v4, v24;
	[tilespmem:s6+$0xFFFFFF20] =	vst v54;
	v61 =	vld.idx.msk [tilespmem:v56+s20+$0x0], $0xffff  }
0x721: {  	v63 =	vadd.s32 v5, v20;
	v27 =	vmov s7;
	v62 =	vld.idx.msk [tilespmem:v30+s20+$0x0], $0xffff;
	[tilespmem:s1+$0xFFFFFFC0] =	vst v31  }
0x722: {  	v37 =	vadd.s32 v8, v21;
	[tilespmem:s6+$0x20] =	vst v39;
	v30 =	vld.idx.msk [tilespmem:v25+s20+$0x0], $0xffff;
	v25 =	vshrl.u32 v27, $0x3  }
0x723: {  	v35 =	vadd.s32 v8, v19;
	[tilespmem:s1+$0x1C0] =	vst v57;
	v33 =	vld.idx.msk [tilespmem:v59+s20+$0x0], $0xffff;
	v25 =	vshll.u32 v25, v2  }
0x724: {  	v36 =	vadd.s32 v5, v23;
	v31 =	vld.idx.msk [tilespmem:v26+s20+$0x0], $0xffff;
	[tilespmem:s6+$0xFFFFFE20] =	vst v58;
	v25 =	vbroadcast v25, $0x0  }
0x725: {  	v26 =	vadd.s32 v6, v22;
	v29 =	vld.idx.msk [tilespmem:v29+s20+$0x0], $0xffff;
	[tilespmem:s0+$0x140] =	vst v61  }
0x726: {  	s8 =	simm.s32 $0x60;
	s7 =	simm.s32 $0x8;
	v27 =	vadd.s32 v6, v18;
	[tilespmem:s6+$0xFFFFFF40] =	vst v62;
	v34 =	vld.idx.msk [tilespmem:v63+s20+$0x0], $0xffff;
	v38 =	vadd.s32 v0, v25  }
.LBB2_30:
0x727: {  	s13 =	sadd.s32 $0x8, s8;
	s7 =	sadd.s32 $0x4, s7;
	v37 =	vld.idx.msk [tilespmem:v37+s20+$0x0], $0xffff;
	[tilespmem:s1+$0xE0] =	vst v28  }
0x728: {  	v28 =	vmov s13;
	s13 =	sadd.s32 $0x10, s8;
	p0 =	slt.u32 s7, $0x78;
	[tilespmem:s6+$0x40] =	vst v33;
	v33 =	vld.idx.msk [tilespmem:v35+s20+$0x0], $0xffff;
	v35 =	vadd.s32 v6, v20  }
0x729: {  	v40 =	vadd.s32 v5, v24;
	v28 =	vshrl.u32 v28, $0x3;
	v39 =	vmov s13;
	v36 =	vld.idx.msk [tilespmem:v36+s20+$0x0], $0xffff;
	[tilespmem:s1+$0xFFFFFFE0] =	vst v30  }
0x72a: {  	v28 =	vshll.u32 v28, v2;
	v30 =	vshrl.u32 v39, $0x3;
	v39 =	vadd.s32 v9, v21;
	[tilespmem:s1+$0x1E0] =	vst v31;
	v21 =	vmovc v24;
	s1 =	smov.u32 s0;
	s0 =	smov.u32 s6  }
0x72b: {  	v31 =	vbroadcast v28, $0x0;
	v24 =	vshll.u32 v30, v2;
	v28 =	vadd.s32 v6, v23;
	v30 =	vld.idx.msk [tilespmem:v38+s20+$0x0], $0xffff;
	[tilespmem:s1+$0xFFFFFF60] =	vst v32  }
0x72c: {  	v41 =	vadd.s32 v9, v19;
	v19 =	vmovc v23;
	v32 =	vmov s8;
	v38 =	vld.idx.msk [tilespmem:v27+s20+$0x0], $0xffff;
	[tilespmem:s1+$0x160] =	vst v34;
	v23 =	vbroadcast v24, $0x0;
	v27 =	vmovc v26  }
0x72d: {  	v24 =	vshrl.u32 v32, $0x3;
	v32 =	vadd.s32 v0, v31;
	v26 =	vadd.s32 v6, v31;
	[tilespmem:s6+$0xFFFFFE40] =	vst v29;
	v29 =	vld.idx.msk [tilespmem:v35+s20+$0x0], $0xffff  }
0x72e: {  	v24 =	vshll.u32 v24, v2;
	v34 =	vadd.s32 v0, v23;
	v35 =	vld.idx.msk [tilespmem:v40+s20+$0x0], $0xffff;
	[tilespmem:s1+$0xFFFFFEC0] =	vst v37  }
0x72f: {  	v24 =	vbroadcast v24, $0x0;
	v37 =	vadd.s32 v7, v18;
	[tilespmem:s6+$0x60] =	vst v36;
	v36 =	vld.idx.msk [tilespmem:v39+s20+$0x0], $0xffff  }
0x730: {  	v39 =	vld.idx.msk [tilespmem:v28+s20+$0x0], $0xffff;
	[tilespmem:s1+$0xC0] =	vst v33;
	v33 =	vadd.s32 v7, v20  }
0x731: {  	v42 =	vadd.s32 v6, v21;
	v40 =	vadd.s32 v0, v24;
	v28 =	vld.idx.msk [tilespmem:v41+s20+$0x0], $0xffff  }
0x732: {  	v32 =	vld.idx.msk [tilespmem:v32+s20+$0x0], $0xffff;
	[tilespmem:s1+$0xFFFFFF80] =	vst v38  }
0x733: {  	v38 =	vadd.s32 v7, v19;
	v34 =	vld.idx.msk [tilespmem:v34+s20+$0x0], $0xffff;
	[tilespmem:s1+$0x180] =	vst v29  }
0x734: {  	v29 =	vadd.s32 v3, v31;
	[tilespmem:s6+$0xFFFFFE60] =	vst v35;
	v35 =	vadd.s32 v3, v25;
	v37 =	vld.idx.msk [tilespmem:v37+s20+$0x0], $0xffff  }
0x735: {  	[tilespmem:s1+$0xFFFFFEE0] =	vst v36;
	v33 =	vld.idx.msk [tilespmem:v33+s20+$0x0], $0xffff  }
0x736: {  	v36 =	vld.idx.msk [tilespmem:v42+s20+$0x0], $0xffff;
	[tilespmem:s6+$0x80] =	vst v39;
	v39 =	vadd.s32 v8, v18  }
0x737: {  	v41 =	vadd.s32 v3, v23;
	s6 =	sadd.s32 $0x400, s6;
	v40 =	vld.idx.msk [tilespmem:v40+s20+$0x0], $0xffff;
	[tilespmem:s0+$0x100] =	vst v30  }
0x738: {  	v30 =	vadd.s32 v3, v24;
	[tilespmem:s6+$0xFFFFFF00] =	vst v32;
	v32 =	vld.idx.msk [tilespmem:v38+s20+$0x0], $0xffff;
	v38 =	vadd.s32 v8, v20  }
0x739: {  	[tilespmem:s6+$0x0] =	vst v34;
	v34 =	vld.idx.msk [tilespmem:v35+s20+$0x0], $0xffff  }
0x73a: {  	v35 =	vadd.s32 v7, v21;
	v29 =	vld.idx.msk [tilespmem:v29+s20+$0x0], $0xffff;
	[tilespmem:s1+$0xFFFFFFA0] =	vst v37  }
0x73b: {  	v37 =	vadd.s32 v4, v25;
	v39 =	vld.idx.msk [tilespmem:v39+s20+$0x0], $0xffff;
	[tilespmem:s1+$0x1A0] =	vst v33  }
0x73c: {  	v33 =	vadd.s32 v4, v31;
	v41 =	vld.idx.msk [tilespmem:v41+s20+$0x0], $0xffff;
	[tilespmem:s0+$0xFFFFFE80] =	vst v36  }
0x73d: {  	v36 =	vadd.s32 v9, v18;
	v18 =	vmov v22;
	v22 =	vmov v31;
	[tilespmem:s6+$0xFFFFFE00] =	vst v40;
	v38 =	vld.idx.msk [tilespmem:v38+s20+$0x0], $0xffff  }
0x73e: {  	v40 =	vadd.s32 v4, v23;
	v31 =	vld.idx.msk [tilespmem:v30+s20+$0x0], $0xffff;
	[tilespmem:s0+$0xA0] =	vst v32  }
0x73f: {  	v32 =	vld.idx.msk [tilespmem:v35+s20+$0x0], $0xffff;
	[tilespmem:s0+$0x120] =	vst v34;
	v34 =	vadd.s32 v9, v20;
	v20 =	vmov v25  }
0x740: {  	v25 =	vadd.s32 v4, v24;
	[tilespmem:s6+$0xFFFFFF20] =	vst v29;
	v42 =	vld.idx.msk [tilespmem:v37+s20+$0x0], $0xffff  }
0x741: {  	s13 =	sadd.s32 $0x18, s8;
	v44 =	vadd.s32 v5, v18;
	v43 =	vld.idx.msk [tilespmem:v33+s20+$0x0], $0xffff;
	[tilespmem:s1+$0xFFFFFFC0] =	vst v39  }
0x742: {  	v29 =	vmov s13;
	v39 =	vadd.s32 v5, v20;
	[tilespmem:s6+$0x20] =	vst v41;
	v30 =	vld.idx.msk [tilespmem:v36+s20+$0x0], $0xffff  }
.Ltmp14:
0x743: {  	v37 =	vadd.s32 v8, v21;
	v29 =	vshrl.u32 v29, $0x3;
	v33 =	vld.idx.msk [tilespmem:v40+s20+$0x0], $0xffff;
	[tilespmem:s1+$0x1C0] =	vst v38;
	(pc) =	sbr.rel @p0 .LBB2_30-.Ltmp14, $4  }
0x744: {  	v35 =	vadd.s32 v8, v19;
	v38 =	vshll.u32 v29, v2;
	[tilespmem:s6+$0xFFFFFE20] =	vst v31;
	v31 =	vld.idx.msk [tilespmem:v34+s20+$0x0], $0xffff  }
0x745: {  	v36 =	vadd.s32 v5, v23;
	v29 =	vld.idx.msk [tilespmem:v25+s20+$0x0], $0xffff;
	v25 =	vbroadcast v38, $0x0;
	[tilespmem:s0+$0xFFFFFEA0] =	vst v32  }
0x746: {  	v32 =	vld.idx.msk [tilespmem:v44+s20+$0x0], $0xffff;
	[tilespmem:s0+$0x140] =	vst v42  }
0x747: {  	s8 =	sadd.s32 $0x20, s8;
	[tilespmem:s6+$0xFFFFFF40] =	vst v43;
	v38 =	vadd.s32 v0, v25;
	v34 =	vld.idx.msk [tilespmem:v39+s20+$0x0], $0xffff  }
0x748: {  	_ =	sdelay $0x3  }
0x749: {  	v38 =	vld.idx.msk [tilespmem:v38+s20+$0x0], $0xffff  }
0x74a: {  	v39 =	vadd.s32 v3, v25;
	_ =	sdelay $0x3  }
0x74b: {  	[tilespmem:s6+$0x100] =	vst v38  }
0x74c: {  	v38 =	vld.idx.msk [tilespmem:v39+s20+$0x0], $0xffff  }
0x74d: {  	[tilespmem:s1+$0xE0] =	vst v28;
	v54 =	vadd.s32 v4, v25  }
0x74e: {  	[tilespmem:s6+$0x40] =	vst v33  }
0x74f: {  	[tilespmem:s1+$0xFFFFFFE0] =	vst v30  }
0x750: {  	v55 =	vld.idx.msk [tilespmem:v37+s20+$0x0], $0xffff;
	v56 =	vadd.s32 v5, v24;
	[tilespmem:s1+$0x1E0] =	vst v31  }
0x751: {  	v57 =	vadd.s32 v6, v20;
	v35 =	vld.idx.msk [tilespmem:v35+s20+$0x0], $0xffff;
	[tilespmem:s6+$0x120] =	vst v38  }
0x752: {  	v58 =	vadd.s32 v5, v22;
	[tilespmem:s6+$0xFFFFFE40] =	vst v29;
	v28 =	vld.idx.msk [tilespmem:v54+s20+$0x0], $0xffff  }
0x753: {  	v59 =	vadd.s32 v5, v25;
	v36 =	vld.idx.msk [tilespmem:v36+s20+$0x0], $0xffff;
	[tilespmem:s0+$0xFFFFFF60] =	vst v32  }
0x754: {  	v21 =	vadd.s32 v9, v21;
	[tilespmem:s0+$0x160] =	vst v34;
	v27 =	vld.idx.msk [tilespmem:v27+s20+$0x0], $0xffff  }
0x755: {  	v19 =	vadd.s32 v9, v19;
	v33 =	vld.idx.msk [tilespmem:v56+s20+$0x0], $0xffff;
	[tilespmem:s0+$0xFFFFFEC0] =	vst v55  }
0x756: {  	v60 =	vadd.s32 v6, v23;
	v61 =	vld.idx.msk [tilespmem:v57+s20+$0x0], $0xffff;
	[tilespmem:s0+$0xC0] =	vst v35  }
0x757: {  	v62 =	vadd.s32 v6, v24;
	v32 =	vld.idx.msk [tilespmem:v58+s20+$0x0], $0xffff;
	[tilespmem:s6+$0x140] =	vst v28  }
0x758: {  	[tilespmem:s6+$0x60] =	vst v36;
	v28 =	vld.idx.msk [tilespmem:v59+s20+$0x0], $0xffff  }
0x759: {  	v40 =	vadd.s32 v6, v25;
	v21 =	vld.idx.msk [tilespmem:v21+s20+$0x0], $0xffff;
	[tilespmem:s0+$0xFFFFFF80] =	vst v27  }
0x75a: {  	v63 =	vadd.s32 v7, v18;
	v19 =	vld.idx.msk [tilespmem:v19+s20+$0x0], $0xffff;
	[tilespmem:s6+$0xFFFFFE60] =	vst v33  }
0x75b: {  	v41 =	vadd.s32 v7, v20;
	v29 =	vld.idx.msk [tilespmem:v60+s20+$0x0], $0xffff;
	[tilespmem:s0+$0x180] =	vst v61  }
0x75c: {  	v42 =	vadd.s32 v7, v23;
	[tilespmem:s6+$0xFFFFFF60] =	vst v32;
	v43 =	vld.idx.msk [tilespmem:v62+s20+$0x0], $0xffff  }
0x75d: {  	v45 =	vadd.s32 v7, v24;
	v26 =	vld.idx.msk [tilespmem:v26+s20+$0x0], $0xffff;
	[tilespmem:s6+$0x160] =	vst v28  }
0x75e: {  	v48 =	vadd.s32 v7, v22;
	[tilespmem:s0+$0xFFFFFEE0] =	vst v21;
	v47 =	vld.idx.msk [tilespmem:v40+s20+$0x0], $0xffff  }
0x75f: {  	v50 =	vadd.s32 v7, v25;
	v44 =	vld.idx.msk [tilespmem:v63+s20+$0x0], $0xffff;
	[tilespmem:s0+$0xE0] =	vst v19  }
0x760: {  	v46 =	vadd.s32 v8, v18;
	v49 =	vld.idx.msk [tilespmem:v41+s20+$0x0], $0xffff;
	[tilespmem:s6+$0x80] =	vst v29  }
0x761: {  	v51 =	vadd.s32 v8, v20;
	v33 =	vld.idx.msk [tilespmem:v42+s20+$0x0], $0xffff;
	[tilespmem:s6+$0xFFFFFE80] =	vst v43  }
0x762: {  	v53 =	vadd.s32 v8, v23;
	[tilespmem:s6+$0xFFFFFF80] =	vst v26;
	v30 =	vld.idx.msk [tilespmem:v45+s20+$0x0], $0xffff  }
0x763: {  	v52 =	vadd.s32 v8, v24;
	v54 =	vld.idx.msk [tilespmem:v48+s20+$0x0], $0xffff;
	[tilespmem:s6+$0x180] =	vst v47  }
0x764: {  	v56 =	vadd.s32 v8, v22;
	[tilespmem:s0+$0xFFFFFFA0] =	vst v44;
	v55 =	vld.idx.msk [tilespmem:v50+s20+$0x0], $0xffff  }
0x765: {  	v58 =	vadd.s32 v8, v25;
	v31 =	vld.idx.msk [tilespmem:v46+s20+$0x0], $0xffff;
	[tilespmem:s0+$0x1A0] =	vst v49  }
0x766: {  	v18 =	vadd.s32 v9, v18;
	v57 =	vld.idx.msk [tilespmem:v51+s20+$0x0], $0xffff;
	[tilespmem:s6+$0xA0] =	vst v33  }
0x767: {  	v59 =	vadd.s32 v9, v20;
	v26 =	vld.idx.msk [tilespmem:v53+s20+$0x0], $0xffff;
	[tilespmem:s6+$0xFFFFFEA0] =	vst v30  }
0x768: {  	v61 =	vadd.s32 v9, v23;
	[tilespmem:s6+$0xFFFFFFA0] =	vst v54;
	v30 =	vld.idx.msk [tilespmem:v52+s20+$0x0], $0xffff  }
0x769: {  	v60 =	vadd.s32 v9, v24;
	v62 =	vld.idx.msk [tilespmem:v56+s20+$0x0], $0xffff;
	[tilespmem:s6+$0x1A0] =	vst v55  }
0x76a: {  	v63 =	vadd.s32 v9, v22;
	[tilespmem:s0+$0xFFFFFFC0] =	vst v31;
	v27 =	vld.idx.msk [tilespmem:v58+s20+$0x0], $0xffff  }
0x76b: {  	v19 =	vadd.s32 v9, v25;
	[tilespmem:s0+$0x1C0] =	vst v57;
	v18 =	vld.idx.msk [tilespmem:v18+s20+$0x0], $0xffff  }
0x76c: {  	v20 =	vld.idx.msk [tilespmem:v59+s20+$0x0], $0xffff;
	[tilespmem:s6+$0xC0] =	vst v26  }
0x76d: {  	v21 =	vld.idx.msk [tilespmem:v61+s20+$0x0], $0xffff;
	[tilespmem:s6+$0xFFFFFEC0] =	vst v30  }
0x76e: {  	[tilespmem:s6+$0xFFFFFFC0] =	vst v62;
	v24 =	vld.idx.msk [tilespmem:v60+s20+$0x0], $0xffff  }
0x76f: {  	v22 =	vld.idx.msk [tilespmem:v63+s20+$0x0], $0xffff;
	[tilespmem:s6+$0x1C0] =	vst v27  }
0x770: {  	[tilespmem:s0+$0xFFFFFFE0] =	vst v18;
	v18 =	vld.idx.msk [tilespmem:v19+s20+$0x0], $0xffff  }
0x771: {  	[tilespmem:s0+$0x1E0] =	vst v20  }
0x772: {  	[tilespmem:s6+$0xE0] =	vst v21  }
0x773: {  	[tilespmem:s6+$0xFFFFFEE0] =	vst v24  }
0x774: {  	[tilespmem:s6+$0xFFFFFFE0] =	vst v22  }
0x775: {  	[tilespmem:s6+$0x1E0] =	vst v18  }
0x776: {  	v18 =	vld.idx.msk [tilespmem:v10+s20+$0x0], $0xffff;
	_ =	sdelay $0x4  }
0x777: {  	[tilespmem:$0x12EF8] =	vst v18  }
0x778: {  	v18 =	vld.idx.msk [tilespmem:v11+s20+$0x0], $0xffff;
	_ =	sdelay $0x4  }
0x779: {  	[tilespmem:$0x12F18] =	vst v18  }
0x77a: {  	v18 =	vld.idx.msk [tilespmem:v12+s20+$0x0], $0xffff;
	_ =	sdelay $0x4  }
0x77b: {  	[tilespmem:$0x12F38] =	vst v18  }
0x77c: {  	v18 =	vld.idx.msk [tilespmem:v13+s20+$0x0], $0xffff;
	_ =	sdelay $0x4  }
0x77d: {  	[tilespmem:$0x12F58] =	vst v18  }
0x77e: {  	v18 =	vld.idx.msk [tilespmem:v14+s20+$0x0], $0xffff;
	_ =	sdelay $0x4  }
0x77f: {  	[tilespmem:$0x12F78] =	vst v18  }
0x780: {  	v18 =	vld.idx.msk [tilespmem:v15+s20+$0x0], $0xffff;
	_ =	sdelay $0x4  }
0x781: {  	[tilespmem:$0x12F98] =	vst v18  }
0x782: {  	v18 =	vld.idx.msk [tilespmem:v16+s20+$0x0], $0xffff;
	_ =	sdelay $0x4  }
0x783: {  	[tilespmem:$0x12FB8] =	vst v18  }
0x784: {  	v18 =	vld.idx.msk [tilespmem:v17+s20+$0x0], $0xffff;
	_ =	sdelay $0x4  }
0x785: {  	s31 =	simm.s32 $0xB2E8;
	s1 =	smov.u32 s11;
	s0 =	simm.s32 $0x400;
	[tilespmem:$0x12FD8] =	vst v18  }
0x786: {  	[hbm4b:s11+s22] =	stream.strided.scatter [tilespmem:s31], [sflag:$0x3], $0x100, s24, s22, $0x38;
	[tilespmem:$0x1ACF8] =	vst v63  }
.LBB2_32:
0x787: {  	p0 =	sne.s32 s0, $0x1F000  }
.Ltmp15:
0x788: {  	_ = 	snop;
	(pc) =	sbr.rel @p0 .LBB2_32-.Ltmp15, $4  }
0x789: {  	_ = 	snop  }
0x78a: {  	s6 =	sshra.s32 s0, $0x2;
	s0 =	sadd.s32 $0x400, s0  }
0x78b: {  	s1 =	sadd.s32 $0x32000, s1;
	s6 =	sadd.s32 $0xB2E8, s6  }
0x78c: {  	[hbm4b:s1+s22] =	stream.strided.scatter [tilespmem:s6], [sflag:$0x3], $0x100, s24, s22, $0x38;
	[tilespmem:$0x1ACF8] =	vst v63  }
0x78d: {  	s0 =	simm.s32 $0x18F0  }
0x78e: {  	[tilespmem:s20], [sflag:$0x2] =	stream.indirect.gather [hbm4b:s5+s18], $0x3E8, s0, s18, $0xb8;
	[tilespmem:$0x1ACF8] =	vst v63  }
0x78f: {  	_ =	swait.ge [sflag:s21], $0x3E80  }
0x790: {  	[sflag:s21] =	ssyncset.done $0x0  }
0x791: {  	[sflag:s21] =	ssyncadd.s32 $0xFFFFC180  }
0x792: {  	_ =	swait.ge [sflag:s30], $0x7D00  }
0x793: {  	[sflag:s30] =	ssyncset.done $0x0  }
0x794: {  	[sflag:s30] =	ssyncadd.s32 $0xFFFF8300  }
0x795: {  	v18 =	vld [tilespmem:$0x31E0]  }
0x796: {  	v19 =	vld [tilespmem:$0x18E0];
	_ =	sdelay $0x3  }
0x797: {  	v18 =	vadd.s32 v0, v18;
	_ =	sdelay $0x3  }
0x798: {  	v19 =	vld.idx.msk [tilespmem:v19+s17+$0x0], $0xffff  }
0x799: {  	s1 =	simm.s32 $0x10;
	v18 =	vld.idx.msk [tilespmem:v18+s19+$0x0], $0xffff  }
0x79a: {  	v20 =	vmov s1  }
0x79b: {  	s6 =	simm.s32 $0x0;
	v20 =	vshrl.u32 v20, $0x3  }
0x79c: {  	v22 =	vmov s6;
	v20 =	vshll.u32 v20, v2;
	v21 =	vld [tilespmem:$0x1ACE8]  }
0x79d: {  	v24 =	vbroadcast v20, $0x0;
	v20 =	vshrl.u32 v22, $0x3  }
0x79e: {  	s7 =	simm.s32 $0x8;
	v18 =	vsub.f32 v19, v18;
	v19 =	vshll.u32 v20, v2  }
0x79f: {  	v23 =	vadd.s32 v0, v24;
	v20 =	vmov s7;
	v22 =	vbroadcast v19, $0x0  }
0x7a0: {  	v19 =	vshrl.u32 v20, $0x3  }
0x7a1: {  	v18 =	vadd.f32 v18, v21;
	v19 =	vshll.u32 v19, v2;
	v20 =	vadd.s32 v0, v22  }
0x7a2: {  	v25 =	vbroadcast v19, $0x0  }
0x7a3: {  	[tilespmem:$0x1ACE8] =	vst v18  }
0x7a4: {  	v18 =	vadd.s32 v0, v25;
	v19 =	vld.idx.msk [tilespmem:v23+s19+$0x0], $0xffff  }
0x7a5: {  	v21 =	vadd.s32 v3, v24  }
0x7a6: {  	v20 =	vld.idx.msk [tilespmem:v20+s19+$0x0], $0xffff  }
0x7a7: {  	v23 =	vadd.s32 v3, v22  }
0x7a8: {  	s1 =	simm.s32 $0x131E8  }
0x7a9: {  	s8 =	simm.s32 $0x18;
	v18 =	vld.idx.msk [tilespmem:v18+s19+$0x0], $0xffff;
	[tilespmem:s1+$0x0] =	vst v19  }
0x7aa: {  	v26 =	vmov s8;
	v19 =	vadd.s32 v3, v25;
	v21 =	vld.idx.msk [tilespmem:v21+s19+$0x0], $0xffff  }
0x7ab: {  	v26 =	vshrl.u32 v26, $0x3;
	[tilespmem:s1+$0xFFFFFE00] =	vst v20;
	v20 =	vadd.s32 v4, v24  }
0x7ac: {  	v26 =	vshll.u32 v26, v2;
	v23 =	vld.idx.msk [tilespmem:v23+s19+$0x0], $0xffff  }
0x7ad: {  	v26 =	vbroadcast v26, $0x0;
	v27 =	vadd.s32 v4, v22  }
0x7ae: {  	s13 =	simm.s32 $0x28;
	[tilespmem:s1+$0xFFFFFF00] =	vst v18  }
0x7af: {  	s14 =	simm.s32 $0x30;
	v30 =	vadd.s32 v5, v24;
	v31 =	vadd.s32 v0, v26;
	v18 =	vmov s13;
	v28 =	vld.idx.msk [tilespmem:v19+s19+$0x0], $0xffff;
	[tilespmem:s1+$0x20] =	vst v21  }
0x7b0: {  	s6 =	simm.s32 $0x20;
	v29 =	vadd.s32 v4, v25;
	v18 =	vshrl.u32 v18, $0x3;
	v19 =	vmov s14;
	v20 =	vld.idx.msk [tilespmem:v20+s19+$0x0], $0xffff  }
0x7b1: {  	v21 =	vmov s6;
	v18 =	vshll.u32 v18, v2;
	v19 =	vshrl.u32 v19, $0x3;
	[tilespmem:s1+$0xFFFFFE20] =	vst v23  }
0x7b2: {  	v21 =	vshrl.u32 v21, $0x3;
	v18 =	vbroadcast v18, $0x0;
	v19 =	vshll.u32 v19, v2;
	v23 =	vld.idx.msk [tilespmem:v27+s19+$0x0], $0xffff  }
0x7b3: {  	v21 =	vshll.u32 v21, v2;
	v19 =	vbroadcast v19, $0x0;
	v27 =	vadd.s32 v5, v22  }
0x7b4: {  	v21 =	vbroadcast v21, $0x0;
	[tilespmem:s1+$0xFFFFFF20] =	vst v28;
	v28 =	vadd.s32 v0, v18  }
0x7b5: {  	v31 =	vld.idx.msk [tilespmem:v31+s19+$0x0], $0xffff;
	[tilespmem:s1+$0x40] =	vst v20;
	v20 =	vadd.s32 v0, v19  }
0x7b6: {  	v32 =	vadd.s32 v0, v21;
	v30 =	vld.idx.msk [tilespmem:v30+s19+$0x0], $0xffff  }
0x7b7: {  	v33 =	vadd.s32 v6, v24;
	v29 =	vld.idx.msk [tilespmem:v29+s19+$0x0], $0xffff;
	[tilespmem:s1+$0xFFFFFE40] =	vst v23  }
0x7b8: {  	v23 =	vld.idx.msk [tilespmem:v27+s19+$0x0], $0xffff;
	v27 =	vadd.s32 v3, v26  }
0x7b9: {  	v34 =	vadd.s32 v6, v22;
	v28 =	vld.idx.msk [tilespmem:v28+s19+$0x0], $0xffff  }
0x7ba: {  	v35 =	vadd.s32 v3, v18;
	v20 =	vld.idx.msk [tilespmem:v20+s19+$0x0], $0xffff  }
0x7bb: {  	v52 =	vadd.s32 v3, v19;
	[tilespmem:s1+$0x60] =	vst v30;
	v30 =	vld.idx.msk [tilespmem:v32+s19+$0x0], $0xffff  }
0x7bc: {  	[tilespmem:s1+$0x100] =	vst v31;
	v31 =	vadd.s32 v3, v21;
	v33 =	vld.idx.msk [tilespmem:v33+s19+$0x0], $0xffff  }
0x7bd: {  	s0 =	simm.s32 $0x135E8;
	v36 =	vadd.s32 v7, v24;
	[tilespmem:s1+$0xFFFFFE60] =	vst v23;
	v23 =	vld.idx.msk [tilespmem:v27+s19+$0x0], $0xffff  }
0x7be: {  	[tilespmem:s0+$0xFFFFFF00] =	vst v28;
	v28 =	vadd.s32 v4, v26;
	v27 =	vld.idx.msk [tilespmem:v34+s19+$0x0], $0xffff  }
0x7bf: {  	v53 =	vadd.s32 v7, v22;
	[tilespmem:s0+$0x0] =	vst v20;
	v20 =	vld.idx.msk [tilespmem:v35+s19+$0x0], $0xffff  }
0x7c0: {  	v54 =	vadd.s32 v4, v18;
	v32 =	vld.idx.msk [tilespmem:v52+s19+$0x0], $0xffff;
	[tilespmem:s0+$0xFFFFFE00] =	vst v30  }
0x7c1: {  	[tilespmem:s1+$0x80] =	vst v33;
	v30 =	vld.idx.msk [tilespmem:v31+s19+$0x0], $0xffff;
	v31 =	vadd.s32 v4, v19  }
0x7c2: {  	s25 =	simm.s32 $0x38;
	v33 =	vld.idx.msk [tilespmem:v36+s19+$0x0], $0xffff;
	[tilespmem:s1+$0x120] =	vst v23;
	v23 =	vadd.s32 v4, v21  }
0x7c3: {  	v55 =	vmov s25;
	[tilespmem:s1+$0xFFFFFE80] =	vst v27;
	v27 =	vld.idx.msk [tilespmem:v28+s19+$0x0], $0xffff;
	v28 =	vadd.s32 v5, v25  }
0x7c4: {  	v37 =	vadd.s32 v5, v26;
	v34 =	vld.idx.msk [tilespmem:v53+s19+$0x0], $0xffff;
	[tilespmem:s0+$0xFFFFFF20] =	vst v20;
	v20 =	vshrl.u32 v55, $0x3  }
0x7c5: {  	v56 =	vadd.s32 v8, v22;
	v35 =	vld.idx.msk [tilespmem:v54+s19+$0x0], $0xffff;
	[tilespmem:s0+$0x20] =	vst v32;
	v20 =	vshll.u32 v20, v2  }
0x7c6: {  	v31 =	vld.idx.msk [tilespmem:v31+s19+$0x0], $0xffff;
	[tilespmem:s0+$0xFFFFFE20] =	vst v30;
	v30 =	vadd.s32 v8, v24;
	v20 =	vbroadcast v20, $0x0  }
0x7c7: {  	[tilespmem:s1+$0xFFFFFF40] =	vst v29;
	v29 =	vld.idx.msk [tilespmem:v23+s19+$0x0], $0xffff;
	v23 =	vadd.s32 v5, v19  }
0x7c8: {  	v28 =	vld.idx.msk [tilespmem:v28+s19+$0x0], $0xffff;
	[tilespmem:s1+$0x140] =	vst v27;
	v27 =	vadd.s32 v0, v20  }
0x7c9: {  	s26 =	simm.s32 $0x48;
	v38 =	vadd.s32 v5, v21;
	[tilespmem:s1+$0xFFFFFEA0] =	vst v34;
	v58 =	vld.idx.msk [tilespmem:v37+s19+$0x0], $0xffff  }
0x7ca: {  	s28 =	simm.s32 $0x50;
	v59 =	vmov s26;
	v57 =	vadd.s32 v6, v25;
	[tilespmem:s1+$0xA0] =	vst v33;
	v32 =	vld.idx.msk [tilespmem:v56+s19+$0x0], $0xffff  }
0x7cb: {  	v61 =	vmov s28;
	v60 =	vadd.s32 v6, v26;
	[tilespmem:s0+$0x40] =	vst v31;
	v30 =	vld.idx.msk [tilespmem:v30+s19+$0x0], $0xffff;
	v31 =	vshrl.u32 v59, $0x3  }
0x7cc: {  	v62 =	vadd.s32 v9, v22;
	v39 =	vld.idx.msk [tilespmem:v23+s19+$0x0], $0xffff;
	v23 =	vshll.u32 v31, v2;
	v31 =	vshrl.u32 v61, $0x3  }
0x7cd: {  	[tilespmem:s0+$0xFFFFFE40] =	vst v29;
	v22 =	vbroadcast v23, $0x0;
	v23 =	vshll.u32 v31, v2;
	v31 =	vadd.s32 v6, v19;
	v27 =	vld.idx.msk [tilespmem:v27+s19+$0x0], $0xffff  }
0x7ce: {  	[tilespmem:s1+$0xFFFFFF60] =	vst v28;
	v28 =	vadd.s32 v9, v24;
	v38 =	vld.idx.msk [tilespmem:v38+s19+$0x0], $0xffff  }
0x7cf: {  	s31 =	simm.s32 $0x40;
	v44 =	vadd.s32 v6, v21;
	v36 =	vld.idx.msk [tilespmem:v57+s19+$0x0], $0xffff;
	[tilespmem:s1+$0x160] =	vst v58  }
0x7d0: {  	v24 =	vmov s31;
	v23 =	vbroadcast v23, $0x0;
	v63 =	vadd.s32 v0, v22;
	v29 =	vld.idx.msk [tilespmem:v60+s19+$0x0], $0xffff;
	[tilespmem:s1+$0xFFFFFEC0] =	vst v32  }
0x7d1: {  	v43 =	vadd.s32 v7, v25;
	v24 =	vshrl.u32 v24, $0x3;
	v32 =	vld.idx.msk [tilespmem:v62+s19+$0x0], $0xffff;
	[tilespmem:s0+$0x60] =	vst v39  }
0x7d2: {  	v24 =	vshll.u32 v24, v2;
	v42 =	vadd.s32 v0, v23;
	[tilespmem:s1+$0xC0] =	vst v30;
	v31 =	vld.idx.msk [tilespmem:v31+s19+$0x0], $0xffff  }
0x7d3: {  	v24 =	vbroadcast v24, $0x0;
	v30 =	vadd.s32 v7, v26;
	v28 =	vld.idx.msk [tilespmem:v28+s19+$0x0], $0xffff;
	[tilespmem:s0+$0xFFFFFE60] =	vst v38  }
0x7d4: {  	v40 =	vadd.s32 v5, v18;
	[tilespmem:s0+$0xFFFFFF40] =	vst v35;
	v49 =	vld.idx.msk [tilespmem:v44+s19+$0x0], $0xffff  }
0x7d5: {  	v45 =	vadd.s32 v0, v24;
	[tilespmem:s1+$0xFFFFFF80] =	vst v36;
	v34 =	vld.idx.msk [tilespmem:v63+s19+$0x0], $0xffff  }
0x7d6: {  	v47 =	vadd.s32 v7, v19;
	[tilespmem:s0+$0x100] =	vst v27;
	v33 =	vld.idx.msk [tilespmem:v43+s19+$0x0], $0xffff  }
0x7d7: {  	[tilespmem:s1+$0x180] =	vst v29;
	v29 =	vadd.s32 v3, v20;
	v46 =	vld.idx.msk [tilespmem:v42+s19+$0x0], $0xffff  }
0x7d8: {  	v55 =	vadd.s32 v7, v21;
	[tilespmem:s1+$0xFFFFFEE0] =	vst v32;
	v30 =	vld.idx.msk [tilespmem:v30+s19+$0x0], $0xffff  }
0x7d9: {  	v48 =	vadd.s32 v3, v22;
	v32 =	vld.idx.msk [tilespmem:v40+s19+$0x0], $0xffff;
	[tilespmem:s0+$0x80] =	vst v31  }
0x7da: {  	s6 =	simm.s32 $0x139E8;
	v31 =	vadd.s32 v8, v25;
	v50 =	vld.idx.msk [tilespmem:v45+s19+$0x0], $0xffff;
	[tilespmem:s0+$0xFFFFFE80] =	vst v49  }
0x7db: {  	v51 =	vadd.s32 v3, v23;
	v27 =	vld.idx.msk [tilespmem:v47+s19+$0x0], $0xffff;
	[tilespmem:s6+$0xFFFFFF00] =	vst v34  }
0x7dc: {  	v52 =	vadd.s32 v8, v26;
	v29 =	vld.idx.msk [tilespmem:v29+s19+$0x0], $0xffff;
	[tilespmem:s1+$0xFFFFFFA0] =	vst v33  }
0x7dd: {  	v53 =	vadd.s32 v3, v24;
	v60 =	vld.idx.msk [tilespmem:v55+s19+$0x0], $0xffff;
	[tilespmem:s6+$0x0] =	vst v46  }
0x7de: {  	v56 =	vadd.s32 v4, v20;
	v54 =	vld.idx.msk [tilespmem:v48+s19+$0x0], $0xffff;
	[tilespmem:s1+$0x1A0] =	vst v30  }
0x7df: {  	v30 =	vadd.s32 v4, v22;
	v31 =	vld.idx.msk [tilespmem:v31+s19+$0x0], $0xffff;
	[tilespmem:s6+$0xFFFFFE00] =	vst v50  }
0x7e0: {  	v25 =	vadd.s32 v9, v25;
	v39 =	vld.idx.msk [tilespmem:v51+s19+$0x0], $0xffff;
	[tilespmem:s0+$0xA0] =	vst v27  }
0x7e1: {  	v59 =	vadd.s32 v4, v23;
	v57 =	vld.idx.msk [tilespmem:v52+s19+$0x0], $0xffff;
	[tilespmem:s0+$0x120] =	vst v29  }
0x7e2: {  	v26 =	vadd.s32 v9, v26;
	v58 =	vld.idx.msk [tilespmem:v53+s19+$0x0], $0xffff;
	[tilespmem:s0+$0xFFFFFEA0] =	vst v60  }
0x7e3: {  	s7 =	simm.s32 $0x58;
	v29 =	vadd.s32 v4, v24;
	[tilespmem:s6+$0xFFFFFF20] =	vst v54;
	v61 =	vld.idx.msk [tilespmem:v56+s19+$0x0], $0xffff  }
0x7e4: {  	v63 =	vadd.s32 v5, v20;
	v27 =	vmov s7;
	v62 =	vld.idx.msk [tilespmem:v30+s19+$0x0], $0xffff;
	[tilespmem:s1+$0xFFFFFFC0] =	vst v31  }
0x7e5: {  	v37 =	vadd.s32 v8, v21;
	[tilespmem:s6+$0x20] =	vst v39;
	v30 =	vld.idx.msk [tilespmem:v25+s19+$0x0], $0xffff;
	v25 =	vshrl.u32 v27, $0x3  }
0x7e6: {  	v35 =	vadd.s32 v8, v19;
	[tilespmem:s1+$0x1C0] =	vst v57;
	v33 =	vld.idx.msk [tilespmem:v59+s19+$0x0], $0xffff;
	v25 =	vshll.u32 v25, v2  }
0x7e7: {  	v36 =	vadd.s32 v5, v23;
	v31 =	vld.idx.msk [tilespmem:v26+s19+$0x0], $0xffff;
	[tilespmem:s6+$0xFFFFFE20] =	vst v58;
	v25 =	vbroadcast v25, $0x0  }
0x7e8: {  	v26 =	vadd.s32 v6, v22;
	v29 =	vld.idx.msk [tilespmem:v29+s19+$0x0], $0xffff;
	[tilespmem:s0+$0x140] =	vst v61  }
0x7e9: {  	s8 =	simm.s32 $0x60;
	s7 =	simm.s32 $0x8;
	v27 =	vadd.s32 v6, v18;
	[tilespmem:s6+$0xFFFFFF40] =	vst v62;
	v34 =	vld.idx.msk [tilespmem:v63+s19+$0x0], $0xffff;
	v38 =	vadd.s32 v0, v25  }
.LBB2_34:
0x7ea: {  	s13 =	sadd.s32 $0x8, s8;
	s7 =	sadd.s32 $0x4, s7;
	v37 =	vld.idx.msk [tilespmem:v37+s19+$0x0], $0xffff;
	[tilespmem:s1+$0xE0] =	vst v28  }
0x7eb: {  	v28 =	vmov s13;
	s13 =	sadd.s32 $0x10, s8;
	p0 =	slt.u32 s7, $0x78;
	[tilespmem:s6+$0x40] =	vst v33;
	v33 =	vld.idx.msk [tilespmem:v35+s19+$0x0], $0xffff;
	v35 =	vadd.s32 v6, v20  }
0x7ec: {  	v40 =	vadd.s32 v5, v24;
	v28 =	vshrl.u32 v28, $0x3;
	v39 =	vmov s13;
	v36 =	vld.idx.msk [tilespmem:v36+s19+$0x0], $0xffff;
	[tilespmem:s1+$0xFFFFFFE0] =	vst v30  }
0x7ed: {  	v28 =	vshll.u32 v28, v2;
	v30 =	vshrl.u32 v39, $0x3;
	v39 =	vadd.s32 v9, v21;
	[tilespmem:s1+$0x1E0] =	vst v31;
	v21 =	vmovc v24;
	s1 =	smov.u32 s0;
	s0 =	smov.u32 s6  }
0x7ee: {  	v31 =	vbroadcast v28, $0x0;
	v24 =	vshll.u32 v30, v2;
	v28 =	vadd.s32 v6, v23;
	v30 =	vld.idx.msk [tilespmem:v38+s19+$0x0], $0xffff;
	[tilespmem:s1+$0xFFFFFF60] =	vst v32  }
0x7ef: {  	v41 =	vadd.s32 v9, v19;
	v19 =	vmovc v23;
	v32 =	vmov s8;
	v38 =	vld.idx.msk [tilespmem:v27+s19+$0x0], $0xffff;
	[tilespmem:s1+$0x160] =	vst v34;
	v23 =	vbroadcast v24, $0x0;
	v27 =	vmovc v26  }
0x7f0: {  	v24 =	vshrl.u32 v32, $0x3;
	v32 =	vadd.s32 v0, v31;
	v26 =	vadd.s32 v6, v31;
	[tilespmem:s6+$0xFFFFFE40] =	vst v29;
	v29 =	vld.idx.msk [tilespmem:v35+s19+$0x0], $0xffff  }
0x7f1: {  	v24 =	vshll.u32 v24, v2;
	v34 =	vadd.s32 v0, v23;
	v35 =	vld.idx.msk [tilespmem:v40+s19+$0x0], $0xffff;
	[tilespmem:s1+$0xFFFFFEC0] =	vst v37  }
0x7f2: {  	v24 =	vbroadcast v24, $0x0;
	v37 =	vadd.s32 v7, v18;
	[tilespmem:s6+$0x60] =	vst v36;
	v36 =	vld.idx.msk [tilespmem:v39+s19+$0x0], $0xffff  }
0x7f3: {  	v39 =	vld.idx.msk [tilespmem:v28+s19+$0x0], $0xffff;
	[tilespmem:s1+$0xC0] =	vst v33;
	v33 =	vadd.s32 v7, v20  }
0x7f4: {  	v42 =	vadd.s32 v6, v21;
	v40 =	vadd.s32 v0, v24;
	v28 =	vld.idx.msk [tilespmem:v41+s19+$0x0], $0xffff  }
0x7f5: {  	v32 =	vld.idx.msk [tilespmem:v32+s19+$0x0], $0xffff;
	[tilespmem:s1+$0xFFFFFF80] =	vst v38  }
0x7f6: {  	v38 =	vadd.s32 v7, v19;
	v34 =	vld.idx.msk [tilespmem:v34+s19+$0x0], $0xffff;
	[tilespmem:s1+$0x180] =	vst v29  }
0x7f7: {  	v29 =	vadd.s32 v3, v31;
	[tilespmem:s6+$0xFFFFFE60] =	vst v35;
	v35 =	vadd.s32 v3, v25;
	v37 =	vld.idx.msk [tilespmem:v37+s19+$0x0], $0xffff  }
0x7f8: {  	[tilespmem:s1+$0xFFFFFEE0] =	vst v36;
	v33 =	vld.idx.msk [tilespmem:v33+s19+$0x0], $0xffff  }
0x7f9: {  	v36 =	vld.idx.msk [tilespmem:v42+s19+$0x0], $0xffff;
	[tilespmem:s6+$0x80] =	vst v39;
	v39 =	vadd.s32 v8, v18  }
0x7fa: {  	v41 =	vadd.s32 v3, v23;
	s6 =	sadd.s32 $0x400, s6;
	v40 =	vld.idx.msk [tilespmem:v40+s19+$0x0], $0xffff;
	[tilespmem:s0+$0x100] =	vst v30  }
0x7fb: {  	v30 =	vadd.s32 v3, v24;
	[tilespmem:s6+$0xFFFFFF00] =	vst v32;
	v32 =	vld.idx.msk [tilespmem:v38+s19+$0x0], $0xffff;
	v38 =	vadd.s32 v8, v20  }
0x7fc: {  	[tilespmem:s6+$0x0] =	vst v34;
	v34 =	vld.idx.msk [tilespmem:v35+s19+$0x0], $0xffff  }
0x7fd: {  	v35 =	vadd.s32 v7, v21;
	v29 =	vld.idx.msk [tilespmem:v29+s19+$0x0], $0xffff;
	[tilespmem:s1+$0xFFFFFFA0] =	vst v37  }
0x7fe: {  	v37 =	vadd.s32 v4, v25;
	v39 =	vld.idx.msk [tilespmem:v39+s19+$0x0], $0xffff;
	[tilespmem:s1+$0x1A0] =	vst v33  }
0x7ff: {  	v33 =	vadd.s32 v4, v31;
	v41 =	vld.idx.msk [tilespmem:v41+s19+$0x0], $0xffff;
	[tilespmem:s0+$0xFFFFFE80] =	vst v36  }
0x800: {  	v36 =	vadd.s32 v9, v18;
	v18 =	vmov v22;
	v22 =	vmov v31;
	[tilespmem:s6+$0xFFFFFE00] =	vst v40;
	v38 =	vld.idx.msk [tilespmem:v38+s19+$0x0], $0xffff  }
0x801: {  	v40 =	vadd.s32 v4, v23;
	v31 =	vld.idx.msk [tilespmem:v30+s19+$0x0], $0xffff;
	[tilespmem:s0+$0xA0] =	vst v32  }
0x802: {  	v32 =	vld.idx.msk [tilespmem:v35+s19+$0x0], $0xffff;
	[tilespmem:s0+$0x120] =	vst v34;
	v34 =	vadd.s32 v9, v20;
	v20 =	vmov v25  }
0x803: {  	v25 =	vadd.s32 v4, v24;
	[tilespmem:s6+$0xFFFFFF20] =	vst v29;
	v42 =	vld.idx.msk [tilespmem:v37+s19+$0x0], $0xffff  }
0x804: {  	s13 =	sadd.s32 $0x18, s8;
	v44 =	vadd.s32 v5, v18;
	v43 =	vld.idx.msk [tilespmem:v33+s19+$0x0], $0xffff;
	[tilespmem:s1+$0xFFFFFFC0] =	vst v39  }
0x805: {  	v29 =	vmov s13;
	v39 =	vadd.s32 v5, v20;
	[tilespmem:s6+$0x20] =	vst v41;
	v30 =	vld.idx.msk [tilespmem:v36+s19+$0x0], $0xffff  }
.Ltmp16:
0x806: {  	v37 =	vadd.s32 v8, v21;
	v29 =	vshrl.u32 v29, $0x3;
	v33 =	vld.idx.msk [tilespmem:v40+s19+$0x0], $0xffff;
	[tilespmem:s1+$0x1C0] =	vst v38;
	(pc) =	sbr.rel @p0 .LBB2_34-.Ltmp16, $4  }
0x807: {  	v35 =	vadd.s32 v8, v19;
	v38 =	vshll.u32 v29, v2;
	[tilespmem:s6+$0xFFFFFE20] =	vst v31;
	v31 =	vld.idx.msk [tilespmem:v34+s19+$0x0], $0xffff  }
0x808: {  	v36 =	vadd.s32 v5, v23;
	v29 =	vld.idx.msk [tilespmem:v25+s19+$0x0], $0xffff;
	v25 =	vbroadcast v38, $0x0;
	[tilespmem:s0+$0xFFFFFEA0] =	vst v32  }
0x809: {  	v32 =	vld.idx.msk [tilespmem:v44+s19+$0x0], $0xffff;
	[tilespmem:s0+$0x140] =	vst v42  }
0x80a: {  	s8 =	sadd.s32 $0x20, s8;
	[tilespmem:s6+$0xFFFFFF40] =	vst v43;
	v38 =	vadd.s32 v0, v25;
	v34 =	vld.idx.msk [tilespmem:v39+s19+$0x0], $0xffff  }
0x80b: {  	_ =	sdelay $0x3  }
0x80c: {  	v38 =	vld.idx.msk [tilespmem:v38+s19+$0x0], $0xffff  }
0x80d: {  	v39 =	vadd.s32 v3, v25;
	_ =	sdelay $0x3  }
0x80e: {  	[tilespmem:s6+$0x100] =	vst v38  }
0x80f: {  	v38 =	vld.idx.msk [tilespmem:v39+s19+$0x0], $0xffff  }
0x810: {  	[tilespmem:s1+$0xE0] =	vst v28;
	v28 =	vadd.s32 v4, v25  }
0x811: {  	[tilespmem:s6+$0x40] =	vst v33  }
0x812: {  	[tilespmem:s1+$0xFFFFFFE0] =	vst v30;
	v60 =	vadd.s32 v5, v24  }
0x813: {  	v30 =	vld.idx.msk [tilespmem:v37+s19+$0x0], $0xffff;
	[tilespmem:s1+$0x1E0] =	vst v31;
	v31 =	vadd.s32 v6, v20  }
0x814: {  	v61 =	vadd.s32 v5, v22;
	v36 =	vld.idx.msk [tilespmem:v36+s19+$0x0], $0xffff;
	[tilespmem:s6+$0x120] =	vst v38  }
0x815: {  	v21 =	vadd.s32 v9, v21;
	[tilespmem:s0+$0xFFFFFF60] =	vst v32;
	v28 =	vld.idx.msk [tilespmem:v28+s19+$0x0], $0xffff  }
0x816: {  	v62 =	vadd.s32 v5, v25;
	[tilespmem:s6+$0xFFFFFE40] =	vst v29;
	v27 =	vld.idx.msk [tilespmem:v27+s19+$0x0], $0xffff  }
0x817: {  	v29 =	vadd.s32 v6, v23;
	[tilespmem:s0+$0x160] =	vst v34;
	v33 =	vld.idx.msk [tilespmem:v60+s19+$0x0], $0xffff  }
0x818: {  	[tilespmem:s0+$0xFFFFFEC0] =	vst v30;
	v30 =	vld.idx.msk [tilespmem:v31+s19+$0x0], $0xffff;
	v31 =	vadd.s32 v6, v24  }
0x819: {  	v32 =	vld.idx.msk [tilespmem:v61+s19+$0x0], $0xffff;
	[tilespmem:s6+$0x60] =	vst v36  }
0x81a: {  	v63 =	vadd.s32 v7, v18;
	v21 =	vld.idx.msk [tilespmem:v21+s19+$0x0], $0xffff;
	[tilespmem:s6+$0x140] =	vst v28  }
0x81b: {  	[tilespmem:s0+$0xFFFFFF80] =	vst v27;
	v28 =	vld.idx.msk [tilespmem:v62+s19+$0x0], $0xffff  }
0x81c: {  	v29 =	vld.idx.msk [tilespmem:v29+s19+$0x0], $0xffff;
	v27 =	vadd.s32 v6, v25;
	[tilespmem:s6+$0xFFFFFE60] =	vst v33  }
0x81d: {  	v37 =	vadd.s32 v7, v20;
	[tilespmem:s0+$0x180] =	vst v30;
	v30 =	vld.idx.msk [tilespmem:v31+s19+$0x0], $0xffff  }
0x81e: {  	v35 =	vld.idx.msk [tilespmem:v35+s19+$0x0], $0xffff;
	v39 =	vadd.s32 v7, v24;
	[tilespmem:s6+$0xFFFFFF60] =	vst v32  }
0x81f: {  	v19 =	vadd.s32 v9, v19;
	v31 =	vld.idx.msk [tilespmem:v63+s19+$0x0], $0xffff;
	[tilespmem:s0+$0xFFFFFEE0] =	vst v21  }
0x820: {  	v38 =	vadd.s32 v7, v23;
	v26 =	vld.idx.msk [tilespmem:v26+s19+$0x0], $0xffff;
	[tilespmem:s6+$0x160] =	vst v28  }
0x821: {  	[tilespmem:s6+$0x80] =	vst v29;
	v21 =	vld.idx.msk [tilespmem:v27+s19+$0x0], $0xffff;
	v27 =	vadd.s32 v7, v22  }
0x822: {  	v29 =	vadd.s32 v7, v25;
	[tilespmem:s6+$0xFFFFFE80] =	vst v30;
	v28 =	vld.idx.msk [tilespmem:v37+s19+$0x0], $0xffff  }
0x823: {  	v40 =	vadd.s32 v8, v18;
	[tilespmem:s0+$0xC0] =	vst v35;
	v30 =	vld.idx.msk [tilespmem:v39+s19+$0x0], $0xffff  }
0x824: {  	v42 =	vadd.s32 v8, v24;
	v19 =	vld.idx.msk [tilespmem:v19+s19+$0x0], $0xffff;
	[tilespmem:s0+$0xFFFFFFA0] =	vst v31  }
0x825: {  	v41 =	vadd.s32 v8, v20;
	v33 =	vld.idx.msk [tilespmem:v38+s19+$0x0], $0xffff;
	[tilespmem:s6+$0xFFFFFF80] =	vst v26  }
0x826: {  	v26 =	vadd.s32 v8, v23;
	[tilespmem:s6+$0x180] =	vst v21;
	v21 =	vld.idx.msk [tilespmem:v27+s19+$0x0], $0xffff  }
0x827: {  	[tilespmem:s0+$0x1A0] =	vst v28;
	v28 =	vadd.s32 v8, v22;
	v27 =	vld.idx.msk [tilespmem:v29+s19+$0x0], $0xffff  }
0x828: {  	v43 =	vadd.s32 v8, v25;
	v31 =	vld.idx.msk [tilespmem:v40+s19+$0x0], $0xffff;
	[tilespmem:s6+$0xFFFFFEA0] =	vst v30  }
0x829: {  	v18 =	vadd.s32 v9, v18;
	[tilespmem:s0+$0xE0] =	vst v19;
	v30 =	vld.idx.msk [tilespmem:v42+s19+$0x0], $0xffff  }
0x82a: {  	v24 =	vadd.s32 v9, v24;
	[tilespmem:s6+$0xA0] =	vst v33;
	v29 =	vld.idx.msk [tilespmem:v41+s19+$0x0], $0xffff  }
0x82b: {  	v20 =	vadd.s32 v9, v20;
	v26 =	vld.idx.msk [tilespmem:v26+s19+$0x0], $0xffff;
	[tilespmem:s6+$0xFFFFFFA0] =	vst v21  }
0x82c: {  	v21 =	vadd.s32 v9, v23;
	v23 =	vld.idx.msk [tilespmem:v28+s19+$0x0], $0xffff;
	[tilespmem:s6+$0x1A0] =	vst v27  }
0x82d: {  	[tilespmem:s0+$0xFFFFFFC0] =	vst v31;
	v22 =	vadd.s32 v9, v22;
	v27 =	vld.idx.msk [tilespmem:v43+s19+$0x0], $0xffff  }
0x82e: {  	v19 =	vadd.s32 v9, v25;
	v18 =	vld.idx.msk [tilespmem:v18+s19+$0x0], $0xffff;
	[tilespmem:s6+$0xFFFFFEC0] =	vst v30  }
0x82f: {  	v24 =	vld.idx.msk [tilespmem:v24+s19+$0x0], $0xffff;
	[tilespmem:s0+$0x1C0] =	vst v29  }
0x830: {  	[tilespmem:s6+$0xC0] =	vst v26;
	v20 =	vld.idx.msk [tilespmem:v20+s19+$0x0], $0xffff  }
0x831: {  	v21 =	vld.idx.msk [tilespmem:v21+s19+$0x0], $0xffff;
	[tilespmem:s6+$0xFFFFFFC0] =	vst v23  }
0x832: {  	v22 =	vld.idx.msk [tilespmem:v22+s19+$0x0], $0xffff;
	[tilespmem:s6+$0x1C0] =	vst v27  }
0x833: {  	[tilespmem:s0+$0xFFFFFFE0] =	vst v18;
	v18 =	vld.idx.msk [tilespmem:v19+s19+$0x0], $0xffff  }
0x834: {  	[tilespmem:s6+$0xFFFFFEE0] =	vst v24  }
0x835: {  	[tilespmem:s0+$0x1E0] =	vst v20  }
0x836: {  	[tilespmem:s6+$0xE0] =	vst v21  }
0x837: {  	[tilespmem:s6+$0xFFFFFFE0] =	vst v22  }
0x838: {  	[tilespmem:s6+$0x1E0] =	vst v18  }
0x839: {  	v18 =	vld.idx.msk [tilespmem:v10+s19+$0x0], $0xffff;
	_ =	sdelay $0x4  }
0x83a: {  	[tilespmem:$0x1ABE8] =	vst v18  }
0x83b: {  	v18 =	vld.idx.msk [tilespmem:v11+s19+$0x0], $0xffff;
	_ =	sdelay $0x4  }
0x83c: {  	[tilespmem:$0x1AC08] =	vst v18  }
0x83d: {  	v18 =	vld.idx.msk [tilespmem:v12+s19+$0x0], $0xffff;
	_ =	sdelay $0x4  }
0x83e: {  	[tilespmem:$0x1AC28] =	vst v18  }
0x83f: {  	v18 =	vld.idx.msk [tilespmem:v13+s19+$0x0], $0xffff;
	_ =	sdelay $0x4  }
0x840: {  	[tilespmem:$0x1AC48] =	vst v18  }
0x841: {  	v18 =	vld.idx.msk [tilespmem:v14+s19+$0x0], $0xffff;
	_ =	sdelay $0x4  }
0x842: {  	[tilespmem:$0x1AC68] =	vst v18  }
0x843: {  	v18 =	vld.idx.msk [tilespmem:v15+s19+$0x0], $0xffff;
	_ =	sdelay $0x4  }
0x844: {  	[tilespmem:$0x1AC88] =	vst v18  }
0x845: {  	v18 =	vld.idx.msk [tilespmem:v16+s19+$0x0], $0xffff;
	_ =	sdelay $0x4  }
0x846: {  	[tilespmem:$0x1ACA8] =	vst v18  }
0x847: {  	v18 =	vld.idx.msk [tilespmem:v17+s19+$0x0], $0xffff;
	_ =	sdelay $0x4  }
0x848: {  	[tilespmem:$0x1ACC8] =	vst v18  }
0x849: {  	_ =	swait.ge [sflag:s23], $0x3E80  }
0x84a: {  	[sflag:s23] =	ssyncset.done $0x0  }
0x84b: {  	[sflag:s23] =	ssyncadd.s32 $0xFFFFC180  }
0x84c: {  	v18 =	vld [tilespmem:$0x31F0]  }
0x84d: {  	v19 =	vld [tilespmem:$0x18F0];
	_ =	sdelay $0x3  }
0x84e: {  	v18 =	vadd.s32 v0, v18;
	_ =	sdelay $0x3  }
0x84f: {  	v19 =	vld.idx.msk [tilespmem:v19+s17+$0x0], $0xffff  }
0x850: {  	s31 =	simm.s32 $0x10;
	v18 =	vld.idx.msk [tilespmem:v18+s20+$0x0], $0xffff  }
0x851: {  	v20 =	vmov s31  }
0x852: {  	s1 =	simm.s32 $0x0;
	v20 =	vshrl.u32 v20, $0x3  }
0x853: {  	v20 =	vshll.u32 v20, v2;
	v22 =	vmov s1;
	v21 =	vld [tilespmem:$0x1ACE8]  }
0x854: {  	v24 =	vbroadcast v20, $0x0;
	v20 =	vshrl.u32 v22, $0x3  }
0x855: {  	s6 =	simm.s32 $0x8;
	v18 =	vsub.f32 v19, v18;
	v19 =	vshll.u32 v20, v2  }
0x856: {  	v23 =	vadd.s32 v0, v24;
	v20 =	vmov s6;
	v22 =	vbroadcast v19, $0x0  }
0x857: {  	v19 =	vshrl.u32 v20, $0x3  }
0x858: {  	v18 =	vadd.f32 v18, v21;
	v19 =	vshll.u32 v19, v2;
	v20 =	vadd.s32 v0, v22  }
0x859: {  	v25 =	vbroadcast v19, $0x0  }
0x85a: {  	[tilespmem:$0x1ACE8] =	vst v18  }
0x85b: {  	v18 =	vadd.s32 v0, v25;
	v19 =	vld.idx.msk [tilespmem:v23+s20+$0x0], $0xffff  }
0x85c: {  	v21 =	vadd.s32 v3, v24  }
0x85d: {  	v20 =	vld.idx.msk [tilespmem:v20+s20+$0x0], $0xffff  }
0x85e: {  	v23 =	vadd.s32 v3, v22  }
0x85f: {  	s1 =	simm.s32 $0x131F8  }
0x860: {  	s7 =	simm.s32 $0x18;
	v18 =	vld.idx.msk [tilespmem:v18+s20+$0x0], $0xffff;
	[tilespmem:s1+$0x0] =	vst v19  }
0x861: {  	v26 =	vmov s7;
	v19 =	vadd.s32 v3, v25;
	v21 =	vld.idx.msk [tilespmem:v21+s20+$0x0], $0xffff  }
0x862: {  	v26 =	vshrl.u32 v26, $0x3;
	[tilespmem:s1+$0xFFFFFE00] =	vst v20;
	v20 =	vadd.s32 v4, v24  }
0x863: {  	v26 =	vshll.u32 v26, v2;
	v23 =	vld.idx.msk [tilespmem:v23+s20+$0x0], $0xffff  }
0x864: {  	v26 =	vbroadcast v26, $0x0;
	v27 =	vadd.s32 v4, v22  }
0x865: {  	s8 =	simm.s32 $0x28;
	[tilespmem:s1+$0xFFFFFF00] =	vst v18  }
0x866: {  	s13 =	simm.s32 $0x30;
	v31 =	vadd.s32 v0, v26;
	v30 =	vadd.s32 v5, v24;
	v18 =	vmov s8;
	v28 =	vld.idx.msk [tilespmem:v19+s20+$0x0], $0xffff;
	[tilespmem:s1+$0x20] =	vst v21  }
0x867: {  	s14 =	simm.s32 $0x20;
	v29 =	vadd.s32 v4, v25;
	v18 =	vshrl.u32 v18, $0x3;
	v19 =	vmov s13;
	v20 =	vld.idx.msk [tilespmem:v20+s20+$0x0], $0xffff  }
0x868: {  	v21 =	vmov s14;
	v18 =	vshll.u32 v18, v2;
	v19 =	vshrl.u32 v19, $0x3;
	[tilespmem:s1+$0xFFFFFE20] =	vst v23  }
0x869: {  	v21 =	vshrl.u32 v21, $0x3;
	v18 =	vbroadcast v18, $0x0;
	v19 =	vshll.u32 v19, v2;
	v23 =	vld.idx.msk [tilespmem:v27+s20+$0x0], $0xffff  }
0x86a: {  	v21 =	vshll.u32 v21, v2;
	v19 =	vbroadcast v19, $0x0;
	v27 =	vadd.s32 v5, v22  }
0x86b: {  	v21 =	vbroadcast v21, $0x0;
	[tilespmem:s1+$0xFFFFFF20] =	vst v28;
	v28 =	vadd.s32 v0, v18  }
0x86c: {  	v31 =	vld.idx.msk [tilespmem:v31+s20+$0x0], $0xffff;
	[tilespmem:s1+$0x40] =	vst v20;
	v20 =	vadd.s32 v0, v19  }
0x86d: {  	v44 =	vadd.s32 v0, v21;
	v30 =	vld.idx.msk [tilespmem:v30+s20+$0x0], $0xffff  }
0x86e: {  	v45 =	vadd.s32 v6, v24;
	v29 =	vld.idx.msk [tilespmem:v29+s20+$0x0], $0xffff;
	[tilespmem:s1+$0xFFFFFE40] =	vst v23  }
0x86f: {  	v23 =	vld.idx.msk [tilespmem:v27+s20+$0x0], $0xffff;
	v27 =	vadd.s32 v3, v26  }
0x870: {  	v46 =	vadd.s32 v6, v22;
	v28 =	vld.idx.msk [tilespmem:v28+s20+$0x0], $0xffff  }
0x871: {  	v47 =	vadd.s32 v3, v18;
	v20 =	vld.idx.msk [tilespmem:v20+s20+$0x0], $0xffff  }
0x872: {  	v48 =	vadd.s32 v3, v19;
	[tilespmem:s1+$0x60] =	vst v30;
	v30 =	vld.idx.msk [tilespmem:v44+s20+$0x0], $0xffff  }
0x873: {  	[tilespmem:s1+$0x100] =	vst v31;
	v31 =	vadd.s32 v3, v21;
	v33 =	vld.idx.msk [tilespmem:v45+s20+$0x0], $0xffff  }
0x874: {  	s0 =	simm.s32 $0x135F8;
	v49 =	vadd.s32 v7, v24;
	[tilespmem:s1+$0xFFFFFE60] =	vst v23;
	v23 =	vld.idx.msk [tilespmem:v27+s20+$0x0], $0xffff  }
0x875: {  	[tilespmem:s0+$0xFFFFFF00] =	vst v28;
	v28 =	vadd.s32 v4, v26;
	v27 =	vld.idx.msk [tilespmem:v46+s20+$0x0], $0xffff  }
0x876: {  	v50 =	vadd.s32 v7, v22;
	[tilespmem:s0+$0x0] =	vst v20;
	v20 =	vld.idx.msk [tilespmem:v47+s20+$0x0], $0xffff  }
0x877: {  	v51 =	vadd.s32 v4, v18;
	v32 =	vld.idx.msk [tilespmem:v48+s20+$0x0], $0xffff;
	[tilespmem:s0+$0xFFFFFE00] =	vst v30  }
0x878: {  	[tilespmem:s1+$0x80] =	vst v33;
	v30 =	vld.idx.msk [tilespmem:v31+s20+$0x0], $0xffff;
	v31 =	vadd.s32 v4, v19  }
0x879: {  	s25 =	simm.s32 $0x38;
	v33 =	vld.idx.msk [tilespmem:v49+s20+$0x0], $0xffff;
	[tilespmem:s1+$0x120] =	vst v23;
	v23 =	vadd.s32 v4, v21  }
0x87a: {  	v52 =	vmov s25;
	[tilespmem:s1+$0xFFFFFE80] =	vst v27;
	v27 =	vld.idx.msk [tilespmem:v28+s20+$0x0], $0xffff;
	v28 =	vadd.s32 v5, v25  }
0x87b: {  	v53 =	vadd.s32 v5, v26;
	v34 =	vld.idx.msk [tilespmem:v50+s20+$0x0], $0xffff;
	[tilespmem:s0+$0xFFFFFF20] =	vst v20;
	v20 =	vshrl.u32 v52, $0x3  }
0x87c: {  	v54 =	vadd.s32 v8, v22;
	v35 =	vld.idx.msk [tilespmem:v51+s20+$0x0], $0xffff;
	[tilespmem:s0+$0x20] =	vst v32;
	v20 =	vshll.u32 v20, v2  }
0x87d: {  	v31 =	vld.idx.msk [tilespmem:v31+s20+$0x0], $0xffff;
	[tilespmem:s0+$0xFFFFFE20] =	vst v30;
	v30 =	vadd.s32 v8, v24;
	v20 =	vbroadcast v20, $0x0  }
0x87e: {  	[tilespmem:s1+$0xFFFFFF40] =	vst v29;
	v29 =	vld.idx.msk [tilespmem:v23+s20+$0x0], $0xffff;
	v23 =	vadd.s32 v5, v19  }
0x87f: {  	v28 =	vld.idx.msk [tilespmem:v28+s20+$0x0], $0xffff;
	[tilespmem:s1+$0x140] =	vst v27;
	v27 =	vadd.s32 v0, v20  }
0x880: {  	s26 =	simm.s32 $0x48;
	v60 =	vadd.s32 v5, v21;
	[tilespmem:s1+$0xFFFFFEA0] =	vst v34;
	v56 =	vld.idx.msk [tilespmem:v53+s20+$0x0], $0xffff  }
0x881: {  	s28 =	simm.s32 $0x50;
	v57 =	vmov s26;
	v55 =	vadd.s32 v6, v25;
	[tilespmem:s1+$0xA0] =	vst v33;
	v32 =	vld.idx.msk [tilespmem:v54+s20+$0x0], $0xffff  }
0x882: {  	v59 =	vmov s28;
	v58 =	vadd.s32 v6, v26;
	[tilespmem:s0+$0x40] =	vst v31;
	v30 =	vld.idx.msk [tilespmem:v30+s20+$0x0], $0xffff;
	v31 =	vshrl.u32 v57, $0x3  }
0x883: {  	v62 =	vadd.s32 v9, v22;
	v61 =	vld.idx.msk [tilespmem:v23+s20+$0x0], $0xffff;
	v23 =	vshll.u32 v31, v2;
	v31 =	vshrl.u32 v59, $0x3  }
0x884: {  	[tilespmem:s0+$0xFFFFFE40] =	vst v29;
	v22 =	vbroadcast v23, $0x0;
	v23 =	vshll.u32 v31, v2;
	v31 =	vadd.s32 v6, v19;
	v27 =	vld.idx.msk [tilespmem:v27+s20+$0x0], $0xffff  }
0x885: {  	[tilespmem:s1+$0xFFFFFF60] =	vst v28;
	v28 =	vadd.s32 v9, v24;
	v38 =	vld.idx.msk [tilespmem:v60+s20+$0x0], $0xffff  }
0x886: {  	s31 =	simm.s32 $0x40;
	v44 =	vadd.s32 v6, v21;
	v36 =	vld.idx.msk [tilespmem:v55+s20+$0x0], $0xffff;
	[tilespmem:s1+$0x160] =	vst v56  }
0x887: {  	v24 =	vmov s31;
	v23 =	vbroadcast v23, $0x0;
	v63 =	vadd.s32 v0, v22;
	v29 =	vld.idx.msk [tilespmem:v58+s20+$0x0], $0xffff;
	[tilespmem:s1+$0xFFFFFEC0] =	vst v32  }
0x888: {  	v43 =	vadd.s32 v7, v25;
	v24 =	vshrl.u32 v24, $0x3;
	v32 =	vld.idx.msk [tilespmem:v62+s20+$0x0], $0xffff;
	[tilespmem:s0+$0x60] =	vst v61  }
0x889: {  	v24 =	vshll.u32 v24, v2;
	v42 =	vadd.s32 v0, v23;
	[tilespmem:s1+$0xC0] =	vst v30;
	v31 =	vld.idx.msk [tilespmem:v31+s20+$0x0], $0xffff  }
0x88a: {  	v24 =	vbroadcast v24, $0x0;
	v30 =	vadd.s32 v7, v26;
	v28 =	vld.idx.msk [tilespmem:v28+s20+$0x0], $0xffff;
	[tilespmem:s0+$0xFFFFFE60] =	vst v38  }
0x88b: {  	v40 =	vadd.s32 v5, v18;
	[tilespmem:s0+$0xFFFFFF40] =	vst v35;
	v49 =	vld.idx.msk [tilespmem:v44+s20+$0x0], $0xffff  }
0x88c: {  	v45 =	vadd.s32 v0, v24;
	[tilespmem:s1+$0xFFFFFF80] =	vst v36;
	v34 =	vld.idx.msk [tilespmem:v63+s20+$0x0], $0xffff  }
0x88d: {  	v47 =	vadd.s32 v7, v19;
	[tilespmem:s0+$0x100] =	vst v27;
	v33 =	vld.idx.msk [tilespmem:v43+s20+$0x0], $0xffff  }
0x88e: {  	[tilespmem:s1+$0x180] =	vst v29;
	v29 =	vadd.s32 v3, v20;
	v46 =	vld.idx.msk [tilespmem:v42+s20+$0x0], $0xffff  }
0x88f: {  	v55 =	vadd.s32 v7, v21;
	[tilespmem:s1+$0xFFFFFEE0] =	vst v32;
	v30 =	vld.idx.msk [tilespmem:v30+s20+$0x0], $0xffff  }
0x890: {  	v48 =	vadd.s32 v3, v22;
	v32 =	vld.idx.msk [tilespmem:v40+s20+$0x0], $0xffff;
	[tilespmem:s0+$0x80] =	vst v31  }
0x891: {  	s6 =	simm.s32 $0x139F8;
	v31 =	vadd.s32 v8, v25;
	v50 =	vld.idx.msk [tilespmem:v45+s20+$0x0], $0xffff;
	[tilespmem:s0+$0xFFFFFE80] =	vst v49  }
0x892: {  	v51 =	vadd.s32 v3, v23;
	v27 =	vld.idx.msk [tilespmem:v47+s20+$0x0], $0xffff;
	[tilespmem:s6+$0xFFFFFF00] =	vst v34  }
0x893: {  	v52 =	vadd.s32 v8, v26;
	v29 =	vld.idx.msk [tilespmem:v29+s20+$0x0], $0xffff;
	[tilespmem:s1+$0xFFFFFFA0] =	vst v33  }
0x894: {  	v53 =	vadd.s32 v3, v24;
	v60 =	vld.idx.msk [tilespmem:v55+s20+$0x0], $0xffff;
	[tilespmem:s6+$0x0] =	vst v46  }
0x895: {  	v56 =	vadd.s32 v4, v20;
	v54 =	vld.idx.msk [tilespmem:v48+s20+$0x0], $0xffff;
	[tilespmem:s1+$0x1A0] =	vst v30  }
0x896: {  	v30 =	vadd.s32 v4, v22;
	v31 =	vld.idx.msk [tilespmem:v31+s20+$0x0], $0xffff;
	[tilespmem:s6+$0xFFFFFE00] =	vst v50  }
0x897: {  	v25 =	vadd.s32 v9, v25;
	v39 =	vld.idx.msk [tilespmem:v51+s20+$0x0], $0xffff;
	[tilespmem:s0+$0xA0] =	vst v27  }
0x898: {  	v59 =	vadd.s32 v4, v23;
	v57 =	vld.idx.msk [tilespmem:v52+s20+$0x0], $0xffff;
	[tilespmem:s0+$0x120] =	vst v29  }
0x899: {  	v26 =	vadd.s32 v9, v26;
	v58 =	vld.idx.msk [tilespmem:v53+s20+$0x0], $0xffff;
	[tilespmem:s0+$0xFFFFFEA0] =	vst v60  }
0x89a: {  	s7 =	simm.s32 $0x58;
	v29 =	vadd.s32 v4, v24;
	[tilespmem:s6+$0xFFFFFF20] =	vst v54;
	v61 =	vld.idx.msk [tilespmem:v56+s20+$0x0], $0xffff  }
0x89b: {  	v63 =	vadd.s32 v5, v20;
	v27 =	vmov s7;
	v62 =	vld.idx.msk [tilespmem:v30+s20+$0x0], $0xffff;
	[tilespmem:s1+$0xFFFFFFC0] =	vst v31  }
0x89c: {  	v37 =	vadd.s32 v8, v21;
	[tilespmem:s6+$0x20] =	vst v39;
	v30 =	vld.idx.msk [tilespmem:v25+s20+$0x0], $0xffff;
	v25 =	vshrl.u32 v27, $0x3  }
0x89d: {  	v35 =	vadd.s32 v8, v19;
	[tilespmem:s1+$0x1C0] =	vst v57;
	v33 =	vld.idx.msk [tilespmem:v59+s20+$0x0], $0xffff;
	v25 =	vshll.u32 v25, v2  }
0x89e: {  	v36 =	vadd.s32 v5, v23;
	v31 =	vld.idx.msk [tilespmem:v26+s20+$0x0], $0xffff;
	[tilespmem:s6+$0xFFFFFE20] =	vst v58;
	v25 =	vbroadcast v25, $0x0  }
0x89f: {  	v26 =	vadd.s32 v6, v22;
	v29 =	vld.idx.msk [tilespmem:v29+s20+$0x0], $0xffff;
	[tilespmem:s0+$0x140] =	vst v61  }
0x8a0: {  	s8 =	simm.s32 $0x60;
	s7 =	simm.s32 $0x8;
	v27 =	vadd.s32 v6, v18;
	[tilespmem:s6+$0xFFFFFF40] =	vst v62;
	v34 =	vld.idx.msk [tilespmem:v63+s20+$0x0], $0xffff;
	v38 =	vadd.s32 v0, v25  }
.LBB2_36:
0x8a1: {  	s13 =	sadd.s32 $0x8, s8;
	s7 =	sadd.s32 $0x4, s7;
	v37 =	vld.idx.msk [tilespmem:v37+s20+$0x0], $0xffff;
	[tilespmem:s1+$0xE0] =	vst v28  }
0x8a2: {  	v28 =	vmov s13;
	s13 =	sadd.s32 $0x10, s8;
	p0 =	slt.u32 s7, $0x78;
	[tilespmem:s6+$0x40] =	vst v33;
	v33 =	vld.idx.msk [tilespmem:v35+s20+$0x0], $0xffff;
	v35 =	vadd.s32 v6, v20  }
0x8a3: {  	v40 =	vadd.s32 v5, v24;
	v28 =	vshrl.u32 v28, $0x3;
	v39 =	vmov s13;
	v36 =	vld.idx.msk [tilespmem:v36+s20+$0x0], $0xffff;
	[tilespmem:s1+$0xFFFFFFE0] =	vst v30  }
0x8a4: {  	v28 =	vshll.u32 v28, v2;
	v30 =	vshrl.u32 v39, $0x3;
	v39 =	vadd.s32 v9, v21;
	[tilespmem:s1+$0x1E0] =	vst v31;
	v21 =	vmovc v24;
	s1 =	smov.u32 s0;
	s0 =	smov.u32 s6  }
0x8a5: {  	v31 =	vbroadcast v28, $0x0;
	v24 =	vshll.u32 v30, v2;
	v28 =	vadd.s32 v6, v23;
	v30 =	vld.idx.msk [tilespmem:v38+s20+$0x0], $0xffff;
	[tilespmem:s1+$0xFFFFFF60] =	vst v32  }
0x8a6: {  	v41 =	vadd.s32 v9, v19;
	v19 =	vmovc v23;
	v32 =	vmov s8;
	v38 =	vld.idx.msk [tilespmem:v27+s20+$0x0], $0xffff;
	[tilespmem:s1+$0x160] =	vst v34;
	v23 =	vbroadcast v24, $0x0;
	v27 =	vmovc v26  }
0x8a7: {  	v24 =	vshrl.u32 v32, $0x3;
	v32 =	vadd.s32 v0, v31;
	v26 =	vadd.s32 v6, v31;
	[tilespmem:s6+$0xFFFFFE40] =	vst v29;
	v29 =	vld.idx.msk [tilespmem:v35+s20+$0x0], $0xffff  }
0x8a8: {  	v24 =	vshll.u32 v24, v2;
	v34 =	vadd.s32 v0, v23;
	v35 =	vld.idx.msk [tilespmem:v40+s20+$0x0], $0xffff;
	[tilespmem:s1+$0xFFFFFEC0] =	vst v37  }
0x8a9: {  	v24 =	vbroadcast v24, $0x0;
	v37 =	vadd.s32 v7, v18;
	[tilespmem:s6+$0x60] =	vst v36;
	v36 =	vld.idx.msk [tilespmem:v39+s20+$0x0], $0xffff  }
0x8aa: {  	v39 =	vld.idx.msk [tilespmem:v28+s20+$0x0], $0xffff;
	[tilespmem:s1+$0xC0] =	vst v33;
	v33 =	vadd.s32 v7, v20  }
0x8ab: {  	v42 =	vadd.s32 v6, v21;
	v40 =	vadd.s32 v0, v24;
	v28 =	vld.idx.msk [tilespmem:v41+s20+$0x0], $0xffff  }
0x8ac: {  	v32 =	vld.idx.msk [tilespmem:v32+s20+$0x0], $0xffff;
	[tilespmem:s1+$0xFFFFFF80] =	vst v38  }
0x8ad: {  	v38 =	vadd.s32 v7, v19;
	v34 =	vld.idx.msk [tilespmem:v34+s20+$0x0], $0xffff;
	[tilespmem:s1+$0x180] =	vst v29  }
0x8ae: {  	v29 =	vadd.s32 v3, v31;
	[tilespmem:s6+$0xFFFFFE60] =	vst v35;
	v35 =	vadd.s32 v3, v25;
	v37 =	vld.idx.msk [tilespmem:v37+s20+$0x0], $0xffff  }
0x8af: {  	[tilespmem:s1+$0xFFFFFEE0] =	vst v36;
	v33 =	vld.idx.msk [tilespmem:v33+s20+$0x0], $0xffff  }
0x8b0: {  	v36 =	vld.idx.msk [tilespmem:v42+s20+$0x0], $0xffff;
	[tilespmem:s6+$0x80] =	vst v39;
	v39 =	vadd.s32 v8, v18  }
0x8b1: {  	v41 =	vadd.s32 v3, v23;
	s6 =	sadd.s32 $0x400, s6;
	v40 =	vld.idx.msk [tilespmem:v40+s20+$0x0], $0xffff;
	[tilespmem:s0+$0x100] =	vst v30  }
0x8b2: {  	v30 =	vadd.s32 v3, v24;
	[tilespmem:s6+$0xFFFFFF00] =	vst v32;
	v32 =	vld.idx.msk [tilespmem:v38+s20+$0x0], $0xffff;
	v38 =	vadd.s32 v8, v20  }
0x8b3: {  	[tilespmem:s6+$0x0] =	vst v34;
	v34 =	vld.idx.msk [tilespmem:v35+s20+$0x0], $0xffff  }
0x8b4: {  	v35 =	vadd.s32 v7, v21;
	v29 =	vld.idx.msk [tilespmem:v29+s20+$0x0], $0xffff;
	[tilespmem:s1+$0xFFFFFFA0] =	vst v37  }
0x8b5: {  	v37 =	vadd.s32 v4, v25;
	v39 =	vld.idx.msk [tilespmem:v39+s20+$0x0], $0xffff;
	[tilespmem:s1+$0x1A0] =	vst v33  }
0x8b6: {  	v33 =	vadd.s32 v4, v31;
	v41 =	vld.idx.msk [tilespmem:v41+s20+$0x0], $0xffff;
	[tilespmem:s0+$0xFFFFFE80] =	vst v36  }
0x8b7: {  	v36 =	vadd.s32 v9, v18;
	v18 =	vmov v22;
	v22 =	vmov v31;
	[tilespmem:s6+$0xFFFFFE00] =	vst v40;
	v38 =	vld.idx.msk [tilespmem:v38+s20+$0x0], $0xffff  }
0x8b8: {  	v40 =	vadd.s32 v4, v23;
	v31 =	vld.idx.msk [tilespmem:v30+s20+$0x0], $0xffff;
	[tilespmem:s0+$0xA0] =	vst v32  }
0x8b9: {  	v32 =	vld.idx.msk [tilespmem:v35+s20+$0x0], $0xffff;
	[tilespmem:s0+$0x120] =	vst v34;
	v34 =	vadd.s32 v9, v20;
	v20 =	vmov v25  }
0x8ba: {  	v25 =	vadd.s32 v4, v24;
	[tilespmem:s6+$0xFFFFFF20] =	vst v29;
	v42 =	vld.idx.msk [tilespmem:v37+s20+$0x0], $0xffff  }
0x8bb: {  	s13 =	sadd.s32 $0x18, s8;
	v44 =	vadd.s32 v5, v18;
	v43 =	vld.idx.msk [tilespmem:v33+s20+$0x0], $0xffff;
	[tilespmem:s1+$0xFFFFFFC0] =	vst v39  }
0x8bc: {  	v29 =	vmov s13;
	v39 =	vadd.s32 v5, v20;
	[tilespmem:s6+$0x20] =	vst v41;
	v30 =	vld.idx.msk [tilespmem:v36+s20+$0x0], $0xffff  }
.Ltmp17:
0x8bd: {  	v37 =	vadd.s32 v8, v21;
	v29 =	vshrl.u32 v29, $0x3;
	v33 =	vld.idx.msk [tilespmem:v40+s20+$0x0], $0xffff;
	[tilespmem:s1+$0x1C0] =	vst v38;
	(pc) =	sbr.rel @p0 .LBB2_36-.Ltmp17, $4  }
0x8be: {  	v35 =	vadd.s32 v8, v19;
	v38 =	vshll.u32 v29, v2;
	[tilespmem:s6+$0xFFFFFE20] =	vst v31;
	v31 =	vld.idx.msk [tilespmem:v34+s20+$0x0], $0xffff  }
0x8bf: {  	v36 =	vadd.s32 v5, v23;
	v29 =	vld.idx.msk [tilespmem:v25+s20+$0x0], $0xffff;
	v25 =	vbroadcast v38, $0x0;
	[tilespmem:s0+$0xFFFFFEA0] =	vst v32  }
0x8c0: {  	v32 =	vld.idx.msk [tilespmem:v44+s20+$0x0], $0xffff;
	[tilespmem:s0+$0x140] =	vst v42  }
0x8c1: {  	s8 =	sadd.s32 $0x20, s8;
	[tilespmem:s6+$0xFFFFFF40] =	vst v43;
	v38 =	vadd.s32 v0, v25;
	v34 =	vld.idx.msk [tilespmem:v39+s20+$0x0], $0xffff  }
0x8c2: {  	_ =	sdelay $0x3  }
0x8c3: {  	v38 =	vld.idx.msk [tilespmem:v38+s20+$0x0], $0xffff  }
0x8c4: {  	v39 =	vadd.s32 v3, v25;
	_ =	sdelay $0x3  }
0x8c5: {  	[tilespmem:s6+$0x100] =	vst v38  }
0x8c6: {  	v38 =	vld.idx.msk [tilespmem:v39+s20+$0x0], $0xffff  }
0x8c7: {  	[tilespmem:s1+$0xE0] =	vst v28;
	v54 =	vadd.s32 v4, v25  }
0x8c8: {  	[tilespmem:s6+$0x40] =	vst v33  }
0x8c9: {  	[tilespmem:s1+$0xFFFFFFE0] =	vst v30  }
0x8ca: {  	v55 =	vld.idx.msk [tilespmem:v37+s20+$0x0], $0xffff;
	v56 =	vadd.s32 v5, v24;
	[tilespmem:s1+$0x1E0] =	vst v31  }
0x8cb: {  	v57 =	vadd.s32 v6, v20;
	v35 =	vld.idx.msk [tilespmem:v35+s20+$0x0], $0xffff;
	[tilespmem:s6+$0x120] =	vst v38  }
0x8cc: {  	v58 =	vadd.s32 v5, v22;
	[tilespmem:s6+$0xFFFFFE40] =	vst v29;
	v28 =	vld.idx.msk [tilespmem:v54+s20+$0x0], $0xffff  }
0x8cd: {  	v59 =	vadd.s32 v5, v25;
	v36 =	vld.idx.msk [tilespmem:v36+s20+$0x0], $0xffff;
	[tilespmem:s0+$0xFFFFFF60] =	vst v32  }
0x8ce: {  	v21 =	vadd.s32 v9, v21;
	[tilespmem:s0+$0x160] =	vst v34;
	v27 =	vld.idx.msk [tilespmem:v27+s20+$0x0], $0xffff  }
0x8cf: {  	v19 =	vadd.s32 v9, v19;
	v33 =	vld.idx.msk [tilespmem:v56+s20+$0x0], $0xffff;
	[tilespmem:s0+$0xFFFFFEC0] =	vst v55  }
0x8d0: {  	v60 =	vadd.s32 v6, v23;
	v61 =	vld.idx.msk [tilespmem:v57+s20+$0x0], $0xffff;
	[tilespmem:s0+$0xC0] =	vst v35  }
0x8d1: {  	v62 =	vadd.s32 v6, v24;
	v32 =	vld.idx.msk [tilespmem:v58+s20+$0x0], $0xffff;
	[tilespmem:s6+$0x140] =	vst v28  }
0x8d2: {  	[tilespmem:s6+$0x60] =	vst v36;
	v28 =	vld.idx.msk [tilespmem:v59+s20+$0x0], $0xffff  }
0x8d3: {  	v40 =	vadd.s32 v6, v25;
	v21 =	vld.idx.msk [tilespmem:v21+s20+$0x0], $0xffff;
	[tilespmem:s0+$0xFFFFFF80] =	vst v27  }
0x8d4: {  	v63 =	vadd.s32 v7, v18;
	v19 =	vld.idx.msk [tilespmem:v19+s20+$0x0], $0xffff;
	[tilespmem:s6+$0xFFFFFE60] =	vst v33  }
0x8d5: {  	v41 =	vadd.s32 v7, v20;
	v29 =	vld.idx.msk [tilespmem:v60+s20+$0x0], $0xffff;
	[tilespmem:s0+$0x180] =	vst v61  }
0x8d6: {  	v42 =	vadd.s32 v7, v23;
	[tilespmem:s6+$0xFFFFFF60] =	vst v32;
	v43 =	vld.idx.msk [tilespmem:v62+s20+$0x0], $0xffff  }
0x8d7: {  	v45 =	vadd.s32 v7, v24;
	v26 =	vld.idx.msk [tilespmem:v26+s20+$0x0], $0xffff;
	[tilespmem:s6+$0x160] =	vst v28  }
0x8d8: {  	v48 =	vadd.s32 v7, v22;
	[tilespmem:s0+$0xFFFFFEE0] =	vst v21;
	v47 =	vld.idx.msk [tilespmem:v40+s20+$0x0], $0xffff  }
0x8d9: {  	v50 =	vadd.s32 v7, v25;
	v44 =	vld.idx.msk [tilespmem:v63+s20+$0x0], $0xffff;
	[tilespmem:s0+$0xE0] =	vst v19  }
0x8da: {  	v46 =	vadd.s32 v8, v18;
	v49 =	vld.idx.msk [tilespmem:v41+s20+$0x0], $0xffff;
	[tilespmem:s6+$0x80] =	vst v29  }
0x8db: {  	v51 =	vadd.s32 v8, v20;
	v33 =	vld.idx.msk [tilespmem:v42+s20+$0x0], $0xffff;
	[tilespmem:s6+$0xFFFFFE80] =	vst v43  }
0x8dc: {  	v53 =	vadd.s32 v8, v23;
	[tilespmem:s6+$0xFFFFFF80] =	vst v26;
	v30 =	vld.idx.msk [tilespmem:v45+s20+$0x0], $0xffff  }
0x8dd: {  	v52 =	vadd.s32 v8, v24;
	v54 =	vld.idx.msk [tilespmem:v48+s20+$0x0], $0xffff;
	[tilespmem:s6+$0x180] =	vst v47  }
0x8de: {  	v56 =	vadd.s32 v8, v22;
	[tilespmem:s0+$0xFFFFFFA0] =	vst v44;
	v55 =	vld.idx.msk [tilespmem:v50+s20+$0x0], $0xffff  }
0x8df: {  	v58 =	vadd.s32 v8, v25;
	v31 =	vld.idx.msk [tilespmem:v46+s20+$0x0], $0xffff;
	[tilespmem:s0+$0x1A0] =	vst v49  }
0x8e0: {  	v18 =	vadd.s32 v9, v18;
	v57 =	vld.idx.msk [tilespmem:v51+s20+$0x0], $0xffff;
	[tilespmem:s6+$0xA0] =	vst v33  }
0x8e1: {  	v59 =	vadd.s32 v9, v20;
	v26 =	vld.idx.msk [tilespmem:v53+s20+$0x0], $0xffff;
	[tilespmem:s6+$0xFFFFFEA0] =	vst v30  }
0x8e2: {  	v61 =	vadd.s32 v9, v23;
	[tilespmem:s6+$0xFFFFFFA0] =	vst v54;
	v30 =	vld.idx.msk [tilespmem:v52+s20+$0x0], $0xffff  }
0x8e3: {  	v60 =	vadd.s32 v9, v24;
	v62 =	vld.idx.msk [tilespmem:v56+s20+$0x0], $0xffff;
	[tilespmem:s6+$0x1A0] =	vst v55  }
0x8e4: {  	v63 =	vadd.s32 v9, v22;
	[tilespmem:s0+$0xFFFFFFC0] =	vst v31;
	v27 =	vld.idx.msk [tilespmem:v58+s20+$0x0], $0xffff  }
0x8e5: {  	v19 =	vadd.s32 v9, v25;
	[tilespmem:s0+$0x1C0] =	vst v57;
	v18 =	vld.idx.msk [tilespmem:v18+s20+$0x0], $0xffff  }
0x8e6: {  	v20 =	vld.idx.msk [tilespmem:v59+s20+$0x0], $0xffff;
	[tilespmem:s6+$0xC0] =	vst v26  }
0x8e7: {  	v21 =	vld.idx.msk [tilespmem:v61+s20+$0x0], $0xffff;
	[tilespmem:s6+$0xFFFFFEC0] =	vst v30  }
0x8e8: {  	[tilespmem:s6+$0xFFFFFFC0] =	vst v62;
	v24 =	vld.idx.msk [tilespmem:v60+s20+$0x0], $0xffff  }
0x8e9: {  	v22 =	vld.idx.msk [tilespmem:v63+s20+$0x0], $0xffff;
	[tilespmem:s6+$0x1C0] =	vst v27  }
0x8ea: {  	[tilespmem:s0+$0xFFFFFFE0] =	vst v18;
	v18 =	vld.idx.msk [tilespmem:v19+s20+$0x0], $0xffff  }
0x8eb: {  	[tilespmem:s0+$0x1E0] =	vst v20  }
0x8ec: {  	[tilespmem:s6+$0xE0] =	vst v21  }
0x8ed: {  	[tilespmem:s6+$0xFFFFFEE0] =	vst v24  }
0x8ee: {  	[tilespmem:s6+$0xFFFFFFE0] =	vst v22  }
0x8ef: {  	[tilespmem:s6+$0x1E0] =	vst v18  }
0x8f0: {  	v18 =	vld.idx.msk [tilespmem:v10+s20+$0x0], $0xffff;
	_ =	sdelay $0x4  }
0x8f1: {  	[tilespmem:$0x1ABF8] =	vst v18  }
0x8f2: {  	v18 =	vld.idx.msk [tilespmem:v11+s20+$0x0], $0xffff;
	_ =	sdelay $0x4  }
0x8f3: {  	[tilespmem:$0x1AC18] =	vst v18  }
0x8f4: {  	v18 =	vld.idx.msk [tilespmem:v12+s20+$0x0], $0xffff;
	_ =	sdelay $0x4  }
0x8f5: {  	[tilespmem:$0x1AC38] =	vst v18  }
0x8f6: {  	v18 =	vld.idx.msk [tilespmem:v13+s20+$0x0], $0xffff;
	_ =	sdelay $0x4  }
0x8f7: {  	[tilespmem:$0x1AC58] =	vst v18  }
0x8f8: {  	v18 =	vld.idx.msk [tilespmem:v14+s20+$0x0], $0xffff;
	_ =	sdelay $0x4  }
0x8f9: {  	[tilespmem:$0x1AC78] =	vst v18  }
0x8fa: {  	v18 =	vld.idx.msk [tilespmem:v15+s20+$0x0], $0xffff;
	_ =	sdelay $0x4  }
0x8fb: {  	[tilespmem:$0x1AC98] =	vst v18  }
0x8fc: {  	v18 =	vld.idx.msk [tilespmem:v16+s20+$0x0], $0xffff;
	_ =	sdelay $0x4  }
0x8fd: {  	[tilespmem:$0x1ACB8] =	vst v18  }
0x8fe: {  	v18 =	vld.idx.msk [tilespmem:v17+s20+$0x0], $0xffff;
	_ =	sdelay $0x4  }
0x8ff: {  	s31 =	simm.s32 $0x12FE8;
	s1 =	smov.u32 s12;
	s0 =	simm.s32 $0x400;
	[tilespmem:$0x1ACD8] =	vst v18  }
0x900: {  	[hbm4b:s12+s22] =	stream.strided.scatter [tilespmem:s31], [sflag:$0x4], $0x100, s24, s22, $0x38;
	[tilespmem:$0x1ACF8] =	vst v63  }
.LBB2_38:
0x901: {  	p0 =	sne.s32 s0, $0x1F000  }
.Ltmp18:
0x902: {  	_ = 	snop;
	(pc) =	sbr.rel @p0 .LBB2_38-.Ltmp18, $4  }
0x903: {  	_ = 	snop  }
0x904: {  	s6 =	sshra.s32 s0, $0x2;
	s0 =	sadd.s32 $0x400, s0  }
0x905: {  	s1 =	sadd.s32 $0x32000, s1;
	s6 =	sadd.s32 $0x12FE8, s6  }
0x906: {  	[hbm4b:s1+s22] =	stream.strided.scatter [tilespmem:s6], [sflag:$0x4], $0x100, s24, s22, $0x38;
	[tilespmem:$0x1ACF8] =	vst v63  }
0x907: {  	_ =	swait.ge [sflag:s29], $0x7D00  }
0x908: {  	[sflag:s29] =	ssyncset.done $0x0  }
0x909: {  	[sflag:s29] =	ssyncadd.s32 $0xFFFF8300  }
0x90a: {  	_ =	swait.ge [sflag:s30], $0x7D00  }
0x90b: {  	[sflag:s30] =	ssyncset.done $0x0  }
0x90c: {  	s1 =	simm.s32 $0x1ACE8;
	s0 =	rddreg [dreg:$0x6];
	[sflag:s30] =	ssyncadd.s32 $0xFFFF8300  }
0x90d: {  	[hbm4b:s0+s3] =	stream.linear.scatter [tilespmem:s1], [sflag:$0x5], $0x10, $0x38;
	[tilespmem:$0x1ACF8] =	vst v63  }
0x90e: {  	_ =	swait.ge [sflag:s15], $0x10  }
0x90f: {  	s16 =	sadd.s32 $0x1, s16;
	s31 =	rddreg [dreg:$0x7]  }
0x910: {  	p0 =	sne.s32 s16, s31  }
.Ltmp19:
0x911: {  	_ = 	snop;
	(pc) =	sbr.rel @p0 .LBB2_1-.Ltmp19, $3  }
0x912: {  	_ =	sdelay $0x1  }
0x913: {  	[sflag:s15] =	ssyncset.done $0x0  }
0x914: {  	[sflag:s15] =	ssyncadd.s32 $0xFFFFFFF0  }
0x915: {  	_ =	sfence.sel $0x180000  }
0x916: {  	[bflag:$0x0] =	sbarrier.arrive $0xFFFF  }
0x917: {  	_ =	strace $0x90000047  }
0x918: {  	s0 =	stileid.u32;
	[bflag:$0x2] =	sbarrier.arrive $0xFFFF  }
0x919: {  	p0 =	sne.s32 s0, $0x0;
	s0 =	rddreg [dreg:$0x2]  }
0x91a: {  	s0 =	sadd.s32 @!p0 $0x100000, s0  }
0x91b: {  	[sflag:s0] =	ssyncadd.tile.s32 @!p0 $0x1;
	_ =	shalt  }
.Lfunc_end2:
_tile_overlayer_lowered:
.L_overlay_start_2:
0x91c: {  	(tag) =	ssettag $0x2  }
0x91d: {  	s0 =	rddreg [dreg:$0x0];
	s2 =	stileid.u32  }
0x91e: {  	s1 =	rddreg [dreg:$0x1];
	p0 =	sne.s32 s2, $0x0  }
0x91f: {  	s3 =	rddreg [dreg:$0x2];
	[bflag:$0x3] =	sbarrier.arrive $0xFFFF;
	s2 =	simm.s32 @!p0 $0x1C05  }
0x920: {  	[timem:s3], [sflag:s2] =	dma.local @!p0 [hbm:s0], s1  }
0x921: {  	s0 =	simm.s32 @!p0 $0x5  }
0x922: {  	_ =	swait.ge @!p0 [sflag:s0], s1  }
0x923: {  	s1 =	ssub.s32 @!p0 $0x0, s1;
	[sflag:s0] =	ssyncset.done @!p0 $0x0  }
0x924: {  	[sflag:s0] =	ssyncadd.s32 @!p0 s1  }
0x925: {  	[bflag:$0x3] =	sbarrier.arrive $0xFFFF  }
0x926: {  	_ =	shalt  }

</sc_bundles>
